<compile_context>
chip_gen: v7x
topology: tpu7x:2x2x1
jax: 0.10.2.dev20260603
libtpu: 0.0.44.dev20260713+nightly
codegen_flags: <defaults>
</compile_context>

<pallas_src>
import functools

import jax
import jax.numpy as jnp
from jax import lax
from jax.experimental import pallas as pl
from jax.experimental.pallas import tpu as pltpu
from jax.experimental.pallas import tpu_sc as plsc

B = 64
RX = 1
ANT = 16
T = 14
SC = 1024
P0, P1 = 2, 11

NC, NS, L = 2, 16, 16
NW = NC * NS
NCHUNK = SC // L
INV_DT = 1.0 / float(P1 - P0)
KCH = 2
CB = B // KCH
CBA = CB * ANT
ROWS = CBA // NW
BBLK = 4


def _in_descs(y0r_hbm, y0i_hbm, y1r_hbm, y1i_hbm, yin_v, sem, b, row):
    bb = row // ANT
    aa = row % ANT
    return (
        (y0r_hbm.at[bb, aa], yin_v.at[b, 0], sem),
        (y0i_hbm.at[bb, aa], yin_v.at[b, 1], sem),
        (y1r_hbm.at[bb, aa], yin_v.at[b, 2], sem),
        (y1i_hbm.at[bb, aa], yin_v.at[b, 3], sem),
    )


def _sc_body(y0r_hbm, y0i_hbm, y1r_hbm, y1i_hbm, pr_hbm, pi_hbm, hh_hbm,
             a_v, yin_v, hv_v, s_in0, s_in1, s_out0, s_out1):
    cid = lax.axis_index("c")
    sid = lax.axis_index("s")
    wid = sid * NC + cid
    base = wid * ROWS
    s_in = (s_in0, s_in1)
    s_out = (s_out0, s_out1)

    pltpu.sync_copy(pr_hbm.at[0], yin_v.at[0, 0])
    pltpu.sync_copy(pi_hbm.at[0], yin_v.at[0, 1])
    pltpu.sync_copy(pr_hbm.at[1], yin_v.at[0, 2])
    pltpu.sync_copy(pi_hbm.at[1], yin_v.at[0, 3])

    def factor_body(i, carry):
        s = pl.ds(i * L, L)
        for p in range(2):
            prv = yin_v[0, 2 * p, s]
            piv = yin_v[0, 2 * p + 1, s]
            inv = 1.0 / (prv * prv + piv * piv)
            a_v[2 * p, s] = prv * inv
            a_v[2 * p + 1, s] = piv * inv
        return carry

    lax.fori_loop(0, NCHUNK, factor_body, 0)

    for d in _in_descs(y0r_hbm, y0i_hbm, y1r_hbm, y1i_hbm, yin_v,
                       s_in[0], 0, base):
        pltpu.async_copy(*d)

    @pl.loop(0, ROWS, step=2)
    def row_loop(rr):
        for b in range(2):
            r = rr + b
            row = base + r
            for d in _in_descs(y0r_hbm, y0i_hbm, y1r_hbm, y1i_hbm, yin_v,
                               s_in[b], b, row):
                pltpu.make_async_copy(*d).wait()
            @pl.when(r + 1 < ROWS)
            def _():
                for d in _in_descs(y0r_hbm, y0i_hbm, y1r_hbm, y1i_hbm, yin_v,
                                   s_in[1 - b], 1 - b, row + 1):
                    pltpu.async_copy(*d)
            @pl.when(r >= 2)
            def _():
                pltpu.make_async_copy(hv_v.at[b], hh_hbm.at[row], s_out[b]
                                      ).wait()

            @plsc.parallel_loop(0, NCHUNK, unroll=8)
            def chunk_body(i):
                s = pl.ds(i * L, L)
                tr = i // 8
                so = pl.ds((i % 8) * L, L)
                y0r = yin_v[b, 0, s]
                y0i = yin_v[b, 1, s]
                y1r = yin_v[b, 2, s]
                y1i = yin_v[b, 3, s]
                a0r = a_v[0, s]
                a0i = a_v[1, s]
                a1r = a_v[2, s]
                a1i = a_v[3, s]
                h0r = y0r * a0r + y0i * a0i
                h0i = y0i * a0r - y0r * a0i
                h1r = y1r * a1r + y1i * a1i
                h1i = y1i * a1r - y1r * a1i
                hv_v[b, 0, tr, so] = h0r
                hv_v[b, 1, tr, so] = h0i
                hv_v[b, 2, tr, so] = (h1r - h0r) * INV_DT
                hv_v[b, 3, tr, so] = (h1i - h0i) * INV_DT

            pltpu.async_copy(hv_v.at[b], hh_hbm.at[row], s_out[b])

    for b in range(2):
        pltpu.make_async_copy(hv_v.at[b], hh_hbm.at[base + ROWS - 2 + b],
                              s_out[b]).wait()


def _tc_expand(h, out_ref):
    h = h.reshape(BBLK, ANT, 4, 8, SC // 8)
    tt = (lax.broadcasted_iota(jnp.int32, (1, 1, T, 1, 1), 2)
          .astype(jnp.float32) - float(P0))
    h0r = h[:, :, 0][:, :, None]
    h0i = h[:, :, 1][:, :, None]
    sr = h[:, :, 2][:, :, None]
    si = h[:, :, 3][:, :, None]
    out_ref[0, :, 0, :, 0, 0, :, :, :] = h0r + tt * sr
    out_ref[1, :, 0, :, 0, 0, :, :, :] = h0i + tt * si


def _tc_body(hh_ref, out_ref):
    _tc_expand(hh_ref[...], out_ref)


def _tc_body_aliased(prev_ref, hh_ref, out_ref):
    del prev_ref
    _tc_expand(hh_ref[...], out_ref)


_OUT9 = (2, B, RX, ANT, 1, 1, T, 8, SC // 8)


@jax.jit
def _run(y0r, y0i, y1r, y1i, pr, pi):
    mesh = plsc.VectorSubcoreMesh(core_axis_name="c", subcore_axis_name="s",
                                  num_cores=NC, num_subcores=NS)
    sc_stage = functools.partial(
        pl.kernel,
        out_type=jax.ShapeDtypeStruct((CBA, 4, 8, SC // 8), jnp.float32),
        mesh=mesh,
        scratch_types=[
            pltpu.VMEM((4, SC), jnp.float32),
            pltpu.VMEM((2, 4, SC), jnp.float32),
            pltpu.VMEM((2, 4, 8, SC // 8), jnp.float32),
            pltpu.SemaphoreType.DMA,
            pltpu.SemaphoreType.DMA,
            pltpu.SemaphoreType.DMA,
            pltpu.SemaphoreType.DMA,
        ],
    )(_sc_body)

    hh_spec = pl.BlockSpec((BBLK * ANT, 4, 8, SC // 8),
                           lambda b: (b, 0, 0, 0))
    out = None
    for k in range(KCH):
        sl = slice(k * CB, (k + 1) * CB)
        hh = sc_stage(y0r[sl], y0i[sl], y1r[sl], y1i[sl], pr, pi)
        out_spec = pl.BlockSpec(
            (2, BBLK, RX, ANT, 1, 1, T, 8, SC // 8),
            functools.partial(lambda kk, b: (0, kk * (CB // BBLK) + b, 0, 0,
                                             0, 0, 0, 0, 0), k))
        if k == 0:
            out = pl.pallas_call(
                _tc_body,
                grid=(CB // BBLK,),
                in_specs=[hh_spec],
                out_specs=out_spec,
                out_shape=jax.ShapeDtypeStruct(_OUT9, jnp.float32),
            )(hh)
        else:
            out = pl.pallas_call(
                _tc_body_aliased,
                grid=(CB // BBLK,),
                in_specs=[pl.BlockSpec(memory_space=pl.ANY), hh_spec],
                out_specs=out_spec,
                out_shape=jax.ShapeDtypeStruct(_OUT9, jnp.float32),
                input_output_aliases={0: 0},
            )(out, hh)
    return out.reshape(2, B, RX, ANT, 1, 1, T, SC)


def kernel(y_real, y_imag, no, pilots_real, pilots_imag):
    y0r = y_real[:, 0, :, P0]
    y0i = y_imag[:, 0, :, P0]
    y1r = y_real[:, 0, :, P1]
    y1i = y_imag[:, 0, :, P1]
    return _run(y0r, y0i, y1r, y1i, pilots_real, pilots_imag)

# --- scband reference (transcript-rebuilt; emitter-appended) ---
"""Pipeline reference for scband-lschannel-estimator-54065048322719 (READ-ONLY COPY).

The authoritative reference and input builder live on the scoring server;
editing this copy changes nothing except your own understanding.
"""

import jax, jax.numpy as jnp
import numpy as np

BATCH = 64
NUM_RX = 1
NUM_RX_ANT = 16
NUM_OFDM_SYMBOLS = 14
NUM_SUBCARRIERS = 1024
PILOT_SYMS = (2, 11)


def setup_inputs(seed: int = 0):
    key = jax.random.key(seed)
    k1, k2, k3 = jax.random.split(key, 3)
    shape = (BATCH, NUM_RX, NUM_RX_ANT, NUM_OFDM_SYMBOLS, NUM_SUBCARRIERS)
    y_real = jax.random.normal(k1, shape, dtype=jnp.float32)
    y_imag = jax.random.normal(k2, shape, dtype=jnp.float32)
    no = jax.random.uniform(k3, (1,), dtype=jnp.float32, minval=0.01, maxval=0.1)
    # pilot sequences (learned/constant params of the pilot pattern): unit pilots on
    # every subcarrier of the pilot-carrying OFDM symbols
    pilots_real = jnp.ones((len(PILOT_SYMS), NUM_SUBCARRIERS), dtype=jnp.float32)
    pilots_imag = jnp.zeros((len(PILOT_SYMS), NUM_SUBCARRIERS), dtype=jnp.float32)
    return {"y_real": y_real, "y_imag": y_imag, "no": no,
            "pilots_real": pilots_real, "pilots_imag": pilots_imag}


def reference(y_real, y_imag, no, pilots_real, pilots_imag):
    # --- LS estimation at pilot positions: h_ls = y_p * conj(p) / |p|^2 ---
    pil_idx = jnp.array(PILOT_SYMS, dtype=jnp.int32)
    yp_r = jnp.take(y_real, pil_idx, axis=3)   # [B, RX, ANT, 2, SC]
    yp_i = jnp.take(y_imag, pil_idx, axis=3)
    denom = pilots_real ** 2 + pilots_imag ** 2
    h_r = (yp_r * pilots_real + yp_i * pilots_imag) / denom
    h_i = (yp_i * pilots_real - yp_r * pilots_imag) / denom
    # add num_tx / num_streams_per_tx dims -> [B, RX, ANT, 1, 1, 2, SC]
    h_r = h_r[:, :, :, None, None, :, :]
    h_i = h_i[:, :, :, None, None, :, :]
    # --- frequency interpolation ---
    # every subcarrier of a pilot symbol carries a pilot, so x0 == x1 for all
    # positions and divide_no_nan yields slope 0 -> gather of y0 (identity gather)
    sc_idx = jnp.arange(NUM_SUBCARRIERS)
    h_r = jnp.take(h_r, sc_idx, axis=-1)
    h_i = jnp.take(h_i, sc_idx, axis=-1)
    # --- time interpolation (linear, with extrapolation outside [x0, x1]) ---
    x0 = float(PILOT_SYMS[0])
    x1 = float(PILOT_SYMS[1])
    t = jnp.arange(NUM_OFDM_SYMBOLS, dtype=jnp.float32)[:, None]  # [T, 1]
    y0_r = h_r[..., 0:1, :]
    y1_r = h_r[..., 1:2, :]
    y0_i = h_i[..., 0:1, :]
    y1_i = h_i[..., 1:2, :]
    slope_r = (y1_r - y0_r) / (x1 - x0)
    slope_i = (y1_i - y0_i) / (x1 - x0)
    h_hat_r = (t - x0) * slope_r + y0_r  # [B, RX, ANT, 1, 1, T, SC]
    h_hat_i = (t - x0) * slope_i + y0_i
    # stack real/imag of the complex channel estimate along a leading axis
    return jnp.stack([h_hat_r, h_hat_i], axis=0)

if __name__ == "__main__":
    import jax
    _d = setup_inputs()
    print(jax.jit(kernel)(*tuple(_d.values())))

</pallas_src>

<mosaic_0001>
#map = affine_map<(d0, d1) -> (0, 0, 0)>
#map1 = affine_map<(d0, d1) -> (0, 0)>
#map2 = affine_map<(d0, d1) -> (0, 0, 0, 0)>
module attributes {stable_mosaic.version = 14 : i64} {
  func.func @_sc_body(%arg0: i32, %arg1: i32, %arg2: memref<32x16x1024xf32, #tpu.memory_space<hbm>>, %arg3: memref<32x16x1024xf32, #tpu.memory_space<hbm>>, %arg4: memref<32x16x1024xf32, #tpu.memory_space<hbm>>, %arg5: memref<32x16x1024xf32, #tpu.memory_space<hbm>>, %arg6: memref<2x1024xf32, #tpu.memory_space<hbm>>, %arg7: memref<2x1024xf32, #tpu.memory_space<hbm>>, %arg8: memref<512x4x8x128xf32, #tpu.memory_space<hbm>>, %arg9: memref<4x1024xf32, #tpu.memory_space<vmem>>, %arg10: memref<2x4x1024xf32, #tpu.memory_space<vmem>>, %arg11: memref<2x4x8x128xf32, #tpu.memory_space<vmem>>, %arg12: memref<!tpu.dma_semaphore, #tpu.memory_space<semaphore_mem>>, %arg13: memref<!tpu.dma_semaphore, #tpu.memory_space<semaphore_mem>>, %arg14: memref<!tpu.dma_semaphore, #tpu.memory_space<semaphore_mem>>, %arg15: memref<!tpu.dma_semaphore, #tpu.memory_space<semaphore_mem>>) attributes {dimension_semantics = [#tpu.dimension_semantics<core_parallel>, #tpu.dimension_semantics<subcore_parallel>], iteration_bounds = array<i64: 2, 16>, scalar_prefetch = 0 : i64, scratch_operands = 7 : i64, tpu.core_type = #tpu.core_type<sc_vector_subcore>, window_params = [{transform_indices = #map}, {transform_indices = #map}, {transform_indices = #map}, {transform_indices = #map}, {transform_indices = #map1}, {transform_indices = #map1}, {transform_indices = #map2}]} {
    %mul3A = arith.constant 2 : i32
    %mul3A_0 = arith.muli %arg1, %mul3A : i32
    %add3A = arith.addi %mul3A_0, %arg0 : i32
    %mul3A_1 = arith.constant 16 : i32
    %mul3A_2 = arith.muli %add3A, %mul3A_1 : i32
    %run_scoped3A = arith.constant 0 : i32
    %run_scoped3A_3 = arith.constant 0 : i32
    %run_scoped3A_4 = arith.constant 0 : i32
    "tpu.region"() ({
      %run_scoped3A_162 = tpu.sem_alloc : memref<!tpu.dma_semaphore, #tpu.memory_space<semaphore_mem>>
      %dma_start3A_163 = arith.constant 0 : i32
      %dma_start3A_164 = tpu.memref_slice %arg10[%run_scoped3A_3, %run_scoped3A_4, %dma_start3A_163] : memref<2x4x1024xf32, #tpu.memory_space<vmem>> -> memref<1x1x1024xf32, #tpu.memory_space<vmem>>
      %dma_start3A_165 = tpu.memref_squeeze %dma_start3A_164 : memref<1x1x1024xf32, #tpu.memory_space<vmem>> -> memref<1024xf32, #tpu.memory_space<vmem>>
      %dma_start3A_166 = arith.constant 0 : i32
      %dma_start3A_167 = tpu.memref_slice %arg6[%run_scoped3A, %dma_start3A_166] : memref<2x1024xf32, #tpu.memory_space<hbm>> -> memref<1x1024xf32, #tpu.memory_space<hbm>>
      %dma_start3A_168 = tpu.memref_squeeze %dma_start3A_167 : memref<1x1024xf32, #tpu.memory_space<hbm>> -> memref<1024xf32, #tpu.memory_space<hbm>>
      %dma_start3A_169 = arith.constant 0 : i32
      %dma_start3A_170 = tpu.memref_slice %arg10[%run_scoped3A_3, %run_scoped3A_4, %dma_start3A_169] : memref<2x4x1024xf32, #tpu.memory_space<vmem>> -> memref<1x1x1024xf32, #tpu.memory_space<vmem>>
      %dma_start3A_171 = tpu.memref_squeeze %dma_start3A_170 : memref<1x1x1024xf32, #tpu.memory_space<vmem>> -> memref<1024xf32, #tpu.memory_space<vmem>>
      %dma_start3A_172 = arith.constant 0 : i32
      %dma_start3A_173 = tpu.memref_slice %arg6[%run_scoped3A, %dma_start3A_172] : memref<2x1024xf32, #tpu.memory_space<hbm>> -> memref<1x1024xf32, #tpu.memory_space<hbm>>
      %dma_start3A_174 = tpu.memref_squeeze %dma_start3A_173 : memref<1x1024xf32, #tpu.memory_space<hbm>> -> memref<1024xf32, #tpu.memory_space<hbm>>
      tpu.enqueue_dma source(%dma_start3A_174 : memref<1024xf32, #tpu.memory_space<hbm>>) target(%dma_start3A_171 : memref<1024xf32, #tpu.memory_space<vmem>>) target_semaphore(%run_scoped3A_162 : memref<!tpu.dma_semaphore, #tpu.memory_space<semaphore_mem>>)
      %dma_wait3A_175 = arith.constant 0 : i32
      %dma_wait3A_176 = tpu.memref_slice %arg10[%run_scoped3A_3, %run_scoped3A_4, %dma_wait3A_175] : memref<2x4x1024xf32, #tpu.memory_space<vmem>> -> memref<1x1x1024xf32, #tpu.memory_space<vmem>>
      %dma_wait3A_177 = tpu.memref_squeeze %dma_wait3A_176 : memref<1x1x1024xf32, #tpu.memory_space<vmem>> -> memref<1024xf32, #tpu.memory_space<vmem>>
      %dma_wait3A_178 = arith.constant 0 : i32
      %dma_wait3A_179 = tpu.memref_slice %arg6[%run_scoped3A, %dma_wait3A_178] : memref<2x1024xf32, #tpu.memory_space<hbm>> -> memref<1x1024xf32, #tpu.memory_space<hbm>>
      %dma_wait3A_180 = tpu.memref_squeeze %dma_wait3A_179 : memref<1x1024xf32, #tpu.memory_space<hbm>> -> memref<1024xf32, #tpu.memory_space<hbm>>
      %dma_wait3A_181 = arith.constant 0 : i32
      %dma_wait3A_182 = tpu.memref_slice %arg10[%run_scoped3A_3, %run_scoped3A_4, %dma_wait3A_181] : memref<2x4x1024xf32, #tpu.memory_space<vmem>> -> memref<1x1x1024xf32, #tpu.memory_space<vmem>>
      %dma_wait3A_183 = tpu.memref_squeeze %dma_wait3A_182 : memref<1x1x1024xf32, #tpu.memory_space<vmem>> -> memref<1024xf32, #tpu.memory_space<vmem>>
      %dma_wait3A_184 = arith.constant 0 : i32
      %dma_wait3A_185 = tpu.memref_slice %arg6[%run_scoped3A, %dma_wait3A_184] : memref<2x1024xf32, #tpu.memory_space<hbm>> -> memref<1x1024xf32, #tpu.memory_space<hbm>>
      %dma_wait3A_186 = tpu.memref_squeeze %dma_wait3A_185 : memref<1x1024xf32, #tpu.memory_space<hbm>> -> memref<1024xf32, #tpu.memory_space<hbm>>
      tpu.wait_dma2 semaphore(%run_scoped3A_162 : memref<!tpu.dma_semaphore, #tpu.memory_space<semaphore_mem>>) src(%dma_wait3A_186 : memref<1024xf32, #tpu.memory_space<hbm>>) dst(%dma_wait3A_183 : memref<1024xf32, #tpu.memory_space<vmem>>)
      tpu.yield
    }) : () -> ()
    %run_scoped3A_5 = arith.constant 0 : i32
    %run_scoped3A_6 = arith.constant 0 : i32
    %run_scoped3A_7 = arith.constant 1 : i32
    "tpu.region"() ({
      %run_scoped3A_162 = tpu.sem_alloc : memref<!tpu.dma_semaphore, #tpu.memory_space<semaphore_mem>>
      %dma_start3A_163 = arith.constant 0 : i32
      %dma_start3A_164 = tpu.memref_slice %arg10[%run_scoped3A_6, %run_scoped3A_7, %dma_start3A_163] : memref<2x4x1024xf32, #tpu.memory_space<vmem>> -> memref<1x1x1024xf32, #tpu.memory_space<vmem>>
      %dma_start3A_165 = tpu.memref_squeeze %dma_start3A_164 : memref<1x1x1024xf32, #tpu.memory_space<vmem>> -> memref<1024xf32, #tpu.memory_space<vmem>>
      %dma_start3A_166 = arith.constant 0 : i32
      %dma_start3A_167 = tpu.memref_slice %arg7[%run_scoped3A_5, %dma_start3A_166] : memref<2x1024xf32, #tpu.memory_space<hbm>> -> memref<1x1024xf32, #tpu.memory_space<hbm>>
      %dma_start3A_168 = tpu.memref_squeeze %dma_start3A_167 : memref<1x1024xf32, #tpu.memory_space<hbm>> -> memref<1024xf32, #tpu.memory_space<hbm>>
      %dma_start3A_169 = arith.constant 0 : i32
      %dma_start3A_170 = tpu.memref_slice %arg10[%run_scoped3A_6, %run_scoped3A_7, %dma_start3A_169] : memref<2x4x1024xf32, #tpu.memory_space<vmem>> -> memref<1x1x1024xf32, #tpu.memory_space<vmem>>
      %dma_start3A_171 = tpu.memref_squeeze %dma_start3A_170 : memref<1x1x1024xf32, #tpu.memory_space<vmem>> -> memref<1024xf32, #tpu.memory_space<vmem>>
      %dma_start3A_172 = arith.constant 0 : i32
      %dma_start3A_173 = tpu.memref_slice %arg7[%run_scoped3A_5, %dma_start3A_172] : memref<2x1024xf32, #tpu.memory_space<hbm>> -> memref<1x1024xf32, #tpu.memory_space<hbm>>
      %dma_start3A_174 = tpu.memref_squeeze %dma_start3A_173 : memref<1x1024xf32, #tpu.memory_space<hbm>> -> memref<1024xf32, #tpu.memory_space<hbm>>
      tpu.enqueue_dma source(%dma_start3A_174 : memref<1024xf32, #tpu.memory_space<hbm>>) target(%dma_start3A_171 : memref<1024xf32, #tpu.memory_space<vmem>>) target_semaphore(%run_scoped3A_162 : memref<!tpu.dma_semaphore, #tpu.memory_space<semaphore_mem>>)
      %dma_wait3A_175 = arith.constant 0 : i32
      %dma_wait3A_176 = tpu.memref_slice %arg10[%run_scoped3A_6, %run_scoped3A_7, %dma_wait3A_175] : memref<2x4x1024xf32, #tpu.memory_space<vmem>> -> memref<1x1x1024xf32, #tpu.memory_space<vmem>>
      %dma_wait3A_177 = tpu.memref_squeeze %dma_wait3A_176 : memref<1x1x1024xf32, #tpu.memory_space<vmem>> -> memref<1024xf32, #tpu.memory_space<vmem>>
      %dma_wait3A_178 = arith.constant 0 : i32
      %dma_wait3A_179 = tpu.memref_slice %arg7[%run_scoped3A_5, %dma_wait3A_178] : memref<2x1024xf32, #tpu.memory_space<hbm>> -> memref<1x1024xf32, #tpu.memory_space<hbm>>
      %dma_wait3A_180 = tpu.memref_squeeze %dma_wait3A_179 : memref<1x1024xf32, #tpu.memory_space<hbm>> -> memref<1024xf32, #tpu.memory_space<hbm>>
      %dma_wait3A_181 = arith.constant 0 : i32
      %dma_wait3A_182 = tpu.memref_slice %arg10[%run_scoped3A_6, %run_scoped3A_7, %dma_wait3A_181] : memref<2x4x1024xf32, #tpu.memory_space<vmem>> -> memref<1x1x1024xf32, #tpu.memory_space<vmem>>
      %dma_wait3A_183 = tpu.memref_squeeze %dma_wait3A_182 : memref<1x1x1024xf32, #tpu.memory_space<vmem>> -> memref<1024xf32, #tpu.memory_space<vmem>>
      %dma_wait3A_184 = arith.constant 0 : i32
      %dma_wait3A_185 = tpu.memref_slice %arg7[%run_scoped3A_5, %dma_wait3A_184] : memref<2x1024xf32, #tpu.memory_space<hbm>> -> memref<1x1024xf32, #tpu.memory_space<hbm>>
      %dma_wait3A_186 = tpu.memref_squeeze %dma_wait3A_185 : memref<1x1024xf32, #tpu.memory_space<hbm>> -> memref<1024xf32, #tpu.memory_space<hbm>>
      tpu.wait_dma2 semaphore(%run_scoped3A_162 : memref<!tpu.dma_semaphore, #tpu.memory_space<semaphore_mem>>) src(%dma_wait3A_186 : memref<1024xf32, #tpu.memory_space<hbm>>) dst(%dma_wait3A_183 : memref<1024xf32, #tpu.memory_space<vmem>>)
      tpu.yield
    }) : () -> ()
    %run_scoped3A_8 = arith.constant 1 : i32
    %run_scoped3A_9 = arith.constant 0 : i32
    %run_scoped3A_10 = arith.constant 2 : i32
    "tpu.region"() ({
      %run_scoped3A_162 = tpu.sem_alloc : memref<!tpu.dma_semaphore, #tpu.memory_space<semaphore_mem>>
      %dma_start3A_163 = arith.constant 0 : i32
      %dma_start3A_164 = tpu.memref_slice %arg10[%run_scoped3A_9, %run_scoped3A_10, %dma_start3A_163] : memref<2x4x1024xf32, #tpu.memory_space<vmem>> -> memref<1x1x1024xf32, #tpu.memory_space<vmem>>
      %dma_start3A_165 = tpu.memref_squeeze %dma_start3A_164 : memref<1x1x1024xf32, #tpu.memory_space<vmem>> -> memref<1024xf32, #tpu.memory_space<vmem>>
      %dma_start3A_166 = arith.constant 0 : i32
      %dma_start3A_167 = tpu.memref_slice %arg6[%run_scoped3A_8, %dma_start3A_166] : memref<2x1024xf32, #tpu.memory_space<hbm>> -> memref<1x1024xf32, #tpu.memory_space<hbm>>
      %dma_start3A_168 = tpu.memref_squeeze %dma_start3A_167 : memref<1x1024xf32, #tpu.memory_space<hbm>> -> memref<1024xf32, #tpu.memory_space<hbm>>
      %dma_start3A_169 = arith.constant 0 : i32
      %dma_start3A_170 = tpu.memref_slice %arg10[%run_scoped3A_9, %run_scoped3A_10, %dma_start3A_169] : memref<2x4x1024xf32, #tpu.memory_space<vmem>> -> memref<1x1x1024xf32, #tpu.memory_space<vmem>>
      %dma_start3A_171 = tpu.memref_squeeze %dma_start3A_170 : memref<1x1x1024xf32, #tpu.memory_space<vmem>> -> memref<1024xf32, #tpu.memory_space<vmem>>
      %dma_start3A_172 = arith.constant 0 : i32
      %dma_start3A_173 = tpu.memref_slice %arg6[%run_scoped3A_8, %dma_start3A_172] : memref<2x1024xf32, #tpu.memory_space<hbm>> -> memref<1x1024xf32, #tpu.memory_space<hbm>>
      %dma_start3A_174 = tpu.memref_squeeze %dma_start3A_173 : memref<1x1024xf32, #tpu.memory_space<hbm>> -> memref<1024xf32, #tpu.memory_space<hbm>>
      tpu.enqueue_dma source(%dma_start3A_174 : memref<1024xf32, #tpu.memory_space<hbm>>) target(%dma_start3A_171 : memref<1024xf32, #tpu.memory_space<vmem>>) target_semaphore(%run_scoped3A_162 : memref<!tpu.dma_semaphore, #tpu.memory_space<semaphore_mem>>)
      %dma_wait3A_175 = arith.constant 0 : i32
      %dma_wait3A_176 = tpu.memref_slice %arg10[%run_scoped3A_9, %run_scoped3A_10, %dma_wait3A_175] : memref<2x4x1024xf32, #tpu.memory_space<vmem>> -> memref<1x1x1024xf32, #tpu.memory_space<vmem>>
      %dma_wait3A_177 = tpu.memref_squeeze %dma_wait3A_176 : memref<1x1x1024xf32, #tpu.memory_space<vmem>> -> memref<1024xf32, #tpu.memory_space<vmem>>
      %dma_wait3A_178 = arith.constant 0 : i32
      %dma_wait3A_179 = tpu.memref_slice %arg6[%run_scoped3A_8, %dma_wait3A_178] : memref<2x1024xf32, #tpu.memory_space<hbm>> -> memref<1x1024xf32, #tpu.memory_space<hbm>>
      %dma_wait3A_180 = tpu.memref_squeeze %dma_wait3A_179 : memref<1x1024xf32, #tpu.memory_space<hbm>> -> memref<1024xf32, #tpu.memory_space<hbm>>
      %dma_wait3A_181 = arith.constant 0 : i32
      %dma_wait3A_182 = tpu.memref_slice %arg10[%run_scoped3A_9, %run_scoped3A_10, %dma_wait3A_181] : memref<2x4x1024xf32, #tpu.memory_space<vmem>> -> memref<1x1x1024xf32, #tpu.memory_space<vmem>>
      %dma_wait3A_183 = tpu.memref_squeeze %dma_wait3A_182 : memref<1x1x1024xf32, #tpu.memory_space<vmem>> -> memref<1024xf32, #tpu.memory_space<vmem>>
      %dma_wait3A_184 = arith.constant 0 : i32
      %dma_wait3A_185 = tpu.memref_slice %arg6[%run_scoped3A_8, %dma_wait3A_184] : memref<2x1024xf32, #tpu.memory_space<hbm>> -> memref<1x1024xf32, #tpu.memory_space<hbm>>
      %dma_wait3A_186 = tpu.memref_squeeze %dma_wait3A_185 : memref<1x1024xf32, #tpu.memory_space<hbm>> -> memref<1024xf32, #tpu.memory_space<hbm>>
      tpu.wait_dma2 semaphore(%run_scoped3A_162 : memref<!tpu.dma_semaphore, #tpu.memory_space<semaphore_mem>>) src(%dma_wait3A_186 : memref<1024xf32, #tpu.memory_space<hbm>>) dst(%dma_wait3A_183 : memref<1024xf32, #tpu.memory_space<vmem>>)
      tpu.yield
    }) : () -> ()
    %run_scoped3A_11 = arith.constant 1 : i32
    %run_scoped3A_12 = arith.constant 0 : i32
    %run_scoped3A_13 = arith.constant 3 : i32
    "tpu.region"() ({
      %run_scoped3A_162 = tpu.sem_alloc : memref<!tpu.dma_semaphore, #tpu.memory_space<semaphore_mem>>
      %dma_start3A_163 = arith.constant 0 : i32
      %dma_start3A_164 = tpu.memref_slice %arg10[%run_scoped3A_12, %run_scoped3A_13, %dma_start3A_163] : memref<2x4x1024xf32, #tpu.memory_space<vmem>> -> memref<1x1x1024xf32, #tpu.memory_space<vmem>>
      %dma_start3A_165 = tpu.memref_squeeze %dma_start3A_164 : memref<1x1x1024xf32, #tpu.memory_space<vmem>> -> memref<1024xf32, #tpu.memory_space<vmem>>
      %dma_start3A_166 = arith.constant 0 : i32
      %dma_start3A_167 = tpu.memref_slice %arg7[%run_scoped3A_11, %dma_start3A_166] : memref<2x1024xf32, #tpu.memory_space<hbm>> -> memref<1x1024xf32, #tpu.memory_space<hbm>>
      %dma_start3A_168 = tpu.memref_squeeze %dma_start3A_167 : memref<1x1024xf32, #tpu.memory_space<hbm>> -> memref<1024xf32, #tpu.memory_space<hbm>>
      %dma_start3A_169 = arith.constant 0 : i32
      %dma_start3A_170 = tpu.memref_slice %arg10[%run_scoped3A_12, %run_scoped3A_13, %dma_start3A_169] : memref<2x4x1024xf32, #tpu.memory_space<vmem>> -> memref<1x1x1024xf32, #tpu.memory_space<vmem>>
      %dma_start3A_171 = tpu.memref_squeeze %dma_start3A_170 : memref<1x1x1024xf32, #tpu.memory_space<vmem>> -> memref<1024xf32, #tpu.memory_space<vmem>>
      %dma_start3A_172 = arith.constant 0 : i32
      %dma_start3A_173 = tpu.memref_slice %arg7[%run_scoped3A_11, %dma_start3A_172] : memref<2x1024xf32, #tpu.memory_space<hbm>> -> memref<1x1024xf32, #tpu.memory_space<hbm>>
      %dma_start3A_174 = tpu.memref_squeeze %dma_start3A_173 : memref<1x1024xf32, #tpu.memory_space<hbm>> -> memref<1024xf32, #tpu.memory_space<hbm>>
      tpu.enqueue_dma source(%dma_start3A_174 : memref<1024xf32, #tpu.memory_space<hbm>>) target(%dma_start3A_171 : memref<1024xf32, #tpu.memory_space<vmem>>) target_semaphore(%run_scoped3A_162 : memref<!tpu.dma_semaphore, #tpu.memory_space<semaphore_mem>>)
      %dma_wait3A_175 = arith.constant 0 : i32
      %dma_wait3A_176 = tpu.memref_slice %arg10[%run_scoped3A_12, %run_scoped3A_13, %dma_wait3A_175] : memref<2x4x1024xf32, #tpu.memory_space<vmem>> -> memref<1x1x1024xf32, #tpu.memory_space<vmem>>
      %dma_wait3A_177 = tpu.memref_squeeze %dma_wait3A_176 : memref<1x1x1024xf32, #tpu.memory_space<vmem>> -> memref<1024xf32, #tpu.memory_space<vmem>>
      %dma_wait3A_178 = arith.constant 0 : i32
      %dma_wait3A_179 = tpu.memref_slice %arg7[%run_scoped3A_11, %dma_wait3A_178] : memref<2x1024xf32, #tpu.memory_space<hbm>> -> memref<1x1024xf32, #tpu.memory_space<hbm>>
      %dma_wait3A_180 = tpu.memref_squeeze %dma_wait3A_179 : memref<1x1024xf32, #tpu.memory_space<hbm>> -> memref<1024xf32, #tpu.memory_space<hbm>>
      %dma_wait3A_181 = arith.constant 0 : i32
      %dma_wait3A_182 = tpu.memref_slice %arg10[%run_scoped3A_12, %run_scoped3A_13, %dma_wait3A_181] : memref<2x4x1024xf32, #tpu.memory_space<vmem>> -> memref<1x1x1024xf32, #tpu.memory_space<vmem>>
      %dma_wait3A_183 = tpu.memref_squeeze %dma_wait3A_182 : memref<1x1x1024xf32, #tpu.memory_space<vmem>> -> memref<1024xf32, #tpu.memory_space<vmem>>
      %dma_wait3A_184 = arith.constant 0 : i32
      %dma_wait3A_185 = tpu.memref_slice %arg7[%run_scoped3A_11, %dma_wait3A_184] : memref<2x1024xf32, #tpu.memory_space<hbm>> -> memref<1x1024xf32, #tpu.memory_space<hbm>>
      %dma_wait3A_186 = tpu.memref_squeeze %dma_wait3A_185 : memref<1x1024xf32, #tpu.memory_space<hbm>> -> memref<1024xf32, #tpu.memory_space<hbm>>
      tpu.wait_dma2 semaphore(%run_scoped3A_162 : memref<!tpu.dma_semaphore, #tpu.memory_space<semaphore_mem>>) src(%dma_wait3A_186 : memref<1024xf32, #tpu.memory_space<hbm>>) dst(%dma_wait3A_183 : memref<1024xf32, #tpu.memory_space<vmem>>)
      tpu.yield
    }) : () -> ()
    %scan3A = arith.constant 0 : i32
    %scan3A_14 = arith.constant 0 : i32
    %scan3A_15 = arith.constant 64 : i32
    %scan3A_16 = arith.addi %scan3A_14, %scan3A_15 : i32
    %scan3A_17 = arith.constant 1 : i32
    scf.for %scan3A_162 = %scan3A_14 to %scan3A_16 step %scan3A_17  : i32 {
      %mul3A_163 = arith.constant 16 : i32
      %mul3A_164 = arith.muli %scan3A_162, %mul3A_163 : i32
      %get3A = arith.constant 0 : i32
      %get3A_165 = arith.constant 0 : i32
      %get3A_166 = arith.index_cast %get3A : i32 to index
      %get3A_167 = arith.index_cast %get3A_165 : i32 to index
      %get3A_168 = arith.index_cast %mul3A_164 : i32 to index
      %get3A_169 = tpu.vector_load %arg10[%get3A_166, %get3A_167, %get3A_168] {strides = array<i32>} : memref<2x4x1024xf32, #tpu.memory_space<vmem>>, vector<1x1x16xf32>,
      %get3A_170 = vector.shape_cast %get3A_169 : vector<1x1x16xf32> to vector<16xf32>
      %get3A_171 = arith.constant 0 : i32
      %get3A_172 = arith.constant 1 : i32
      %get3A_173 = arith.index_cast %get3A_171 : i32 to index
      %get3A_174 = arith.index_cast %get3A_172 : i32 to index
      %get3A_175 = arith.index_cast %mul3A_164 : i32 to index
      %get3A_176 = tpu.vector_load %arg10[%get3A_173, %get3A_174, %get3A_175] {strides = array<i32>} : memref<2x4x1024xf32, #tpu.memory_space<vmem>>, vector<1x1x16xf32>,
      %get3A_177 = vector.shape_cast %get3A_176 : vector<1x1x16xf32> to vector<16xf32>
      %mul3A_178 = arith.mulf %get3A_170, %get3A_170 : vector<16xf32>
      %mul3A_179 = arith.mulf %get3A_177, %get3A_177 : vector<16xf32>
      %add3A_180 = arith.addf %mul3A_178, %mul3A_179 : vector<16xf32>
      %div3A_181 = arith.constant 1.000000e+00 : f32
      %div3A_182 = vector.broadcast %div3A_181 : f32 to vector<16xf32>
      %div3A_183 = arith.divf %div3A_182, %add3A_180 : vector<16xf32>
      %mul3A_184 = arith.mulf %get3A_170, %div3A_183 : vector<16xf32>
      %swap3A = arith.constant 0 : i32
      %swap3A_185 = arith.index_cast %swap3A : i32 to index
      %swap3A_186 = arith.index_cast %mul3A_164 : i32 to index
      %swap3A_187 = tpu.vector_load %arg9[%swap3A_185, %swap3A_186] {strides = array<i32>} : memref<4x1024xf32, #tpu.memory_space<vmem>>, vector<1x16xf32>,
      %swap3A_188 = vector.shape_cast %swap3A_187 : vector<1x16xf32> to vector<16xf32>
      %swap3A_189 = vector.shape_cast %mul3A_184 : vector<16xf32> to vector<1x16xf32>
      tpu.vector_store %arg9[%swap3A_185, %swap3A_186], %swap3A_189 {strides = array<i32>} : memref<4x1024xf32, #tpu.memory_space<vmem>>, vector<1x16xf32>,
      %mul3A_190 = arith.mulf %get3A_177, %div3A_183 : vector<16xf32>
      %swap3A_191 = arith.constant 1 : i32
      %swap3A_192 = arith.index_cast %swap3A_191 : i32 to index
      %swap3A_193 = arith.index_cast %mul3A_164 : i32 to index
      %swap3A_194 = tpu.vector_load %arg9[%swap3A_192, %swap3A_193] {strides = array<i32>} : memref<4x1024xf32, #tpu.memory_space<vmem>>, vector<1x16xf32>,
      %swap3A_195 = vector.shape_cast %swap3A_194 : vector<1x16xf32> to vector<16xf32>
      %swap3A_196 = vector.shape_cast %mul3A_190 : vector<16xf32> to vector<1x16xf32>
      tpu.vector_store %arg9[%swap3A_192, %swap3A_193], %swap3A_196 {strides = array<i32>} : memref<4x1024xf32, #tpu.memory_space<vmem>>, vector<1x16xf32>,
      %get3A_197 = arith.constant 0 : i32
      %get3A_198 = arith.constant 2 : i32
      %get3A_199 = arith.index_cast %get3A_197 : i32 to index
      %get3A_200 = arith.index_cast %get3A_198 : i32 to index
      %get3A_201 = arith.index_cast %mul3A_164 : i32 to index
      %get3A_202 = tpu.vector_load %arg10[%get3A_199, %get3A_200, %get3A_201] {strides = array<i32>} : memref<2x4x1024xf32, #tpu.memory_space<vmem>>, vector<1x1x16xf32>,
      %get3A_203 = vector.shape_cast %get3A_202 : vector<1x1x16xf32> to vector<16xf32>
      %get3A_204 = arith.constant 0 : i32
      %get3A_205 = arith.constant 3 : i32
      %get3A_206 = arith.index_cast %get3A_204 : i32 to index
      %get3A_207 = arith.index_cast %get3A_205 : i32 to index
      %get3A_208 = arith.index_cast %mul3A_164 : i32 to index
      %get3A_209 = tpu.vector_load %arg10[%get3A_206, %get3A_207, %get3A_208] {strides = array<i32>} : memref<2x4x1024xf32, #tpu.memory_space<vmem>>, vector<1x1x16xf32>,
      %get3A_210 = vector.shape_cast %get3A_209 : vector<1x1x16xf32> to vector<16xf32>
      %mul3A_211 = arith.mulf %get3A_203, %get3A_203 : vector<16xf32>
      %mul3A_212 = arith.mulf %get3A_210, %get3A_210 : vector<16xf32>
      %add3A_213 = arith.addf %mul3A_211, %mul3A_212 : vector<16xf32>
      %div3A_214 = arith.constant 1.000000e+00 : f32
      %div3A_215 = vector.broadcast %div3A_214 : f32 to vector<16xf32>
      %div3A_216 = arith.divf %div3A_215, %add3A_213 : vector<16xf32>
      %mul3A_217 = arith.mulf %get3A_203, %div3A_216 : vector<16xf32>
      %swap3A_218 = arith.constant 2 : i32
      %swap3A_219 = arith.index_cast %swap3A_218 : i32 to index
      %swap3A_220 = arith.index_cast %mul3A_164 : i32 to index
      %swap3A_221 = tpu.vector_load %arg9[%swap3A_219, %swap3A_220] {strides = array<i32>} : memref<4x1024xf32, #tpu.memory_space<vmem>>, vector<1x16xf32>,
      %swap3A_222 = vector.shape_cast %swap3A_221 : vector<1x16xf32> to vector<16xf32>
      %swap3A_223 = vector.shape_cast %mul3A_217 : vector<16xf32> to vector<1x16xf32>
      tpu.vector_store %arg9[%swap3A_219, %swap3A_220], %swap3A_223 {strides = array<i32>} : memref<4x1024xf32, #tpu.memory_space<vmem>>, vector<1x16xf32>,
      %mul3A_224 = arith.mulf %get3A_210, %div3A_216 : vector<16xf32>
      %swap3A_225 = arith.constant 3 : i32
      %swap3A_226 = arith.index_cast %swap3A_225 : i32 to index
      %swap3A_227 = arith.index_cast %mul3A_164 : i32 to index
      %swap3A_228 = tpu.vector_load %arg9[%swap3A_226, %swap3A_227] {strides = array<i32>} : memref<4x1024xf32, #tpu.memory_space<vmem>>, vector<1x16xf32>,
      %swap3A_229 = vector.shape_cast %swap3A_228 : vector<1x16xf32> to vector<16xf32>
      %swap3A_230 = vector.shape_cast %mul3A_224 : vector<16xf32> to vector<1x16xf32>
      tpu.vector_store %arg9[%swap3A_226, %swap3A_227], %swap3A_230 {strides = array<i32>} : memref<4x1024xf32, #tpu.memory_space<vmem>>, vector<1x16xf32>,
    }
    %scan3A_18 = arith.constant 64 : i32
    %jit3A = arith.constant 16 : i32
    %div3A = arith.divsi %mul3A_2, %jit3A : i32
    %sign3A = arith.constant 0 : i32
    %sign3A_19 = arith.cmpi sgt, %mul3A_2, %sign3A : i32
    %sign3A_20 = arith.extui %sign3A_19 : i1 to i32
    %sign3A_21 = arith.constant 0 : i32
    %sign3A_22 = arith.cmpi slt, %mul3A_2, %sign3A_21 : i32
    %sign3A_23 = arith.extui %sign3A_22 : i1 to i32
    %sign3A_24 = arith.subi %sign3A_20, %sign3A_23 : i32
    %sign3A_25 = arith.constant 0 : i32
    %sign3A_26 = arith.cmpi sgt, %jit3A, %sign3A_25 : i32
    %sign3A_27 = arith.extui %sign3A_26 : i1 to i32
    %sign3A_28 = arith.constant 0 : i32
    %sign3A_29 = arith.cmpi slt, %jit3A, %sign3A_28 : i32
    %sign3A_30 = arith.extui %sign3A_29 : i1 to i32
    %sign3A_31 = arith.subi %sign3A_27, %sign3A_30 : i32
    %ne3A = arith.cmpi ne, %sign3A_24, %sign3A_31 : i32
    %rem3A = arith.remsi %mul3A_2, %jit3A : i32
    %ne3A_32 = arith.constant 0 : i32
    %ne3A_33 = arith.cmpi ne, %rem3A, %ne3A_32 : i32
    %and3A = arith.andi %ne3A, %ne3A_33 : i1
    %sub3A = arith.constant 1 : i32
    %sub3A_34 = arith.subi %div3A, %sub3A : i32
    %select_n3A = arith.select %and3A, %sub3A_34, %div3A : i32
    %jit3A_35 = arith.constant 16 : i32
    %eq3A = arith.constant 0 : i32
    %eq3A_36 = arith.cmpi eq, %jit3A_35, %eq3A : i32
    %jit3A_37 = arith.constant 1 : i32
    %select_n3A_38 = arith.select %eq3A_36, %jit3A_37, %jit3A_35 : i32
    %rem3A_39 = arith.remsi %mul3A_2, %select_n3A_38 : i32
    %ne3A_40 = arith.constant 0 : i32
    %ne3A_41 = arith.cmpi ne, %rem3A_39, %ne3A_40 : i32
    %lt3A = arith.constant 0 : i32
    %lt3A_42 = arith.cmpi slt, %rem3A_39, %lt3A : i32
    %lt3A_43 = arith.constant 0 : i32
    %lt3A_44 = arith.cmpi slt, %select_n3A_38, %lt3A_43 : i32
    %ne3A_45 = arith.xori %lt3A_42, %lt3A_44 : i1
    %and3A_46 = arith.andi %ne3A_45, %ne3A_41 : i1
    %add3A_47 = arith.addi %rem3A_39, %select_n3A_38 : i32
    %select_n3A_48 = arith.select %and3A_46, %add3A_47, %rem3A_39 : i32
    %dma_start3A = arith.constant 0 : i32
    %dma_start3A_49 = arith.constant 0 : i32
    %dma_start3A_50 = arith.constant 0 : i32
    %dma_start3A_51 = tpu.memref_slice %arg10[%dma_start3A, %dma_start3A_49, %dma_start3A_50] : memref<2x4x1024xf32, #tpu.memory_space<vmem>> -> memref<1x1x1024xf32, #tpu.memory_space<vmem>>
    %dma_start3A_52 = tpu.memref_squeeze %dma_start3A_51 : memref<1x1x1024xf32, #tpu.memory_space<vmem>> -> memref<1024xf32, #tpu.memory_space<vmem>>
    %dma_start3A_53 = arith.constant 0 : i32
    %dma_start3A_54 = tpu.memref_slice %arg2[%select_n3A, %select_n3A_48, %dma_start3A_53] : memref<32x16x1024xf32, #tpu.memory_space<hbm>> -> memref<1x1x1024xf32, #tpu.memory_space<hbm>>
    %dma_start3A_55 = tpu.memref_squeeze %dma_start3A_54 : memref<1x1x1024xf32, #tpu.memory_space<hbm>> -> memref<1024xf32, #tpu.memory_space<hbm>>
    %dma_start3A_56 = arith.constant 0 : i32
    %dma_start3A_57 = tpu.memref_slice %arg10[%dma_start3A, %dma_start3A_49, %dma_start3A_56] : memref<2x4x1024xf32, #tpu.memory_space<vmem>> -> memref<1x1x1024xf32, #tpu.memory_space<vmem>>
    %dma_start3A_58 = tpu.memref_squeeze %dma_start3A_57 : memref<1x1x1024xf32, #tpu.memory_space<vmem>> -> memref<1024xf32, #tpu.memory_space<vmem>>
    %dma_start3A_59 = arith.constant 0 : i32
    %dma_start3A_60 = tpu.memref_slice %arg2[%select_n3A, %select_n3A_48, %dma_start3A_59] : memref<32x16x1024xf32, #tpu.memory_space<hbm>> -> memref<1x1x1024xf32, #tpu.memory_space<hbm>>
    %dma_start3A_61 = tpu.memref_squeeze %dma_start3A_60 : memref<1x1x1024xf32, #tpu.memory_space<hbm>> -> memref<1024xf32, #tpu.memory_space<hbm>>
    tpu.enqueue_dma source(%dma_start3A_61 : memref<1024xf32, #tpu.memory_space<hbm>>) target(%dma_start3A_58 : memref<1024xf32, #tpu.memory_space<vmem>>) target_semaphore(%arg12 : memref<!tpu.dma_semaphore, #tpu.memory_space<semaphore_mem>>)
    %dma_start3A_62 = arith.constant 0 : i32
    %dma_start3A_63 = arith.constant 1 : i32
    %dma_start3A_64 = arith.constant 0 : i32
    %dma_start3A_65 = tpu.memref_slice %arg10[%dma_start3A_62, %dma_start3A_63, %dma_start3A_64] : memref<2x4x1024xf32, #tpu.memory_space<vmem>> -> memref<1x1x1024xf32, #tpu.memory_space<vmem>>
    %dma_start3A_66 = tpu.memref_squeeze %dma_start3A_65 : memref<1x1x1024xf32, #tpu.memory_space<vmem>> -> memref<1024xf32, #tpu.memory_space<vmem>>
    %dma_start3A_67 = arith.constant 0 : i32
    %dma_start3A_68 = tpu.memref_slice %arg3[%select_n3A, %select_n3A_48, %dma_start3A_67] : memref<32x16x1024xf32, #tpu.memory_space<hbm>> -> memref<1x1x1024xf32, #tpu.memory_space<hbm>>
    %dma_start3A_69 = tpu.memref_squeeze %dma_start3A_68 : memref<1x1x1024xf32, #tpu.memory_space<hbm>> -> memref<1024xf32, #tpu.memory_space<hbm>>
    %dma_start3A_70 = arith.constant 0 : i32
    %dma_start3A_71 = tpu.memref_slice %arg10[%dma_start3A_62, %dma_start3A_63, %dma_start3A_70] : memref<2x4x1024xf32, #tpu.memory_space<vmem>> -> memref<1x1x1024xf32, #tpu.memory_space<vmem>>
    %dma_start3A_72 = tpu.memref_squeeze %dma_start3A_71 : memref<1x1x1024xf32, #tpu.memory_space<vmem>> -> memref<1024xf32, #tpu.memory_space<vmem>>
    %dma_start3A_73 = arith.constant 0 : i32
    %dma_start3A_74 = tpu.memref_slice %arg3[%select_n3A, %select_n3A_48, %dma_start3A_73] : memref<32x16x1024xf32, #tpu.memory_space<hbm>> -> memref<1x1x1024xf32, #tpu.memory_space<hbm>>
    %dma_start3A_75 = tpu.memref_squeeze %dma_start3A_74 : memref<1x1x1024xf32, #tpu.memory_space<hbm>> -> memref<1024xf32, #tpu.memory_space<hbm>>
    tpu.enqueue_dma source(%dma_start3A_75 : memref<1024xf32, #tpu.memory_space<hbm>>) target(%dma_start3A_72 : memref<1024xf32, #tpu.memory_space<vmem>>) target_semaphore(%arg12 : memref<!tpu.dma_semaphore, #tpu.memory_space<semaphore_mem>>)
    %dma_start3A_76 = arith.constant 0 : i32
    %dma_start3A_77 = arith.constant 2 : i32
    %dma_start3A_78 = arith.constant 0 : i32
    %dma_start3A_79 = tpu.memref_slice %arg10[%dma_start3A_76, %dma_start3A_77, %dma_start3A_78] : memref<2x4x1024xf32, #tpu.memory_space<vmem>> -> memref<1x1x1024xf32, #tpu.memory_space<vmem>>
    %dma_start3A_80 = tpu.memref_squeeze %dma_start3A_79 : memref<1x1x1024xf32, #tpu.memory_space<vmem>> -> memref<1024xf32, #tpu.memory_space<vmem>>
    %dma_start3A_81 = arith.constant 0 : i32
    %dma_start3A_82 = tpu.memref_slice %arg4[%select_n3A, %select_n3A_48, %dma_start3A_81] : memref<32x16x1024xf32, #tpu.memory_space<hbm>> -> memref<1x1x1024xf32, #tpu.memory_space<hbm>>
    %dma_start3A_83 = tpu.memref_squeeze %dma_start3A_82 : memref<1x1x1024xf32, #tpu.memory_space<hbm>> -> memref<1024xf32, #tpu.memory_space<hbm>>
    %dma_start3A_84 = arith.constant 0 : i32
    %dma_start3A_85 = tpu.memref_slice %arg10[%dma_start3A_76, %dma_start3A_77, %dma_start3A_84] : memref<2x4x1024xf32, #tpu.memory_space<vmem>> -> memref<1x1x1024xf32, #tpu.memory_space<vmem>>
    %dma_start3A_86 = tpu.memref_squeeze %dma_start3A_85 : memref<1x1x1024xf32, #tpu.memory_space<vmem>> -> memref<1024xf32, #tpu.memory_space<vmem>>
    %dma_start3A_87 = arith.constant 0 : i32
    %dma_start3A_88 = tpu.memref_slice %arg4[%select_n3A, %select_n3A_48, %dma_start3A_87] : memref<32x16x1024xf32, #tpu.memory_space<hbm>> -> memref<1x1x1024xf32, #tpu.memory_space<hbm>>
    %dma_start3A_89 = tpu.memref_squeeze %dma_start3A_88 : memref<1x1x1024xf32, #tpu.memory_space<hbm>> -> memref<1024xf32, #tpu.memory_space<hbm>>
    tpu.enqueue_dma source(%dma_start3A_89 : memref<1024xf32, #tpu.memory_space<hbm>>) target(%dma_start3A_86 : memref<1024xf32, #tpu.memory_space<vmem>>) target_semaphore(%arg12 : memref<!tpu.dma_semaphore, #tpu.memory_space<semaphore_mem>>)
    %dma_start3A_90 = arith.constant 0 : i32
    %dma_start3A_91 = arith.constant 3 : i32
    %dma_start3A_92 = arith.constant 0 : i32
    %dma_start3A_93 = tpu.memref_slice %arg10[%dma_start3A_90, %dma_start3A_91, %dma_start3A_92] : memref<2x4x1024xf32, #tpu.memory_space<vmem>> -> memref<1x1x1024xf32, #tpu.memory_space<vmem>>
    %dma_start3A_94 = tpu.memref_squeeze %dma_start3A_93 : memref<1x1x1024xf32, #tpu.memory_space<vmem>> -> memref<1024xf32, #tpu.memory_space<vmem>>
    %dma_start3A_95 = arith.constant 0 : i32
    %dma_start3A_96 = tpu.memref_slice %arg5[%select_n3A, %select_n3A_48, %dma_start3A_95] : memref<32x16x1024xf32, #tpu.memory_space<hbm>> -> memref<1x1x1024xf32, #tpu.memory_space<hbm>>
    %dma_start3A_97 = tpu.memref_squeeze %dma_start3A_96 : memref<1x1x1024xf32, #tpu.memory_space<hbm>> -> memref<1024xf32, #tpu.memory_space<hbm>>
    %dma_start3A_98 = arith.constant 0 : i32
    %dma_start3A_99 = tpu.memref_slice %arg10[%dma_start3A_90, %dma_start3A_91, %dma_start3A_98] : memref<2x4x1024xf32, #tpu.memory_space<vmem>> -> memref<1x1x1024xf32, #tpu.memory_space<vmem>>
    %dma_start3A_100 = tpu.memref_squeeze %dma_start3A_99 : memref<1x1x1024xf32, #tpu.memory_space<vmem>> -> memref<1024xf32, #tpu.memory_space<vmem>>
    %dma_start3A_101 = arith.constant 0 : i32
    %dma_start3A_102 = tpu.memref_slice %arg5[%select_n3A, %select_n3A_48, %dma_start3A_101] : memref<32x16x1024xf32, #tpu.memory_space<hbm>> -> memref<1x1x1024xf32, #tpu.memory_space<hbm>>
    %dma_start3A_103 = tpu.memref_squeeze %dma_start3A_102 : memref<1x1x1024xf32, #tpu.memory_space<hbm>> -> memref<1024xf32, #tpu.memory_space<hbm>>
    tpu.enqueue_dma source(%dma_start3A_103 : memref<1024xf32, #tpu.memory_space<hbm>>) target(%dma_start3A_100 : memref<1024xf32, #tpu.memory_space<vmem>>) target_semaphore(%arg12 : memref<!tpu.dma_semaphore, #tpu.memory_space<semaphore_mem>>)
    %scan3A_104 = arith.constant 0 : i32
    %scan3A_105 = arith.constant 8 : i32
    %scan3A_106 = arith.addi %scan3A_104, %scan3A_105 : i32
    %scan3A_107 = arith.constant 1 : i32
    scf.for %scan3A_162 = %scan3A_104 to %scan3A_106 step %scan3A_107  : i32 {
      %mul3A_163 = arith.constant 2 : i32
      %mul3A_164 = arith.muli %scan3A_162, %mul3A_163 : i32
      %add3A_165 = arith.constant 0 : i32
      %add3A_166 = arith.addi %add3A_165, %mul3A_164 : i32
      %add3A_167 = arith.constant 0 : i32
      %add3A_168 = arith.addi %add3A_166, %add3A_167 : i32
      %add3A_169 = arith.addi %mul3A_2, %add3A_168 : i32
      %jit3A_170 = arith.constant 16 : i32
      %div3A_171 = arith.divsi %add3A_169, %jit3A_170 : i32
      %sign3A_172 = arith.constant 0 : i32
      %sign3A_173 = arith.cmpi sgt, %add3A_169, %sign3A_172 : i32
      %sign3A_174 = arith.extui %sign3A_173 : i1 to i32
      %sign3A_175 = arith.constant 0 : i32
      %sign3A_176 = arith.cmpi slt, %add3A_169, %sign3A_175 : i32
      %sign3A_177 = arith.extui %sign3A_176 : i1 to i32
      %sign3A_178 = arith.subi %sign3A_174, %sign3A_177 : i32
      %sign3A_179 = arith.constant 0 : i32
      %sign3A_180 = arith.cmpi sgt, %jit3A_170, %sign3A_179 : i32
      %sign3A_181 = arith.extui %sign3A_180 : i1 to i32
      %sign3A_182 = arith.constant 0 : i32
      %sign3A_183 = arith.cmpi slt, %jit3A_170, %sign3A_182 : i32
      %sign3A_184 = arith.extui %sign3A_183 : i1 to i32
      %sign3A_185 = arith.subi %sign3A_181, %sign3A_184 : i32
      %ne3A_186 = arith.cmpi ne, %sign3A_178, %sign3A_185 : i32
      %rem3A_187 = arith.remsi %add3A_169, %jit3A_170 : i32
      %ne3A_188 = arith.constant 0 : i32
      %ne3A_189 = arith.cmpi ne, %rem3A_187, %ne3A_188 : i32
      %and3A_190 = arith.andi %ne3A_186, %ne3A_189 : i1
      %sub3A_191 = arith.constant 1 : i32
      %sub3A_192 = arith.subi %div3A_171, %sub3A_191 : i32
      %select_n3A_193 = arith.select %and3A_190, %sub3A_192, %div3A_171 : i32
      %jit3A_194 = arith.constant 16 : i32
      %eq3A_195 = arith.constant 0 : i32
      %eq3A_196 = arith.cmpi eq, %jit3A_194, %eq3A_195 : i32
      %jit3A_197 = arith.constant 1 : i32
      %select_n3A_198 = arith.select %eq3A_196, %jit3A_197, %jit3A_194 : i32
      %rem3A_199 = arith.remsi %add3A_169, %select_n3A_198 : i32
      %ne3A_200 = arith.constant 0 : i32
      %ne3A_201 = arith.cmpi ne, %rem3A_199, %ne3A_200 : i32
      %lt3A_202 = arith.constant 0 : i32
      %lt3A_203 = arith.cmpi slt, %rem3A_199, %lt3A_202 : i32
      %lt3A_204 = arith.constant 0 : i32
      %lt3A_205 = arith.cmpi slt, %select_n3A_198, %lt3A_204 : i32
      %ne3A_206 = arith.xori %lt3A_203, %lt3A_205 : i1
      %and3A_207 = arith.andi %ne3A_206, %ne3A_201 : i1
      %add3A_208 = arith.addi %rem3A_199, %select_n3A_198 : i32
      %select_n3A_209 = arith.select %and3A_207, %add3A_208, %rem3A_199 : i32
      %dma_wait3A_210 = arith.constant 0 : i32
      %dma_wait3A_211 = arith.constant 0 : i32
      %dma_wait3A_212 = arith.constant 0 : i32
      %dma_wait3A_213 = tpu.memref_slice %arg10[%dma_wait3A_210, %dma_wait3A_211, %dma_wait3A_212] : memref<2x4x1024xf32, #tpu.memory_space<vmem>> -> memref<1x1x1024xf32, #tpu.memory_space<vmem>>
      %dma_wait3A_214 = tpu.memref_squeeze %dma_wait3A_213 : memref<1x1x1024xf32, #tpu.memory_space<vmem>> -> memref<1024xf32, #tpu.memory_space<vmem>>
      %dma_wait3A_215 = arith.constant 0 : i32
      %dma_wait3A_216 = tpu.memref_slice %arg2[%select_n3A_193, %select_n3A_209, %dma_wait3A_215] : memref<32x16x1024xf32, #tpu.memory_space<hbm>> -> memref<1x1x1024xf32, #tpu.memory_space<hbm>>
      %dma_wait3A_217 = tpu.memref_squeeze %dma_wait3A_216 : memref<1x1x1024xf32, #tpu.memory_space<hbm>> -> memref<1024xf32, #tpu.memory_space<hbm>>
      %dma_wait3A_218 = arith.constant 0 : i32
      %dma_wait3A_219 = tpu.memref_slice %arg10[%dma_wait3A_210, %dma_wait3A_211, %dma_wait3A_218] : memref<2x4x1024xf32, #tpu.memory_space<vmem>> -> memref<1x1x1024xf32, #tpu.memory_space<vmem>>
      %dma_wait3A_220 = tpu.memref_squeeze %dma_wait3A_219 : memref<1x1x1024xf32, #tpu.memory_space<vmem>> -> memref<1024xf32, #tpu.memory_space<vmem>>
      %dma_wait3A_221 = arith.constant 0 : i32
      %dma_wait3A_222 = tpu.memref_slice %arg2[%select_n3A_193, %select_n3A_209, %dma_wait3A_221] : memref<32x16x1024xf32, #tpu.memory_space<hbm>> -> memref<1x1x1024xf32, #tpu.memory_space<hbm>>
      %dma_wait3A_223 = tpu.memref_squeeze %dma_wait3A_222 : memref<1x1x1024xf32, #tpu.memory_space<hbm>> -> memref<1024xf32, #tpu.memory_space<hbm>>
      tpu.wait_dma2 semaphore(%arg12 : memref<!tpu.dma_semaphore, #tpu.memory_space<semaphore_mem>>) src(%dma_wait3A_223 : memref<1024xf32, #tpu.memory_space<hbm>>) dst(%dma_wait3A_220 : memref<1024xf32, #tpu.memory_space<vmem>>)
      %dma_wait3A_224 = arith.constant 0 : i32
      %dma_wait3A_225 = arith.constant 1 : i32
      %dma_wait3A_226 = arith.constant 0 : i32
      %dma_wait3A_227 = tpu.memref_slice %arg10[%dma_wait3A_224, %dma_wait3A_225, %dma_wait3A_226] : memref<2x4x1024xf32, #tpu.memory_space<vmem>> -> memref<1x1x1024xf32, #tpu.memory_space<vmem>>
      %dma_wait3A_228 = tpu.memref_squeeze %dma_wait3A_227 : memref<1x1x1024xf32, #tpu.memory_space<vmem>> -> memref<1024xf32, #tpu.memory_space<vmem>>
      %dma_wait3A_229 = arith.constant 0 : i32
      %dma_wait3A_230 = tpu.memref_slice %arg3[%select_n3A_193, %select_n3A_209, %dma_wait3A_229] : memref<32x16x1024xf32, #tpu.memory_space<hbm>> -> memref<1x1x1024xf32, #tpu.memory_space<hbm>>
      %dma_wait3A_231 = tpu.memref_squeeze %dma_wait3A_230 : memref<1x1x1024xf32, #tpu.memory_space<hbm>> -> memref<1024xf32, #tpu.memory_space<hbm>>
      %dma_wait3A_232 = arith.constant 0 : i32
      %dma_wait3A_233 = tpu.memref_slice %arg10[%dma_wait3A_224, %dma_wait3A_225, %dma_wait3A_232] : memref<2x4x1024xf32, #tpu.memory_space<vmem>> -> memref<1x1x1024xf32, #tpu.memory_space<vmem>>
      %dma_wait3A_234 = tpu.memref_squeeze %dma_wait3A_233 : memref<1x1x1024xf32, #tpu.memory_space<vmem>> -> memref<1024xf32, #tpu.memory_space<vmem>>
      %dma_wait3A_235 = arith.constant 0 : i32
      %dma_wait3A_236 = tpu.memref_slice %arg3[%select_n3A_193, %select_n3A_209, %dma_wait3A_235] : memref<32x16x1024xf32, #tpu.memory_space<hbm>> -> memref<1x1x1024xf32, #tpu.memory_space<hbm>>
      %dma_wait3A_237 = tpu.memref_squeeze %dma_wait3A_236 : memref<1x1x1024xf32, #tpu.memory_space<hbm>> -> memref<1024xf32, #tpu.memory_space<hbm>>
      tpu.wait_dma2 semaphore(%arg12 : memref<!tpu.dma_semaphore, #tpu.memory_space<semaphore_mem>>) src(%dma_wait3A_237 : memref<1024xf32, #tpu.memory_space<hbm>>) dst(%dma_wait3A_234 : memref<1024xf32, #tpu.memory_space<vmem>>)
      %dma_wait3A_238 = arith.constant 0 : i32
      %dma_wait3A_239 = arith.constant 2 : i32
      %dma_wait3A_240 = arith.constant 0 : i32
      %dma_wait3A_241 = tpu.memref_slice %arg10[%dma_wait3A_238, %dma_wait3A_239, %dma_wait3A_240] : memref<2x4x1024xf32, #tpu.memory_space<vmem>> -> memref<1x1x1024xf32, #tpu.memory_space<vmem>>
      %dma_wait3A_242 = tpu.memref_squeeze %dma_wait3A_241 : memref<1x1x1024xf32, #tpu.memory_space<vmem>> -> memref<1024xf32, #tpu.memory_space<vmem>>
      %dma_wait3A_243 = arith.constant 0 : i32
      %dma_wait3A_244 = tpu.memref_slice %arg4[%select_n3A_193, %select_n3A_209, %dma_wait3A_243] : memref<32x16x1024xf32, #tpu.memory_space<hbm>> -> memref<1x1x1024xf32, #tpu.memory_space<hbm>>
      %dma_wait3A_245 = tpu.memref_squeeze %dma_wait3A_244 : memref<1x1x1024xf32, #tpu.memory_space<hbm>> -> memref<1024xf32, #tpu.memory_space<hbm>>
      %dma_wait3A_246 = arith.constant 0 : i32
      %dma_wait3A_247 = tpu.memref_slice %arg10[%dma_wait3A_238, %dma_wait3A_239, %dma_wait3A_246] : memref<2x4x1024xf32, #tpu.memory_space<vmem>> -> memref<1x1x1024xf32, #tpu.memory_space<vmem>>
      %dma_wait3A_248 = tpu.memref_squeeze %dma_wait3A_247 : memref<1x1x1024xf32, #tpu.memory_space<vmem>> -> memref<1024xf32, #tpu.memory_space<vmem>>
      %dma_wait3A_249 = arith.constant 0 : i32
      %dma_wait3A_250 = tpu.memref_slice %arg4[%select_n3A_193, %select_n3A_209, %dma_wait3A_249] : memref<32x16x1024xf32, #tpu.memory_space<hbm>> -> memref<1x1x1024xf32, #tpu.memory_space<hbm>>
      %dma_wait3A_251 = tpu.memref_squeeze %dma_wait3A_250 : memref<1x1x1024xf32, #tpu.memory_space<hbm>> -> memref<1024xf32, #tpu.memory_space<hbm>>
      tpu.wait_dma2 semaphore(%arg12 : memref<!tpu.dma_semaphore, #tpu.memory_space<semaphore_mem>>) src(%dma_wait3A_251 : memref<1024xf32, #tpu.memory_space<hbm>>) dst(%dma_wait3A_248 : memref<1024xf32, #tpu.memory_space<vmem>>)
      %dma_wait3A_252 = arith.constant 0 : i32
      %dma_wait3A_253 = arith.constant 3 : i32
      %dma_wait3A_254 = arith.constant 0 : i32
      %dma_wait3A_255 = tpu.memref_slice %arg10[%dma_wait3A_252, %dma_wait3A_253, %dma_wait3A_254] : memref<2x4x1024xf32, #tpu.memory_space<vmem>> -> memref<1x1x1024xf32, #tpu.memory_space<vmem>>
      %dma_wait3A_256 = tpu.memref_squeeze %dma_wait3A_255 : memref<1x1x1024xf32, #tpu.memory_space<vmem>> -> memref<1024xf32, #tpu.memory_space<vmem>>
      %dma_wait3A_257 = arith.constant 0 : i32
      %dma_wait3A_258 = tpu.memref_slice %arg5[%select_n3A_193, %select_n3A_209, %dma_wait3A_257] : memref<32x16x1024xf32, #tpu.memory_space<hbm>> -> memref<1x1x1024xf32, #tpu.memory_space<hbm>>
      %dma_wait3A_259 = tpu.memref_squeeze %dma_wait3A_258 : memref<1x1x1024xf32, #tpu.memory_space<hbm>> -> memref<1024xf32, #tpu.memory_space<hbm>>
      %dma_wait3A_260 = arith.constant 0 : i32
      %dma_wait3A_261 = tpu.memref_slice %arg10[%dma_wait3A_252, %dma_wait3A_253, %dma_wait3A_260] : memref<2x4x1024xf32, #tpu.memory_space<vmem>> -> memref<1x1x1024xf32, #tpu.memory_space<vmem>>
      %dma_wait3A_262 = tpu.memref_squeeze %dma_wait3A_261 : memref<1x1x1024xf32, #tpu.memory_space<vmem>> -> memref<1024xf32, #tpu.memory_space<vmem>>
      %dma_wait3A_263 = arith.constant 0 : i32
      %dma_wait3A_264 = tpu.memref_slice %arg5[%select_n3A_193, %select_n3A_209, %dma_wait3A_263] : memref<32x16x1024xf32, #tpu.memory_space<hbm>> -> memref<1x1x1024xf32, #tpu.memory_space<hbm>>
      %dma_wait3A_265 = tpu.memref_squeeze %dma_wait3A_264 : memref<1x1x1024xf32, #tpu.memory_space<hbm>> -> memref<1024xf32, #tpu.memory_space<hbm>>
      tpu.wait_dma2 semaphore(%arg12 : memref<!tpu.dma_semaphore, #tpu.memory_space<semaphore_mem>>) src(%dma_wait3A_265 : memref<1024xf32, #tpu.memory_space<hbm>>) dst(%dma_wait3A_262 : memref<1024xf32, #tpu.memory_space<vmem>>)
      %add3A_266 = arith.constant 1 : i32
      %add3A_267 = arith.addi %add3A_168, %add3A_266 : i32
      %lt3A_268 = arith.constant 16 : i32
      %lt3A_269 = arith.cmpi slt, %add3A_267, %lt3A_268 : i32
      %convert_element_type3A = arith.extui %lt3A_269 : i1 to i32
      %cond3A = arith.constant 0 : i32
      %cond3A_270 = arith.cmpi ne, %convert_element_type3A, %cond3A : i32
      scf.if %cond3A_270 {
        %add3A_433 = arith.constant 1 : i32
        %add3A_434 = arith.addi %add3A_169, %add3A_433 : i32
        %jit3A_435 = arith.constant 16 : i32
        %div3A_436 = arith.divsi %add3A_434, %jit3A_435 : i32
        %sign3A_437 = arith.constant 0 : i32
        %sign3A_438 = arith.cmpi sgt, %add3A_434, %sign3A_437 : i32
        %sign3A_439 = arith.extui %sign3A_438 : i1 to i32
        %sign3A_440 = arith.constant 0 : i32
        %sign3A_441 = arith.cmpi slt, %add3A_434, %sign3A_440 : i32
        %sign3A_442 = arith.extui %sign3A_441 : i1 to i32
        %sign3A_443 = arith.subi %sign3A_439, %sign3A_442 : i32
        %sign3A_444 = arith.constant 0 : i32
        %sign3A_445 = arith.cmpi sgt, %jit3A_435, %sign3A_444 : i32
        %sign3A_446 = arith.extui %sign3A_445 : i1 to i32
        %sign3A_447 = arith.constant 0 : i32
        %sign3A_448 = arith.cmpi slt, %jit3A_435, %sign3A_447 : i32
        %sign3A_449 = arith.extui %sign3A_448 : i1 to i32
        %sign3A_450 = arith.subi %sign3A_446, %sign3A_449 : i32
        %ne3A_451 = arith.cmpi ne, %sign3A_443, %sign3A_450 : i32
        %rem3A_452 = arith.remsi %add3A_434, %jit3A_435 : i32
        %ne3A_453 = arith.constant 0 : i32
        %ne3A_454 = arith.cmpi ne, %rem3A_452, %ne3A_453 : i32
        %and3A_455 = arith.andi %ne3A_451, %ne3A_454 : i1
        %sub3A_456 = arith.constant 1 : i32
        %sub3A_457 = arith.subi %div3A_436, %sub3A_456 : i32
        %select_n3A_458 = arith.select %and3A_455, %sub3A_457, %div3A_436 : i32
        %jit3A_459 = arith.constant 16 : i32
        %eq3A_460 = arith.constant 0 : i32
        %eq3A_461 = arith.cmpi eq, %jit3A_459, %eq3A_460 : i32
        %jit3A_462 = arith.constant 1 : i32
        %select_n3A_463 = arith.select %eq3A_461, %jit3A_462, %jit3A_459 : i32
        %rem3A_464 = arith.remsi %add3A_434, %select_n3A_463 : i32
        %ne3A_465 = arith.constant 0 : i32
        %ne3A_466 = arith.cmpi ne, %rem3A_464, %ne3A_465 : i32
        %lt3A_467 = arith.constant 0 : i32
        %lt3A_468 = arith.cmpi slt, %rem3A_464, %lt3A_467 : i32
        %lt3A_469 = arith.constant 0 : i32
        %lt3A_470 = arith.cmpi slt, %select_n3A_463, %lt3A_469 : i32
        %ne3A_471 = arith.xori %lt3A_468, %lt3A_470 : i1
        %and3A_472 = arith.andi %ne3A_471, %ne3A_466 : i1
        %add3A_473 = arith.addi %rem3A_464, %select_n3A_463 : i32
        %select_n3A_474 = arith.select %and3A_472, %add3A_473, %rem3A_464 : i32
        %dma_start3A_475 = arith.constant 1 : i32
        %dma_start3A_476 = arith.constant 0 : i32
        %dma_start3A_477 = arith.constant 0 : i32
        %dma_start3A_478 = tpu.memref_slice %arg10[%dma_start3A_475, %dma_start3A_476, %dma_start3A_477] : memref<2x4x1024xf32, #tpu.memory_space<vmem>> -> memref<1x1x1024xf32, #tpu.memory_space<vmem>>
        %dma_start3A_479 = tpu.memref_squeeze %dma_start3A_478 : memref<1x1x1024xf32, #tpu.memory_space<vmem>> -> memref<1024xf32, #tpu.memory_space<vmem>>
        %dma_start3A_480 = arith.constant 0 : i32
        %dma_start3A_481 = tpu.memref_slice %arg2[%select_n3A_458, %select_n3A_474, %dma_start3A_480] : memref<32x16x1024xf32, #tpu.memory_space<hbm>> -> memref<1x1x1024xf32, #tpu.memory_space<hbm>>
        %dma_start3A_482 = tpu.memref_squeeze %dma_start3A_481 : memref<1x1x1024xf32, #tpu.memory_space<hbm>> -> memref<1024xf32, #tpu.memory_space<hbm>>
        %dma_start3A_483 = arith.constant 0 : i32
        %dma_start3A_484 = tpu.memref_slice %arg10[%dma_start3A_475, %dma_start3A_476, %dma_start3A_483] : memref<2x4x1024xf32, #tpu.memory_space<vmem>> -> memref<1x1x1024xf32, #tpu.memory_space<vmem>>
        %dma_start3A_485 = tpu.memref_squeeze %dma_start3A_484 : memref<1x1x1024xf32, #tpu.memory_space<vmem>> -> memref<1024xf32, #tpu.memory_space<vmem>>
        %dma_start3A_486 = arith.constant 0 : i32
        %dma_start3A_487 = tpu.memref_slice %arg2[%select_n3A_458, %select_n3A_474, %dma_start3A_486] : memref<32x16x1024xf32, #tpu.memory_space<hbm>> -> memref<1x1x1024xf32, #tpu.memory_space<hbm>>
        %dma_start3A_488 = tpu.memref_squeeze %dma_start3A_487 : memref<1x1x1024xf32, #tpu.memory_space<hbm>> -> memref<1024xf32, #tpu.memory_space<hbm>>
        tpu.enqueue_dma source(%dma_start3A_488 : memref<1024xf32, #tpu.memory_space<hbm>>) target(%dma_start3A_485 : memref<1024xf32, #tpu.memory_space<vmem>>) target_semaphore(%arg13 : memref<!tpu.dma_semaphore, #tpu.memory_space<semaphore_mem>>)
        %dma_start3A_489 = arith.constant 1 : i32
        %dma_start3A_490 = arith.constant 1 : i32
        %dma_start3A_491 = arith.constant 0 : i32
        %dma_start3A_492 = tpu.memref_slice %arg10[%dma_start3A_489, %dma_start3A_490, %dma_start3A_491] : memref<2x4x1024xf32, #tpu.memory_space<vmem>> -> memref<1x1x1024xf32, #tpu.memory_space<vmem>>
        %dma_start3A_493 = tpu.memref_squeeze %dma_start3A_492 : memref<1x1x1024xf32, #tpu.memory_space<vmem>> -> memref<1024xf32, #tpu.memory_space<vmem>>
        %dma_start3A_494 = arith.constant 0 : i32
        %dma_start3A_495 = tpu.memref_slice %arg3[%select_n3A_458, %select_n3A_474, %dma_start3A_494] : memref<32x16x1024xf32, #tpu.memory_space<hbm>> -> memref<1x1x1024xf32, #tpu.memory_space<hbm>>
        %dma_start3A_496 = tpu.memref_squeeze %dma_start3A_495 : memref<1x1x1024xf32, #tpu.memory_space<hbm>> -> memref<1024xf32, #tpu.memory_space<hbm>>
        %dma_start3A_497 = arith.constant 0 : i32
        %dma_start3A_498 = tpu.memref_slice %arg10[%dma_start3A_489, %dma_start3A_490, %dma_start3A_497] : memref<2x4x1024xf32, #tpu.memory_space<vmem>> -> memref<1x1x1024xf32, #tpu.memory_space<vmem>>
        %dma_start3A_499 = tpu.memref_squeeze %dma_start3A_498 : memref<1x1x1024xf32, #tpu.memory_space<vmem>> -> memref<1024xf32, #tpu.memory_space<vmem>>
        %dma_start3A_500 = arith.constant 0 : i32
        %dma_start3A_501 = tpu.memref_slice %arg3[%select_n3A_458, %select_n3A_474, %dma_start3A_500] : memref<32x16x1024xf32, #tpu.memory_space<hbm>> -> memref<1x1x1024xf32, #tpu.memory_space<hbm>>
        %dma_start3A_502 = tpu.memref_squeeze %dma_start3A_501 : memref<1x1x1024xf32, #tpu.memory_space<hbm>> -> memref<1024xf32, #tpu.memory_space<hbm>>
        tpu.enqueue_dma source(%dma_start3A_502 : memref<1024xf32, #tpu.memory_space<hbm>>) target(%dma_start3A_499 : memref<1024xf32, #tpu.memory_space<vmem>>) target_semaphore(%arg13 : memref<!tpu.dma_semaphore, #tpu.memory_space<semaphore_mem>>)
        %dma_start3A_503 = arith.constant 1 : i32
        %dma_start3A_504 = arith.constant 2 : i32
        %dma_start3A_505 = arith.constant 0 : i32
        %dma_start3A_506 = tpu.memref_slice %arg10[%dma_start3A_503, %dma_start3A_504, %dma_start3A_505] : memref<2x4x1024xf32, #tpu.memory_space<vmem>> -> memref<1x1x1024xf32, #tpu.memory_space<vmem>>
        %dma_start3A_507 = tpu.memref_squeeze %dma_start3A_506 : memref<1x1x1024xf32, #tpu.memory_space<vmem>> -> memref<1024xf32, #tpu.memory_space<vmem>>
        %dma_start3A_508 = arith.constant 0 : i32
        %dma_start3A_509 = tpu.memref_slice %arg4[%select_n3A_458, %select_n3A_474, %dma_start3A_508] : memref<32x16x1024xf32, #tpu.memory_space<hbm>> -> memref<1x1x1024xf32, #tpu.memory_space<hbm>>
        %dma_start3A_510 = tpu.memref_squeeze %dma_start3A_509 : memref<1x1x1024xf32, #tpu.memory_space<hbm>> -> memref<1024xf32, #tpu.memory_space<hbm>>
        %dma_start3A_511 = arith.constant 0 : i32
        %dma_start3A_512 = tpu.memref_slice %arg10[%dma_start3A_503, %dma_start3A_504, %dma_start3A_511] : memref<2x4x1024xf32, #tpu.memory_space<vmem>> -> memref<1x1x1024xf32, #tpu.memory_space<vmem>>
        %dma_start3A_513 = tpu.memref_squeeze %dma_start3A_512 : memref<1x1x1024xf32, #tpu.memory_space<vmem>> -> memref<1024xf32, #tpu.memory_space<vmem>>
        %dma_start3A_514 = arith.constant 0 : i32
        %dma_start3A_515 = tpu.memref_slice %arg4[%select_n3A_458, %select_n3A_474, %dma_start3A_514] : memref<32x16x1024xf32, #tpu.memory_space<hbm>> -> memref<1x1x1024xf32, #tpu.memory_space<hbm>>
        %dma_start3A_516 = tpu.memref_squeeze %dma_start3A_515 : memref<1x1x1024xf32, #tpu.memory_space<hbm>> -> memref<1024xf32, #tpu.memory_space<hbm>>
        tpu.enqueue_dma source(%dma_start3A_516 : memref<1024xf32, #tpu.memory_space<hbm>>) target(%dma_start3A_513 : memref<1024xf32, #tpu.memory_space<vmem>>) target_semaphore(%arg13 : memref<!tpu.dma_semaphore, #tpu.memory_space<semaphore_mem>>)
        %dma_start3A_517 = arith.constant 1 : i32
        %dma_start3A_518 = arith.constant 3 : i32
        %dma_start3A_519 = arith.constant 0 : i32
        %dma_start3A_520 = tpu.memref_slice %arg10[%dma_start3A_517, %dma_start3A_518, %dma_start3A_519] : memref<2x4x1024xf32, #tpu.memory_space<vmem>> -> memref<1x1x1024xf32, #tpu.memory_space<vmem>>
        %dma_start3A_521 = tpu.memref_squeeze %dma_start3A_520 : memref<1x1x1024xf32, #tpu.memory_space<vmem>> -> memref<1024xf32, #tpu.memory_space<vmem>>
        %dma_start3A_522 = arith.constant 0 : i32
        %dma_start3A_523 = tpu.memref_slice %arg5[%select_n3A_458, %select_n3A_474, %dma_start3A_522] : memref<32x16x1024xf32, #tpu.memory_space<hbm>> -> memref<1x1x1024xf32, #tpu.memory_space<hbm>>
        %dma_start3A_524 = tpu.memref_squeeze %dma_start3A_523 : memref<1x1x1024xf32, #tpu.memory_space<hbm>> -> memref<1024xf32, #tpu.memory_space<hbm>>
        %dma_start3A_525 = arith.constant 0 : i32
        %dma_start3A_526 = tpu.memref_slice %arg10[%dma_start3A_517, %dma_start3A_518, %dma_start3A_525] : memref<2x4x1024xf32, #tpu.memory_space<vmem>> -> memref<1x1x1024xf32, #tpu.memory_space<vmem>>
        %dma_start3A_527 = tpu.memref_squeeze %dma_start3A_526 : memref<1x1x1024xf32, #tpu.memory_space<vmem>> -> memref<1024xf32, #tpu.memory_space<vmem>>
        %dma_start3A_528 = arith.constant 0 : i32
        %dma_start3A_529 = tpu.memref_slice %arg5[%select_n3A_458, %select_n3A_474, %dma_start3A_528] : memref<32x16x1024xf32, #tpu.memory_space<hbm>> -> memref<1x1x1024xf32, #tpu.memory_space<hbm>>
        %dma_start3A_530 = tpu.memref_squeeze %dma_start3A_529 : memref<1x1x1024xf32, #tpu.memory_space<hbm>> -> memref<1024xf32, #tpu.memory_space<hbm>>
        tpu.enqueue_dma source(%dma_start3A_530 : memref<1024xf32, #tpu.memory_space<hbm>>) target(%dma_start3A_527 : memref<1024xf32, #tpu.memory_space<vmem>>) target_semaphore(%arg13 : memref<!tpu.dma_semaphore, #tpu.memory_space<semaphore_mem>>)
      } else {
      }
      %ge3A = arith.constant 2 : i32
      %ge3A_271 = arith.cmpi sge, %add3A_168, %ge3A : i32
      %convert_element_type3A_272 = arith.extui %ge3A_271 : i1 to i32
      %cond3A_273 = arith.constant 0 : i32
      %cond3A_274 = arith.cmpi ne, %convert_element_type3A_272, %cond3A_273 : i32
      scf.if %cond3A_274 {
        %dma_wait3A_433 = arith.constant 0 : i32
        %dma_wait3A_434 = arith.constant 0 : i32
        %dma_wait3A_435 = arith.constant 0 : i32
        %dma_wait3A_436 = arith.constant 0 : i32
        %dma_wait3A_437 = tpu.memref_slice %arg11[%dma_wait3A_433, %dma_wait3A_434, %dma_wait3A_435, %dma_wait3A_436] : memref<2x4x8x128xf32, #tpu.memory_space<vmem>> -> memref<1x4x8x128xf32, #tpu.memory_space<vmem>>
        %dma_wait3A_438 = tpu.memref_squeeze %dma_wait3A_437 : memref<1x4x8x128xf32, #tpu.memory_space<vmem>> -> memref<4x8x128xf32, #tpu.memory_space<vmem>>
        %dma_wait3A_439 = arith.constant 0 : i32
        %dma_wait3A_440 = arith.constant 0 : i32
        %dma_wait3A_441 = arith.constant 0 : i32
        %dma_wait3A_442 = tpu.memref_slice %arg8[%add3A_169, %dma_wait3A_439, %dma_wait3A_440, %dma_wait3A_441] : memref<512x4x8x128xf32, #tpu.memory_space<hbm>> -> memref<1x4x8x128xf32, #tpu.memory_space<hbm>>
        %dma_wait3A_443 = tpu.memref_squeeze %dma_wait3A_442 : memref<1x4x8x128xf32, #tpu.memory_space<hbm>> -> memref<4x8x128xf32, #tpu.memory_space<hbm>>
        %dma_wait3A_444 = arith.constant 0 : i32
        %dma_wait3A_445 = arith.constant 0 : i32
        %dma_wait3A_446 = arith.constant 0 : i32
        %dma_wait3A_447 = tpu.memref_slice %arg8[%add3A_169, %dma_wait3A_444, %dma_wait3A_445, %dma_wait3A_446] : memref<512x4x8x128xf32, #tpu.memory_space<hbm>> -> memref<1x4x8x128xf32, #tpu.memory_space<hbm>>
        %dma_wait3A_448 = tpu.memref_squeeze %dma_wait3A_447 : memref<1x4x8x128xf32, #tpu.memory_space<hbm>> -> memref<4x8x128xf32, #tpu.memory_space<hbm>>
        %dma_wait3A_449 = arith.constant 0 : i32
        %dma_wait3A_450 = arith.constant 0 : i32
        %dma_wait3A_451 = arith.constant 0 : i32
        %dma_wait3A_452 = tpu.memref_slice %arg11[%dma_wait3A_433, %dma_wait3A_449, %dma_wait3A_450, %dma_wait3A_451] : memref<2x4x8x128xf32, #tpu.memory_space<vmem>> -> memref<1x4x8x128xf32, #tpu.memory_space<vmem>>
        %dma_wait3A_453 = tpu.memref_squeeze %dma_wait3A_452 : memref<1x4x8x128xf32, #tpu.memory_space<vmem>> -> memref<4x8x128xf32, #tpu.memory_space<vmem>>
        tpu.wait_dma2 semaphore(%arg14 : memref<!tpu.dma_semaphore, #tpu.memory_space<semaphore_mem>>) src(%dma_wait3A_453 : memref<4x8x128xf32, #tpu.memory_space<vmem>>) dst(%dma_wait3A_448 : memref<4x8x128xf32, #tpu.memory_space<hbm>>)
      } else {
      }
      %parallel_loop3A = arith.constant 0 : i32
      %parallel_loop3A_275 = arith.constant 64 : i32
      %parallel_loop3A_276 = arith.constant 1 : i32
      scf.for %parallel_loop3A_433 = %parallel_loop3A to %parallel_loop3A_275 step %parallel_loop3A_276  : i32 {
        %parallel_loop3A_434 = arith.constant 16 : i32
        %parallel_loop3A_435 = arith.muli %parallel_loop3A_433, %parallel_loop3A_434 : i32
        %parallel_loop3A_436 = arith.constant 8 : i32
        %parallel_loop3A_437 = arith.divsi %parallel_loop3A_433, %parallel_loop3A_436 : i32
        %parallel_loop3A_438 = arith.constant 0 : i32
        %parallel_loop3A_439 = arith.cmpi sgt, %parallel_loop3A_433, %parallel_loop3A_438 : i32
        %parallel_loop3A_440 = arith.extui %parallel_loop3A_439 : i1 to i32
        %parallel_loop3A_441 = arith.constant 0 : i32
        %parallel_loop3A_442 = arith.cmpi slt, %parallel_loop3A_433, %parallel_loop3A_441 : i32
        %parallel_loop3A_443 = arith.extui %parallel_loop3A_442 : i1 to i32
        %parallel_loop3A_444 = arith.subi %parallel_loop3A_440, %parallel_loop3A_443 : i32
        %parallel_loop3A_445 = arith.constant 0 : i32
        %parallel_loop3A_446 = arith.cmpi sgt, %parallel_loop3A_436, %parallel_loop3A_445 : i32
        %parallel_loop3A_447 = arith.extui %parallel_loop3A_446 : i1 to i32
        %parallel_loop3A_448 = arith.constant 0 : i32
        %parallel_loop3A_449 = arith.cmpi slt, %parallel_loop3A_436, %parallel_loop3A_448 : i32
        %parallel_loop3A_450 = arith.extui %parallel_loop3A_449 : i1 to i32
        %parallel_loop3A_451 = arith.subi %parallel_loop3A_447, %parallel_loop3A_450 : i32
        %parallel_loop3A_452 = arith.cmpi ne, %parallel_loop3A_444, %parallel_loop3A_451 : i32
        %parallel_loop3A_453 = arith.remsi %parallel_loop3A_433, %parallel_loop3A_436 : i32
        %parallel_loop3A_454 = arith.constant 0 : i32
        %parallel_loop3A_455 = arith.cmpi ne, %parallel_loop3A_453, %parallel_loop3A_454 : i32
        %parallel_loop3A_456 = arith.andi %parallel_loop3A_452, %parallel_loop3A_455 : i1
        %parallel_loop3A_457 = arith.constant 1 : i32
        %parallel_loop3A_458 = arith.subi %parallel_loop3A_437, %parallel_loop3A_457 : i32
        %parallel_loop3A_459 = arith.select %parallel_loop3A_456, %parallel_loop3A_458, %parallel_loop3A_437 : i32
        %parallel_loop3A_460 = arith.constant 8 : i32
        %parallel_loop3A_461 = arith.constant 0 : i32
        %parallel_loop3A_462 = arith.cmpi eq, %parallel_loop3A_460, %parallel_loop3A_461 : i32
        %parallel_loop3A_463 = arith.constant 1 : i32
        %parallel_loop3A_464 = arith.select %parallel_loop3A_462, %parallel_loop3A_463, %parallel_loop3A_460 : i32
        %parallel_loop3A_465 = arith.remsi %parallel_loop3A_433, %parallel_loop3A_464 : i32
        %parallel_loop3A_466 = arith.constant 0 : i32
        %parallel_loop3A_467 = arith.cmpi ne, %parallel_loop3A_465, %parallel_loop3A_466 : i32
        %parallel_loop3A_468 = arith.constant 0 : i32
        %parallel_loop3A_469 = arith.cmpi slt, %parallel_loop3A_465, %parallel_loop3A_468 : i32
        %parallel_loop3A_470 = arith.constant 0 : i32
        %parallel_loop3A_471 = arith.cmpi slt, %parallel_loop3A_464, %parallel_loop3A_470 : i32
        %parallel_loop3A_472 = arith.xori %parallel_loop3A_469, %parallel_loop3A_471 : i1
        %parallel_loop3A_473 = arith.andi %parallel_loop3A_472, %parallel_loop3A_467 : i1
        %parallel_loop3A_474 = arith.addi %parallel_loop3A_465, %parallel_loop3A_464 : i32
        %parallel_loop3A_475 = arith.select %parallel_loop3A_473, %parallel_loop3A_474, %parallel_loop3A_465 : i32
        %parallel_loop3A_476 = arith.constant 16 : i32
        %parallel_loop3A_477 = arith.muli %parallel_loop3A_475, %parallel_loop3A_476 : i32
        %parallel_loop3A_478 = arith.constant 0 : i32
        %parallel_loop3A_479 = arith.constant 0 : i32
        %parallel_loop3A_480 = arith.index_cast %parallel_loop3A_478 : i32 to index
        %parallel_loop3A_481 = arith.index_cast %parallel_loop3A_479 : i32 to index
        %parallel_loop3A_482 = arith.index_cast %parallel_loop3A_435 : i32 to index
        %parallel_loop3A_483 = tpu.vector_load %arg10[%parallel_loop3A_480, %parallel_loop3A_481, %parallel_loop3A_482] {strides = array<i32>} : memref<2x4x1024xf32, #tpu.memory_space<vmem>>, vector<1x1x16xf32>,
        %parallel_loop3A_484 = vector.shape_cast %parallel_loop3A_483 : vector<1x1x16xf32> to vector<16xf32>
        %parallel_loop3A_485 = arith.constant 0 : i32
        %parallel_loop3A_486 = arith.constant 1 : i32
        %parallel_loop3A_487 = arith.index_cast %parallel_loop3A_485 : i32 to index
        %parallel_loop3A_488 = arith.index_cast %parallel_loop3A_486 : i32 to index
        %parallel_loop3A_489 = arith.index_cast %parallel_loop3A_435 : i32 to index
        %parallel_loop3A_490 = tpu.vector_load %arg10[%parallel_loop3A_487, %parallel_loop3A_488, %parallel_loop3A_489] {strides = array<i32>} : memref<2x4x1024xf32, #tpu.memory_space<vmem>>, vector<1x1x16xf32>,
        %parallel_loop3A_491 = vector.shape_cast %parallel_loop3A_490 : vector<1x1x16xf32> to vector<16xf32>
        %parallel_loop3A_492 = arith.constant 0 : i32
        %parallel_loop3A_493 = arith.constant 2 : i32
        %parallel_loop3A_494 = arith.index_cast %parallel_loop3A_492 : i32 to index
        %parallel_loop3A_495 = arith.index_cast %parallel_loop3A_493 : i32 to index
        %parallel_loop3A_496 = arith.index_cast %parallel_loop3A_435 : i32 to index
        %parallel_loop3A_497 = tpu.vector_load %arg10[%parallel_loop3A_494, %parallel_loop3A_495, %parallel_loop3A_496] {strides = array<i32>} : memref<2x4x1024xf32, #tpu.memory_space<vmem>>, vector<1x1x16xf32>,
        %parallel_loop3A_498 = vector.shape_cast %parallel_loop3A_497 : vector<1x1x16xf32> to vector<16xf32>
        %parallel_loop3A_499 = arith.constant 0 : i32
        %parallel_loop3A_500 = arith.constant 3 : i32
        %parallel_loop3A_501 = arith.index_cast %parallel_loop3A_499 : i32 to index
        %parallel_loop3A_502 = arith.index_cast %parallel_loop3A_500 : i32 to index
        %parallel_loop3A_503 = arith.index_cast %parallel_loop3A_435 : i32 to index
        %parallel_loop3A_504 = tpu.vector_load %arg10[%parallel_loop3A_501, %parallel_loop3A_502, %parallel_loop3A_503] {strides = array<i32>} : memref<2x4x1024xf32, #tpu.memory_space<vmem>>, vector<1x1x16xf32>,
        %parallel_loop3A_505 = vector.shape_cast %parallel_loop3A_504 : vector<1x1x16xf32> to vector<16xf32>
        %parallel_loop3A_506 = arith.constant 0 : i32
        %parallel_loop3A_507 = arith.index_cast %parallel_loop3A_506 : i32 to index
        %parallel_loop3A_508 = arith.index_cast %parallel_loop3A_435 : i32 to index
        %parallel_loop3A_509 = tpu.vector_load %arg9[%parallel_loop3A_507, %parallel_loop3A_508] {strides = array<i32>} : memref<4x1024xf32, #tpu.memory_space<vmem>>, vector<1x16xf32>,
        %parallel_loop3A_510 = vector.shape_cast %parallel_loop3A_509 : vector<1x16xf32> to vector<16xf32>
        %parallel_loop3A_511 = arith.constant 1 : i32
        %parallel_loop3A_512 = arith.index_cast %parallel_loop3A_511 : i32 to index
        %parallel_loop3A_513 = arith.index_cast %parallel_loop3A_435 : i32 to index
        %parallel_loop3A_514 = tpu.vector_load %arg9[%parallel_loop3A_512, %parallel_loop3A_513] {strides = array<i32>} : memref<4x1024xf32, #tpu.memory_space<vmem>>, vector<1x16xf32>,
        %parallel_loop3A_515 = vector.shape_cast %parallel_loop3A_514 : vector<1x16xf32> to vector<16xf32>
        %parallel_loop3A_516 = arith.constant 2 : i32
        %parallel_loop3A_517 = arith.index_cast %parallel_loop3A_516 : i32 to index
        %parallel_loop3A_518 = arith.index_cast %parallel_loop3A_435 : i32 to index
        %parallel_loop3A_519 = tpu.vector_load %arg9[%parallel_loop3A_517, %parallel_loop3A_518] {strides = array<i32>} : memref<4x1024xf32, #tpu.memory_space<vmem>>, vector<1x16xf32>,
        %parallel_loop3A_520 = vector.shape_cast %parallel_loop3A_519 : vector<1x16xf32> to vector<16xf32>
        %parallel_loop3A_521 = arith.constant 3 : i32
        %parallel_loop3A_522 = arith.index_cast %parallel_loop3A_521 : i32 to index
        %parallel_loop3A_523 = arith.index_cast %parallel_loop3A_435 : i32 to index
        %parallel_loop3A_524 = tpu.vector_load %arg9[%parallel_loop3A_522, %parallel_loop3A_523] {strides = array<i32>} : memref<4x1024xf32, #tpu.memory_space<vmem>>, vector<1x16xf32>,
        %parallel_loop3A_525 = vector.shape_cast %parallel_loop3A_524 : vector<1x16xf32> to vector<16xf32>
        %parallel_loop3A_526 = arith.mulf %parallel_loop3A_484, %parallel_loop3A_510 : vector<16xf32>
        %parallel_loop3A_527 = arith.mulf %parallel_loop3A_491, %parallel_loop3A_515 : vector<16xf32>
        %parallel_loop3A_528 = arith.addf %parallel_loop3A_526, %parallel_loop3A_527 : vector<16xf32>
        %parallel_loop3A_529 = arith.mulf %parallel_loop3A_491, %parallel_loop3A_510 : vector<16xf32>
        %parallel_loop3A_530 = arith.mulf %parallel_loop3A_484, %parallel_loop3A_515 : vector<16xf32>
        %parallel_loop3A_531 = arith.subf %parallel_loop3A_529, %parallel_loop3A_530 : vector<16xf32>
        %parallel_loop3A_532 = arith.mulf %parallel_loop3A_498, %parallel_loop3A_520 : vector<16xf32>
        %parallel_loop3A_533 = arith.mulf %parallel_loop3A_505, %parallel_loop3A_525 : vector<16xf32>
        %parallel_loop3A_534 = arith.addf %parallel_loop3A_532, %parallel_loop3A_533 : vector<16xf32>
        %parallel_loop3A_535 = arith.mulf %parallel_loop3A_505, %parallel_loop3A_520 : vector<16xf32>
        %parallel_loop3A_536 = arith.mulf %parallel_loop3A_498, %parallel_loop3A_525 : vector<16xf32>
        %parallel_loop3A_537 = arith.subf %parallel_loop3A_535, %parallel_loop3A_536 : vector<16xf32>
        %parallel_loop3A_538 = arith.constant 0 : i32
        %parallel_loop3A_539 = arith.constant 0 : i32
        %parallel_loop3A_540 = arith.index_cast %parallel_loop3A_538 : i32 to index
        %parallel_loop3A_541 = arith.index_cast %parallel_loop3A_539 : i32 to index
        %parallel_loop3A_542 = arith.index_cast %parallel_loop3A_459 : i32 to index
        %parallel_loop3A_543 = arith.index_cast %parallel_loop3A_477 : i32 to index
        %parallel_loop3A_544 = tpu.vector_load %arg11[%parallel_loop3A_540, %parallel_loop3A_541, %parallel_loop3A_542, %parallel_loop3A_543] {strides = array<i32>} : memref<2x4x8x128xf32, #tpu.memory_space<vmem>>, vector<1x1x1x16xf32>,
        %parallel_loop3A_545 = vector.shape_cast %parallel_loop3A_544 : vector<1x1x1x16xf32> to vector<16xf32>
        %parallel_loop3A_546 = vector.shape_cast %parallel_loop3A_528 : vector<16xf32> to vector<1x1x1x16xf32>
        tpu.vector_store %arg11[%parallel_loop3A_540, %parallel_loop3A_541, %parallel_loop3A_542, %parallel_loop3A_543], %parallel_loop3A_546 {strides = array<i32>} : memref<2x4x8x128xf32, #tpu.memory_space<vmem>>, vector<1x1x1x16xf32>,
        %parallel_loop3A_547 = arith.constant 0 : i32
        %parallel_loop3A_548 = arith.constant 1 : i32
        %parallel_loop3A_549 = arith.index_cast %parallel_loop3A_547 : i32 to index
        %parallel_loop3A_550 = arith.index_cast %parallel_loop3A_548 : i32 to index
        %parallel_loop3A_551 = arith.index_cast %parallel_loop3A_459 : i32 to index
        %parallel_loop3A_552 = arith.index_cast %parallel_loop3A_477 : i32 to index
        %parallel_loop3A_553 = tpu.vector_load %arg11[%parallel_loop3A_549, %parallel_loop3A_550, %parallel_loop3A_551, %parallel_loop3A_552] {strides = array<i32>} : memref<2x4x8x128xf32, #tpu.memory_space<vmem>>, vector<1x1x1x16xf32>,
        %parallel_loop3A_554 = vector.shape_cast %parallel_loop3A_553 : vector<1x1x1x16xf32> to vector<16xf32>
        %parallel_loop3A_555 = vector.shape_cast %parallel_loop3A_531 : vector<16xf32> to vector<1x1x1x16xf32>
        tpu.vector_store %arg11[%parallel_loop3A_549, %parallel_loop3A_550, %parallel_loop3A_551, %parallel_loop3A_552], %parallel_loop3A_555 {strides = array<i32>} : memref<2x4x8x128xf32, #tpu.memory_space<vmem>>, vector<1x1x1x16xf32>,
        %parallel_loop3A_556 = arith.subf %parallel_loop3A_534, %parallel_loop3A_528 : vector<16xf32>
        %parallel_loop3A_557 = arith.constant 0.111111112 : f32
        %parallel_loop3A_558 = vector.broadcast %parallel_loop3A_557 : f32 to vector<16xf32>
        %parallel_loop3A_559 = arith.mulf %parallel_loop3A_556, %parallel_loop3A_558 : vector<16xf32>
        %parallel_loop3A_560 = arith.constant 0 : i32
        %parallel_loop3A_561 = arith.constant 2 : i32
        %parallel_loop3A_562 = arith.index_cast %parallel_loop3A_560 : i32 to index
        %parallel_loop3A_563 = arith.index_cast %parallel_loop3A_561 : i32 to index
        %parallel_loop3A_564 = arith.index_cast %parallel_loop3A_459 : i32 to index
        %parallel_loop3A_565 = arith.index_cast %parallel_loop3A_477 : i32 to index
        %parallel_loop3A_566 = tpu.vector_load %arg11[%parallel_loop3A_562, %parallel_loop3A_563, %parallel_loop3A_564, %parallel_loop3A_565] {strides = array<i32>} : memref<2x4x8x128xf32, #tpu.memory_space<vmem>>, vector<1x1x1x16xf32>,
        %parallel_loop3A_567 = vector.shape_cast %parallel_loop3A_566 : vector<1x1x1x16xf32> to vector<16xf32>
        %parallel_loop3A_568 = vector.shape_cast %parallel_loop3A_559 : vector<16xf32> to vector<1x1x1x16xf32>
        tpu.vector_store %arg11[%parallel_loop3A_562, %parallel_loop3A_563, %parallel_loop3A_564, %parallel_loop3A_565], %parallel_loop3A_568 {strides = array<i32>} : memref<2x4x8x128xf32, #tpu.memory_space<vmem>>, vector<1x1x1x16xf32>,
        %parallel_loop3A_569 = arith.subf %parallel_loop3A_537, %parallel_loop3A_531 : vector<16xf32>
        %parallel_loop3A_570 = arith.constant 0.111111112 : f32
        %parallel_loop3A_571 = vector.broadcast %parallel_loop3A_570 : f32 to vector<16xf32>
        %parallel_loop3A_572 = arith.mulf %parallel_loop3A_569, %parallel_loop3A_571 : vector<16xf32>
        %parallel_loop3A_573 = arith.constant 0 : i32
        %parallel_loop3A_574 = arith.constant 3 : i32
        %parallel_loop3A_575 = arith.index_cast %parallel_loop3A_573 : i32 to index
        %parallel_loop3A_576 = arith.index_cast %parallel_loop3A_574 : i32 to index
        %parallel_loop3A_577 = arith.index_cast %parallel_loop3A_459 : i32 to index
        %parallel_loop3A_578 = arith.index_cast %parallel_loop3A_477 : i32 to index
        %parallel_loop3A_579 = tpu.vector_load %arg11[%parallel_loop3A_575, %parallel_loop3A_576, %parallel_loop3A_577, %parallel_loop3A_578] {strides = array<i32>} : memref<2x4x8x128xf32, #tpu.memory_space<vmem>>, vector<1x1x1x16xf32>,
        %parallel_loop3A_580 = vector.shape_cast %parallel_loop3A_579 : vector<1x1x1x16xf32> to vector<16xf32>
        %parallel_loop3A_581 = vector.shape_cast %parallel_loop3A_572 : vector<16xf32> to vector<1x1x1x16xf32>
        tpu.vector_store %arg11[%parallel_loop3A_575, %parallel_loop3A_576, %parallel_loop3A_577, %parallel_loop3A_578], %parallel_loop3A_581 {strides = array<i32>} : memref<2x4x8x128xf32, #tpu.memory_space<vmem>>, vector<1x1x1x16xf32>,
      } {sc.loop_unroll_factor = 8 : i64, sc.parallel_access}
      %dma_start3A_277 = arith.constant 0 : i32
      %dma_start3A_278 = arith.constant 0 : i32
      %dma_start3A_279 = arith.constant 0 : i32
      %dma_start3A_280 = arith.constant 0 : i32
      %dma_start3A_281 = tpu.memref_slice %arg11[%dma_start3A_277, %dma_start3A_278, %dma_start3A_279, %dma_start3A_280] : memref<2x4x8x128xf32, #tpu.memory_space<vmem>> -> memref<1x4x8x128xf32, #tpu.memory_space<vmem>>
      %dma_start3A_282 = tpu.memref_squeeze %dma_start3A_281 : memref<1x4x8x128xf32, #tpu.memory_space<vmem>> -> memref<4x8x128xf32, #tpu.memory_space<vmem>>
      %dma_start3A_283 = arith.constant 0 : i32
      %dma_start3A_284 = arith.constant 0 : i32
      %dma_start3A_285 = arith.constant 0 : i32
      %dma_start3A_286 = tpu.memref_slice %arg8[%add3A_169, %dma_start3A_283, %dma_start3A_284, %dma_start3A_285] : memref<512x4x8x128xf32, #tpu.memory_space<hbm>> -> memref<1x4x8x128xf32, #tpu.memory_space<hbm>>
      %dma_start3A_287 = tpu.memref_squeeze %dma_start3A_286 : memref<1x4x8x128xf32, #tpu.memory_space<hbm>> -> memref<4x8x128xf32, #tpu.memory_space<hbm>>
      %dma_start3A_288 = arith.constant 0 : i32
      %dma_start3A_289 = arith.constant 0 : i32
      %dma_start3A_290 = arith.constant 0 : i32
      %dma_start3A_291 = tpu.memref_slice %arg8[%add3A_169, %dma_start3A_288, %dma_start3A_289, %dma_start3A_290] : memref<512x4x8x128xf32, #tpu.memory_space<hbm>> -> memref<1x4x8x128xf32, #tpu.memory_space<hbm>>
      %dma_start3A_292 = tpu.memref_squeeze %dma_start3A_291 : memref<1x4x8x128xf32, #tpu.memory_space<hbm>> -> memref<4x8x128xf32, #tpu.memory_space<hbm>>
      %dma_start3A_293 = arith.constant 0 : i32
      %dma_start3A_294 = arith.constant 0 : i32
      %dma_start3A_295 = arith.constant 0 : i32
      %dma_start3A_296 = tpu.memref_slice %arg11[%dma_start3A_277, %dma_start3A_293, %dma_start3A_294, %dma_start3A_295] : memref<2x4x8x128xf32, #tpu.memory_space<vmem>> -> memref<1x4x8x128xf32, #tpu.memory_space<vmem>>
      %dma_start3A_297 = tpu.memref_squeeze %dma_start3A_296 : memref<1x4x8x128xf32, #tpu.memory_space<vmem>> -> memref<4x8x128xf32, #tpu.memory_space<vmem>>
      tpu.enqueue_dma source(%dma_start3A_297 : memref<4x8x128xf32, #tpu.memory_space<vmem>>) target(%dma_start3A_292 : memref<4x8x128xf32, #tpu.memory_space<hbm>>) target_semaphore(%arg14 : memref<!tpu.dma_semaphore, #tpu.memory_space<semaphore_mem>>)
      %add3A_298 = arith.constant 1 : i32
      %add3A_299 = arith.addi %add3A_166, %add3A_298 : i32
      %add3A_300 = arith.addi %mul3A_2, %add3A_299 : i32
      %jit3A_301 = arith.constant 16 : i32
      %div3A_302 = arith.divsi %add3A_300, %jit3A_301 : i32
      %sign3A_303 = arith.constant 0 : i32
      %sign3A_304 = arith.cmpi sgt, %add3A_300, %sign3A_303 : i32
      %sign3A_305 = arith.extui %sign3A_304 : i1 to i32
      %sign3A_306 = arith.constant 0 : i32
      %sign3A_307 = arith.cmpi slt, %add3A_300, %sign3A_306 : i32
      %sign3A_308 = arith.extui %sign3A_307 : i1 to i32
      %sign3A_309 = arith.subi %sign3A_305, %sign3A_308 : i32
      %sign3A_310 = arith.constant 0 : i32
      %sign3A_311 = arith.cmpi sgt, %jit3A_301, %sign3A_310 : i32
      %sign3A_312 = arith.extui %sign3A_311 : i1 to i32
      %sign3A_313 = arith.constant 0 : i32
      %sign3A_314 = arith.cmpi slt, %jit3A_301, %sign3A_313 : i32
      %sign3A_315 = arith.extui %sign3A_314 : i1 to i32
      %sign3A_316 = arith.subi %sign3A_312, %sign3A_315 : i32
      %ne3A_317 = arith.cmpi ne, %sign3A_309, %sign3A_316 : i32
      %rem3A_318 = arith.remsi %add3A_300, %jit3A_301 : i32
      %ne3A_319 = arith.constant 0 : i32
      %ne3A_320 = arith.cmpi ne, %rem3A_318, %ne3A_319 : i32
      %and3A_321 = arith.andi %ne3A_317, %ne3A_320 : i1
      %sub3A_322 = arith.constant 1 : i32
      %sub3A_323 = arith.subi %div3A_302, %sub3A_322 : i32
      %select_n3A_324 = arith.select %and3A_321, %sub3A_323, %div3A_302 : i32
      %jit3A_325 = arith.constant 16 : i32
      %eq3A_326 = arith.constant 0 : i32
      %eq3A_327 = arith.cmpi eq, %jit3A_325, %eq3A_326 : i32
      %jit3A_328 = arith.constant 1 : i32
      %select_n3A_329 = arith.select %eq3A_327, %jit3A_328, %jit3A_325 : i32
      %rem3A_330 = arith.remsi %add3A_300, %select_n3A_329 : i32
      %ne3A_331 = arith.constant 0 : i32
      %ne3A_332 = arith.cmpi ne, %rem3A_330, %ne3A_331 : i32
      %lt3A_333 = arith.constant 0 : i32
      %lt3A_334 = arith.cmpi slt, %rem3A_330, %lt3A_333 : i32
      %lt3A_335 = arith.constant 0 : i32
      %lt3A_336 = arith.cmpi slt, %select_n3A_329, %lt3A_335 : i32
      %ne3A_337 = arith.xori %lt3A_334, %lt3A_336 : i1
      %and3A_338 = arith.andi %ne3A_337, %ne3A_332 : i1
      %add3A_339 = arith.addi %rem3A_330, %select_n3A_329 : i32
      %select_n3A_340 = arith.select %and3A_338, %add3A_339, %rem3A_330 : i32
      %dma_wait3A_341 = arith.constant 1 : i32
      %dma_wait3A_342 = arith.constant 0 : i32
      %dma_wait3A_343 = arith.constant 0 : i32
      %dma_wait3A_344 = tpu.memref_slice %arg10[%dma_wait3A_341, %dma_wait3A_342, %dma_wait3A_343] : memref<2x4x1024xf32, #tpu.memory_space<vmem>> -> memref<1x1x1024xf32, #tpu.memory_space<vmem>>
      %dma_wait3A_345 = tpu.memref_squeeze %dma_wait3A_344 : memref<1x1x1024xf32, #tpu.memory_space<vmem>> -> memref<1024xf32, #tpu.memory_space<vmem>>
      %dma_wait3A_346 = arith.constant 0 : i32
      %dma_wait3A_347 = tpu.memref_slice %arg2[%select_n3A_324, %select_n3A_340, %dma_wait3A_346] : memref<32x16x1024xf32, #tpu.memory_space<hbm>> -> memref<1x1x1024xf32, #tpu.memory_space<hbm>>
      %dma_wait3A_348 = tpu.memref_squeeze %dma_wait3A_347 : memref<1x1x1024xf32, #tpu.memory_space<hbm>> -> memref<1024xf32, #tpu.memory_space<hbm>>
      %dma_wait3A_349 = arith.constant 0 : i32
      %dma_wait3A_350 = tpu.memref_slice %arg10[%dma_wait3A_341, %dma_wait3A_342, %dma_wait3A_349] : memref<2x4x1024xf32, #tpu.memory_space<vmem>> -> memref<1x1x1024xf32, #tpu.memory_space<vmem>>
      %dma_wait3A_351 = tpu.memref_squeeze %dma_wait3A_350 : memref<1x1x1024xf32, #tpu.memory_space<vmem>> -> memref<1024xf32, #tpu.memory_space<vmem>>
      %dma_wait3A_352 = arith.constant 0 : i32
      %dma_wait3A_353 = tpu.memref_slice %arg2[%select_n3A_324, %select_n3A_340, %dma_wait3A_352] : memref<32x16x1024xf32, #tpu.memory_space<hbm>> -> memref<1x1x1024xf32, #tpu.memory_space<hbm>>
      %dma_wait3A_354 = tpu.memref_squeeze %dma_wait3A_353 : memref<1x1x1024xf32, #tpu.memory_space<hbm>> -> memref<1024xf32, #tpu.memory_space<hbm>>
      tpu.wait_dma2 semaphore(%arg13 : memref<!tpu.dma_semaphore, #tpu.memory_space<semaphore_mem>>) src(%dma_wait3A_354 : memref<1024xf32, #tpu.memory_space<hbm>>) dst(%dma_wait3A_351 : memref<1024xf32, #tpu.memory_space<vmem>>)
      %dma_wait3A_355 = arith.constant 1 : i32
      %dma_wait3A_356 = arith.constant 1 : i32
      %dma_wait3A_357 = arith.constant 0 : i32
      %dma_wait3A_358 = tpu.memref_slice %arg10[%dma_wait3A_355, %dma_wait3A_356, %dma_wait3A_357] : memref<2x4x1024xf32, #tpu.memory_space<vmem>> -> memref<1x1x1024xf32, #tpu.memory_space<vmem>>
      %dma_wait3A_359 = tpu.memref_squeeze %dma_wait3A_358 : memref<1x1x1024xf32, #tpu.memory_space<vmem>> -> memref<1024xf32, #tpu.memory_space<vmem>>
      %dma_wait3A_360 = arith.constant 0 : i32
      %dma_wait3A_361 = tpu.memref_slice %arg3[%select_n3A_324, %select_n3A_340, %dma_wait3A_360] : memref<32x16x1024xf32, #tpu.memory_space<hbm>> -> memref<1x1x1024xf32, #tpu.memory_space<hbm>>
      %dma_wait3A_362 = tpu.memref_squeeze %dma_wait3A_361 : memref<1x1x1024xf32, #tpu.memory_space<hbm>> -> memref<1024xf32, #tpu.memory_space<hbm>>
      %dma_wait3A_363 = arith.constant 0 : i32
      %dma_wait3A_364 = tpu.memref_slice %arg10[%dma_wait3A_355, %dma_wait3A_356, %dma_wait3A_363] : memref<2x4x1024xf32, #tpu.memory_space<vmem>> -> memref<1x1x1024xf32, #tpu.memory_space<vmem>>
      %dma_wait3A_365 = tpu.memref_squeeze %dma_wait3A_364 : memref<1x1x1024xf32, #tpu.memory_space<vmem>> -> memref<1024xf32, #tpu.memory_space<vmem>>
      %dma_wait3A_366 = arith.constant 0 : i32
      %dma_wait3A_367 = tpu.memref_slice %arg3[%select_n3A_324, %select_n3A_340, %dma_wait3A_366] : memref<32x16x1024xf32, #tpu.memory_space<hbm>> -> memref<1x1x1024xf32, #tpu.memory_space<hbm>>
      %dma_wait3A_368 = tpu.memref_squeeze %dma_wait3A_367 : memref<1x1x1024xf32, #tpu.memory_space<hbm>> -> memref<1024xf32, #tpu.memory_space<hbm>>
      tpu.wait_dma2 semaphore(%arg13 : memref<!tpu.dma_semaphore, #tpu.memory_space<semaphore_mem>>) src(%dma_wait3A_368 : memref<1024xf32, #tpu.memory_space<hbm>>) dst(%dma_wait3A_365 : memref<1024xf32, #tpu.memory_space<vmem>>)
      %dma_wait3A_369 = arith.constant 1 : i32
      %dma_wait3A_370 = arith.constant 2 : i32
      %dma_wait3A_371 = arith.constant 0 : i32
      %dma_wait3A_372 = tpu.memref_slice %arg10[%dma_wait3A_369, %dma_wait3A_370, %dma_wait3A_371] : memref<2x4x1024xf32, #tpu.memory_space<vmem>> -> memref<1x1x1024xf32, #tpu.memory_space<vmem>>
      %dma_wait3A_373 = tpu.memref_squeeze %dma_wait3A_372 : memref<1x1x1024xf32, #tpu.memory_space<vmem>> -> memref<1024xf32, #tpu.memory_space<vmem>>
      %dma_wait3A_374 = arith.constant 0 : i32
      %dma_wait3A_375 = tpu.memref_slice %arg4[%select_n3A_324, %select_n3A_340, %dma_wait3A_374] : memref<32x16x1024xf32, #tpu.memory_space<hbm>> -> memref<1x1x1024xf32, #tpu.memory_space<hbm>>
      %dma_wait3A_376 = tpu.memref_squeeze %dma_wait3A_375 : memref<1x1x1024xf32, #tpu.memory_space<hbm>> -> memref<1024xf32, #tpu.memory_space<hbm>>
      %dma_wait3A_377 = arith.constant 0 : i32
      %dma_wait3A_378 = tpu.memref_slice %arg10[%dma_wait3A_369, %dma_wait3A_370, %dma_wait3A_377] : memref<2x4x1024xf32, #tpu.memory_space<vmem>> -> memref<1x1x1024xf32, #tpu.memory_space<vmem>>
      %dma_wait3A_379 = tpu.memref_squeeze %dma_wait3A_378 : memref<1x1x1024xf32, #tpu.memory_space<vmem>> -> memref<1024xf32, #tpu.memory_space<vmem>>
      %dma_wait3A_380 = arith.constant 0 : i32
      %dma_wait3A_381 = tpu.memref_slice %arg4[%select_n3A_324, %select_n3A_340, %dma_wait3A_380] : memref<32x16x1024xf32, #tpu.memory_space<hbm>> -> memref<1x1x1024xf32, #tpu.memory_space<hbm>>
      %dma_wait3A_382 = tpu.memref_squeeze %dma_wait3A_381 : memref<1x1x1024xf32, #tpu.memory_space<hbm>> -> memref<1024xf32, #tpu.memory_space<hbm>>
      tpu.wait_dma2 semaphore(%arg13 : memref<!tpu.dma_semaphore, #tpu.memory_space<semaphore_mem>>) src(%dma_wait3A_382 : memref<1024xf32, #tpu.memory_space<hbm>>) dst(%dma_wait3A_379 : memref<1024xf32, #tpu.memory_space<vmem>>)
      %dma_wait3A_383 = arith.constant 1 : i32
      %dma_wait3A_384 = arith.constant 3 : i32
      %dma_wait3A_385 = arith.constant 0 : i32
      %dma_wait3A_386 = tpu.memref_slice %arg10[%dma_wait3A_383, %dma_wait3A_384, %dma_wait3A_385] : memref<2x4x1024xf32, #tpu.memory_space<vmem>> -> memref<1x1x1024xf32, #tpu.memory_space<vmem>>
      %dma_wait3A_387 = tpu.memref_squeeze %dma_wait3A_386 : memref<1x1x1024xf32, #tpu.memory_space<vmem>> -> memref<1024xf32, #tpu.memory_space<vmem>>
      %dma_wait3A_388 = arith.constant 0 : i32
      %dma_wait3A_389 = tpu.memref_slice %arg5[%select_n3A_324, %select_n3A_340, %dma_wait3A_388] : memref<32x16x1024xf32, #tpu.memory_space<hbm>> -> memref<1x1x1024xf32, #tpu.memory_space<hbm>>
      %dma_wait3A_390 = tpu.memref_squeeze %dma_wait3A_389 : memref<1x1x1024xf32, #tpu.memory_space<hbm>> -> memref<1024xf32, #tpu.memory_space<hbm>>
      %dma_wait3A_391 = arith.constant 0 : i32
      %dma_wait3A_392 = tpu.memref_slice %arg10[%dma_wait3A_383, %dma_wait3A_384, %dma_wait3A_391] : memref<2x4x1024xf32, #tpu.memory_space<vmem>> -> memref<1x1x1024xf32, #tpu.memory_space<vmem>>
      %dma_wait3A_393 = tpu.memref_squeeze %dma_wait3A_392 : memref<1x1x1024xf32, #tpu.memory_space<vmem>> -> memref<1024xf32, #tpu.memory_space<vmem>>
      %dma_wait3A_394 = arith.constant 0 : i32
      %dma_wait3A_395 = tpu.memref_slice %arg5[%select_n3A_324, %select_n3A_340, %dma_wait3A_394] : memref<32x16x1024xf32, #tpu.memory_space<hbm>> -> memref<1x1x1024xf32, #tpu.memory_space<hbm>>
      %dma_wait3A_396 = tpu.memref_squeeze %dma_wait3A_395 : memref<1x1x1024xf32, #tpu.memory_space<hbm>> -> memref<1024xf32, #tpu.memory_space<hbm>>
      tpu.wait_dma2 semaphore(%arg13 : memref<!tpu.dma_semaphore, #tpu.memory_space<semaphore_mem>>) src(%dma_wait3A_396 : memref<1024xf32, #tpu.memory_space<hbm>>) dst(%dma_wait3A_393 : memref<1024xf32, #tpu.memory_space<vmem>>)
      %add3A_397 = arith.constant 1 : i32
      %add3A_398 = arith.addi %add3A_299, %add3A_397 : i32
      %lt3A_399 = arith.constant 16 : i32
      %lt3A_400 = arith.cmpi slt, %add3A_398, %lt3A_399 : i32
      %convert_element_type3A_401 = arith.extui %lt3A_400 : i1 to i32
      %cond3A_402 = arith.constant 0 : i32
      %cond3A_403 = arith.cmpi ne, %convert_element_type3A_401, %cond3A_402 : i32
      scf.if %cond3A_403 {
        %add3A_433 = arith.constant 1 : i32
        %add3A_434 = arith.addi %add3A_300, %add3A_433 : i32
        %jit3A_435 = arith.constant 16 : i32
        %div3A_436 = arith.divsi %add3A_434, %jit3A_435 : i32
        %sign3A_437 = arith.constant 0 : i32
        %sign3A_438 = arith.cmpi sgt, %add3A_434, %sign3A_437 : i32
        %sign3A_439 = arith.extui %sign3A_438 : i1 to i32
        %sign3A_440 = arith.constant 0 : i32
        %sign3A_441 = arith.cmpi slt, %add3A_434, %sign3A_440 : i32
        %sign3A_442 = arith.extui %sign3A_441 : i1 to i32
        %sign3A_443 = arith.subi %sign3A_439, %sign3A_442 : i32
        %sign3A_444 = arith.constant 0 : i32
        %sign3A_445 = arith.cmpi sgt, %jit3A_435, %sign3A_444 : i32
        %sign3A_446 = arith.extui %sign3A_445 : i1 to i32
        %sign3A_447 = arith.constant 0 : i32
        %sign3A_448 = arith.cmpi slt, %jit3A_435, %sign3A_447 : i32
        %sign3A_449 = arith.extui %sign3A_448 : i1 to i32
        %sign3A_450 = arith.subi %sign3A_446, %sign3A_449 : i32
        %ne3A_451 = arith.cmpi ne, %sign3A_443, %sign3A_450 : i32
        %rem3A_452 = arith.remsi %add3A_434, %jit3A_435 : i32
        %ne3A_453 = arith.constant 0 : i32
        %ne3A_454 = arith.cmpi ne, %rem3A_452, %ne3A_453 : i32
        %and3A_455 = arith.andi %ne3A_451, %ne3A_454 : i1
        %sub3A_456 = arith.constant 1 : i32
        %sub3A_457 = arith.subi %div3A_436, %sub3A_456 : i32
        %select_n3A_458 = arith.select %and3A_455, %sub3A_457, %div3A_436 : i32
        %jit3A_459 = arith.constant 16 : i32
        %eq3A_460 = arith.constant 0 : i32
        %eq3A_461 = arith.cmpi eq, %jit3A_459, %eq3A_460 : i32
        %jit3A_462 = arith.constant 1 : i32
        %select_n3A_463 = arith.select %eq3A_461, %jit3A_462, %jit3A_459 : i32
        %rem3A_464 = arith.remsi %add3A_434, %select_n3A_463 : i32
        %ne3A_465 = arith.constant 0 : i32
        %ne3A_466 = arith.cmpi ne, %rem3A_464, %ne3A_465 : i32
        %lt3A_467 = arith.constant 0 : i32
        %lt3A_468 = arith.cmpi slt, %rem3A_464, %lt3A_467 : i32
        %lt3A_469 = arith.constant 0 : i32
        %lt3A_470 = arith.cmpi slt, %select_n3A_463, %lt3A_469 : i32
        %ne3A_471 = arith.xori %lt3A_468, %lt3A_470 : i1
        %and3A_472 = arith.andi %ne3A_471, %ne3A_466 : i1
        %add3A_473 = arith.addi %rem3A_464, %select_n3A_463 : i32
        %select_n3A_474 = arith.select %and3A_472, %add3A_473, %rem3A_464 : i32
        %dma_start3A_475 = arith.constant 0 : i32
        %dma_start3A_476 = arith.constant 0 : i32
        %dma_start3A_477 = arith.constant 0 : i32
        %dma_start3A_478 = tpu.memref_slice %arg10[%dma_start3A_475, %dma_start3A_476, %dma_start3A_477] : memref<2x4x1024xf32, #tpu.memory_space<vmem>> -> memref<1x1x1024xf32, #tpu.memory_space<vmem>>
        %dma_start3A_479 = tpu.memref_squeeze %dma_start3A_478 : memref<1x1x1024xf32, #tpu.memory_space<vmem>> -> memref<1024xf32, #tpu.memory_space<vmem>>
        %dma_start3A_480 = arith.constant 0 : i32
        %dma_start3A_481 = tpu.memref_slice %arg2[%select_n3A_458, %select_n3A_474, %dma_start3A_480] : memref<32x16x1024xf32, #tpu.memory_space<hbm>> -> memref<1x1x1024xf32, #tpu.memory_space<hbm>>
        %dma_start3A_482 = tpu.memref_squeeze %dma_start3A_481 : memref<1x1x1024xf32, #tpu.memory_space<hbm>> -> memref<1024xf32, #tpu.memory_space<hbm>>
        %dma_start3A_483 = arith.constant 0 : i32
        %dma_start3A_484 = tpu.memref_slice %arg10[%dma_start3A_475, %dma_start3A_476, %dma_start3A_483] : memref<2x4x1024xf32, #tpu.memory_space<vmem>> -> memref<1x1x1024xf32, #tpu.memory_space<vmem>>
        %dma_start3A_485 = tpu.memref_squeeze %dma_start3A_484 : memref<1x1x1024xf32, #tpu.memory_space<vmem>> -> memref<1024xf32, #tpu.memory_space<vmem>>
        %dma_start3A_486 = arith.constant 0 : i32
        %dma_start3A_487 = tpu.memref_slice %arg2[%select_n3A_458, %select_n3A_474, %dma_start3A_486] : memref<32x16x1024xf32, #tpu.memory_space<hbm>> -> memref<1x1x1024xf32, #tpu.memory_space<hbm>>
        %dma_start3A_488 = tpu.memref_squeeze %dma_start3A_487 : memref<1x1x1024xf32, #tpu.memory_space<hbm>> -> memref<1024xf32, #tpu.memory_space<hbm>>
        tpu.enqueue_dma source(%dma_start3A_488 : memref<1024xf32, #tpu.memory_space<hbm>>) target(%dma_start3A_485 : memref<1024xf32, #tpu.memory_space<vmem>>) target_semaphore(%arg12 : memref<!tpu.dma_semaphore, #tpu.memory_space<semaphore_mem>>)
        %dma_start3A_489 = arith.constant 0 : i32
        %dma_start3A_490 = arith.constant 1 : i32
        %dma_start3A_491 = arith.constant 0 : i32
        %dma_start3A_492 = tpu.memref_slice %arg10[%dma_start3A_489, %dma_start3A_490, %dma_start3A_491] : memref<2x4x1024xf32, #tpu.memory_space<vmem>> -> memref<1x1x1024xf32, #tpu.memory_space<vmem>>
        %dma_start3A_493 = tpu.memref_squeeze %dma_start3A_492 : memref<1x1x1024xf32, #tpu.memory_space<vmem>> -> memref<1024xf32, #tpu.memory_space<vmem>>
        %dma_start3A_494 = arith.constant 0 : i32
        %dma_start3A_495 = tpu.memref_slice %arg3[%select_n3A_458, %select_n3A_474, %dma_start3A_494] : memref<32x16x1024xf32, #tpu.memory_space<hbm>> -> memref<1x1x1024xf32, #tpu.memory_space<hbm>>
        %dma_start3A_496 = tpu.memref_squeeze %dma_start3A_495 : memref<1x1x1024xf32, #tpu.memory_space<hbm>> -> memref<1024xf32, #tpu.memory_space<hbm>>
        %dma_start3A_497 = arith.constant 0 : i32
        %dma_start3A_498 = tpu.memref_slice %arg10[%dma_start3A_489, %dma_start3A_490, %dma_start3A_497] : memref<2x4x1024xf32, #tpu.memory_space<vmem>> -> memref<1x1x1024xf32, #tpu.memory_space<vmem>>
        %dma_start3A_499 = tpu.memref_squeeze %dma_start3A_498 : memref<1x1x1024xf32, #tpu.memory_space<vmem>> -> memref<1024xf32, #tpu.memory_space<vmem>>
        %dma_start3A_500 = arith.constant 0 : i32
        %dma_start3A_501 = tpu.memref_slice %arg3[%select_n3A_458, %select_n3A_474, %dma_start3A_500] : memref<32x16x1024xf32, #tpu.memory_space<hbm>> -> memref<1x1x1024xf32, #tpu.memory_space<hbm>>
        %dma_start3A_502 = tpu.memref_squeeze %dma_start3A_501 : memref<1x1x1024xf32, #tpu.memory_space<hbm>> -> memref<1024xf32, #tpu.memory_space<hbm>>
        tpu.enqueue_dma source(%dma_start3A_502 : memref<1024xf32, #tpu.memory_space<hbm>>) target(%dma_start3A_499 : memref<1024xf32, #tpu.memory_space<vmem>>) target_semaphore(%arg12 : memref<!tpu.dma_semaphore, #tpu.memory_space<semaphore_mem>>)
        %dma_start3A_503 = arith.constant 0 : i32
        %dma_start3A_504 = arith.constant 2 : i32
        %dma_start3A_505 = arith.constant 0 : i32
        %dma_start3A_506 = tpu.memref_slice %arg10[%dma_start3A_503, %dma_start3A_504, %dma_start3A_505] : memref<2x4x1024xf32, #tpu.memory_space<vmem>> -> memref<1x1x1024xf32, #tpu.memory_space<vmem>>
        %dma_start3A_507 = tpu.memref_squeeze %dma_start3A_506 : memref<1x1x1024xf32, #tpu.memory_space<vmem>> -> memref<1024xf32, #tpu.memory_space<vmem>>
        %dma_start3A_508 = arith.constant 0 : i32
        %dma_start3A_509 = tpu.memref_slice %arg4[%select_n3A_458, %select_n3A_474, %dma_start3A_508] : memref<32x16x1024xf32, #tpu.memory_space<hbm>> -> memref<1x1x1024xf32, #tpu.memory_space<hbm>>
        %dma_start3A_510 = tpu.memref_squeeze %dma_start3A_509 : memref<1x1x1024xf32, #tpu.memory_space<hbm>> -> memref<1024xf32, #tpu.memory_space<hbm>>
        %dma_start3A_511 = arith.constant 0 : i32
        %dma_start3A_512 = tpu.memref_slice %arg10[%dma_start3A_503, %dma_start3A_504, %dma_start3A_511] : memref<2x4x1024xf32, #tpu.memory_space<vmem>> -> memref<1x1x1024xf32, #tpu.memory_space<vmem>>
        %dma_start3A_513 = tpu.memref_squeeze %dma_start3A_512 : memref<1x1x1024xf32, #tpu.memory_space<vmem>> -> memref<1024xf32, #tpu.memory_space<vmem>>
        %dma_start3A_514 = arith.constant 0 : i32
        %dma_start3A_515 = tpu.memref_slice %arg4[%select_n3A_458, %select_n3A_474, %dma_start3A_514] : memref<32x16x1024xf32, #tpu.memory_space<hbm>> -> memref<1x1x1024xf32, #tpu.memory_space<hbm>>
        %dma_start3A_516 = tpu.memref_squeeze %dma_start3A_515 : memref<1x1x1024xf32, #tpu.memory_space<hbm>> -> memref<1024xf32, #tpu.memory_space<hbm>>
        tpu.enqueue_dma source(%dma_start3A_516 : memref<1024xf32, #tpu.memory_space<hbm>>) target(%dma_start3A_513 : memref<1024xf32, #tpu.memory_space<vmem>>) target_semaphore(%arg12 : memref<!tpu.dma_semaphore, #tpu.memory_space<semaphore_mem>>)
        %dma_start3A_517 = arith.constant 0 : i32
        %dma_start3A_518 = arith.constant 3 : i32
        %dma_start3A_519 = arith.constant 0 : i32
        %dma_start3A_520 = tpu.memref_slice %arg10[%dma_start3A_517, %dma_start3A_518, %dma_start3A_519] : memref<2x4x1024xf32, #tpu.memory_space<vmem>> -> memref<1x1x1024xf32, #tpu.memory_space<vmem>>
        %dma_start3A_521 = tpu.memref_squeeze %dma_start3A_520 : memref<1x1x1024xf32, #tpu.memory_space<vmem>> -> memref<1024xf32, #tpu.memory_space<vmem>>
        %dma_start3A_522 = arith.constant 0 : i32
        %dma_start3A_523 = tpu.memref_slice %arg5[%select_n3A_458, %select_n3A_474, %dma_start3A_522] : memref<32x16x1024xf32, #tpu.memory_space<hbm>> -> memref<1x1x1024xf32, #tpu.memory_space<hbm>>
        %dma_start3A_524 = tpu.memref_squeeze %dma_start3A_523 : memref<1x1x1024xf32, #tpu.memory_space<hbm>> -> memref<1024xf32, #tpu.memory_space<hbm>>
        %dma_start3A_525 = arith.constant 0 : i32
        %dma_start3A_526 = tpu.memref_slice %arg10[%dma_start3A_517, %dma_start3A_518, %dma_start3A_525] : memref<2x4x1024xf32, #tpu.memory_space<vmem>> -> memref<1x1x1024xf32, #tpu.memory_space<vmem>>
        %dma_start3A_527 = tpu.memref_squeeze %dma_start3A_526 : memref<1x1x1024xf32, #tpu.memory_space<vmem>> -> memref<1024xf32, #tpu.memory_space<vmem>>
        %dma_start3A_528 = arith.constant 0 : i32
        %dma_start3A_529 = tpu.memref_slice %arg5[%select_n3A_458, %select_n3A_474, %dma_start3A_528] : memref<32x16x1024xf32, #tpu.memory_space<hbm>> -> memref<1x1x1024xf32, #tpu.memory_space<hbm>>
        %dma_start3A_530 = tpu.memref_squeeze %dma_start3A_529 : memref<1x1x1024xf32, #tpu.memory_space<hbm>> -> memref<1024xf32, #tpu.memory_space<hbm>>
        tpu.enqueue_dma source(%dma_start3A_530 : memref<1024xf32, #tpu.memory_space<hbm>>) target(%dma_start3A_527 : memref<1024xf32, #tpu.memory_space<vmem>>) target_semaphore(%arg12 : memref<!tpu.dma_semaphore, #tpu.memory_space<semaphore_mem>>)
      } else {
      }
      %ge3A_404 = arith.constant 2 : i32
      %ge3A_405 = arith.cmpi sge, %add3A_299, %ge3A_404 : i32
      %convert_element_type3A_406 = arith.extui %ge3A_405 : i1 to i32
      %cond3A_407 = arith.constant 0 : i32
      %cond3A_408 = arith.cmpi ne, %convert_element_type3A_406, %cond3A_407 : i32
      scf.if %cond3A_408 {
        %dma_wait3A_433 = arith.constant 1 : i32
        %dma_wait3A_434 = arith.constant 0 : i32
        %dma_wait3A_435 = arith.constant 0 : i32
        %dma_wait3A_436 = arith.constant 0 : i32
        %dma_wait3A_437 = tpu.memref_slice %arg11[%dma_wait3A_433, %dma_wait3A_434, %dma_wait3A_435, %dma_wait3A_436] : memref<2x4x8x128xf32, #tpu.memory_space<vmem>> -> memref<1x4x8x128xf32, #tpu.memory_space<vmem>>
        %dma_wait3A_438 = tpu.memref_squeeze %dma_wait3A_437 : memref<1x4x8x128xf32, #tpu.memory_space<vmem>> -> memref<4x8x128xf32, #tpu.memory_space<vmem>>
        %dma_wait3A_439 = arith.constant 0 : i32
        %dma_wait3A_440 = arith.constant 0 : i32
        %dma_wait3A_441 = arith.constant 0 : i32
        %dma_wait3A_442 = tpu.memref_slice %arg8[%add3A_300, %dma_wait3A_439, %dma_wait3A_440, %dma_wait3A_441] : memref<512x4x8x128xf32, #tpu.memory_space<hbm>> -> memref<1x4x8x128xf32, #tpu.memory_space<hbm>>
        %dma_wait3A_443 = tpu.memref_squeeze %dma_wait3A_442 : memref<1x4x8x128xf32, #tpu.memory_space<hbm>> -> memref<4x8x128xf32, #tpu.memory_space<hbm>>
        %dma_wait3A_444 = arith.constant 0 : i32
        %dma_wait3A_445 = arith.constant 0 : i32
        %dma_wait3A_446 = arith.constant 0 : i32
        %dma_wait3A_447 = tpu.memref_slice %arg8[%add3A_300, %dma_wait3A_444, %dma_wait3A_445, %dma_wait3A_446] : memref<512x4x8x128xf32, #tpu.memory_space<hbm>> -> memref<1x4x8x128xf32, #tpu.memory_space<hbm>>
        %dma_wait3A_448 = tpu.memref_squeeze %dma_wait3A_447 : memref<1x4x8x128xf32, #tpu.memory_space<hbm>> -> memref<4x8x128xf32, #tpu.memory_space<hbm>>
        %dma_wait3A_449 = arith.constant 0 : i32
        %dma_wait3A_450 = arith.constant 0 : i32
        %dma_wait3A_451 = arith.constant 0 : i32
        %dma_wait3A_452 = tpu.memref_slice %arg11[%dma_wait3A_433, %dma_wait3A_449, %dma_wait3A_450, %dma_wait3A_451] : memref<2x4x8x128xf32, #tpu.memory_space<vmem>> -> memref<1x4x8x128xf32, #tpu.memory_space<vmem>>
        %dma_wait3A_453 = tpu.memref_squeeze %dma_wait3A_452 : memref<1x4x8x128xf32, #tpu.memory_space<vmem>> -> memref<4x8x128xf32, #tpu.memory_space<vmem>>
        tpu.wait_dma2 semaphore(%arg15 : memref<!tpu.dma_semaphore, #tpu.memory_space<semaphore_mem>>) src(%dma_wait3A_453 : memref<4x8x128xf32, #tpu.memory_space<vmem>>) dst(%dma_wait3A_448 : memref<4x8x128xf32, #tpu.memory_space<hbm>>)
      } else {
      }
      %parallel_loop3A_409 = arith.constant 0 : i32
      %parallel_loop3A_410 = arith.constant 64 : i32
      %parallel_loop3A_411 = arith.constant 1 : i32
      scf.for %parallel_loop3A_433 = %parallel_loop3A_409 to %parallel_loop3A_410 step %parallel_loop3A_411  : i32 {
        %parallel_loop3A_434 = arith.constant 16 : i32
        %parallel_loop3A_435 = arith.muli %parallel_loop3A_433, %parallel_loop3A_434 : i32
        %parallel_loop3A_436 = arith.constant 8 : i32
        %parallel_loop3A_437 = arith.divsi %parallel_loop3A_433, %parallel_loop3A_436 : i32
        %parallel_loop3A_438 = arith.constant 0 : i32
        %parallel_loop3A_439 = arith.cmpi sgt, %parallel_loop3A_433, %parallel_loop3A_438 : i32
        %parallel_loop3A_440 = arith.extui %parallel_loop3A_439 : i1 to i32
        %parallel_loop3A_441 = arith.constant 0 : i32
        %parallel_loop3A_442 = arith.cmpi slt, %parallel_loop3A_433, %parallel_loop3A_441 : i32
        %parallel_loop3A_443 = arith.extui %parallel_loop3A_442 : i1 to i32
        %parallel_loop3A_444 = arith.subi %parallel_loop3A_440, %parallel_loop3A_443 : i32
        %parallel_loop3A_445 = arith.constant 0 : i32
        %parallel_loop3A_446 = arith.cmpi sgt, %parallel_loop3A_436, %parallel_loop3A_445 : i32
        %parallel_loop3A_447 = arith.extui %parallel_loop3A_446 : i1 to i32
        %parallel_loop3A_448 = arith.constant 0 : i32
        %parallel_loop3A_449 = arith.cmpi slt, %parallel_loop3A_436, %parallel_loop3A_448 : i32
        %parallel_loop3A_450 = arith.extui %parallel_loop3A_449 : i1 to i32
        %parallel_loop3A_451 = arith.subi %parallel_loop3A_447, %parallel_loop3A_450 : i32
        %parallel_loop3A_452 = arith.cmpi ne, %parallel_loop3A_444, %parallel_loop3A_451 : i32
        %parallel_loop3A_453 = arith.remsi %parallel_loop3A_433, %parallel_loop3A_436 : i32
        %parallel_loop3A_454 = arith.constant 0 : i32
        %parallel_loop3A_455 = arith.cmpi ne, %parallel_loop3A_453, %parallel_loop3A_454 : i32
        %parallel_loop3A_456 = arith.andi %parallel_loop3A_452, %parallel_loop3A_455 : i1
        %parallel_loop3A_457 = arith.constant 1 : i32
        %parallel_loop3A_458 = arith.subi %parallel_loop3A_437, %parallel_loop3A_457 : i32
        %parallel_loop3A_459 = arith.select %parallel_loop3A_456, %parallel_loop3A_458, %parallel_loop3A_437 : i32
        %parallel_loop3A_460 = arith.constant 8 : i32
        %parallel_loop3A_461 = arith.constant 0 : i32
        %parallel_loop3A_462 = arith.cmpi eq, %parallel_loop3A_460, %parallel_loop3A_461 : i32
        %parallel_loop3A_463 = arith.constant 1 : i32
        %parallel_loop3A_464 = arith.select %parallel_loop3A_462, %parallel_loop3A_463, %parallel_loop3A_460 : i32
        %parallel_loop3A_465 = arith.remsi %parallel_loop3A_433, %parallel_loop3A_464 : i32
        %parallel_loop3A_466 = arith.constant 0 : i32
        %parallel_loop3A_467 = arith.cmpi ne, %parallel_loop3A_465, %parallel_loop3A_466 : i32
        %parallel_loop3A_468 = arith.constant 0 : i32
        %parallel_loop3A_469 = arith.cmpi slt, %parallel_loop3A_465, %parallel_loop3A_468 : i32
        %parallel_loop3A_470 = arith.constant 0 : i32
        %parallel_loop3A_471 = arith.cmpi slt, %parallel_loop3A_464, %parallel_loop3A_470 : i32
        %parallel_loop3A_472 = arith.xori %parallel_loop3A_469, %parallel_loop3A_471 : i1
        %parallel_loop3A_473 = arith.andi %parallel_loop3A_472, %parallel_loop3A_467 : i1
        %parallel_loop3A_474 = arith.addi %parallel_loop3A_465, %parallel_loop3A_464 : i32
        %parallel_loop3A_475 = arith.select %parallel_loop3A_473, %parallel_loop3A_474, %parallel_loop3A_465 : i32
        %parallel_loop3A_476 = arith.constant 16 : i32
        %parallel_loop3A_477 = arith.muli %parallel_loop3A_475, %parallel_loop3A_476 : i32
        %parallel_loop3A_478 = arith.constant 1 : i32
        %parallel_loop3A_479 = arith.constant 0 : i32
        %parallel_loop3A_480 = arith.index_cast %parallel_loop3A_478 : i32 to index
        %parallel_loop3A_481 = arith.index_cast %parallel_loop3A_479 : i32 to index
        %parallel_loop3A_482 = arith.index_cast %parallel_loop3A_435 : i32 to index
        %parallel_loop3A_483 = tpu.vector_load %arg10[%parallel_loop3A_480, %parallel_loop3A_481, %parallel_loop3A_482] {strides = array<i32>} : memref<2x4x1024xf32, #tpu.memory_space<vmem>>, vector<1x1x16xf32>,
        %parallel_loop3A_484 = vector.shape_cast %parallel_loop3A_483 : vector<1x1x16xf32> to vector<16xf32>
        %parallel_loop3A_485 = arith.constant 1 : i32
        %parallel_loop3A_486 = arith.constant 1 : i32
        %parallel_loop3A_487 = arith.index_cast %parallel_loop3A_485 : i32 to index
        %parallel_loop3A_488 = arith.index_cast %parallel_loop3A_486 : i32 to index
        %parallel_loop3A_489 = arith.index_cast %parallel_loop3A_435 : i32 to index
        %parallel_loop3A_490 = tpu.vector_load %arg10[%parallel_loop3A_487, %parallel_loop3A_488, %parallel_loop3A_489] {strides = array<i32>} : memref<2x4x1024xf32, #tpu.memory_space<vmem>>, vector<1x1x16xf32>,
        %parallel_loop3A_491 = vector.shape_cast %parallel_loop3A_490 : vector<1x1x16xf32> to vector<16xf32>
        %parallel_loop3A_492 = arith.constant 1 : i32
        %parallel_loop3A_493 = arith.constant 2 : i32
        %parallel_loop3A_494 = arith.index_cast %parallel_loop3A_492 : i32 to index
        %parallel_loop3A_495 = arith.index_cast %parallel_loop3A_493 : i32 to index
        %parallel_loop3A_496 = arith.index_cast %parallel_loop3A_435 : i32 to index
        %parallel_loop3A_497 = tpu.vector_load %arg10[%parallel_loop3A_494, %parallel_loop3A_495, %parallel_loop3A_496] {strides = array<i32>} : memref<2x4x1024xf32, #tpu.memory_space<vmem>>, vector<1x1x16xf32>,
        %parallel_loop3A_498 = vector.shape_cast %parallel_loop3A_497 : vector<1x1x16xf32> to vector<16xf32>
        %parallel_loop3A_499 = arith.constant 1 : i32
        %parallel_loop3A_500 = arith.constant 3 : i32
        %parallel_loop3A_501 = arith.index_cast %parallel_loop3A_499 : i32 to index
        %parallel_loop3A_502 = arith.index_cast %parallel_loop3A_500 : i32 to index
        %parallel_loop3A_503 = arith.index_cast %parallel_loop3A_435 : i32 to index
        %parallel_loop3A_504 = tpu.vector_load %arg10[%parallel_loop3A_501, %parallel_loop3A_502, %parallel_loop3A_503] {strides = array<i32>} : memref<2x4x1024xf32, #tpu.memory_space<vmem>>, vector<1x1x16xf32>,
        %parallel_loop3A_505 = vector.shape_cast %parallel_loop3A_504 : vector<1x1x16xf32> to vector<16xf32>
        %parallel_loop3A_506 = arith.constant 0 : i32
        %parallel_loop3A_507 = arith.index_cast %parallel_loop3A_506 : i32 to index
        %parallel_loop3A_508 = arith.index_cast %parallel_loop3A_435 : i32 to index
        %parallel_loop3A_509 = tpu.vector_load %arg9[%parallel_loop3A_507, %parallel_loop3A_508] {strides = array<i32>} : memref<4x1024xf32, #tpu.memory_space<vmem>>, vector<1x16xf32>,
        %parallel_loop3A_510 = vector.shape_cast %parallel_loop3A_509 : vector<1x16xf32> to vector<16xf32>
        %parallel_loop3A_511 = arith.constant 1 : i32
        %parallel_loop3A_512 = arith.index_cast %parallel_loop3A_511 : i32 to index
        %parallel_loop3A_513 = arith.index_cast %parallel_loop3A_435 : i32 to index
        %parallel_loop3A_514 = tpu.vector_load %arg9[%parallel_loop3A_512, %parallel_loop3A_513] {strides = array<i32>} : memref<4x1024xf32, #tpu.memory_space<vmem>>, vector<1x16xf32>,
        %parallel_loop3A_515 = vector.shape_cast %parallel_loop3A_514 : vector<1x16xf32> to vector<16xf32>
        %parallel_loop3A_516 = arith.constant 2 : i32
        %parallel_loop3A_517 = arith.index_cast %parallel_loop3A_516 : i32 to index
        %parallel_loop3A_518 = arith.index_cast %parallel_loop3A_435 : i32 to index
        %parallel_loop3A_519 = tpu.vector_load %arg9[%parallel_loop3A_517, %parallel_loop3A_518] {strides = array<i32>} : memref<4x1024xf32, #tpu.memory_space<vmem>>, vector<1x16xf32>,
        %parallel_loop3A_520 = vector.shape_cast %parallel_loop3A_519 : vector<1x16xf32> to vector<16xf32>
        %parallel_loop3A_521 = arith.constant 3 : i32
        %parallel_loop3A_522 = arith.index_cast %parallel_loop3A_521 : i32 to index
        %parallel_loop3A_523 = arith.index_cast %parallel_loop3A_435 : i32 to index
        %parallel_loop3A_524 = tpu.vector_load %arg9[%parallel_loop3A_522, %parallel_loop3A_523] {strides = array<i32>} : memref<4x1024xf32, #tpu.memory_space<vmem>>, vector<1x16xf32>,
        %parallel_loop3A_525 = vector.shape_cast %parallel_loop3A_524 : vector<1x16xf32> to vector<16xf32>
        %parallel_loop3A_526 = arith.mulf %parallel_loop3A_484, %parallel_loop3A_510 : vector<16xf32>
        %parallel_loop3A_527 = arith.mulf %parallel_loop3A_491, %parallel_loop3A_515 : vector<16xf32>
        %parallel_loop3A_528 = arith.addf %parallel_loop3A_526, %parallel_loop3A_527 : vector<16xf32>
        %parallel_loop3A_529 = arith.mulf %parallel_loop3A_491, %parallel_loop3A_510 : vector<16xf32>
        %parallel_loop3A_530 = arith.mulf %parallel_loop3A_484, %parallel_loop3A_515 : vector<16xf32>
        %parallel_loop3A_531 = arith.subf %parallel_loop3A_529, %parallel_loop3A_530 : vector<16xf32>
        %parallel_loop3A_532 = arith.mulf %parallel_loop3A_498, %parallel_loop3A_520 : vector<16xf32>
        %parallel_loop3A_533 = arith.mulf %parallel_loop3A_505, %parallel_loop3A_525 : vector<16xf32>
        %parallel_loop3A_534 = arith.addf %parallel_loop3A_532, %parallel_loop3A_533 : vector<16xf32>
        %parallel_loop3A_535 = arith.mulf %parallel_loop3A_505, %parallel_loop3A_520 : vector<16xf32>
        %parallel_loop3A_536 = arith.mulf %parallel_loop3A_498, %parallel_loop3A_525 : vector<16xf32>
        %parallel_loop3A_537 = arith.subf %parallel_loop3A_535, %parallel_loop3A_536 : vector<16xf32>
        %parallel_loop3A_538 = arith.constant 1 : i32
        %parallel_loop3A_539 = arith.constant 0 : i32
        %parallel_loop3A_540 = arith.index_cast %parallel_loop3A_538 : i32 to index
        %parallel_loop3A_541 = arith.index_cast %parallel_loop3A_539 : i32 to index
        %parallel_loop3A_542 = arith.index_cast %parallel_loop3A_459 : i32 to index
        %parallel_loop3A_543 = arith.index_cast %parallel_loop3A_477 : i32 to index
        %parallel_loop3A_544 = tpu.vector_load %arg11[%parallel_loop3A_540, %parallel_loop3A_541, %parallel_loop3A_542, %parallel_loop3A_543] {strides = array<i32>} : memref<2x4x8x128xf32, #tpu.memory_space<vmem>>, vector<1x1x1x16xf32>,
        %parallel_loop3A_545 = vector.shape_cast %parallel_loop3A_544 : vector<1x1x1x16xf32> to vector<16xf32>
        %parallel_loop3A_546 = vector.shape_cast %parallel_loop3A_528 : vector<16xf32> to vector<1x1x1x16xf32>
        tpu.vector_store %arg11[%parallel_loop3A_540, %parallel_loop3A_541, %parallel_loop3A_542, %parallel_loop3A_543], %parallel_loop3A_546 {strides = array<i32>} : memref<2x4x8x128xf32, #tpu.memory_space<vmem>>, vector<1x1x1x16xf32>,
        %parallel_loop3A_547 = arith.constant 1 : i32
        %parallel_loop3A_548 = arith.constant 1 : i32
        %parallel_loop3A_549 = arith.index_cast %parallel_loop3A_547 : i32 to index
        %parallel_loop3A_550 = arith.index_cast %parallel_loop3A_548 : i32 to index
        %parallel_loop3A_551 = arith.index_cast %parallel_loop3A_459 : i32 to index
        %parallel_loop3A_552 = arith.index_cast %parallel_loop3A_477 : i32 to index
        %parallel_loop3A_553 = tpu.vector_load %arg11[%parallel_loop3A_549, %parallel_loop3A_550, %parallel_loop3A_551, %parallel_loop3A_552] {strides = array<i32>} : memref<2x4x8x128xf32, #tpu.memory_space<vmem>>, vector<1x1x1x16xf32>,
        %parallel_loop3A_554 = vector.shape_cast %parallel_loop3A_553 : vector<1x1x1x16xf32> to vector<16xf32>
        %parallel_loop3A_555 = vector.shape_cast %parallel_loop3A_531 : vector<16xf32> to vector<1x1x1x16xf32>
        tpu.vector_store %arg11[%parallel_loop3A_549, %parallel_loop3A_550, %parallel_loop3A_551, %parallel_loop3A_552], %parallel_loop3A_555 {strides = array<i32>} : memref<2x4x8x128xf32, #tpu.memory_space<vmem>>, vector<1x1x1x16xf32>,
        %parallel_loop3A_556 = arith.subf %parallel_loop3A_534, %parallel_loop3A_528 : vector<16xf32>
        %parallel_loop3A_557 = arith.constant 0.111111112 : f32
        %parallel_loop3A_558 = vector.broadcast %parallel_loop3A_557 : f32 to vector<16xf32>
        %parallel_loop3A_559 = arith.mulf %parallel_loop3A_556, %parallel_loop3A_558 : vector<16xf32>
        %parallel_loop3A_560 = arith.constant 1 : i32
        %parallel_loop3A_561 = arith.constant 2 : i32
        %parallel_loop3A_562 = arith.index_cast %parallel_loop3A_560 : i32 to index
        %parallel_loop3A_563 = arith.index_cast %parallel_loop3A_561 : i32 to index
        %parallel_loop3A_564 = arith.index_cast %parallel_loop3A_459 : i32 to index
        %parallel_loop3A_565 = arith.index_cast %parallel_loop3A_477 : i32 to index
        %parallel_loop3A_566 = tpu.vector_load %arg11[%parallel_loop3A_562, %parallel_loop3A_563, %parallel_loop3A_564, %parallel_loop3A_565] {strides = array<i32>} : memref<2x4x8x128xf32, #tpu.memory_space<vmem>>, vector<1x1x1x16xf32>,
        %parallel_loop3A_567 = vector.shape_cast %parallel_loop3A_566 : vector<1x1x1x16xf32> to vector<16xf32>
        %parallel_loop3A_568 = vector.shape_cast %parallel_loop3A_559 : vector<16xf32> to vector<1x1x1x16xf32>
        tpu.vector_store %arg11[%parallel_loop3A_562, %parallel_loop3A_563, %parallel_loop3A_564, %parallel_loop3A_565], %parallel_loop3A_568 {strides = array<i32>} : memref<2x4x8x128xf32, #tpu.memory_space<vmem>>, vector<1x1x1x16xf32>,
        %parallel_loop3A_569 = arith.subf %parallel_loop3A_537, %parallel_loop3A_531 : vector<16xf32>
        %parallel_loop3A_570 = arith.constant 0.111111112 : f32
        %parallel_loop3A_571 = vector.broadcast %parallel_loop3A_570 : f32 to vector<16xf32>
        %parallel_loop3A_572 = arith.mulf %parallel_loop3A_569, %parallel_loop3A_571 : vector<16xf32>
        %parallel_loop3A_573 = arith.constant 1 : i32
        %parallel_loop3A_574 = arith.constant 3 : i32
        %parallel_loop3A_575 = arith.index_cast %parallel_loop3A_573 : i32 to index
        %parallel_loop3A_576 = arith.index_cast %parallel_loop3A_574 : i32 to index
        %parallel_loop3A_577 = arith.index_cast %parallel_loop3A_459 : i32 to index
        %parallel_loop3A_578 = arith.index_cast %parallel_loop3A_477 : i32 to index
        %parallel_loop3A_579 = tpu.vector_load %arg11[%parallel_loop3A_575, %parallel_loop3A_576, %parallel_loop3A_577, %parallel_loop3A_578] {strides = array<i32>} : memref<2x4x8x128xf32, #tpu.memory_space<vmem>>, vector<1x1x1x16xf32>,
        %parallel_loop3A_580 = vector.shape_cast %parallel_loop3A_579 : vector<1x1x1x16xf32> to vector<16xf32>
        %parallel_loop3A_581 = vector.shape_cast %parallel_loop3A_572 : vector<16xf32> to vector<1x1x1x16xf32>
        tpu.vector_store %arg11[%parallel_loop3A_575, %parallel_loop3A_576, %parallel_loop3A_577, %parallel_loop3A_578], %parallel_loop3A_581 {strides = array<i32>} : memref<2x4x8x128xf32, #tpu.memory_space<vmem>>, vector<1x1x1x16xf32>,
      } {sc.loop_unroll_factor = 8 : i64, sc.parallel_access}
      %dma_start3A_412 = arith.constant 1 : i32
      %dma_start3A_413 = arith.constant 0 : i32
      %dma_start3A_414 = arith.constant 0 : i32
      %dma_start3A_415 = arith.constant 0 : i32
      %dma_start3A_416 = tpu.memref_slice %arg11[%dma_start3A_412, %dma_start3A_413, %dma_start3A_414, %dma_start3A_415] : memref<2x4x8x128xf32, #tpu.memory_space<vmem>> -> memref<1x4x8x128xf32, #tpu.memory_space<vmem>>
      %dma_start3A_417 = tpu.memref_squeeze %dma_start3A_416 : memref<1x4x8x128xf32, #tpu.memory_space<vmem>> -> memref<4x8x128xf32, #tpu.memory_space<vmem>>
      %dma_start3A_418 = arith.constant 0 : i32
      %dma_start3A_419 = arith.constant 0 : i32
      %dma_start3A_420 = arith.constant 0 : i32
      %dma_start3A_421 = tpu.memref_slice %arg8[%add3A_300, %dma_start3A_418, %dma_start3A_419, %dma_start3A_420] : memref<512x4x8x128xf32, #tpu.memory_space<hbm>> -> memref<1x4x8x128xf32, #tpu.memory_space<hbm>>
      %dma_start3A_422 = tpu.memref_squeeze %dma_start3A_421 : memref<1x4x8x128xf32, #tpu.memory_space<hbm>> -> memref<4x8x128xf32, #tpu.memory_space<hbm>>
      %dma_start3A_423 = arith.constant 0 : i32
      %dma_start3A_424 = arith.constant 0 : i32
      %dma_start3A_425 = arith.constant 0 : i32
      %dma_start3A_426 = tpu.memref_slice %arg8[%add3A_300, %dma_start3A_423, %dma_start3A_424, %dma_start3A_425] : memref<512x4x8x128xf32, #tpu.memory_space<hbm>> -> memref<1x4x8x128xf32, #tpu.memory_space<hbm>>
      %dma_start3A_427 = tpu.memref_squeeze %dma_start3A_426 : memref<1x4x8x128xf32, #tpu.memory_space<hbm>> -> memref<4x8x128xf32, #tpu.memory_space<hbm>>
      %dma_start3A_428 = arith.constant 0 : i32
      %dma_start3A_429 = arith.constant 0 : i32
      %dma_start3A_430 = arith.constant 0 : i32
      %dma_start3A_431 = tpu.memref_slice %arg11[%dma_start3A_412, %dma_start3A_428, %dma_start3A_429, %dma_start3A_430] : memref<2x4x8x128xf32, #tpu.memory_space<vmem>> -> memref<1x4x8x128xf32, #tpu.memory_space<vmem>>
      %dma_start3A_432 = tpu.memref_squeeze %dma_start3A_431 : memref<1x4x8x128xf32, #tpu.memory_space<vmem>> -> memref<4x8x128xf32, #tpu.memory_space<vmem>>
      tpu.enqueue_dma source(%dma_start3A_432 : memref<4x8x128xf32, #tpu.memory_space<vmem>>) target(%dma_start3A_427 : memref<4x8x128xf32, #tpu.memory_space<hbm>>) target_semaphore(%arg15 : memref<!tpu.dma_semaphore, #tpu.memory_space<semaphore_mem>>)
    }
    %scan3A_108 = arith.constant 8 : i32
    %add3A_109 = arith.constant 16 : i32
    %add3A_110 = arith.addi %mul3A_2, %add3A_109 : i32
    %sub3A_111 = arith.constant 2 : i32
    %sub3A_112 = arith.subi %add3A_110, %sub3A_111 : i32
    %add3A_113 = arith.constant 0 : i32
    %add3A_114 = arith.addi %sub3A_112, %add3A_113 : i32
    %dma_wait3A = arith.constant 0 : i32
    %dma_wait3A_115 = arith.constant 0 : i32
    %dma_wait3A_116 = arith.constant 0 : i32
    %dma_wait3A_117 = arith.constant 0 : i32
    %dma_wait3A_118 = tpu.memref_slice %arg11[%dma_wait3A, %dma_wait3A_115, %dma_wait3A_116, %dma_wait3A_117] : memref<2x4x8x128xf32, #tpu.memory_space<vmem>> -> memref<1x4x8x128xf32, #tpu.memory_space<vmem>>
    %dma_wait3A_119 = tpu.memref_squeeze %dma_wait3A_118 : memref<1x4x8x128xf32, #tpu.memory_space<vmem>> -> memref<4x8x128xf32, #tpu.memory_space<vmem>>
    %dma_wait3A_120 = arith.constant 0 : i32
    %dma_wait3A_121 = arith.constant 0 : i32
    %dma_wait3A_122 = arith.constant 0 : i32
    %dma_wait3A_123 = tpu.memref_slice %arg8[%add3A_114, %dma_wait3A_120, %dma_wait3A_121, %dma_wait3A_122] : memref<512x4x8x128xf32, #tpu.memory_space<hbm>> -> memref<1x4x8x128xf32, #tpu.memory_space<hbm>>
    %dma_wait3A_124 = tpu.memref_squeeze %dma_wait3A_123 : memref<1x4x8x128xf32, #tpu.memory_space<hbm>> -> memref<4x8x128xf32, #tpu.memory_space<hbm>>
    %dma_wait3A_125 = arith.constant 0 : i32
    %dma_wait3A_126 = arith.constant 0 : i32
    %dma_wait3A_127 = arith.constant 0 : i32
    %dma_wait3A_128 = tpu.memref_slice %arg8[%add3A_114, %dma_wait3A_125, %dma_wait3A_126, %dma_wait3A_127] : memref<512x4x8x128xf32, #tpu.memory_space<hbm>> -> memref<1x4x8x128xf32, #tpu.memory_space<hbm>>
    %dma_wait3A_129 = tpu.memref_squeeze %dma_wait3A_128 : memref<1x4x8x128xf32, #tpu.memory_space<hbm>> -> memref<4x8x128xf32, #tpu.memory_space<hbm>>
    %dma_wait3A_130 = arith.constant 0 : i32
    %dma_wait3A_131 = arith.constant 0 : i32
    %dma_wait3A_132 = arith.constant 0 : i32
    %dma_wait3A_133 = tpu.memref_slice %arg11[%dma_wait3A, %dma_wait3A_130, %dma_wait3A_131, %dma_wait3A_132] : memref<2x4x8x128xf32, #tpu.memory_space<vmem>> -> memref<1x4x8x128xf32, #tpu.memory_space<vmem>>
    %dma_wait3A_134 = tpu.memref_squeeze %dma_wait3A_133 : memref<1x4x8x128xf32, #tpu.memory_space<vmem>> -> memref<4x8x128xf32, #tpu.memory_space<vmem>>
    tpu.wait_dma2 semaphore(%arg14 : memref<!tpu.dma_semaphore, #tpu.memory_space<semaphore_mem>>) src(%dma_wait3A_134 : memref<4x8x128xf32, #tpu.memory_space<vmem>>) dst(%dma_wait3A_129 : memref<4x8x128xf32, #tpu.memory_space<hbm>>)
    %add3A_135 = arith.constant 16 : i32
    %add3A_136 = arith.addi %mul3A_2, %add3A_135 : i32
    %sub3A_137 = arith.constant 2 : i32
    %sub3A_138 = arith.subi %add3A_136, %sub3A_137 : i32
    %add3A_139 = arith.constant 1 : i32
    %add3A_140 = arith.addi %sub3A_138, %add3A_139 : i32
    %dma_wait3A_141 = arith.constant 1 : i32
    %dma_wait3A_142 = arith.constant 0 : i32
    %dma_wait3A_143 = arith.constant 0 : i32
    %dma_wait3A_144 = arith.constant 0 : i32
    %dma_wait3A_145 = tpu.memref_slice %arg11[%dma_wait3A_141, %dma_wait3A_142, %dma_wait3A_143, %dma_wait3A_144] : memref<2x4x8x128xf32, #tpu.memory_space<vmem>> -> memref<1x4x8x128xf32, #tpu.memory_space<vmem>>
    %dma_wait3A_146 = tpu.memref_squeeze %dma_wait3A_145 : memref<1x4x8x128xf32, #tpu.memory_space<vmem>> -> memref<4x8x128xf32, #tpu.memory_space<vmem>>
    %dma_wait3A_147 = arith.constant 0 : i32
    %dma_wait3A_148 = arith.constant 0 : i32
    %dma_wait3A_149 = arith.constant 0 : i32
    %dma_wait3A_150 = tpu.memref_slice %arg8[%add3A_140, %dma_wait3A_147, %dma_wait3A_148, %dma_wait3A_149] : memref<512x4x8x128xf32, #tpu.memory_space<hbm>> -> memref<1x4x8x128xf32, #tpu.memory_space<hbm>>
    %dma_wait3A_151 = tpu.memref_squeeze %dma_wait3A_150 : memref<1x4x8x128xf32, #tpu.memory_space<hbm>> -> memref<4x8x128xf32, #tpu.memory_space<hbm>>
    %dma_wait3A_152 = arith.constant 0 : i32
    %dma_wait3A_153 = arith.constant 0 : i32
    %dma_wait3A_154 = arith.constant 0 : i32
    %dma_wait3A_155 = tpu.memref_slice %arg8[%add3A_140, %dma_wait3A_152, %dma_wait3A_153, %dma_wait3A_154] : memref<512x4x8x128xf32, #tpu.memory_space<hbm>> -> memref<1x4x8x128xf32, #tpu.memory_space<hbm>>
    %dma_wait3A_156 = tpu.memref_squeeze %dma_wait3A_155 : memref<1x4x8x128xf32, #tpu.memory_space<hbm>> -> memref<4x8x128xf32, #tpu.memory_space<hbm>>
    %dma_wait3A_157 = arith.constant 0 : i32
    %dma_wait3A_158 = arith.constant 0 : i32
    %dma_wait3A_159 = arith.constant 0 : i32
    %dma_wait3A_160 = tpu.memref_slice %arg11[%dma_wait3A_141, %dma_wait3A_157, %dma_wait3A_158, %dma_wait3A_159] : memref<2x4x8x128xf32, #tpu.memory_space<vmem>> -> memref<1x4x8x128xf32, #tpu.memory_space<vmem>>
    %dma_wait3A_161 = tpu.memref_squeeze %dma_wait3A_160 : memref<1x4x8x128xf32, #tpu.memory_space<vmem>> -> memref<4x8x128xf32, #tpu.memory_space<vmem>>
    tpu.wait_dma2 semaphore(%arg15 : memref<!tpu.dma_semaphore, #tpu.memory_space<semaphore_mem>>) src(%dma_wait3A_161 : memref<4x8x128xf32, #tpu.memory_space<vmem>>) dst(%dma_wait3A_156 : memref<4x8x128xf32, #tpu.memory_space<hbm>>)
    return
  }
}

#map = affine_map<(d0, d1) -> (0, 0, 0)>
#map1 = affine_map<(d0, d1) -> (0, 0)>
#map2 = affine_map<(d0, d1) -> (0, 0, 0, 0)>
module attributes {stable_mosaic.version = 14 : i64} {
  func.func @_sc_body(%arg0: i32, %arg1: i32, %arg2: memref<32x16x1024xf32, #tpu.memory_space<hbm>>, %arg3: memref<32x16x1024xf32, #tpu.memory_space<hbm>>, %arg4: memref<32x16x1024xf32, #tpu.memory_space<hbm>>, %arg5: memref<32x16x1024xf32, #tpu.memory_space<hbm>>, %arg6: memref<2x1024xf32, #tpu.memory_space<hbm>>, %arg7: memref<2x1024xf32, #tpu.memory_space<hbm>>, %arg8: memref<512x4x8x128xf32, #tpu.memory_space<hbm>>, %arg9: memref<4x1024xf32, #tpu.memory_space<vmem>>, %arg10: memref<2x4x1024xf32, #tpu.memory_space<vmem>>, %arg11: memref<2x4x8x128xf32, #tpu.memory_space<vmem>>, %arg12: memref<!tpu.dma_semaphore, #tpu.memory_space<semaphore_mem>>, %arg13: memref<!tpu.dma_semaphore, #tpu.memory_space<semaphore_mem>>, %arg14: memref<!tpu.dma_semaphore, #tpu.memory_space<semaphore_mem>>, %arg15: memref<!tpu.dma_semaphore, #tpu.memory_space<semaphore_mem>>) attributes {dimension_semantics = [#tpu.dimension_semantics<core_parallel>, #tpu.dimension_semantics<subcore_parallel>], iteration_bounds = array<i64: 2, 16>, scalar_prefetch = 0 : i64, scratch_operands = 7 : i64, tpu.core_type = #tpu.core_type<sc_vector_subcore>, window_params = [{transform_indices = #map}, {transform_indices = #map}, {transform_indices = #map}, {transform_indices = #map}, {transform_indices = #map1}, {transform_indices = #map1}, {transform_indices = #map2}]} {
    %mul3A = arith.constant 2 : i32
    %mul3A_0 = arith.muli %arg1, %mul3A : i32
    %add3A = arith.addi %mul3A_0, %arg0 : i32
    %mul3A_1 = arith.constant 16 : i32
    %mul3A_2 = arith.muli %add3A, %mul3A_1 : i32
    %run_scoped3A = arith.constant 0 : i32
    %run_scoped3A_3 = arith.constant 0 : i32
    %run_scoped3A_4 = arith.constant 0 : i32
    "tpu.region"() ({
      %run_scoped3A_162 = tpu.sem_alloc : memref<!tpu.dma_semaphore, #tpu.memory_space<semaphore_mem>>
      %dma_start3A_163 = arith.constant 0 : i32
      %dma_start3A_164 = tpu.memref_slice %arg10[%run_scoped3A_3, %run_scoped3A_4, %dma_start3A_163] : memref<2x4x1024xf32, #tpu.memory_space<vmem>> -> memref<1x1x1024xf32, #tpu.memory_space<vmem>>
      %dma_start3A_165 = tpu.memref_squeeze %dma_start3A_164 : memref<1x1x1024xf32, #tpu.memory_space<vmem>> -> memref<1024xf32, #tpu.memory_space<vmem>>
      %dma_start3A_166 = arith.constant 0 : i32
      %dma_start3A_167 = tpu.memref_slice %arg6[%run_scoped3A, %dma_start3A_166] : memref<2x1024xf32, #tpu.memory_space<hbm>> -> memref<1x1024xf32, #tpu.memory_space<hbm>>
      %dma_start3A_168 = tpu.memref_squeeze %dma_start3A_167 : memref<1x1024xf32, #tpu.memory_space<hbm>> -> memref<1024xf32, #tpu.memory_space<hbm>>
      %dma_start3A_169 = arith.constant 0 : i32
      %dma_start3A_170 = tpu.memref_slice %arg10[%run_scoped3A_3, %run_scoped3A_4, %dma_start3A_169] : memref<2x4x1024xf32, #tpu.memory_space<vmem>> -> memref<1x1x1024xf32, #tpu.memory_space<vmem>>
      %dma_start3A_171 = tpu.memref_squeeze %dma_start3A_170 : memref<1x1x1024xf32, #tpu.memory_space<vmem>> -> memref<1024xf32, #tpu.memory_space<vmem>>
      %dma_start3A_172 = arith.constant 0 : i32
      %dma_start3A_173 = tpu.memref_slice %arg6[%run_scoped3A, %dma_start3A_172] : memref<2x1024xf32, #tpu.memory_space<hbm>> -> memref<1x1024xf32, #tpu.memory_space<hbm>>
      %dma_start3A_174 = tpu.memref_squeeze %dma_start3A_173 : memref<1x1024xf32, #tpu.memory_space<hbm>> -> memref<1024xf32, #tpu.memory_space<hbm>>
      tpu.enqueue_dma source(%dma_start3A_174 : memref<1024xf32, #tpu.memory_space<hbm>>) target(%dma_start3A_171 : memref<1024xf32, #tpu.memory_space<vmem>>) target_semaphore(%run_scoped3A_162 : memref<!tpu.dma_semaphore, #tpu.memory_space<semaphore_mem>>)
      %dma_wait3A_175 = arith.constant 0 : i32
      %dma_wait3A_176 = tpu.memref_slice %arg10[%run_scoped3A_3, %run_scoped3A_4, %dma_wait3A_175] : memref<2x4x1024xf32, #tpu.memory_space<vmem>> -> memref<1x1x1024xf32, #tpu.memory_space<vmem>>
      %dma_wait3A_177 = tpu.memref_squeeze %dma_wait3A_176 : memref<1x1x1024xf32, #tpu.memory_space<vmem>> -> memref<1024xf32, #tpu.memory_space<vmem>>
      %dma_wait3A_178 = arith.constant 0 : i32
      %dma_wait3A_179 = tpu.memref_slice %arg6[%run_scoped3A, %dma_wait3A_178] : memref<2x1024xf32, #tpu.memory_space<hbm>> -> memref<1x1024xf32, #tpu.memory_space<hbm>>
      %dma_wait3A_180 = tpu.memref_squeeze %dma_wait3A_179 : memref<1x1024xf32, #tpu.memory_space<hbm>> -> memref<1024xf32, #tpu.memory_space<hbm>>
      %dma_wait3A_181 = arith.constant 0 : i32
      %dma_wait3A_182 = tpu.memref_slice %arg10[%run_scoped3A_3, %run_scoped3A_4, %dma_wait3A_181] : memref<2x4x1024xf32, #tpu.memory_space<vmem>> -> memref<1x1x1024xf32, #tpu.memory_space<vmem>>
      %dma_wait3A_183 = tpu.memref_squeeze %dma_wait3A_182 : memref<1x1x1024xf32, #tpu.memory_space<vmem>> -> memref<1024xf32, #tpu.memory_space<vmem>>
      %dma_wait3A_184 = arith.constant 0 : i32
      %dma_wait3A_185 = tpu.memref_slice %arg6[%run_scoped3A, %dma_wait3A_184] : memref<2x1024xf32, #tpu.memory_space<hbm>> -> memref<1x1024xf32, #tpu.memory_space<hbm>>
      %dma_wait3A_186 = tpu.memref_squeeze %dma_wait3A_185 : memref<1x1024xf32, #tpu.memory_space<hbm>> -> memref<1024xf32, #tpu.memory_space<hbm>>
      tpu.wait_dma2 semaphore(%run_scoped3A_162 : memref<!tpu.dma_semaphore, #tpu.memory_space<semaphore_mem>>) src(%dma_wait3A_186 : memref<1024xf32, #tpu.memory_space<hbm>>) dst(%dma_wait3A_183 : memref<1024xf32, #tpu.memory_space<vmem>>)
      tpu.yield
    }) : () -> ()
    %run_scoped3A_5 = arith.constant 0 : i32
    %run_scoped3A_6 = arith.constant 0 : i32
    %run_scoped3A_7 = arith.constant 1 : i32
    "tpu.region"() ({
      %run_scoped3A_162 = tpu.sem_alloc : memref<!tpu.dma_semaphore, #tpu.memory_space<semaphore_mem>>
      %dma_start3A_163 = arith.constant 0 : i32
      %dma_start3A_164 = tpu.memref_slice %arg10[%run_scoped3A_6, %run_scoped3A_7, %dma_start3A_163] : memref<2x4x1024xf32, #tpu.memory_space<vmem>> -> memref<1x1x1024xf32, #tpu.memory_space<vmem>>
      %dma_start3A_165 = tpu.memref_squeeze %dma_start3A_164 : memref<1x1x1024xf32, #tpu.memory_space<vmem>> -> memref<1024xf32, #tpu.memory_space<vmem>>
      %dma_start3A_166 = arith.constant 0 : i32
      %dma_start3A_167 = tpu.memref_slice %arg7[%run_scoped3A_5, %dma_start3A_166] : memref<2x1024xf32, #tpu.memory_space<hbm>> -> memref<1x1024xf32, #tpu.memory_space<hbm>>
      %dma_start3A_168 = tpu.memref_squeeze %dma_start3A_167 : memref<1x1024xf32, #tpu.memory_space<hbm>> -> memref<1024xf32, #tpu.memory_space<hbm>>
      %dma_start3A_169 = arith.constant 0 : i32
      %dma_start3A_170 = tpu.memref_slice %arg10[%run_scoped3A_6, %run_scoped3A_7, %dma_start3A_169] : memref<2x4x1024xf32, #tpu.memory_space<vmem>> -> memref<1x1x1024xf32, #tpu.memory_space<vmem>>
      %dma_start3A_171 = tpu.memref_squeeze %dma_start3A_170 : memref<1x1x1024xf32, #tpu.memory_space<vmem>> -> memref<1024xf32, #tpu.memory_space<vmem>>
      %dma_start3A_172 = arith.constant 0 : i32
      %dma_start3A_173 = tpu.memref_slice %arg7[%run_scoped3A_5, %dma_start3A_172] : memref<2x1024xf32, #tpu.memory_space<hbm>> -> memref<1x1024xf32, #tpu.memory_space<hbm>>
      %dma_start3A_174 = tpu.memref_squeeze %dma_start3A_173 : memref<1x1024xf32, #tpu.memory_space<hbm>> -> memref<1024xf32, #tpu.memory_space<hbm>>
      tpu.enqueue_dma source(%dma_start3A_174 : memref<1024xf32, #tpu.memory_space<hbm>>) target(%dma_start3A_171 : memref<1024xf32, #tpu.memory_space<vmem>>) target_semaphore(%run_scoped3A_162 : memref<!tpu.dma_semaphore, #tpu.memory_space<semaphore_mem>>)
      %dma_wait3A_175 = arith.constant 0 : i32
      %dma_wait3A_176 = tpu.memref_slice %arg10[%run_scoped3A_6, %run_scoped3A_7, %dma_wait3A_175] : memref<2x4x1024xf32, #tpu.memory_space<vmem>> -> memref<1x1x1024xf32, #tpu.memory_space<vmem>>
      %dma_wait3A_177 = tpu.memref_squeeze %dma_wait3A_176 : memref<1x1x1024xf32, #tpu.memory_space<vmem>> -> memref<1024xf32, #tpu.memory_space<vmem>>
      %dma_wait3A_178 = arith.constant 0 : i32
      %dma_wait3A_179 = tpu.memref_slice %arg7[%run_scoped3A_5, %dma_wait3A_178] : memref<2x1024xf32, #tpu.memory_space<hbm>> -> memref<1x1024xf32, #tpu.memory_space<hbm>>
      %dma_wait3A_180 = tpu.memref_squeeze %dma_wait3A_179 : memref<1x1024xf32, #tpu.memory_space<hbm>> -> memref<1024xf32, #tpu.memory_space<hbm>>
      %dma_wait3A_181 = arith.constant 0 : i32
      %dma_wait3A_182 = tpu.memref_slice %arg10[%run_scoped3A_6, %run_scoped3A_7, %dma_wait3A_181] : memref<2x4x1024xf32, #tpu.memory_space<vmem>> -> memref<1x1x1024xf32, #tpu.memory_space<vmem>>
      %dma_wait3A_183 = tpu.memref_squeeze %dma_wait3A_182 : memref<1x1x1024xf32, #tpu.memory_space<vmem>> -> memref<1024xf32, #tpu.memory_space<vmem>>
      %dma_wait3A_184 = arith.constant 0 : i32
      %dma_wait3A_185 = tpu.memref_slice %arg7[%run_scoped3A_5, %dma_wait3A_184] : memref<2x1024xf32, #tpu.memory_space<hbm>> -> memref<1x1024xf32, #tpu.memory_space<hbm>>
      %dma_wait3A_186 = tpu.memref_squeeze %dma_wait3A_185 : memref<1x1024xf32, #tpu.memory_space<hbm>> -> memref<1024xf32, #tpu.memory_space<hbm>>
      tpu.wait_dma2 semaphore(%run_scoped3A_162 : memref<!tpu.dma_semaphore, #tpu.memory_space<semaphore_mem>>) src(%dma_wait3A_186 : memref<1024xf32, #tpu.memory_space<hbm>>) dst(%dma_wait3A_183 : memref<1024xf32, #tpu.memory_space<vmem>>)
      tpu.yield
    }) : () -> ()
    %run_scoped3A_8 = arith.constant 1 : i32
    %run_scoped3A_9 = arith.constant 0 : i32
    %run_scoped3A_10 = arith.constant 2 : i32
    "tpu.region"() ({
      %run_scoped3A_162 = tpu.sem_alloc : memref<!tpu.dma_semaphore, #tpu.memory_space<semaphore_mem>>
      %dma_start3A_163 = arith.constant 0 : i32
      %dma_start3A_164 = tpu.memref_slice %arg10[%run_scoped3A_9, %run_scoped3A_10, %dma_start3A_163] : memref<2x4x1024xf32, #tpu.memory_space<vmem>> -> memref<1x1x1024xf32, #tpu.memory_space<vmem>>
      %dma_start3A_165 = tpu.memref_squeeze %dma_start3A_164 : memref<1x1x1024xf32, #tpu.memory_space<vmem>> -> memref<1024xf32, #tpu.memory_space<vmem>>
      %dma_start3A_166 = arith.constant 0 : i32
      %dma_start3A_167 = tpu.memref_slice %arg6[%run_scoped3A_8, %dma_start3A_166] : memref<2x1024xf32, #tpu.memory_space<hbm>> -> memref<1x1024xf32, #tpu.memory_space<hbm>>
      %dma_start3A_168 = tpu.memref_squeeze %dma_start3A_167 : memref<1x1024xf32, #tpu.memory_space<hbm>> -> memref<1024xf32, #tpu.memory_space<hbm>>
      %dma_start3A_169 = arith.constant 0 : i32
      %dma_start3A_170 = tpu.memref_slice %arg10[%run_scoped3A_9, %run_scoped3A_10, %dma_start3A_169] : memref<2x4x1024xf32, #tpu.memory_space<vmem>> -> memref<1x1x1024xf32, #tpu.memory_space<vmem>>
      %dma_start3A_171 = tpu.memref_squeeze %dma_start3A_170 : memref<1x1x1024xf32, #tpu.memory_space<vmem>> -> memref<1024xf32, #tpu.memory_space<vmem>>
      %dma_start3A_172 = arith.constant 0 : i32
      %dma_start3A_173 = tpu.memref_slice %arg6[%run_scoped3A_8, %dma_start3A_172] : memref<2x1024xf32, #tpu.memory_space<hbm>> -> memref<1x1024xf32, #tpu.memory_space<hbm>>
      %dma_start3A_174 = tpu.memref_squeeze %dma_start3A_173 : memref<1x1024xf32, #tpu.memory_space<hbm>> -> memref<1024xf32, #tpu.memory_space<hbm>>
      tpu.enqueue_dma source(%dma_start3A_174 : memref<1024xf32, #tpu.memory_space<hbm>>) target(%dma_start3A_171 : memref<1024xf32, #tpu.memory_space<vmem>>) target_semaphore(%run_scoped3A_162 : memref<!tpu.dma_semaphore, #tpu.memory_space<semaphore_mem>>)
      %dma_wait3A_175 = arith.constant 0 : i32
      %dma_wait3A_176 = tpu.memref_slice %arg10[%run_scoped3A_9, %run_scoped3A_10, %dma_wait3A_175] : memref<2x4x1024xf32, #tpu.memory_space<vmem>> -> memref<1x1x1024xf32, #tpu.memory_space<vmem>>
      %dma_wait3A_177 = tpu.memref_squeeze %dma_wait3A_176 : memref<1x1x1024xf32, #tpu.memory_space<vmem>> -> memref<1024xf32, #tpu.memory_space<vmem>>
      %dma_wait3A_178 = arith.constant 0 : i32
      %dma_wait3A_179 = tpu.memref_slice %arg6[%run_scoped3A_8, %dma_wait3A_178] : memref<2x1024xf32, #tpu.memory_space<hbm>> -> memref<1x1024xf32, #tpu.memory_space<hbm>>
      %dma_wait3A_180 = tpu.memref_squeeze %dma_wait3A_179 : memref<1x1024xf32, #tpu.memory_space<hbm>> -> memref<1024xf32, #tpu.memory_space<hbm>>
      %dma_wait3A_181 = arith.constant 0 : i32
      %dma_wait3A_182 = tpu.memref_slice %arg10[%run_scoped3A_9, %run_scoped3A_10, %dma_wait3A_181] : memref<2x4x1024xf32, #tpu.memory_space<vmem>> -> memref<1x1x1024xf32, #tpu.memory_space<vmem>>
      %dma_wait3A_183 = tpu.memref_squeeze %dma_wait3A_182 : memref<1x1x1024xf32, #tpu.memory_space<vmem>> -> memref<1024xf32, #tpu.memory_space<vmem>>
      %dma_wait3A_184 = arith.constant 0 : i32
      %dma_wait3A_185 = tpu.memref_slice %arg6[%run_scoped3A_8, %dma_wait3A_184] : memref<2x1024xf32, #tpu.memory_space<hbm>> -> memref<1x1024xf32, #tpu.memory_space<hbm>>
      %dma_wait3A_186 = tpu.memref_squeeze %dma_wait3A_185 : memref<1x1024xf32, #tpu.memory_space<hbm>> -> memref<1024xf32, #tpu.memory_space<hbm>>
      tpu.wait_dma2 semaphore(%run_scoped3A_162 : memref<!tpu.dma_semaphore, #tpu.memory_space<semaphore_mem>>) src(%dma_wait3A_186 : memref<1024xf32, #tpu.memory_space<hbm>>) dst(%dma_wait3A_183 : memref<1024xf32, #tpu.memory_space<vmem>>)
      tpu.yield
    }) : () -> ()
    %run_scoped3A_11 = arith.constant 1 : i32
    %run_scoped3A_12 = arith.constant 0 : i32
    %run_scoped3A_13 = arith.constant 3 : i32
    "tpu.region"() ({
      %run_scoped3A_162 = tpu.sem_alloc : memref<!tpu.dma_semaphore, #tpu.memory_space<semaphore_mem>>
      %dma_start3A_163 = arith.constant 0 : i32
      %dma_start3A_164 = tpu.memref_slice %arg10[%run_scoped3A_12, %run_scoped3A_13, %dma_start3A_163] : memref<2x4x1024xf32, #tpu.memory_space<vmem>> -> memref<1x1x1024xf32, #tpu.memory_space<vmem>>
      %dma_start3A_165 = tpu.memref_squeeze %dma_start3A_164 : memref<1x1x1024xf32, #tpu.memory_space<vmem>> -> memref<1024xf32, #tpu.memory_space<vmem>>
      %dma_start3A_166 = arith.constant 0 : i32
      %dma_start3A_167 = tpu.memref_slice %arg7[%run_scoped3A_11, %dma_start3A_166] : memref<2x1024xf32, #tpu.memory_space<hbm>> -> memref<1x1024xf32, #tpu.memory_space<hbm>>
      %dma_start3A_168 = tpu.memref_squeeze %dma_start3A_167 : memref<1x1024xf32, #tpu.memory_space<hbm>> -> memref<1024xf32, #tpu.memory_space<hbm>>
      %dma_start3A_169 = arith.constant 0 : i32
      %dma_start3A_170 = tpu.memref_slice %arg10[%run_scoped3A_12, %run_scoped3A_13, %dma_start3A_169] : memref<2x4x1024xf32, #tpu.memory_space<vmem>> -> memref<1x1x1024xf32, #tpu.memory_space<vmem>>
      %dma_start3A_171 = tpu.memref_squeeze %dma_start3A_170 : memref<1x1x1024xf32, #tpu.memory_space<vmem>> -> memref<1024xf32, #tpu.memory_space<vmem>>
      %dma_start3A_172 = arith.constant 0 : i32
      %dma_start3A_173 = tpu.memref_slice %arg7[%run_scoped3A_11, %dma_start3A_172] : memref<2x1024xf32, #tpu.memory_space<hbm>> -> memref<1x1024xf32, #tpu.memory_space<hbm>>
      %dma_start3A_174 = tpu.memref_squeeze %dma_start3A_173 : memref<1x1024xf32, #tpu.memory_space<hbm>> -> memref<1024xf32, #tpu.memory_space<hbm>>
      tpu.enqueue_dma source(%dma_start3A_174 : memref<1024xf32, #tpu.memory_space<hbm>>) target(%dma_start3A_171 : memref<1024xf32, #tpu.memory_space<vmem>>) target_semaphore(%run_scoped3A_162 : memref<!tpu.dma_semaphore, #tpu.memory_space<semaphore_mem>>)
      %dma_wait3A_175 = arith.constant 0 : i32
      %dma_wait3A_176 = tpu.memref_slice %arg10[%run_scoped3A_12, %run_scoped3A_13, %dma_wait3A_175] : memref<2x4x1024xf32, #tpu.memory_space<vmem>> -> memref<1x1x1024xf32, #tpu.memory_space<vmem>>
      %dma_wait3A_177 = tpu.memref_squeeze %dma_wait3A_176 : memref<1x1x1024xf32, #tpu.memory_space<vmem>> -> memref<1024xf32, #tpu.memory_space<vmem>>
      %dma_wait3A_178 = arith.constant 0 : i32
      %dma_wait3A_179 = tpu.memref_slice %arg7[%run_scoped3A_11, %dma_wait3A_178] : memref<2x1024xf32, #tpu.memory_space<hbm>> -> memref<1x1024xf32, #tpu.memory_space<hbm>>
      %dma_wait3A_180 = tpu.memref_squeeze %dma_wait3A_179 : memref<1x1024xf32, #tpu.memory_space<hbm>> -> memref<1024xf32, #tpu.memory_space<hbm>>
      %dma_wait3A_181 = arith.constant 0 : i32
      %dma_wait3A_182 = tpu.memref_slice %arg10[%run_scoped3A_12, %run_scoped3A_13, %dma_wait3A_181] : memref<2x4x1024xf32, #tpu.memory_space<vmem>> -> memref<1x1x1024xf32, #tpu.memory_space<vmem>>
      %dma_wait3A_183 = tpu.memref_squeeze %dma_wait3A_182 : memref<1x1x1024xf32, #tpu.memory_space<vmem>> -> memref<1024xf32, #tpu.memory_space<vmem>>
      %dma_wait3A_184 = arith.constant 0 : i32
      %dma_wait3A_185 = tpu.memref_slice %arg7[%run_scoped3A_11, %dma_wait3A_184] : memref<2x1024xf32, #tpu.memory_space<hbm>> -> memref<1x1024xf32, #tpu.memory_space<hbm>>
      %dma_wait3A_186 = tpu.memref_squeeze %dma_wait3A_185 : memref<1x1024xf32, #tpu.memory_space<hbm>> -> memref<1024xf32, #tpu.memory_space<hbm>>
      tpu.wait_dma2 semaphore(%run_scoped3A_162 : memref<!tpu.dma_semaphore, #tpu.memory_space<semaphore_mem>>) src(%dma_wait3A_186 : memref<1024xf32, #tpu.memory_space<hbm>>) dst(%dma_wait3A_183 : memref<1024xf32, #tpu.memory_space<vmem>>)
      tpu.yield
    }) : () -> ()
    %scan3A = arith.constant 0 : i32
    %scan3A_14 = arith.constant 0 : i32
    %scan3A_15 = arith.constant 64 : i32
    %scan3A_16 = arith.addi %scan3A_14, %scan3A_15 : i32
    %scan3A_17 = arith.constant 1 : i32
    scf.for %scan3A_162 = %scan3A_14 to %scan3A_16 step %scan3A_17  : i32 {
      %mul3A_163 = arith.constant 16 : i32
      %mul3A_164 = arith.muli %scan3A_162, %mul3A_163 : i32
      %get3A = arith.constant 0 : i32
      %get3A_165 = arith.constant 0 : i32
      %get3A_166 = arith.index_cast %get3A : i32 to index
      %get3A_167 = arith.index_cast %get3A_165 : i32 to index
      %get3A_168 = arith.index_cast %mul3A_164 : i32 to index
      %get3A_169 = tpu.vector_load %arg10[%get3A_166, %get3A_167, %get3A_168] {strides = array<i32>} : memref<2x4x1024xf32, #tpu.memory_space<vmem>>, vector<1x1x16xf32>,
      %get3A_170 = vector.shape_cast %get3A_169 : vector<1x1x16xf32> to vector<16xf32>
      %get3A_171 = arith.constant 0 : i32
      %get3A_172 = arith.constant 1 : i32
      %get3A_173 = arith.index_cast %get3A_171 : i32 to index
      %get3A_174 = arith.index_cast %get3A_172 : i32 to index
      %get3A_175 = arith.index_cast %mul3A_164 : i32 to index
      %get3A_176 = tpu.vector_load %arg10[%get3A_173, %get3A_174, %get3A_175] {strides = array<i32>} : memref<2x4x1024xf32, #tpu.memory_space<vmem>>, vector<1x1x16xf32>,
      %get3A_177 = vector.shape_cast %get3A_176 : vector<1x1x16xf32> to vector<16xf32>
      %mul3A_178 = arith.mulf %get3A_170, %get3A_170 : vector<16xf32>
      %mul3A_179 = arith.mulf %get3A_177, %get3A_177 : vector<16xf32>
      %add3A_180 = arith.addf %mul3A_178, %mul3A_179 : vector<16xf32>
      %div3A_181 = arith.constant 1.000000e+00 : f32
      %div3A_182 = vector.broadcast %div3A_181 : f32 to vector<16xf32>
      %div3A_183 = arith.divf %div3A_182, %add3A_180 : vector<16xf32>
      %mul3A_184 = arith.mulf %get3A_170, %div3A_183 : vector<16xf32>
      %swap3A = arith.constant 0 : i32
      %swap3A_185 = arith.index_cast %swap3A : i32 to index
      %swap3A_186 = arith.index_cast %mul3A_164 : i32 to index
      %swap3A_187 = tpu.vector_load %arg9[%swap3A_185, %swap3A_186] {strides = array<i32>} : memref<4x1024xf32, #tpu.memory_space<vmem>>, vector<1x16xf32>,
      %swap3A_188 = vector.shape_cast %swap3A_187 : vector<1x16xf32> to vector<16xf32>
      %swap3A_189 = vector.shape_cast %mul3A_184 : vector<16xf32> to vector<1x16xf32>
      tpu.vector_store %arg9[%swap3A_185, %swap3A_186], %swap3A_189 {strides = array<i32>} : memref<4x1024xf32, #tpu.memory_space<vmem>>, vector<1x16xf32>,
      %mul3A_190 = arith.mulf %get3A_177, %div3A_183 : vector<16xf32>
      %swap3A_191 = arith.constant 1 : i32
      %swap3A_192 = arith.index_cast %swap3A_191 : i32 to index
      %swap3A_193 = arith.index_cast %mul3A_164 : i32 to index
      %swap3A_194 = tpu.vector_load %arg9[%swap3A_192, %swap3A_193] {strides = array<i32>} : memref<4x1024xf32, #tpu.memory_space<vmem>>, vector<1x16xf32>,
      %swap3A_195 = vector.shape_cast %swap3A_194 : vector<1x16xf32> to vector<16xf32>
      %swap3A_196 = vector.shape_cast %mul3A_190 : vector<16xf32> to vector<1x16xf32>
      tpu.vector_store %arg9[%swap3A_192, %swap3A_193], %swap3A_196 {strides = array<i32>} : memref<4x1024xf32, #tpu.memory_space<vmem>>, vector<1x16xf32>,
      %get3A_197 = arith.constant 0 : i32
      %get3A_198 = arith.constant 2 : i32
      %get3A_199 = arith.index_cast %get3A_197 : i32 to index
      %get3A_200 = arith.index_cast %get3A_198 : i32 to index
      %get3A_201 = arith.index_cast %mul3A_164 : i32 to index
      %get3A_202 = tpu.vector_load %arg10[%get3A_199, %get3A_200, %get3A_201] {strides = array<i32>} : memref<2x4x1024xf32, #tpu.memory_space<vmem>>, vector<1x1x16xf32>,
      %get3A_203 = vector.shape_cast %get3A_202 : vector<1x1x16xf32> to vector<16xf32>
      %get3A_204 = arith.constant 0 : i32
      %get3A_205 = arith.constant 3 : i32
      %get3A_206 = arith.index_cast %get3A_204 : i32 to index
      %get3A_207 = arith.index_cast %get3A_205 : i32 to index
      %get3A_208 = arith.index_cast %mul3A_164 : i32 to index
      %get3A_209 = tpu.vector_load %arg10[%get3A_206, %get3A_207, %get3A_208] {strides = array<i32>} : memref<2x4x1024xf32, #tpu.memory_space<vmem>>, vector<1x1x16xf32>,
      %get3A_210 = vector.shape_cast %get3A_209 : vector<1x1x16xf32> to vector<16xf32>
      %mul3A_211 = arith.mulf %get3A_203, %get3A_203 : vector<16xf32>
      %mul3A_212 = arith.mulf %get3A_210, %get3A_210 : vector<16xf32>
      %add3A_213 = arith.addf %mul3A_211, %mul3A_212 : vector<16xf32>
      %div3A_214 = arith.constant 1.000000e+00 : f32
      %div3A_215 = vector.broadcast %div3A_214 : f32 to vector<16xf32>
      %div3A_216 = arith.divf %div3A_215, %add3A_213 : vector<16xf32>
      %mul3A_217 = arith.mulf %get3A_203, %div3A_216 : vector<16xf32>
      %swap3A_218 = arith.constant 2 : i32
      %swap3A_219 = arith.index_cast %swap3A_218 : i32 to index
      %swap3A_220 = arith.index_cast %mul3A_164 : i32 to index
      %swap3A_221 = tpu.vector_load %arg9[%swap3A_219, %swap3A_220] {strides = array<i32>} : memref<4x1024xf32, #tpu.memory_space<vmem>>, vector<1x16xf32>,
      %swap3A_222 = vector.shape_cast %swap3A_221 : vector<1x16xf32> to vector<16xf32>
      %swap3A_223 = vector.shape_cast %mul3A_217 : vector<16xf32> to vector<1x16xf32>
      tpu.vector_store %arg9[%swap3A_219, %swap3A_220], %swap3A_223 {strides = array<i32>} : memref<4x1024xf32, #tpu.memory_space<vmem>>, vector<1x16xf32>,
      %mul3A_224 = arith.mulf %get3A_210, %div3A_216 : vector<16xf32>
      %swap3A_225 = arith.constant 3 : i32
      %swap3A_226 = arith.index_cast %swap3A_225 : i32 to index
      %swap3A_227 = arith.index_cast %mul3A_164 : i32 to index
      %swap3A_228 = tpu.vector_load %arg9[%swap3A_226, %swap3A_227] {strides = array<i32>} : memref<4x1024xf32, #tpu.memory_space<vmem>>, vector<1x16xf32>,
      %swap3A_229 = vector.shape_cast %swap3A_228 : vector<1x16xf32> to vector<16xf32>
      %swap3A_230 = vector.shape_cast %mul3A_224 : vector<16xf32> to vector<1x16xf32>
      tpu.vector_store %arg9[%swap3A_226, %swap3A_227], %swap3A_230 {strides = array<i32>} : memref<4x1024xf32, #tpu.memory_space<vmem>>, vector<1x16xf32>,
    }
    %scan3A_18 = arith.constant 64 : i32
    %jit3A = arith.constant 16 : i32
    %div3A = arith.divsi %mul3A_2, %jit3A : i32
    %sign3A = arith.constant 0 : i32
    %sign3A_19 = arith.cmpi sgt, %mul3A_2, %sign3A : i32
    %sign3A_20 = arith.extui %sign3A_19 : i1 to i32
    %sign3A_21 = arith.constant 0 : i32
    %sign3A_22 = arith.cmpi slt, %mul3A_2, %sign3A_21 : i32
    %sign3A_23 = arith.extui %sign3A_22 : i1 to i32
    %sign3A_24 = arith.subi %sign3A_20, %sign3A_23 : i32
    %sign3A_25 = arith.constant 0 : i32
    %sign3A_26 = arith.cmpi sgt, %jit3A, %sign3A_25 : i32
    %sign3A_27 = arith.extui %sign3A_26 : i1 to i32
    %sign3A_28 = arith.constant 0 : i32
    %sign3A_29 = arith.cmpi slt, %jit3A, %sign3A_28 : i32
    %sign3A_30 = arith.extui %sign3A_29 : i1 to i32
    %sign3A_31 = arith.subi %sign3A_27, %sign3A_30 : i32
    %ne3A = arith.cmpi ne, %sign3A_24, %sign3A_31 : i32
    %rem3A = arith.remsi %mul3A_2, %jit3A : i32
    %ne3A_32 = arith.constant 0 : i32
    %ne3A_33 = arith.cmpi ne, %rem3A, %ne3A_32 : i32
    %and3A = arith.andi %ne3A, %ne3A_33 : i1
    %sub3A = arith.constant 1 : i32
    %sub3A_34 = arith.subi %div3A, %sub3A : i32
    %select_n3A = arith.select %and3A, %sub3A_34, %div3A : i32
    %jit3A_35 = arith.constant 16 : i32
    %eq3A = arith.constant 0 : i32
    %eq3A_36 = arith.cmpi eq, %jit3A_35, %eq3A : i32
    %jit3A_37 = arith.constant 1 : i32
    %select_n3A_38 = arith.select %eq3A_36, %jit3A_37, %jit3A_35 : i32
    %rem3A_39 = arith.remsi %mul3A_2, %select_n3A_38 : i32
    %ne3A_40 = arith.constant 0 : i32
    %ne3A_41 = arith.cmpi ne, %rem3A_39, %ne3A_40 : i32
    %lt3A = arith.constant 0 : i32
    %lt3A_42 = arith.cmpi slt, %rem3A_39, %lt3A : i32
    %lt3A_43 = arith.constant 0 : i32
    %lt3A_44 = arith.cmpi slt, %select_n3A_38, %lt3A_43 : i32
    %ne3A_45 = arith.xori %lt3A_42, %lt3A_44 : i1
    %and3A_46 = arith.andi %ne3A_45, %ne3A_41 : i1
    %add3A_47 = arith.addi %rem3A_39, %select_n3A_38 : i32
    %select_n3A_48 = arith.select %and3A_46, %add3A_47, %rem3A_39 : i32
    %dma_start3A = arith.constant 0 : i32
    %dma_start3A_49 = arith.constant 0 : i32
    %dma_start3A_50 = arith.constant 0 : i32
    %dma_start3A_51 = tpu.memref_slice %arg10[%dma_start3A, %dma_start3A_49, %dma_start3A_50] : memref<2x4x1024xf32, #tpu.memory_space<vmem>> -> memref<1x1x1024xf32, #tpu.memory_space<vmem>>
    %dma_start3A_52 = tpu.memref_squeeze %dma_start3A_51 : memref<1x1x1024xf32, #tpu.memory_space<vmem>> -> memref<1024xf32, #tpu.memory_space<vmem>>
    %dma_start3A_53 = arith.constant 0 : i32
    %dma_start3A_54 = tpu.memref_slice %arg2[%select_n3A, %select_n3A_48, %dma_start3A_53] : memref<32x16x1024xf32, #tpu.memory_space<hbm>> -> memref<1x1x1024xf32, #tpu.memory_space<hbm>>
    %dma_start3A_55 = tpu.memref_squeeze %dma_start3A_54 : memref<1x1x1024xf32, #tpu.memory_space<hbm>> -> memref<1024xf32, #tpu.memory_space<hbm>>
    %dma_start3A_56 = arith.constant 0 : i32
    %dma_start3A_57 = tpu.memref_slice %arg10[%dma_start3A, %dma_start3A_49, %dma_start3A_56] : memref<2x4x1024xf32, #tpu.memory_space<vmem>> -> memref<1x1x1024xf32, #tpu.memory_space<vmem>>
    %dma_start3A_58 = tpu.memref_squeeze %dma_start3A_57 : memref<1x1x1024xf32, #tpu.memory_space<vmem>> -> memref<1024xf32, #tpu.memory_space<vmem>>
    %dma_start3A_59 = arith.constant 0 : i32
    %dma_start3A_60 = tpu.memref_slice %arg2[%select_n3A, %select_n3A_48, %dma_start3A_59] : memref<32x16x1024xf32, #tpu.memory_space<hbm>> -> memref<1x1x1024xf32, #tpu.memory_space<hbm>>
    %dma_start3A_61 = tpu.memref_squeeze %dma_start3A_60 : memref<1x1x1024xf32, #tpu.memory_space<hbm>> -> memref<1024xf32, #tpu.memory_space<hbm>>
    tpu.enqueue_dma source(%dma_start3A_61 : memref<1024xf32, #tpu.memory_space<hbm>>) target(%dma_start3A_58 : memref<1024xf32, #tpu.memory_space<vmem>>) target_semaphore(%arg12 : memref<!tpu.dma_semaphore, #tpu.memory_space<semaphore_mem>>)
    %dma_start3A_62 = arith.constant 0 : i32
    %dma_start3A_63 = arith.constant 1 : i32
    %dma_start3A_64 = arith.constant 0 : i32
    %dma_start3A_65 = tpu.memref_slice %arg10[%dma_start3A_62, %dma_start3A_63, %dma_start3A_64] : memref<2x4x1024xf32, #tpu.memory_space<vmem>> -> memref<1x1x1024xf32, #tpu.memory_space<vmem>>
    %dma_start3A_66 = tpu.memref_squeeze %dma_start3A_65 : memref<1x1x1024xf32, #tpu.memory_space<vmem>> -> memref<1024xf32, #tpu.memory_space<vmem>>
    %dma_start3A_67 = arith.constant 0 : i32
    %dma_start3A_68 = tpu.memref_slice %arg3[%select_n3A, %select_n3A_48, %dma_start3A_67] : memref<32x16x1024xf32, #tpu.memory_space<hbm>> -> memref<1x1x1024xf32, #tpu.memory_space<hbm>>
    %dma_start3A_69 = tpu.memref_squeeze %dma_start3A_68 : memref<1x1x1024xf32, #tpu.memory_space<hbm>> -> memref<1024xf32, #tpu.memory_space<hbm>>
    %dma_start3A_70 = arith.constant 0 : i32
    %dma_start3A_71 = tpu.memref_slice %arg10[%dma_start3A_62, %dma_start3A_63, %dma_start3A_70] : memref<2x4x1024xf32, #tpu.memory_space<vmem>> -> memref<1x1x1024xf32, #tpu.memory_space<vmem>>
    %dma_start3A_72 = tpu.memref_squeeze %dma_start3A_71 : memref<1x1x1024xf32, #tpu.memory_space<vmem>> -> memref<1024xf32, #tpu.memory_space<vmem>>
    %dma_start3A_73 = arith.constant 0 : i32
    %dma_start3A_74 = tpu.memref_slice %arg3[%select_n3A, %select_n3A_48, %dma_start3A_73] : memref<32x16x1024xf32, #tpu.memory_space<hbm>> -> memref<1x1x1024xf32, #tpu.memory_space<hbm>>
    %dma_start3A_75 = tpu.memref_squeeze %dma_start3A_74 : memref<1x1x1024xf32, #tpu.memory_space<hbm>> -> memref<1024xf32, #tpu.memory_space<hbm>>
    tpu.enqueue_dma source(%dma_start3A_75 : memref<1024xf32, #tpu.memory_space<hbm>>) target(%dma_start3A_72 : memref<1024xf32, #tpu.memory_space<vmem>>) target_semaphore(%arg12 : memref<!tpu.dma_semaphore, #tpu.memory_space<semaphore_mem>>)
    %dma_start3A_76 = arith.constant 0 : i32
    %dma_start3A_77 = arith.constant 2 : i32
    %dma_start3A_78 = arith.constant 0 : i32
    %dma_start3A_79 = tpu.memref_slice %arg10[%dma_start3A_76, %dma_start3A_77, %dma_start3A_78] : memref<2x4x1024xf32, #tpu.memory_space<vmem>> -> memref<1x1x1024xf32, #tpu.memory_space<vmem>>
    %dma_start3A_80 = tpu.memref_squeeze %dma_start3A_79 : memref<1x1x1024xf32, #tpu.memory_space<vmem>> -> memref<1024xf32, #tpu.memory_space<vmem>>
    %dma_start3A_81 = arith.constant 0 : i32
    %dma_start3A_82 = tpu.memref_slice %arg4[%select_n3A, %select_n3A_48, %dma_start3A_81] : memref<32x16x1024xf32, #tpu.memory_space<hbm>> -> memref<1x1x1024xf32, #tpu.memory_space<hbm>>
    %dma_start3A_83 = tpu.memref_squeeze %dma_start3A_82 : memref<1x1x1024xf32, #tpu.memory_space<hbm>> -> memref<1024xf32, #tpu.memory_space<hbm>>
    %dma_start3A_84 = arith.constant 0 : i32
    %dma_start3A_85 = tpu.memref_slice %arg10[%dma_start3A_76, %dma_start3A_77, %dma_start3A_84] : memref<2x4x1024xf32, #tpu.memory_space<vmem>> -> memref<1x1x1024xf32, #tpu.memory_space<vmem>>
    %dma_start3A_86 = tpu.memref_squeeze %dma_start3A_85 : memref<1x1x1024xf32, #tpu.memory_space<vmem>> -> memref<1024xf32, #tpu.memory_space<vmem>>
    %dma_start3A_87 = arith.constant 0 : i32
    %dma_start3A_88 = tpu.memref_slice %arg4[%select_n3A, %select_n3A_48, %dma_start3A_87] : memref<32x16x1024xf32, #tpu.memory_space<hbm>> -> memref<1x1x1024xf32, #tpu.memory_space<hbm>>
    %dma_start3A_89 = tpu.memref_squeeze %dma_start3A_88 : memref<1x1x1024xf32, #tpu.memory_space<hbm>> -> memref<1024xf32, #tpu.memory_space<hbm>>
    tpu.enqueue_dma source(%dma_start3A_89 : memref<1024xf32, #tpu.memory_space<hbm>>) target(%dma_start3A_86 : memref<1024xf32, #tpu.memory_space<vmem>>) target_semaphore(%arg12 : memref<!tpu.dma_semaphore, #tpu.memory_space<semaphore_mem>>)
    %dma_start3A_90 = arith.constant 0 : i32
    %dma_start3A_91 = arith.constant 3 : i32
    %dma_start3A_92 = arith.constant 0 : i32
    %dma_start3A_93 = tpu.memref_slice %arg10[%dma_start3A_90, %dma_start3A_91, %dma_start3A_92] : memref<2x4x1024xf32, #tpu.memory_space<vmem>> -> memref<1x1x1024xf32, #tpu.memory_space<vmem>>
    %dma_start3A_94 = tpu.memref_squeeze %dma_start3A_93 : memref<1x1x1024xf32, #tpu.memory_space<vmem>> -> memref<1024xf32, #tpu.memory_space<vmem>>
    %dma_start3A_95 = arith.constant 0 : i32
    %dma_start3A_96 = tpu.memref_slice %arg5[%select_n3A, %select_n3A_48, %dma_start3A_95] : memref<32x16x1024xf32, #tpu.memory_space<hbm>> -> memref<1x1x1024xf32, #tpu.memory_space<hbm>>
    %dma_start3A_97 = tpu.memref_squeeze %dma_start3A_96 : memref<1x1x1024xf32, #tpu.memory_space<hbm>> -> memref<1024xf32, #tpu.memory_space<hbm>>
    %dma_start3A_98 = arith.constant 0 : i32
    %dma_start3A_99 = tpu.memref_slice %arg10[%dma_start3A_90, %dma_start3A_91, %dma_start3A_98] : memref<2x4x1024xf32, #tpu.memory_space<vmem>> -> memref<1x1x1024xf32, #tpu.memory_space<vmem>>
    %dma_start3A_100 = tpu.memref_squeeze %dma_start3A_99 : memref<1x1x1024xf32, #tpu.memory_space<vmem>> -> memref<1024xf32, #tpu.memory_space<vmem>>
    %dma_start3A_101 = arith.constant 0 : i32
    %dma_start3A_102 = tpu.memref_slice %arg5[%select_n3A, %select_n3A_48, %dma_start3A_101] : memref<32x16x1024xf32, #tpu.memory_space<hbm>> -> memref<1x1x1024xf32, #tpu.memory_space<hbm>>
    %dma_start3A_103 = tpu.memref_squeeze %dma_start3A_102 : memref<1x1x1024xf32, #tpu.memory_space<hbm>> -> memref<1024xf32, #tpu.memory_space<hbm>>
    tpu.enqueue_dma source(%dma_start3A_103 : memref<1024xf32, #tpu.memory_space<hbm>>) target(%dma_start3A_100 : memref<1024xf32, #tpu.memory_space<vmem>>) target_semaphore(%arg12 : memref<!tpu.dma_semaphore, #tpu.memory_space<semaphore_mem>>)
    %scan3A_104 = arith.constant 0 : i32
    %scan3A_105 = arith.constant 8 : i32
    %scan3A_106 = arith.addi %scan3A_104, %scan3A_105 : i32
    %scan3A_107 = arith.constant 1 : i32
    scf.for %scan3A_162 = %scan3A_104 to %scan3A_106 step %scan3A_107  : i32 {
      %mul3A_163 = arith.constant 2 : i32
      %mul3A_164 = arith.muli %scan3A_162, %mul3A_163 : i32
      %add3A_165 = arith.constant 0 : i32
      %add3A_166 = arith.addi %add3A_165, %mul3A_164 : i32
      %add3A_167 = arith.constant 0 : i32
      %add3A_168 = arith.addi %add3A_166, %add3A_167 : i32
      %add3A_169 = arith.addi %mul3A_2, %add3A_168 : i32
      %jit3A_170 = arith.constant 16 : i32
      %div3A_171 = arith.divsi %add3A_169, %jit3A_170 : i32
      %sign3A_172 = arith.constant 0 : i32
      %sign3A_173 = arith.cmpi sgt, %add3A_169, %sign3A_172 : i32
      %sign3A_174 = arith.extui %sign3A_173 : i1 to i32
      %sign3A_175 = arith.constant 0 : i32
      %sign3A_176 = arith.cmpi slt, %add3A_169, %sign3A_175 : i32
      %sign3A_177 = arith.extui %sign3A_176 : i1 to i32
      %sign3A_178 = arith.subi %sign3A_174, %sign3A_177 : i32
      %sign3A_179 = arith.constant 0 : i32
      %sign3A_180 = arith.cmpi sgt, %jit3A_170, %sign3A_179 : i32
      %sign3A_181 = arith.extui %sign3A_180 : i1 to i32
      %sign3A_182 = arith.constant 0 : i32
      %sign3A_183 = arith.cmpi slt, %jit3A_170, %sign3A_182 : i32
      %sign3A_184 = arith.extui %sign3A_183 : i1 to i32
      %sign3A_185 = arith.subi %sign3A_181, %sign3A_184 : i32
      %ne3A_186 = arith.cmpi ne, %sign3A_178, %sign3A_185 : i32
      %rem3A_187 = arith.remsi %add3A_169, %jit3A_170 : i32
      %ne3A_188 = arith.constant 0 : i32
      %ne3A_189 = arith.cmpi ne, %rem3A_187, %ne3A_188 : i32
      %and3A_190 = arith.andi %ne3A_186, %ne3A_189 : i1
      %sub3A_191 = arith.constant 1 : i32
      %sub3A_192 = arith.subi %div3A_171, %sub3A_191 : i32
      %select_n3A_193 = arith.select %and3A_190, %sub3A_192, %div3A_171 : i32
      %jit3A_194 = arith.constant 16 : i32
      %eq3A_195 = arith.constant 0 : i32
      %eq3A_196 = arith.cmpi eq, %jit3A_194, %eq3A_195 : i32
      %jit3A_197 = arith.constant 1 : i32
      %select_n3A_198 = arith.select %eq3A_196, %jit3A_197, %jit3A_194 : i32
      %rem3A_199 = arith.remsi %add3A_169, %select_n3A_198 : i32
      %ne3A_200 = arith.constant 0 : i32
      %ne3A_201 = arith.cmpi ne, %rem3A_199, %ne3A_200 : i32
      %lt3A_202 = arith.constant 0 : i32
      %lt3A_203 = arith.cmpi slt, %rem3A_199, %lt3A_202 : i32
      %lt3A_204 = arith.constant 0 : i32
      %lt3A_205 = arith.cmpi slt, %select_n3A_198, %lt3A_204 : i32
      %ne3A_206 = arith.xori %lt3A_203, %lt3A_205 : i1
      %and3A_207 = arith.andi %ne3A_206, %ne3A_201 : i1
      %add3A_208 = arith.addi %rem3A_199, %select_n3A_198 : i32
      %select_n3A_209 = arith.select %and3A_207, %add3A_208, %rem3A_199 : i32
      %dma_wait3A_210 = arith.constant 0 : i32
      %dma_wait3A_211 = arith.constant 0 : i32
      %dma_wait3A_212 = arith.constant 0 : i32
      %dma_wait3A_213 = tpu.memref_slice %arg10[%dma_wait3A_210, %dma_wait3A_211, %dma_wait3A_212] : memref<2x4x1024xf32, #tpu.memory_space<vmem>> -> memref<1x1x1024xf32, #tpu.memory_space<vmem>>
      %dma_wait3A_214 = tpu.memref_squeeze %dma_wait3A_213 : memref<1x1x1024xf32, #tpu.memory_space<vmem>> -> memref<1024xf32, #tpu.memory_space<vmem>>
      %dma_wait3A_215 = arith.constant 0 : i32
      %dma_wait3A_216 = tpu.memref_slice %arg2[%select_n3A_193, %select_n3A_209, %dma_wait3A_215] : memref<32x16x1024xf32, #tpu.memory_space<hbm>> -> memref<1x1x1024xf32, #tpu.memory_space<hbm>>
      %dma_wait3A_217 = tpu.memref_squeeze %dma_wait3A_216 : memref<1x1x1024xf32, #tpu.memory_space<hbm>> -> memref<1024xf32, #tpu.memory_space<hbm>>
      %dma_wait3A_218 = arith.constant 0 : i32
      %dma_wait3A_219 = tpu.memref_slice %arg10[%dma_wait3A_210, %dma_wait3A_211, %dma_wait3A_218] : memref<2x4x1024xf32, #tpu.memory_space<vmem>> -> memref<1x1x1024xf32, #tpu.memory_space<vmem>>
      %dma_wait3A_220 = tpu.memref_squeeze %dma_wait3A_219 : memref<1x1x1024xf32, #tpu.memory_space<vmem>> -> memref<1024xf32, #tpu.memory_space<vmem>>
      %dma_wait3A_221 = arith.constant 0 : i32
      %dma_wait3A_222 = tpu.memref_slice %arg2[%select_n3A_193, %select_n3A_209, %dma_wait3A_221] : memref<32x16x1024xf32, #tpu.memory_space<hbm>> -> memref<1x1x1024xf32, #tpu.memory_space<hbm>>
      %dma_wait3A_223 = tpu.memref_squeeze %dma_wait3A_222 : memref<1x1x1024xf32, #tpu.memory_space<hbm>> -> memref<1024xf32, #tpu.memory_space<hbm>>
      tpu.wait_dma2 semaphore(%arg12 : memref<!tpu.dma_semaphore, #tpu.memory_space<semaphore_mem>>) src(%dma_wait3A_223 : memref<1024xf32, #tpu.memory_space<hbm>>) dst(%dma_wait3A_220 : memref<1024xf32, #tpu.memory_space<vmem>>)
      %dma_wait3A_224 = arith.constant 0 : i32
      %dma_wait3A_225 = arith.constant 1 : i32
      %dma_wait3A_226 = arith.constant 0 : i32
      %dma_wait3A_227 = tpu.memref_slice %arg10[%dma_wait3A_224, %dma_wait3A_225, %dma_wait3A_226] : memref<2x4x1024xf32, #tpu.memory_space<vmem>> -> memref<1x1x1024xf32, #tpu.memory_space<vmem>>
      %dma_wait3A_228 = tpu.memref_squeeze %dma_wait3A_227 : memref<1x1x1024xf32, #tpu.memory_space<vmem>> -> memref<1024xf32, #tpu.memory_space<vmem>>
      %dma_wait3A_229 = arith.constant 0 : i32
      %dma_wait3A_230 = tpu.memref_slice %arg3[%select_n3A_193, %select_n3A_209, %dma_wait3A_229] : memref<32x16x1024xf32, #tpu.memory_space<hbm>> -> memref<1x1x1024xf32, #tpu.memory_space<hbm>>
      %dma_wait3A_231 = tpu.memref_squeeze %dma_wait3A_230 : memref<1x1x1024xf32, #tpu.memory_space<hbm>> -> memref<1024xf32, #tpu.memory_space<hbm>>
      %dma_wait3A_232 = arith.constant 0 : i32
      %dma_wait3A_233 = tpu.memref_slice %arg10[%dma_wait3A_224, %dma_wait3A_225, %dma_wait3A_232] : memref<2x4x1024xf32, #tpu.memory_space<vmem>> -> memref<1x1x1024xf32, #tpu.memory_space<vmem>>
      %dma_wait3A_234 = tpu.memref_squeeze %dma_wait3A_233 : memref<1x1x1024xf32, #tpu.memory_space<vmem>> -> memref<1024xf32, #tpu.memory_space<vmem>>
      %dma_wait3A_235 = arith.constant 0 : i32
      %dma_wait3A_236 = tpu.memref_slice %arg3[%select_n3A_193, %select_n3A_209, %dma_wait3A_235] : memref<32x16x1024xf32, #tpu.memory_space<hbm>> -> memref<1x1x1024xf32, #tpu.memory_space<hbm>>
      %dma_wait3A_237 = tpu.memref_squeeze %dma_wait3A_236 : memref<1x1x1024xf32, #tpu.memory_space<hbm>> -> memref<1024xf32, #tpu.memory_space<hbm>>
      tpu.wait_dma2 semaphore(%arg12 : memref<!tpu.dma_semaphore, #tpu.memory_space<semaphore_mem>>) src(%dma_wait3A_237 : memref<1024xf32, #tpu.memory_space<hbm>>) dst(%dma_wait3A_234 : memref<1024xf32, #tpu.memory_space<vmem>>)
      %dma_wait3A_238 = arith.constant 0 : i32
      %dma_wait3A_239 = arith.constant 2 : i32
      %dma_wait3A_240 = arith.constant 0 : i32
      %dma_wait3A_241 = tpu.memref_slice %arg10[%dma_wait3A_238, %dma_wait3A_239, %dma_wait3A_240] : memref<2x4x1024xf32, #tpu.memory_space<vmem>> -> memref<1x1x1024xf32, #tpu.memory_space<vmem>>
      %dma_wait3A_242 = tpu.memref_squeeze %dma_wait3A_241 : memref<1x1x1024xf32, #tpu.memory_space<vmem>> -> memref<1024xf32, #tpu.memory_space<vmem>>
      %dma_wait3A_243 = arith.constant 0 : i32
      %dma_wait3A_244 = tpu.memref_slice %arg4[%select_n3A_193, %select_n3A_209, %dma_wait3A_243] : memref<32x16x1024xf32, #tpu.memory_space<hbm>> -> memref<1x1x1024xf32, #tpu.memory_space<hbm>>
      %dma_wait3A_245 = tpu.memref_squeeze %dma_wait3A_244 : memref<1x1x1024xf32, #tpu.memory_space<hbm>> -> memref<1024xf32, #tpu.memory_space<hbm>>
      %dma_wait3A_246 = arith.constant 0 : i32
      %dma_wait3A_247 = tpu.memref_slice %arg10[%dma_wait3A_238, %dma_wait3A_239, %dma_wait3A_246] : memref<2x4x1024xf32, #tpu.memory_space<vmem>> -> memref<1x1x1024xf32, #tpu.memory_space<vmem>>
      %dma_wait3A_248 = tpu.memref_squeeze %dma_wait3A_247 : memref<1x1x1024xf32, #tpu.memory_space<vmem>> -> memref<1024xf32, #tpu.memory_space<vmem>>
      %dma_wait3A_249 = arith.constant 0 : i32
      %dma_wait3A_250 = tpu.memref_slice %arg4[%select_n3A_193, %select_n3A_209, %dma_wait3A_249] : memref<32x16x1024xf32, #tpu.memory_space<hbm>> -> memref<1x1x1024xf32, #tpu.memory_space<hbm>>
      %dma_wait3A_251 = tpu.memref_squeeze %dma_wait3A_250 : memref<1x1x1024xf32, #tpu.memory_space<hbm>> -> memref<1024xf32, #tpu.memory_space<hbm>>
      tpu.wait_dma2 semaphore(%arg12 : memref<!tpu.dma_semaphore, #tpu.memory_space<semaphore_mem>>) src(%dma_wait3A_251 : memref<1024xf32, #tpu.memory_space<hbm>>) dst(%dma_wait3A_248 : memref<1024xf32, #tpu.memory_space<vmem>>)
      %dma_wait3A_252 = arith.constant 0 : i32
      %dma_wait3A_253 = arith.constant 3 : i32
      %dma_wait3A_254 = arith.constant 0 : i32
      %dma_wait3A_255 = tpu.memref_slice %arg10[%dma_wait3A_252, %dma_wait3A_253, %dma_wait3A_254] : memref<2x4x1024xf32, #tpu.memory_space<vmem>> -> memref<1x1x1024xf32, #tpu.memory_space<vmem>>
      %dma_wait3A_256 = tpu.memref_squeeze %dma_wait3A_255 : memref<1x1x1024xf32, #tpu.memory_space<vmem>> -> memref<1024xf32, #tpu.memory_space<vmem>>
      %dma_wait3A_257 = arith.constant 0 : i32
      %dma_wait3A_258 = tpu.memref_slice %arg5[%select_n3A_193, %select_n3A_209, %dma_wait3A_257] : memref<32x16x1024xf32, #tpu.memory_space<hbm>> -> memref<1x1x1024xf32, #tpu.memory_space<hbm>>
      %dma_wait3A_259 = tpu.memref_squeeze %dma_wait3A_258 : memref<1x1x1024xf32, #tpu.memory_space<hbm>> -> memref<1024xf32, #tpu.memory_space<hbm>>
      %dma_wait3A_260 = arith.constant 0 : i32
      %dma_wait3A_261 = tpu.memref_slice %arg10[%dma_wait3A_252, %dma_wait3A_253, %dma_wait3A_260] : memref<2x4x1024xf32, #tpu.memory_space<vmem>> -> memref<1x1x1024xf32, #tpu.memory_space<vmem>>
      %dma_wait3A_262 = tpu.memref_squeeze %dma_wait3A_261 : memref<1x1x1024xf32, #tpu.memory_space<vmem>> -> memref<1024xf32, #tpu.memory_space<vmem>>
      %dma_wait3A_263 = arith.constant 0 : i32
      %dma_wait3A_264 = tpu.memref_slice %arg5[%select_n3A_193, %select_n3A_209, %dma_wait3A_263] : memref<32x16x1024xf32, #tpu.memory_space<hbm>> -> memref<1x1x1024xf32, #tpu.memory_space<hbm>>
      %dma_wait3A_265 = tpu.memref_squeeze %dma_wait3A_264 : memref<1x1x1024xf32, #tpu.memory_space<hbm>> -> memref<1024xf32, #tpu.memory_space<hbm>>
      tpu.wait_dma2 semaphore(%arg12 : memref<!tpu.dma_semaphore, #tpu.memory_space<semaphore_mem>>) src(%dma_wait3A_265 : memref<1024xf32, #tpu.memory_space<hbm>>) dst(%dma_wait3A_262 : memref<1024xf32, #tpu.memory_space<vmem>>)
      %add3A_266 = arith.constant 1 : i32
      %add3A_267 = arith.addi %add3A_168, %add3A_266 : i32
      %lt3A_268 = arith.constant 16 : i32
      %lt3A_269 = arith.cmpi slt, %add3A_267, %lt3A_268 : i32
      %convert_element_type3A = arith.extui %lt3A_269 : i1 to i32
      %cond3A = arith.constant 0 : i32
      %cond3A_270 = arith.cmpi ne, %convert_element_type3A, %cond3A : i32
      scf.if %cond3A_270 {
        %add3A_433 = arith.constant 1 : i32
        %add3A_434 = arith.addi %add3A_169, %add3A_433 : i32
        %jit3A_435 = arith.constant 16 : i32
        %div3A_436 = arith.divsi %add3A_434, %jit3A_435 : i32
        %sign3A_437 = arith.constant 0 : i32
        %sign3A_438 = arith.cmpi sgt, %add3A_434, %sign3A_437 : i32
        %sign3A_439 = arith.extui %sign3A_438 : i1 to i32
        %sign3A_440 = arith.constant 0 : i32
        %sign3A_441 = arith.cmpi slt, %add3A_434, %sign3A_440 : i32
        %sign3A_442 = arith.extui %sign3A_441 : i1 to i32
        %sign3A_443 = arith.subi %sign3A_439, %sign3A_442 : i32
        %sign3A_444 = arith.constant 0 : i32
        %sign3A_445 = arith.cmpi sgt, %jit3A_435, %sign3A_444 : i32
        %sign3A_446 = arith.extui %sign3A_445 : i1 to i32
        %sign3A_447 = arith.constant 0 : i32
        %sign3A_448 = arith.cmpi slt, %jit3A_435, %sign3A_447 : i32
        %sign3A_449 = arith.extui %sign3A_448 : i1 to i32
        %sign3A_450 = arith.subi %sign3A_446, %sign3A_449 : i32
        %ne3A_451 = arith.cmpi ne, %sign3A_443, %sign3A_450 : i32
        %rem3A_452 = arith.remsi %add3A_434, %jit3A_435 : i32
        %ne3A_453 = arith.constant 0 : i32
        %ne3A_454 = arith.cmpi ne, %rem3A_452, %ne3A_453 : i32
        %and3A_455 = arith.andi %ne3A_451, %ne3A_454 : i1
        %sub3A_456 = arith.constant 1 : i32
        %sub3A_457 = arith.subi %div3A_436, %sub3A_456 : i32
        %select_n3A_458 = arith.select %and3A_455, %sub3A_457, %div3A_436 : i32
        %jit3A_459 = arith.constant 16 : i32
        %eq3A_460 = arith.constant 0 : i32
        %eq3A_461 = arith.cmpi eq, %jit3A_459, %eq3A_460 : i32
        %jit3A_462 = arith.constant 1 : i32
        %select_n3A_463 = arith.select %eq3A_461, %jit3A_462, %jit3A_459 : i32
        %rem3A_464 = arith.remsi %add3A_434, %select_n3A_463 : i32
        %ne3A_465 = arith.constant 0 : i32
        %ne3A_466 = arith.cmpi ne, %rem3A_464, %ne3A_465 : i32
        %lt3A_467 = arith.constant 0 : i32
        %lt3A_468 = arith.cmpi slt, %rem3A_464, %lt3A_467 : i32
        %lt3A_469 = arith.constant 0 : i32
        %lt3A_470 = arith.cmpi slt, %select_n3A_463, %lt3A_469 : i32
        %ne3A_471 = arith.xori %lt3A_468, %lt3A_470 : i1
        %and3A_472 = arith.andi %ne3A_471, %ne3A_466 : i1
        %add3A_473 = arith.addi %rem3A_464, %select_n3A_463 : i32
        %select_n3A_474 = arith.select %and3A_472, %add3A_473, %rem3A_464 : i32
        %dma_start3A_475 = arith.constant 1 : i32
        %dma_start3A_476 = arith.constant 0 : i32
        %dma_start3A_477 = arith.constant 0 : i32
        %dma_start3A_478 = tpu.memref_slice %arg10[%dma_start3A_475, %dma_start3A_476, %dma_start3A_477] : memref<2x4x1024xf32, #tpu.memory_space<vmem>> -> memref<1x1x1024xf32, #tpu.memory_space<vmem>>
        %dma_start3A_479 = tpu.memref_squeeze %dma_start3A_478 : memref<1x1x1024xf32, #tpu.memory_space<vmem>> -> memref<1024xf32, #tpu.memory_space<vmem>>
        %dma_start3A_480 = arith.constant 0 : i32
        %dma_start3A_481 = tpu.memref_slice %arg2[%select_n3A_458, %select_n3A_474, %dma_start3A_480] : memref<32x16x1024xf32, #tpu.memory_space<hbm>> -> memref<1x1x1024xf32, #tpu.memory_space<hbm>>
        %dma_start3A_482 = tpu.memref_squeeze %dma_start3A_481 : memref<1x1x1024xf32, #tpu.memory_space<hbm>> -> memref<1024xf32, #tpu.memory_space<hbm>>
        %dma_start3A_483 = arith.constant 0 : i32
        %dma_start3A_484 = tpu.memref_slice %arg10[%dma_start3A_475, %dma_start3A_476, %dma_start3A_483] : memref<2x4x1024xf32, #tpu.memory_space<vmem>> -> memref<1x1x1024xf32, #tpu.memory_space<vmem>>
        %dma_start3A_485 = tpu.memref_squeeze %dma_start3A_484 : memref<1x1x1024xf32, #tpu.memory_space<vmem>> -> memref<1024xf32, #tpu.memory_space<vmem>>
        %dma_start3A_486 = arith.constant 0 : i32
        %dma_start3A_487 = tpu.memref_slice %arg2[%select_n3A_458, %select_n3A_474, %dma_start3A_486] : memref<32x16x1024xf32, #tpu.memory_space<hbm>> -> memref<1x1x1024xf32, #tpu.memory_space<hbm>>
        %dma_start3A_488 = tpu.memref_squeeze %dma_start3A_487 : memref<1x1x1024xf32, #tpu.memory_space<hbm>> -> memref<1024xf32, #tpu.memory_space<hbm>>
        tpu.enqueue_dma source(%dma_start3A_488 : memref<1024xf32, #tpu.memory_space<hbm>>) target(%dma_start3A_485 : memref<1024xf32, #tpu.memory_space<vmem>>) target_semaphore(%arg13 : memref<!tpu.dma_semaphore, #tpu.memory_space<semaphore_mem>>)
        %dma_start3A_489 = arith.constant 1 : i32
        %dma_start3A_490 = arith.constant 1 : i32
        %dma_start3A_491 = arith.constant 0 : i32
        %dma_start3A_492 = tpu.memref_slice %arg10[%dma_start3A_489, %dma_start3A_490, %dma_start3A_491] : memref<2x4x1024xf32, #tpu.memory_space<vmem>> -> memref<1x1x1024xf32, #tpu.memory_space<vmem>>
        %dma_start3A_493 = tpu.memref_squeeze %dma_start3A_492 : memref<1x1x1024xf32, #tpu.memory_space<vmem>> -> memref<1024xf32, #tpu.memory_space<vmem>>
        %dma_start3A_494 = arith.constant 0 : i32
        %dma_start3A_495 = tpu.memref_slice %arg3[%select_n3A_458, %select_n3A_474, %dma_start3A_494] : memref<32x16x1024xf32, #tpu.memory_space<hbm>> -> memref<1x1x1024xf32, #tpu.memory_space<hbm>>
        %dma_start3A_496 = tpu.memref_squeeze %dma_start3A_495 : memref<1x1x1024xf32, #tpu.memory_space<hbm>> -> memref<1024xf32, #tpu.memory_space<hbm>>
        %dma_start3A_497 = arith.constant 0 : i32
        %dma_start3A_498 = tpu.memref_slice %arg10[%dma_start3A_489, %dma_start3A_490, %dma_start3A_497] : memref<2x4x1024xf32, #tpu.memory_space<vmem>> -> memref<1x1x1024xf32, #tpu.memory_space<vmem>>
        %dma_start3A_499 = tpu.memref_squeeze %dma_start3A_498 : memref<1x1x1024xf32, #tpu.memory_space<vmem>> -> memref<1024xf32, #tpu.memory_space<vmem>>
        %dma_start3A_500 = arith.constant 0 : i32
        %dma_start3A_501 = tpu.memref_slice %arg3[%select_n3A_458, %select_n3A_474, %dma_start3A_500] : memref<32x16x1024xf32, #tpu.memory_space<hbm>> -> memref<1x1x1024xf32, #tpu.memory_space<hbm>>
        %dma_start3A_502 = tpu.memref_squeeze %dma_start3A_501 : memref<1x1x1024xf32, #tpu.memory_space<hbm>> -> memref<1024xf32, #tpu.memory_space<hbm>>
        tpu.enqueue_dma source(%dma_start3A_502 : memref<1024xf32, #tpu.memory_space<hbm>>) target(%dma_start3A_499 : memref<1024xf32, #tpu.memory_space<vmem>>) target_semaphore(%arg13 : memref<!tpu.dma_semaphore, #tpu.memory_space<semaphore_mem>>)
        %dma_start3A_503 = arith.constant 1 : i32
        %dma_start3A_504 = arith.constant 2 : i32
        %dma_start3A_505 = arith.constant 0 : i32
        %dma_start3A_506 = tpu.memref_slice %arg10[%dma_start3A_503, %dma_start3A_504, %dma_start3A_505] : memref<2x4x1024xf32, #tpu.memory_space<vmem>> -> memref<1x1x1024xf32, #tpu.memory_space<vmem>>
        %dma_start3A_507 = tpu.memref_squeeze %dma_start3A_506 : memref<1x1x1024xf32, #tpu.memory_space<vmem>> -> memref<1024xf32, #tpu.memory_space<vmem>>
        %dma_start3A_508 = arith.constant 0 : i32
        %dma_start3A_509 = tpu.memref_slice %arg4[%select_n3A_458, %select_n3A_474, %dma_start3A_508] : memref<32x16x1024xf32, #tpu.memory_space<hbm>> -> memref<1x1x1024xf32, #tpu.memory_space<hbm>>
        %dma_start3A_510 = tpu.memref_squeeze %dma_start3A_509 : memref<1x1x1024xf32, #tpu.memory_space<hbm>> -> memref<1024xf32, #tpu.memory_space<hbm>>
        %dma_start3A_511 = arith.constant 0 : i32
        %dma_start3A_512 = tpu.memref_slice %arg10[%dma_start3A_503, %dma_start3A_504, %dma_start3A_511] : memref<2x4x1024xf32, #tpu.memory_space<vmem>> -> memref<1x1x1024xf32, #tpu.memory_space<vmem>>
        %dma_start3A_513 = tpu.memref_squeeze %dma_start3A_512 : memref<1x1x1024xf32, #tpu.memory_space<vmem>> -> memref<1024xf32, #tpu.memory_space<vmem>>
        %dma_start3A_514 = arith.constant 0 : i32
        %dma_start3A_515 = tpu.memref_slice %arg4[%select_n3A_458, %select_n3A_474, %dma_start3A_514] : memref<32x16x1024xf32, #tpu.memory_space<hbm>> -> memref<1x1x1024xf32, #tpu.memory_space<hbm>>
        %dma_start3A_516 = tpu.memref_squeeze %dma_start3A_515 : memref<1x1x1024xf32, #tpu.memory_space<hbm>> -> memref<1024xf32, #tpu.memory_space<hbm>>
        tpu.enqueue_dma source(%dma_start3A_516 : memref<1024xf32, #tpu.memory_space<hbm>>) target(%dma_start3A_513 : memref<1024xf32, #tpu.memory_space<vmem>>) target_semaphore(%arg13 : memref<!tpu.dma_semaphore, #tpu.memory_space<semaphore_mem>>)
        %dma_start3A_517 = arith.constant 1 : i32
        %dma_start3A_518 = arith.constant 3 : i32
        %dma_start3A_519 = arith.constant 0 : i32
        %dma_start3A_520 = tpu.memref_slice %arg10[%dma_start3A_517, %dma_start3A_518, %dma_start3A_519] : memref<2x4x1024xf32, #tpu.memory_space<vmem>> -> memref<1x1x1024xf32, #tpu.memory_space<vmem>>
        %dma_start3A_521 = tpu.memref_squeeze %dma_start3A_520 : memref<1x1x1024xf32, #tpu.memory_space<vmem>> -> memref<1024xf32, #tpu.memory_space<vmem>>
        %dma_start3A_522 = arith.constant 0 : i32
        %dma_start3A_523 = tpu.memref_slice %arg5[%select_n3A_458, %select_n3A_474, %dma_start3A_522] : memref<32x16x1024xf32, #tpu.memory_space<hbm>> -> memref<1x1x1024xf32, #tpu.memory_space<hbm>>
        %dma_start3A_524 = tpu.memref_squeeze %dma_start3A_523 : memref<1x1x1024xf32, #tpu.memory_space<hbm>> -> memref<1024xf32, #tpu.memory_space<hbm>>
        %dma_start3A_525 = arith.constant 0 : i32
        %dma_start3A_526 = tpu.memref_slice %arg10[%dma_start3A_517, %dma_start3A_518, %dma_start3A_525] : memref<2x4x1024xf32, #tpu.memory_space<vmem>> -> memref<1x1x1024xf32, #tpu.memory_space<vmem>>
        %dma_start3A_527 = tpu.memref_squeeze %dma_start3A_526 : memref<1x1x1024xf32, #tpu.memory_space<vmem>> -> memref<1024xf32, #tpu.memory_space<vmem>>
        %dma_start3A_528 = arith.constant 0 : i32
        %dma_start3A_529 = tpu.memref_slice %arg5[%select_n3A_458, %select_n3A_474, %dma_start3A_528] : memref<32x16x1024xf32, #tpu.memory_space<hbm>> -> memref<1x1x1024xf32, #tpu.memory_space<hbm>>
        %dma_start3A_530 = tpu.memref_squeeze %dma_start3A_529 : memref<1x1x1024xf32, #tpu.memory_space<hbm>> -> memref<1024xf32, #tpu.memory_space<hbm>>
        tpu.enqueue_dma source(%dma_start3A_530 : memref<1024xf32, #tpu.memory_space<hbm>>) target(%dma_start3A_527 : memref<1024xf32, #tpu.memory_space<vmem>>) target_semaphore(%arg13 : memref<!tpu.dma_semaphore, #tpu.memory_space<semaphore_mem>>)
      } else {
      }
      %ge3A = arith.constant 2 : i32
      %ge3A_271 = arith.cmpi sge, %add3A_168, %ge3A : i32
      %convert_element_type3A_272 = arith.extui %ge3A_271 : i1 to i32
      %cond3A_273 = arith.constant 0 : i32
      %cond3A_274 = arith.cmpi ne, %convert_element_type3A_272, %cond3A_273 : i32
      scf.if %cond3A_274 {
        %dma_wait3A_433 = arith.constant 0 : i32
        %dma_wait3A_434 = arith.constant 0 : i32
        %dma_wait3A_435 = arith.constant 0 : i32
        %dma_wait3A_436 = arith.constant 0 : i32
        %dma_wait3A_437 = tpu.memref_slice %arg11[%dma_wait3A_433, %dma_wait3A_434, %dma_wait3A_435, %dma_wait3A_436] : memref<2x4x8x128xf32, #tpu.memory_space<vmem>> -> memref<1x4x8x128xf32, #tpu.memory_space<vmem>>
        %dma_wait3A_438 = tpu.memref_squeeze %dma_wait3A_437 : memref<1x4x8x128xf32, #tpu.memory_space<vmem>> -> memref<4x8x128xf32, #tpu.memory_space<vmem>>
        %dma_wait3A_439 = arith.constant 0 : i32
        %dma_wait3A_440 = arith.constant 0 : i32
        %dma_wait3A_441 = arith.constant 0 : i32
        %dma_wait3A_442 = tpu.memref_slice %arg8[%add3A_169, %dma_wait3A_439, %dma_wait3A_440, %dma_wait3A_441] : memref<512x4x8x128xf32, #tpu.memory_space<hbm>> -> memref<1x4x8x128xf32, #tpu.memory_space<hbm>>
        %dma_wait3A_443 = tpu.memref_squeeze %dma_wait3A_442 : memref<1x4x8x128xf32, #tpu.memory_space<hbm>> -> memref<4x8x128xf32, #tpu.memory_space<hbm>>
        %dma_wait3A_444 = arith.constant 0 : i32
        %dma_wait3A_445 = arith.constant 0 : i32
        %dma_wait3A_446 = arith.constant 0 : i32
        %dma_wait3A_447 = tpu.memref_slice %arg8[%add3A_169, %dma_wait3A_444, %dma_wait3A_445, %dma_wait3A_446] : memref<512x4x8x128xf32, #tpu.memory_space<hbm>> -> memref<1x4x8x128xf32, #tpu.memory_space<hbm>>
        %dma_wait3A_448 = tpu.memref_squeeze %dma_wait3A_447 : memref<1x4x8x128xf32, #tpu.memory_space<hbm>> -> memref<4x8x128xf32, #tpu.memory_space<hbm>>
        %dma_wait3A_449 = arith.constant 0 : i32
        %dma_wait3A_450 = arith.constant 0 : i32
        %dma_wait3A_451 = arith.constant 0 : i32
        %dma_wait3A_452 = tpu.memref_slice %arg11[%dma_wait3A_433, %dma_wait3A_449, %dma_wait3A_450, %dma_wait3A_451] : memref<2x4x8x128xf32, #tpu.memory_space<vmem>> -> memref<1x4x8x128xf32, #tpu.memory_space<vmem>>
        %dma_wait3A_453 = tpu.memref_squeeze %dma_wait3A_452 : memref<1x4x8x128xf32, #tpu.memory_space<vmem>> -> memref<4x8x128xf32, #tpu.memory_space<vmem>>
        tpu.wait_dma2 semaphore(%arg14 : memref<!tpu.dma_semaphore, #tpu.memory_space<semaphore_mem>>) src(%dma_wait3A_453 : memref<4x8x128xf32, #tpu.memory_space<vmem>>) dst(%dma_wait3A_448 : memref<4x8x128xf32, #tpu.memory_space<hbm>>)
      } else {
      }
      %parallel_loop3A = arith.constant 0 : i32
      %parallel_loop3A_275 = arith.constant 64 : i32
      %parallel_loop3A_276 = arith.constant 1 : i32
      scf.for %parallel_loop3A_433 = %parallel_loop3A to %parallel_loop3A_275 step %parallel_loop3A_276  : i32 {
        %parallel_loop3A_434 = arith.constant 16 : i32
        %parallel_loop3A_435 = arith.muli %parallel_loop3A_433, %parallel_loop3A_434 : i32
        %parallel_loop3A_436 = arith.constant 8 : i32
        %parallel_loop3A_437 = arith.divsi %parallel_loop3A_433, %parallel_loop3A_436 : i32
        %parallel_loop3A_438 = arith.constant 0 : i32
        %parallel_loop3A_439 = arith.cmpi sgt, %parallel_loop3A_433, %parallel_loop3A_438 : i32
        %parallel_loop3A_440 = arith.extui %parallel_loop3A_439 : i1 to i32
        %parallel_loop3A_441 = arith.constant 0 : i32
        %parallel_loop3A_442 = arith.cmpi slt, %parallel_loop3A_433, %parallel_loop3A_441 : i32
        %parallel_loop3A_443 = arith.extui %parallel_loop3A_442 : i1 to i32
        %parallel_loop3A_444 = arith.subi %parallel_loop3A_440, %parallel_loop3A_443 : i32
        %parallel_loop3A_445 = arith.constant 0 : i32
        %parallel_loop3A_446 = arith.cmpi sgt, %parallel_loop3A_436, %parallel_loop3A_445 : i32
        %parallel_loop3A_447 = arith.extui %parallel_loop3A_446 : i1 to i32
        %parallel_loop3A_448 = arith.constant 0 : i32
        %parallel_loop3A_449 = arith.cmpi slt, %parallel_loop3A_436, %parallel_loop3A_448 : i32
        %parallel_loop3A_450 = arith.extui %parallel_loop3A_449 : i1 to i32
        %parallel_loop3A_451 = arith.subi %parallel_loop3A_447, %parallel_loop3A_450 : i32
        %parallel_loop3A_452 = arith.cmpi ne, %parallel_loop3A_444, %parallel_loop3A_451 : i32
        %parallel_loop3A_453 = arith.remsi %parallel_loop3A_433, %parallel_loop3A_436 : i32
        %parallel_loop3A_454 = arith.constant 0 : i32
        %parallel_loop3A_455 = arith.cmpi ne, %parallel_loop3A_453, %parallel_loop3A_454 : i32
        %parallel_loop3A_456 = arith.andi %parallel_loop3A_452, %parallel_loop3A_455 : i1
        %parallel_loop3A_457 = arith.constant 1 : i32
        %parallel_loop3A_458 = arith.subi %parallel_loop3A_437, %parallel_loop3A_457 : i32
        %parallel_loop3A_459 = arith.select %parallel_loop3A_456, %parallel_loop3A_458, %parallel_loop3A_437 : i32
        %parallel_loop3A_460 = arith.constant 8 : i32
        %parallel_loop3A_461 = arith.constant 0 : i32
        %parallel_loop3A_462 = arith.cmpi eq, %parallel_loop3A_460, %parallel_loop3A_461 : i32
        %parallel_loop3A_463 = arith.constant 1 : i32
        %parallel_loop3A_464 = arith.select %parallel_loop3A_462, %parallel_loop3A_463, %parallel_loop3A_460 : i32
        %parallel_loop3A_465 = arith.remsi %parallel_loop3A_433, %parallel_loop3A_464 : i32
        %parallel_loop3A_466 = arith.constant 0 : i32
        %parallel_loop3A_467 = arith.cmpi ne, %parallel_loop3A_465, %parallel_loop3A_466 : i32
        %parallel_loop3A_468 = arith.constant 0 : i32
        %parallel_loop3A_469 = arith.cmpi slt, %parallel_loop3A_465, %parallel_loop3A_468 : i32
        %parallel_loop3A_470 = arith.constant 0 : i32
        %parallel_loop3A_471 = arith.cmpi slt, %parallel_loop3A_464, %parallel_loop3A_470 : i32
        %parallel_loop3A_472 = arith.xori %parallel_loop3A_469, %parallel_loop3A_471 : i1
        %parallel_loop3A_473 = arith.andi %parallel_loop3A_472, %parallel_loop3A_467 : i1
        %parallel_loop3A_474 = arith.addi %parallel_loop3A_465, %parallel_loop3A_464 : i32
        %parallel_loop3A_475 = arith.select %parallel_loop3A_473, %parallel_loop3A_474, %parallel_loop3A_465 : i32
        %parallel_loop3A_476 = arith.constant 16 : i32
        %parallel_loop3A_477 = arith.muli %parallel_loop3A_475, %parallel_loop3A_476 : i32
        %parallel_loop3A_478 = arith.constant 0 : i32
        %parallel_loop3A_479 = arith.constant 0 : i32
        %parallel_loop3A_480 = arith.index_cast %parallel_loop3A_478 : i32 to index
        %parallel_loop3A_481 = arith.index_cast %parallel_loop3A_479 : i32 to index
        %parallel_loop3A_482 = arith.index_cast %parallel_loop3A_435 : i32 to index
        %parallel_loop3A_483 = tpu.vector_load %arg10[%parallel_loop3A_480, %parallel_loop3A_481, %parallel_loop3A_482] {strides = array<i32>} : memref<2x4x1024xf32, #tpu.memory_space<vmem>>, vector<1x1x16xf32>,
        %parallel_loop3A_484 = vector.shape_cast %parallel_loop3A_483 : vector<1x1x16xf32> to vector<16xf32>
        %parallel_loop3A_485 = arith.constant 0 : i32
        %parallel_loop3A_486 = arith.constant 1 : i32
        %parallel_loop3A_487 = arith.index_cast %parallel_loop3A_485 : i32 to index
        %parallel_loop3A_488 = arith.index_cast %parallel_loop3A_486 : i32 to index
        %parallel_loop3A_489 = arith.index_cast %parallel_loop3A_435 : i32 to index
        %parallel_loop3A_490 = tpu.vector_load %arg10[%parallel_loop3A_487, %parallel_loop3A_488, %parallel_loop3A_489] {strides = array<i32>} : memref<2x4x1024xf32, #tpu.memory_space<vmem>>, vector<1x1x16xf32>,
        %parallel_loop3A_491 = vector.shape_cast %parallel_loop3A_490 : vector<1x1x16xf32> to vector<16xf32>
        %parallel_loop3A_492 = arith.constant 0 : i32
        %parallel_loop3A_493 = arith.constant 2 : i32
        %parallel_loop3A_494 = arith.index_cast %parallel_loop3A_492 : i32 to index
        %parallel_loop3A_495 = arith.index_cast %parallel_loop3A_493 : i32 to index
        %parallel_loop3A_496 = arith.index_cast %parallel_loop3A_435 : i32 to index
        %parallel_loop3A_497 = tpu.vector_load %arg10[%parallel_loop3A_494, %parallel_loop3A_495, %parallel_loop3A_496] {strides = array<i32>} : memref<2x4x1024xf32, #tpu.memory_space<vmem>>, vector<1x1x16xf32>,
        %parallel_loop3A_498 = vector.shape_cast %parallel_loop3A_497 : vector<1x1x16xf32> to vector<16xf32>
        %parallel_loop3A_499 = arith.constant 0 : i32
        %parallel_loop3A_500 = arith.constant 3 : i32
        %parallel_loop3A_501 = arith.index_cast %parallel_loop3A_499 : i32 to index
        %parallel_loop3A_502 = arith.index_cast %parallel_loop3A_500 : i32 to index
        %parallel_loop3A_503 = arith.index_cast %parallel_loop3A_435 : i32 to index
        %parallel_loop3A_504 = tpu.vector_load %arg10[%parallel_loop3A_501, %parallel_loop3A_502, %parallel_loop3A_503] {strides = array<i32>} : memref<2x4x1024xf32, #tpu.memory_space<vmem>>, vector<1x1x16xf32>,
        %parallel_loop3A_505 = vector.shape_cast %parallel_loop3A_504 : vector<1x1x16xf32> to vector<16xf32>
        %parallel_loop3A_506 = arith.constant 0 : i32
        %parallel_loop3A_507 = arith.index_cast %parallel_loop3A_506 : i32 to index
        %parallel_loop3A_508 = arith.index_cast %parallel_loop3A_435 : i32 to index
        %parallel_loop3A_509 = tpu.vector_load %arg9[%parallel_loop3A_507, %parallel_loop3A_508] {strides = array<i32>} : memref<4x1024xf32, #tpu.memory_space<vmem>>, vector<1x16xf32>,
        %parallel_loop3A_510 = vector.shape_cast %parallel_loop3A_509 : vector<1x16xf32> to vector<16xf32>
        %parallel_loop3A_511 = arith.constant 1 : i32
        %parallel_loop3A_512 = arith.index_cast %parallel_loop3A_511 : i32 to index
        %parallel_loop3A_513 = arith.index_cast %parallel_loop3A_435 : i32 to index
        %parallel_loop3A_514 = tpu.vector_load %arg9[%parallel_loop3A_512, %parallel_loop3A_513] {strides = array<i32>} : memref<4x1024xf32, #tpu.memory_space<vmem>>, vector<1x16xf32>,
        %parallel_loop3A_515 = vector.shape_cast %parallel_loop3A_514 : vector<1x16xf32> to vector<16xf32>
        %parallel_loop3A_516 = arith.constant 2 : i32
        %parallel_loop3A_517 = arith.index_cast %parallel_loop3A_516 : i32 to index
        %parallel_loop3A_518 = arith.index_cast %parallel_loop3A_435 : i32 to index
        %parallel_loop3A_519 = tpu.vector_load %arg9[%parallel_loop3A_517, %parallel_loop3A_518] {strides = array<i32>} : memref<4x1024xf32, #tpu.memory_space<vmem>>, vector<1x16xf32>,
        %parallel_loop3A_520 = vector.shape_cast %parallel_loop3A_519 : vector<1x16xf32> to vector<16xf32>
        %parallel_loop3A_521 = arith.constant 3 : i32
        %parallel_loop3A_522 = arith.index_cast %parallel_loop3A_521 : i32 to index
        %parallel_loop3A_523 = arith.index_cast %parallel_loop3A_435 : i32 to index
        %parallel_loop3A_524 = tpu.vector_load %arg9[%parallel_loop3A_522, %parallel_loop3A_523] {strides = array<i32>} : memref<4x1024xf32, #tpu.memory_space<vmem>>, vector<1x16xf32>,
        %parallel_loop3A_525 = vector.shape_cast %parallel_loop3A_524 : vector<1x16xf32> to vector<16xf32>
        %parallel_loop3A_526 = arith.mulf %parallel_loop3A_484, %parallel_loop3A_510 : vector<16xf32>
        %parallel_loop3A_527 = arith.mulf %parallel_loop3A_491, %parallel_loop3A_515 : vector<16xf32>
        %parallel_loop3A_528 = arith.addf %parallel_loop3A_526, %parallel_loop3A_527 : vector<16xf32>
        %parallel_loop3A_529 = arith.mulf %parallel_loop3A_491, %parallel_loop3A_510 : vector<16xf32>
        %parallel_loop3A_530 = arith.mulf %parallel_loop3A_484, %parallel_loop3A_515 : vector<16xf32>
        %parallel_loop3A_531 = arith.subf %parallel_loop3A_529, %parallel_loop3A_530 : vector<16xf32>
        %parallel_loop3A_532 = arith.mulf %parallel_loop3A_498, %parallel_loop3A_520 : vector<16xf32>
        %parallel_loop3A_533 = arith.mulf %parallel_loop3A_505, %parallel_loop3A_525 : vector<16xf32>
        %parallel_loop3A_534 = arith.addf %parallel_loop3A_532, %parallel_loop3A_533 : vector<16xf32>
        %parallel_loop3A_535 = arith.mulf %parallel_loop3A_505, %parallel_loop3A_520 : vector<16xf32>
        %parallel_loop3A_536 = arith.mulf %parallel_loop3A_498, %parallel_loop3A_525 : vector<16xf32>
        %parallel_loop3A_537 = arith.subf %parallel_loop3A_535, %parallel_loop3A_536 : vector<16xf32>
        %parallel_loop3A_538 = arith.constant 0 : i32
        %parallel_loop3A_539 = arith.constant 0 : i32
        %parallel_loop3A_540 = arith.index_cast %parallel_loop3A_538 : i32 to index
        %parallel_loop3A_541 = arith.index_cast %parallel_loop3A_539 : i32 to index
        %parallel_loop3A_542 = arith.index_cast %parallel_loop3A_459 : i32 to index
        %parallel_loop3A_543 = arith.index_cast %parallel_loop3A_477 : i32 to index
        %parallel_loop3A_544 = tpu.vector_load %arg11[%parallel_loop3A_540, %parallel_loop3A_541, %parallel_loop3A_542, %parallel_loop3A_543] {strides = array<i32>} : memref<2x4x8x128xf32, #tpu.memory_space<vmem>>, vector<1x1x1x16xf32>,
        %parallel_loop3A_545 = vector.shape_cast %parallel_loop3A_544 : vector<1x1x1x16xf32> to vector<16xf32>
        %parallel_loop3A_546 = vector.shape_cast %parallel_loop3A_528 : vector<16xf32> to vector<1x1x1x16xf32>
        tpu.vector_store %arg11[%parallel_loop3A_540, %parallel_loop3A_541, %parallel_loop3A_542, %parallel_loop3A_543], %parallel_loop3A_546 {strides = array<i32>} : memref<2x4x8x128xf32, #tpu.memory_space<vmem>>, vector<1x1x1x16xf32>,
        %parallel_loop3A_547 = arith.constant 0 : i32
        %parallel_loop3A_548 = arith.constant 1 : i32
        %parallel_loop3A_549 = arith.index_cast %parallel_loop3A_547 : i32 to index
        %parallel_loop3A_550 = arith.index_cast %parallel_loop3A_548 : i32 to index
        %parallel_loop3A_551 = arith.index_cast %parallel_loop3A_459 : i32 to index
        %parallel_loop3A_552 = arith.index_cast %parallel_loop3A_477 : i32 to index
        %parallel_loop3A_553 = tpu.vector_load %arg11[%parallel_loop3A_549, %parallel_loop3A_550, %parallel_loop3A_551, %parallel_loop3A_552] {strides = array<i32>} : memref<2x4x8x128xf32, #tpu.memory_space<vmem>>, vector<1x1x1x16xf32>,
        %parallel_loop3A_554 = vector.shape_cast %parallel_loop3A_553 : vector<1x1x1x16xf32> to vector<16xf32>
        %parallel_loop3A_555 = vector.shape_cast %parallel_loop3A_531 : vector<16xf32> to vector<1x1x1x16xf32>
        tpu.vector_store %arg11[%parallel_loop3A_549, %parallel_loop3A_550, %parallel_loop3A_551, %parallel_loop3A_552], %parallel_loop3A_555 {strides = array<i32>} : memref<2x4x8x128xf32, #tpu.memory_space<vmem>>, vector<1x1x1x16xf32>,
        %parallel_loop3A_556 = arith.subf %parallel_loop3A_534, %parallel_loop3A_528 : vector<16xf32>
        %parallel_loop3A_557 = arith.constant 0.111111112 : f32
        %parallel_loop3A_558 = vector.broadcast %parallel_loop3A_557 : f32 to vector<16xf32>
        %parallel_loop3A_559 = arith.mulf %parallel_loop3A_556, %parallel_loop3A_558 : vector<16xf32>
        %parallel_loop3A_560 = arith.constant 0 : i32
        %parallel_loop3A_561 = arith.constant 2 : i32
        %parallel_loop3A_562 = arith.index_cast %parallel_loop3A_560 : i32 to index
        %parallel_loop3A_563 = arith.index_cast %parallel_loop3A_561 : i32 to index
        %parallel_loop3A_564 = arith.index_cast %parallel_loop3A_459 : i32 to index
        %parallel_loop3A_565 = arith.index_cast %parallel_loop3A_477 : i32 to index
        %parallel_loop3A_566 = tpu.vector_load %arg11[%parallel_loop3A_562, %parallel_loop3A_563, %parallel_loop3A_564, %parallel_loop3A_565] {strides = array<i32>} : memref<2x4x8x128xf32, #tpu.memory_space<vmem>>, vector<1x1x1x16xf32>,
        %parallel_loop3A_567 = vector.shape_cast %parallel_loop3A_566 : vector<1x1x1x16xf32> to vector<16xf32>
        %parallel_loop3A_568 = vector.shape_cast %parallel_loop3A_559 : vector<16xf32> to vector<1x1x1x16xf32>
        tpu.vector_store %arg11[%parallel_loop3A_562, %parallel_loop3A_563, %parallel_loop3A_564, %parallel_loop3A_565], %parallel_loop3A_568 {strides = array<i32>} : memref<2x4x8x128xf32, #tpu.memory_space<vmem>>, vector<1x1x1x16xf32>,
        %parallel_loop3A_569 = arith.subf %parallel_loop3A_537, %parallel_loop3A_531 : vector<16xf32>
        %parallel_loop3A_570 = arith.constant 0.111111112 : f32
        %parallel_loop3A_571 = vector.broadcast %parallel_loop3A_570 : f32 to vector<16xf32>
        %parallel_loop3A_572 = arith.mulf %parallel_loop3A_569, %parallel_loop3A_571 : vector<16xf32>
        %parallel_loop3A_573 = arith.constant 0 : i32
        %parallel_loop3A_574 = arith.constant 3 : i32
        %parallel_loop3A_575 = arith.index_cast %parallel_loop3A_573 : i32 to index
        %parallel_loop3A_576 = arith.index_cast %parallel_loop3A_574 : i32 to index
        %parallel_loop3A_577 = arith.index_cast %parallel_loop3A_459 : i32 to index
        %parallel_loop3A_578 = arith.index_cast %parallel_loop3A_477 : i32 to index
        %parallel_loop3A_579 = tpu.vector_load %arg11[%parallel_loop3A_575, %parallel_loop3A_576, %parallel_loop3A_577, %parallel_loop3A_578] {strides = array<i32>} : memref<2x4x8x128xf32, #tpu.memory_space<vmem>>, vector<1x1x1x16xf32>,
        %parallel_loop3A_580 = vector.shape_cast %parallel_loop3A_579 : vector<1x1x1x16xf32> to vector<16xf32>
        %parallel_loop3A_581 = vector.shape_cast %parallel_loop3A_572 : vector<16xf32> to vector<1x1x1x16xf32>
        tpu.vector_store %arg11[%parallel_loop3A_575, %parallel_loop3A_576, %parallel_loop3A_577, %parallel_loop3A_578], %parallel_loop3A_581 {strides = array<i32>} : memref<2x4x8x128xf32, #tpu.memory_space<vmem>>, vector<1x1x1x16xf32>,
      } {sc.loop_unroll_factor = 8 : i64, sc.parallel_access}
      %dma_start3A_277 = arith.constant 0 : i32
      %dma_start3A_278 = arith.constant 0 : i32
      %dma_start3A_279 = arith.constant 0 : i32
      %dma_start3A_280 = arith.constant 0 : i32
      %dma_start3A_281 = tpu.memref_slice %arg11[%dma_start3A_277, %dma_start3A_278, %dma_start3A_279, %dma_start3A_280] : memref<2x4x8x128xf32, #tpu.memory_space<vmem>> -> memref<1x4x8x128xf32, #tpu.memory_space<vmem>>
      %dma_start3A_282 = tpu.memref_squeeze %dma_start3A_281 : memref<1x4x8x128xf32, #tpu.memory_space<vmem>> -> memref<4x8x128xf32, #tpu.memory_space<vmem>>
      %dma_start3A_283 = arith.constant 0 : i32
      %dma_start3A_284 = arith.constant 0 : i32
      %dma_start3A_285 = arith.constant 0 : i32
      %dma_start3A_286 = tpu.memref_slice %arg8[%add3A_169, %dma_start3A_283, %dma_start3A_284, %dma_start3A_285] : memref<512x4x8x128xf32, #tpu.memory_space<hbm>> -> memref<1x4x8x128xf32, #tpu.memory_space<hbm>>
      %dma_start3A_287 = tpu.memref_squeeze %dma_start3A_286 : memref<1x4x8x128xf32, #tpu.memory_space<hbm>> -> memref<4x8x128xf32, #tpu.memory_space<hbm>>
      %dma_start3A_288 = arith.constant 0 : i32
      %dma_start3A_289 = arith.constant 0 : i32
      %dma_start3A_290 = arith.constant 0 : i32
      %dma_start3A_291 = tpu.memref_slice %arg8[%add3A_169, %dma_start3A_288, %dma_start3A_289, %dma_start3A_290] : memref<512x4x8x128xf32, #tpu.memory_space<hbm>> -> memref<1x4x8x128xf32, #tpu.memory_space<hbm>>
      %dma_start3A_292 = tpu.memref_squeeze %dma_start3A_291 : memref<1x4x8x128xf32, #tpu.memory_space<hbm>> -> memref<4x8x128xf32, #tpu.memory_space<hbm>>
      %dma_start3A_293 = arith.constant 0 : i32
      %dma_start3A_294 = arith.constant 0 : i32
      %dma_start3A_295 = arith.constant 0 : i32
      %dma_start3A_296 = tpu.memref_slice %arg11[%dma_start3A_277, %dma_start3A_293, %dma_start3A_294, %dma_start3A_295] : memref<2x4x8x128xf32, #tpu.memory_space<vmem>> -> memref<1x4x8x128xf32, #tpu.memory_space<vmem>>
      %dma_start3A_297 = tpu.memref_squeeze %dma_start3A_296 : memref<1x4x8x128xf32, #tpu.memory_space<vmem>> -> memref<4x8x128xf32, #tpu.memory_space<vmem>>
      tpu.enqueue_dma source(%dma_start3A_297 : memref<4x8x128xf32, #tpu.memory_space<vmem>>) target(%dma_start3A_292 : memref<4x8x128xf32, #tpu.memory_space<hbm>>) target_semaphore(%arg14 : memref<!tpu.dma_semaphore, #tpu.memory_space<semaphore_mem>>)
      %add3A_298 = arith.constant 1 : i32
      %add3A_299 = arith.addi %add3A_166, %add3A_298 : i32
      %add3A_300 = arith.addi %mul3A_2, %add3A_299 : i32
      %jit3A_301 = arith.constant 16 : i32
      %div3A_302 = arith.divsi %add3A_300, %jit3A_301 : i32
      %sign3A_303 = arith.constant 0 : i32
      %sign3A_304 = arith.cmpi sgt, %add3A_300, %sign3A_303 : i32
      %sign3A_305 = arith.extui %sign3A_304 : i1 to i32
      %sign3A_306 = arith.constant 0 : i32
      %sign3A_307 = arith.cmpi slt, %add3A_300, %sign3A_306 : i32
      %sign3A_308 = arith.extui %sign3A_307 : i1 to i32
      %sign3A_309 = arith.subi %sign3A_305, %sign3A_308 : i32
      %sign3A_310 = arith.constant 0 : i32
      %sign3A_311 = arith.cmpi sgt, %jit3A_301, %sign3A_310 : i32
      %sign3A_312 = arith.extui %sign3A_311 : i1 to i32
      %sign3A_313 = arith.constant 0 : i32
      %sign3A_314 = arith.cmpi slt, %jit3A_301, %sign3A_313 : i32
      %sign3A_315 = arith.extui %sign3A_314 : i1 to i32
      %sign3A_316 = arith.subi %sign3A_312, %sign3A_315 : i32
      %ne3A_317 = arith.cmpi ne, %sign3A_309, %sign3A_316 : i32
      %rem3A_318 = arith.remsi %add3A_300, %jit3A_301 : i32
      %ne3A_319 = arith.constant 0 : i32
      %ne3A_320 = arith.cmpi ne, %rem3A_318, %ne3A_319 : i32
      %and3A_321 = arith.andi %ne3A_317, %ne3A_320 : i1
      %sub3A_322 = arith.constant 1 : i32
      %sub3A_323 = arith.subi %div3A_302, %sub3A_322 : i32
      %select_n3A_324 = arith.select %and3A_321, %sub3A_323, %div3A_302 : i32
      %jit3A_325 = arith.constant 16 : i32
      %eq3A_326 = arith.constant 0 : i32
      %eq3A_327 = arith.cmpi eq, %jit3A_325, %eq3A_326 : i32
      %jit3A_328 = arith.constant 1 : i32
      %select_n3A_329 = arith.select %eq3A_327, %jit3A_328, %jit3A_325 : i32
      %rem3A_330 = arith.remsi %add3A_300, %select_n3A_329 : i32
      %ne3A_331 = arith.constant 0 : i32
      %ne3A_332 = arith.cmpi ne, %rem3A_330, %ne3A_331 : i32
      %lt3A_333 = arith.constant 0 : i32
      %lt3A_334 = arith.cmpi slt, %rem3A_330, %lt3A_333 : i32
      %lt3A_335 = arith.constant 0 : i32
      %lt3A_336 = arith.cmpi slt, %select_n3A_329, %lt3A_335 : i32
      %ne3A_337 = arith.xori %lt3A_334, %lt3A_336 : i1
      %and3A_338 = arith.andi %ne3A_337, %ne3A_332 : i1
      %add3A_339 = arith.addi %rem3A_330, %select_n3A_329 : i32
      %select_n3A_340 = arith.select %and3A_338, %add3A_339, %rem3A_330 : i32
      %dma_wait3A_341 = arith.constant 1 : i32
      %dma_wait3A_342 = arith.constant 0 : i32
      %dma_wait3A_343 = arith.constant 0 : i32
      %dma_wait3A_344 = tpu.memref_slice %arg10[%dma_wait3A_341, %dma_wait3A_342, %dma_wait3A_343] : memref<2x4x1024xf32, #tpu.memory_space<vmem>> -> memref<1x1x1024xf32, #tpu.memory_space<vmem>>
      %dma_wait3A_345 = tpu.memref_squeeze %dma_wait3A_344 : memref<1x1x1024xf32, #tpu.memory_space<vmem>> -> memref<1024xf32, #tpu.memory_space<vmem>>
      %dma_wait3A_346 = arith.constant 0 : i32
      %dma_wait3A_347 = tpu.memref_slice %arg2[%select_n3A_324, %select_n3A_340, %dma_wait3A_346] : memref<32x16x1024xf32, #tpu.memory_space<hbm>> -> memref<1x1x1024xf32, #tpu.memory_space<hbm>>
      %dma_wait3A_348 = tpu.memref_squeeze %dma_wait3A_347 : memref<1x1x1024xf32, #tpu.memory_space<hbm>> -> memref<1024xf32, #tpu.memory_space<hbm>>
      %dma_wait3A_349 = arith.constant 0 : i32
      %dma_wait3A_350 = tpu.memref_slice %arg10[%dma_wait3A_341, %dma_wait3A_342, %dma_wait3A_349] : memref<2x4x1024xf32, #tpu.memory_space<vmem>> -> memref<1x1x1024xf32, #tpu.memory_space<vmem>>
      %dma_wait3A_351 = tpu.memref_squeeze %dma_wait3A_350 : memref<1x1x1024xf32, #tpu.memory_space<vmem>> -> memref<1024xf32, #tpu.memory_space<vmem>>
      %dma_wait3A_352 = arith.constant 0 : i32
      %dma_wait3A_353 = tpu.memref_slice %arg2[%select_n3A_324, %select_n3A_340, %dma_wait3A_352] : memref<32x16x1024xf32, #tpu.memory_space<hbm>> -> memref<1x1x1024xf32, #tpu.memory_space<hbm>>
      %dma_wait3A_354 = tpu.memref_squeeze %dma_wait3A_353 : memref<1x1x1024xf32, #tpu.memory_space<hbm>> -> memref<1024xf32, #tpu.memory_space<hbm>>
      tpu.wait_dma2 semaphore(%arg13 : memref<!tpu.dma_semaphore, #tpu.memory_space<semaphore_mem>>) src(%dma_wait3A_354 : memref<1024xf32, #tpu.memory_space<hbm>>) dst(%dma_wait3A_351 : memref<1024xf32, #tpu.memory_space<vmem>>)
      %dma_wait3A_355 = arith.constant 1 : i32
      %dma_wait3A_356 = arith.constant 1 : i32
      %dma_wait3A_357 = arith.constant 0 : i32
      %dma_wait3A_358 = tpu.memref_slice %arg10[%dma_wait3A_355, %dma_wait3A_356, %dma_wait3A_357] : memref<2x4x1024xf32, #tpu.memory_space<vmem>> -> memref<1x1x1024xf32, #tpu.memory_space<vmem>>
      %dma_wait3A_359 = tpu.memref_squeeze %dma_wait3A_358 : memref<1x1x1024xf32, #tpu.memory_space<vmem>> -> memref<1024xf32, #tpu.memory_space<vmem>>
      %dma_wait3A_360 = arith.constant 0 : i32
      %dma_wait3A_361 = tpu.memref_slice %arg3[%select_n3A_324, %select_n3A_340, %dma_wait3A_360] : memref<32x16x1024xf32, #tpu.memory_space<hbm>> -> memref<1x1x1024xf32, #tpu.memory_space<hbm>>
      %dma_wait3A_362 = tpu.memref_squeeze %dma_wait3A_361 : memref<1x1x1024xf32, #tpu.memory_space<hbm>> -> memref<1024xf32, #tpu.memory_space<hbm>>
      %dma_wait3A_363 = arith.constant 0 : i32
      %dma_wait3A_364 = tpu.memref_slice %arg10[%dma_wait3A_355, %dma_wait3A_356, %dma_wait3A_363] : memref<2x4x1024xf32, #tpu.memory_space<vmem>> -> memref<1x1x1024xf32, #tpu.memory_space<vmem>>
      %dma_wait3A_365 = tpu.memref_squeeze %dma_wait3A_364 : memref<1x1x1024xf32, #tpu.memory_space<vmem>> -> memref<1024xf32, #tpu.memory_space<vmem>>
      %dma_wait3A_366 = arith.constant 0 : i32
      %dma_wait3A_367 = tpu.memref_slice %arg3[%select_n3A_324, %select_n3A_340, %dma_wait3A_366] : memref<32x16x1024xf32, #tpu.memory_space<hbm>> -> memref<1x1x1024xf32, #tpu.memory_space<hbm>>
      %dma_wait3A_368 = tpu.memref_squeeze %dma_wait3A_367 : memref<1x1x1024xf32, #tpu.memory_space<hbm>> -> memref<1024xf32, #tpu.memory_space<hbm>>
      tpu.wait_dma2 semaphore(%arg13 : memref<!tpu.dma_semaphore, #tpu.memory_space<semaphore_mem>>) src(%dma_wait3A_368 : memref<1024xf32, #tpu.memory_space<hbm>>) dst(%dma_wait3A_365 : memref<1024xf32, #tpu.memory_space<vmem>>)
      %dma_wait3A_369 = arith.constant 1 : i32
      %dma_wait3A_370 = arith.constant 2 : i32
      %dma_wait3A_371 = arith.constant 0 : i32
      %dma_wait3A_372 = tpu.memref_slice %arg10[%dma_wait3A_369, %dma_wait3A_370, %dma_wait3A_371] : memref<2x4x1024xf32, #tpu.memory_space<vmem>> -> memref<1x1x1024xf32, #tpu.memory_space<vmem>>
      %dma_wait3A_373 = tpu.memref_squeeze %dma_wait3A_372 : memref<1x1x1024xf32, #tpu.memory_space<vmem>> -> memref<1024xf32, #tpu.memory_space<vmem>>
      %dma_wait3A_374 = arith.constant 0 : i32
      %dma_wait3A_375 = tpu.memref_slice %arg4[%select_n3A_324, %select_n3A_340, %dma_wait3A_374] : memref<32x16x1024xf32, #tpu.memory_space<hbm>> -> memref<1x1x1024xf32, #tpu.memory_space<hbm>>
      %dma_wait3A_376 = tpu.memref_squeeze %dma_wait3A_375 : memref<1x1x1024xf32, #tpu.memory_space<hbm>> -> memref<1024xf32, #tpu.memory_space<hbm>>
      %dma_wait3A_377 = arith.constant 0 : i32
      %dma_wait3A_378 = tpu.memref_slice %arg10[%dma_wait3A_369, %dma_wait3A_370, %dma_wait3A_377] : memref<2x4x1024xf32, #tpu.memory_space<vmem>> -> memref<1x1x1024xf32, #tpu.memory_space<vmem>>
      %dma_wait3A_379 = tpu.memref_squeeze %dma_wait3A_378 : memref<1x1x1024xf32, #tpu.memory_space<vmem>> -> memref<1024xf32, #tpu.memory_space<vmem>>
      %dma_wait3A_380 = arith.constant 0 : i32
      %dma_wait3A_381 = tpu.memref_slice %arg4[%select_n3A_324, %select_n3A_340, %dma_wait3A_380] : memref<32x16x1024xf32, #tpu.memory_space<hbm>> -> memref<1x1x1024xf32, #tpu.memory_space<hbm>>
      %dma_wait3A_382 = tpu.memref_squeeze %dma_wait3A_381 : memref<1x1x1024xf32, #tpu.memory_space<hbm>> -> memref<1024xf32, #tpu.memory_space<hbm>>
      tpu.wait_dma2 semaphore(%arg13 : memref<!tpu.dma_semaphore, #tpu.memory_space<semaphore_mem>>) src(%dma_wait3A_382 : memref<1024xf32, #tpu.memory_space<hbm>>) dst(%dma_wait3A_379 : memref<1024xf32, #tpu.memory_space<vmem>>)
      %dma_wait3A_383 = arith.constant 1 : i32
      %dma_wait3A_384 = arith.constant 3 : i32
      %dma_wait3A_385 = arith.constant 0 : i32
      %dma_wait3A_386 = tpu.memref_slice %arg10[%dma_wait3A_383, %dma_wait3A_384, %dma_wait3A_385] : memref<2x4x1024xf32, #tpu.memory_space<vmem>> -> memref<1x1x1024xf32, #tpu.memory_space<vmem>>
      %dma_wait3A_387 = tpu.memref_squeeze %dma_wait3A_386 : memref<1x1x1024xf32, #tpu.memory_space<vmem>> -> memref<1024xf32, #tpu.memory_space<vmem>>
      %dma_wait3A_388 = arith.constant 0 : i32
      %dma_wait3A_389 = tpu.memref_slice %arg5[%select_n3A_324, %select_n3A_340, %dma_wait3A_388] : memref<32x16x1024xf32, #tpu.memory_space<hbm>> -> memref<1x1x1024xf32, #tpu.memory_space<hbm>>
      %dma_wait3A_390 = tpu.memref_squeeze %dma_wait3A_389 : memref<1x1x1024xf32, #tpu.memory_space<hbm>> -> memref<1024xf32, #tpu.memory_space<hbm>>
      %dma_wait3A_391 = arith.constant 0 : i32
      %dma_wait3A_392 = tpu.memref_slice %arg10[%dma_wait3A_383, %dma_wait3A_384, %dma_wait3A_391] : memref<2x4x1024xf32, #tpu.memory_space<vmem>> -> memref<1x1x1024xf32, #tpu.memory_space<vmem>>
      %dma_wait3A_393 = tpu.memref_squeeze %dma_wait3A_392 : memref<1x1x1024xf32, #tpu.memory_space<vmem>> -> memref<1024xf32, #tpu.memory_space<vmem>>
      %dma_wait3A_394 = arith.constant 0 : i32
      %dma_wait3A_395 = tpu.memref_slice %arg5[%select_n3A_324, %select_n3A_340, %dma_wait3A_394] : memref<32x16x1024xf32, #tpu.memory_space<hbm>> -> memref<1x1x1024xf32, #tpu.memory_space<hbm>>
      %dma_wait3A_396 = tpu.memref_squeeze %dma_wait3A_395 : memref<1x1x1024xf32, #tpu.memory_space<hbm>> -> memref<1024xf32, #tpu.memory_space<hbm>>
      tpu.wait_dma2 semaphore(%arg13 : memref<!tpu.dma_semaphore, #tpu.memory_space<semaphore_mem>>) src(%dma_wait3A_396 : memref<1024xf32, #tpu.memory_space<hbm>>) dst(%dma_wait3A_393 : memref<1024xf32, #tpu.memory_space<vmem>>)
      %add3A_397 = arith.constant 1 : i32
      %add3A_398 = arith.addi %add3A_299, %add3A_397 : i32
      %lt3A_399 = arith.constant 16 : i32
      %lt3A_400 = arith.cmpi slt, %add3A_398, %lt3A_399 : i32
      %convert_element_type3A_401 = arith.extui %lt3A_400 : i1 to i32
      %cond3A_402 = arith.constant 0 : i32
      %cond3A_403 = arith.cmpi ne, %convert_element_type3A_401, %cond3A_402 : i32
      scf.if %cond3A_403 {
        %add3A_433 = arith.constant 1 : i32
        %add3A_434 = arith.addi %add3A_300, %add3A_433 : i32
        %jit3A_435 = arith.constant 16 : i32
        %div3A_436 = arith.divsi %add3A_434, %jit3A_435 : i32
        %sign3A_437 = arith.constant 0 : i32
        %sign3A_438 = arith.cmpi sgt, %add3A_434, %sign3A_437 : i32
        %sign3A_439 = arith.extui %sign3A_438 : i1 to i32
        %sign3A_440 = arith.constant 0 : i32
        %sign3A_441 = arith.cmpi slt, %add3A_434, %sign3A_440 : i32
        %sign3A_442 = arith.extui %sign3A_441 : i1 to i32
        %sign3A_443 = arith.subi %sign3A_439, %sign3A_442 : i32
        %sign3A_444 = arith.constant 0 : i32
        %sign3A_445 = arith.cmpi sgt, %jit3A_435, %sign3A_444 : i32
        %sign3A_446 = arith.extui %sign3A_445 : i1 to i32
        %sign3A_447 = arith.constant 0 : i32
        %sign3A_448 = arith.cmpi slt, %jit3A_435, %sign3A_447 : i32
        %sign3A_449 = arith.extui %sign3A_448 : i1 to i32
        %sign3A_450 = arith.subi %sign3A_446, %sign3A_449 : i32
        %ne3A_451 = arith.cmpi ne, %sign3A_443, %sign3A_450 : i32
        %rem3A_452 = arith.remsi %add3A_434, %jit3A_435 : i32
        %ne3A_453 = arith.constant 0 : i32
        %ne3A_454 = arith.cmpi ne, %rem3A_452, %ne3A_453 : i32
        %and3A_455 = arith.andi %ne3A_451, %ne3A_454 : i1
        %sub3A_456 = arith.constant 1 : i32
        %sub3A_457 = arith.subi %div3A_436, %sub3A_456 : i32
        %select_n3A_458 = arith.select %and3A_455, %sub3A_457, %div3A_436 : i32
        %jit3A_459 = arith.constant 16 : i32
        %eq3A_460 = arith.constant 0 : i32
        %eq3A_461 = arith.cmpi eq, %jit3A_459, %eq3A_460 : i32
        %jit3A_462 = arith.constant 1 : i32
        %select_n3A_463 = arith.select %eq3A_461, %jit3A_462, %jit3A_459 : i32
        %rem3A_464 = arith.remsi %add3A_434, %select_n3A_463 : i32
        %ne3A_465 = arith.constant 0 : i32
        %ne3A_466 = arith.cmpi ne, %rem3A_464, %ne3A_465 : i32
        %lt3A_467 = arith.constant 0 : i32
        %lt3A_468 = arith.cmpi slt, %rem3A_464, %lt3A_467 : i32
        %lt3A_469 = arith.constant 0 : i32
        %lt3A_470 = arith.cmpi slt, %select_n3A_463, %lt3A_469 : i32
        %ne3A_471 = arith.xori %lt3A_468, %lt3A_470 : i1
        %and3A_472 = arith.andi %ne3A_471, %ne3A_466 : i1
        %add3A_473 = arith.addi %rem3A_464, %select_n3A_463 : i32
        %select_n3A_474 = arith.select %and3A_472, %add3A_473, %rem3A_464 : i32
        %dma_start3A_475 = arith.constant 0 : i32
        %dma_start3A_476 = arith.constant 0 : i32
        %dma_start3A_477 = arith.constant 0 : i32
        %dma_start3A_478 = tpu.memref_slice %arg10[%dma_start3A_475, %dma_start3A_476, %dma_start3A_477] : memref<2x4x1024xf32, #tpu.memory_space<vmem>> -> memref<1x1x1024xf32, #tpu.memory_space<vmem>>
        %dma_start3A_479 = tpu.memref_squeeze %dma_start3A_478 : memref<1x1x1024xf32, #tpu.memory_space<vmem>> -> memref<1024xf32, #tpu.memory_space<vmem>>
        %dma_start3A_480 = arith.constant 0 : i32
        %dma_start3A_481 = tpu.memref_slice %arg2[%select_n3A_458, %select_n3A_474, %dma_start3A_480] : memref<32x16x1024xf32, #tpu.memory_space<hbm>> -> memref<1x1x1024xf32, #tpu.memory_space<hbm>>
        %dma_start3A_482 = tpu.memref_squeeze %dma_start3A_481 : memref<1x1x1024xf32, #tpu.memory_space<hbm>> -> memref<1024xf32, #tpu.memory_space<hbm>>
        %dma_start3A_483 = arith.constant 0 : i32
        %dma_start3A_484 = tpu.memref_slice %arg10[%dma_start3A_475, %dma_start3A_476, %dma_start3A_483] : memref<2x4x1024xf32, #tpu.memory_space<vmem>> -> memref<1x1x1024xf32, #tpu.memory_space<vmem>>
        %dma_start3A_485 = tpu.memref_squeeze %dma_start3A_484 : memref<1x1x1024xf32, #tpu.memory_space<vmem>> -> memref<1024xf32, #tpu.memory_space<vmem>>
        %dma_start3A_486 = arith.constant 0 : i32
        %dma_start3A_487 = tpu.memref_slice %arg2[%select_n3A_458, %select_n3A_474, %dma_start3A_486] : memref<32x16x1024xf32, #tpu.memory_space<hbm>> -> memref<1x1x1024xf32, #tpu.memory_space<hbm>>
        %dma_start3A_488 = tpu.memref_squeeze %dma_start3A_487 : memref<1x1x1024xf32, #tpu.memory_space<hbm>> -> memref<1024xf32, #tpu.memory_space<hbm>>
        tpu.enqueue_dma source(%dma_start3A_488 : memref<1024xf32, #tpu.memory_space<hbm>>) target(%dma_start3A_485 : memref<1024xf32, #tpu.memory_space<vmem>>) target_semaphore(%arg12 : memref<!tpu.dma_semaphore, #tpu.memory_space<semaphore_mem>>)
        %dma_start3A_489 = arith.constant 0 : i32
        %dma_start3A_490 = arith.constant 1 : i32
        %dma_start3A_491 = arith.constant 0 : i32
        %dma_start3A_492 = tpu.memref_slice %arg10[%dma_start3A_489, %dma_start3A_490, %dma_start3A_491] : memref<2x4x1024xf32, #tpu.memory_space<vmem>> -> memref<1x1x1024xf32, #tpu.memory_space<vmem>>
        %dma_start3A_493 = tpu.memref_squeeze %dma_start3A_492 : memref<1x1x1024xf32, #tpu.memory_space<vmem>> -> memref<1024xf32, #tpu.memory_space<vmem>>
        %dma_start3A_494 = arith.constant 0 : i32
        %dma_start3A_495 = tpu.memref_slice %arg3[%select_n3A_458, %select_n3A_474, %dma_start3A_494] : memref<32x16x1024xf32, #tpu.memory_space<hbm>> -> memref<1x1x1024xf32, #tpu.memory_space<hbm>>
        %dma_start3A_496 = tpu.memref_squeeze %dma_start3A_495 : memref<1x1x1024xf32, #tpu.memory_space<hbm>> -> memref<1024xf32, #tpu.memory_space<hbm>>
        %dma_start3A_497 = arith.constant 0 : i32
        %dma_start3A_498 = tpu.memref_slice %arg10[%dma_start3A_489, %dma_start3A_490, %dma_start3A_497] : memref<2x4x1024xf32, #tpu.memory_space<vmem>> -> memref<1x1x1024xf32, #tpu.memory_space<vmem>>
        %dma_start3A_499 = tpu.memref_squeeze %dma_start3A_498 : memref<1x1x1024xf32, #tpu.memory_space<vmem>> -> memref<1024xf32, #tpu.memory_space<vmem>>
        %dma_start3A_500 = arith.constant 0 : i32
        %dma_start3A_501 = tpu.memref_slice %arg3[%select_n3A_458, %select_n3A_474, %dma_start3A_500] : memref<32x16x1024xf32, #tpu.memory_space<hbm>> -> memref<1x1x1024xf32, #tpu.memory_space<hbm>>
        %dma_start3A_502 = tpu.memref_squeeze %dma_start3A_501 : memref<1x1x1024xf32, #tpu.memory_space<hbm>> -> memref<1024xf32, #tpu.memory_space<hbm>>
        tpu.enqueue_dma source(%dma_start3A_502 : memref<1024xf32, #tpu.memory_space<hbm>>) target(%dma_start3A_499 : memref<1024xf32, #tpu.memory_space<vmem>>) target_semaphore(%arg12 : memref<!tpu.dma_semaphore, #tpu.memory_space<semaphore_mem>>)
        %dma_start3A_503 = arith.constant 0 : i32
        %dma_start3A_504 = arith.constant 2 : i32
        %dma_start3A_505 = arith.constant 0 : i32
        %dma_start3A_506 = tpu.memref_slice %arg10[%dma_start3A_503, %dma_start3A_504, %dma_start3A_505] : memref<2x4x1024xf32, #tpu.memory_space<vmem>> -> memref<1x1x1024xf32, #tpu.memory_space<vmem>>
        %dma_start3A_507 = tpu.memref_squeeze %dma_start3A_506 : memref<1x1x1024xf32, #tpu.memory_space<vmem>> -> memref<1024xf32, #tpu.memory_space<vmem>>
        %dma_start3A_508 = arith.constant 0 : i32
        %dma_start3A_509 = tpu.memref_slice %arg4[%select_n3A_458, %select_n3A_474, %dma_start3A_508] : memref<32x16x1024xf32, #tpu.memory_space<hbm>> -> memref<1x1x1024xf32, #tpu.memory_space<hbm>>
        %dma_start3A_510 = tpu.memref_squeeze %dma_start3A_509 : memref<1x1x1024xf32, #tpu.memory_space<hbm>> -> memref<1024xf32, #tpu.memory_space<hbm>>
        %dma_start3A_511 = arith.constant 0 : i32
        %dma_start3A_512 = tpu.memref_slice %arg10[%dma_start3A_503, %dma_start3A_504, %dma_start3A_511] : memref<2x4x1024xf32, #tpu.memory_space<vmem>> -> memref<1x1x1024xf32, #tpu.memory_space<vmem>>
        %dma_start3A_513 = tpu.memref_squeeze %dma_start3A_512 : memref<1x1x1024xf32, #tpu.memory_space<vmem>> -> memref<1024xf32, #tpu.memory_space<vmem>>
        %dma_start3A_514 = arith.constant 0 : i32
        %dma_start3A_515 = tpu.memref_slice %arg4[%select_n3A_458, %select_n3A_474, %dma_start3A_514] : memref<32x16x1024xf32, #tpu.memory_space<hbm>> -> memref<1x1x1024xf32, #tpu.memory_space<hbm>>
        %dma_start3A_516 = tpu.memref_squeeze %dma_start3A_515 : memref<1x1x1024xf32, #tpu.memory_space<hbm>> -> memref<1024xf32, #tpu.memory_space<hbm>>
        tpu.enqueue_dma source(%dma_start3A_516 : memref<1024xf32, #tpu.memory_space<hbm>>) target(%dma_start3A_513 : memref<1024xf32, #tpu.memory_space<vmem>>) target_semaphore(%arg12 : memref<!tpu.dma_semaphore, #tpu.memory_space<semaphore_mem>>)
        %dma_start3A_517 = arith.constant 0 : i32
        %dma_start3A_518 = arith.constant 3 : i32
        %dma_start3A_519 = arith.constant 0 : i32
        %dma_start3A_520 = tpu.memref_slice %arg10[%dma_start3A_517, %dma_start3A_518, %dma_start3A_519] : memref<2x4x1024xf32, #tpu.memory_space<vmem>> -> memref<1x1x1024xf32, #tpu.memory_space<vmem>>
        %dma_start3A_521 = tpu.memref_squeeze %dma_start3A_520 : memref<1x1x1024xf32, #tpu.memory_space<vmem>> -> memref<1024xf32, #tpu.memory_space<vmem>>
        %dma_start3A_522 = arith.constant 0 : i32
        %dma_start3A_523 = tpu.memref_slice %arg5[%select_n3A_458, %select_n3A_474, %dma_start3A_522] : memref<32x16x1024xf32, #tpu.memory_space<hbm>> -> memref<1x1x1024xf32, #tpu.memory_space<hbm>>
        %dma_start3A_524 = tpu.memref_squeeze %dma_start3A_523 : memref<1x1x1024xf32, #tpu.memory_space<hbm>> -> memref<1024xf32, #tpu.memory_space<hbm>>
        %dma_start3A_525 = arith.constant 0 : i32
        %dma_start3A_526 = tpu.memref_slice %arg10[%dma_start3A_517, %dma_start3A_518, %dma_start3A_525] : memref<2x4x1024xf32, #tpu.memory_space<vmem>> -> memref<1x1x1024xf32, #tpu.memory_space<vmem>>
        %dma_start3A_527 = tpu.memref_squeeze %dma_start3A_526 : memref<1x1x1024xf32, #tpu.memory_space<vmem>> -> memref<1024xf32, #tpu.memory_space<vmem>>
        %dma_start3A_528 = arith.constant 0 : i32
        %dma_start3A_529 = tpu.memref_slice %arg5[%select_n3A_458, %select_n3A_474, %dma_start3A_528] : memref<32x16x1024xf32, #tpu.memory_space<hbm>> -> memref<1x1x1024xf32, #tpu.memory_space<hbm>>
        %dma_start3A_530 = tpu.memref_squeeze %dma_start3A_529 : memref<1x1x1024xf32, #tpu.memory_space<hbm>> -> memref<1024xf32, #tpu.memory_space<hbm>>
        tpu.enqueue_dma source(%dma_start3A_530 : memref<1024xf32, #tpu.memory_space<hbm>>) target(%dma_start3A_527 : memref<1024xf32, #tpu.memory_space<vmem>>) target_semaphore(%arg12 : memref<!tpu.dma_semaphore, #tpu.memory_space<semaphore_mem>>)
      } else {
      }
      %ge3A_404 = arith.constant 2 : i32
      %ge3A_405 = arith.cmpi sge, %add3A_299, %ge3A_404 : i32
      %convert_element_type3A_406 = arith.extui %ge3A_405 : i1 to i32
      %cond3A_407 = arith.constant 0 : i32
      %cond3A_408 = arith.cmpi ne, %convert_element_type3A_406, %cond3A_407 : i32
      scf.if %cond3A_408 {
        %dma_wait3A_433 = arith.constant 1 : i32
        %dma_wait3A_434 = arith.constant 0 : i32
        %dma_wait3A_435 = arith.constant 0 : i32
        %dma_wait3A_436 = arith.constant 0 : i32
        %dma_wait3A_437 = tpu.memref_slice %arg11[%dma_wait3A_433, %dma_wait3A_434, %dma_wait3A_435, %dma_wait3A_436] : memref<2x4x8x128xf32, #tpu.memory_space<vmem>> -> memref<1x4x8x128xf32, #tpu.memory_space<vmem>>
        %dma_wait3A_438 = tpu.memref_squeeze %dma_wait3A_437 : memref<1x4x8x128xf32, #tpu.memory_space<vmem>> -> memref<4x8x128xf32, #tpu.memory_space<vmem>>
        %dma_wait3A_439 = arith.constant 0 : i32
        %dma_wait3A_440 = arith.constant 0 : i32
        %dma_wait3A_441 = arith.constant 0 : i32
        %dma_wait3A_442 = tpu.memref_slice %arg8[%add3A_300, %dma_wait3A_439, %dma_wait3A_440, %dma_wait3A_441] : memref<512x4x8x128xf32, #tpu.memory_space<hbm>> -> memref<1x4x8x128xf32, #tpu.memory_space<hbm>>
        %dma_wait3A_443 = tpu.memref_squeeze %dma_wait3A_442 : memref<1x4x8x128xf32, #tpu.memory_space<hbm>> -> memref<4x8x128xf32, #tpu.memory_space<hbm>>
        %dma_wait3A_444 = arith.constant 0 : i32
        %dma_wait3A_445 = arith.constant 0 : i32
        %dma_wait3A_446 = arith.constant 0 : i32
        %dma_wait3A_447 = tpu.memref_slice %arg8[%add3A_300, %dma_wait3A_444, %dma_wait3A_445, %dma_wait3A_446] : memref<512x4x8x128xf32, #tpu.memory_space<hbm>> -> memref<1x4x8x128xf32, #tpu.memory_space<hbm>>
        %dma_wait3A_448 = tpu.memref_squeeze %dma_wait3A_447 : memref<1x4x8x128xf32, #tpu.memory_space<hbm>> -> memref<4x8x128xf32, #tpu.memory_space<hbm>>
        %dma_wait3A_449 = arith.constant 0 : i32
        %dma_wait3A_450 = arith.constant 0 : i32
        %dma_wait3A_451 = arith.constant 0 : i32
        %dma_wait3A_452 = tpu.memref_slice %arg11[%dma_wait3A_433, %dma_wait3A_449, %dma_wait3A_450, %dma_wait3A_451] : memref<2x4x8x128xf32, #tpu.memory_space<vmem>> -> memref<1x4x8x128xf32, #tpu.memory_space<vmem>>
        %dma_wait3A_453 = tpu.memref_squeeze %dma_wait3A_452 : memref<1x4x8x128xf32, #tpu.memory_space<vmem>> -> memref<4x8x128xf32, #tpu.memory_space<vmem>>
        tpu.wait_dma2 semaphore(%arg15 : memref<!tpu.dma_semaphore, #tpu.memory_space<semaphore_mem>>) src(%dma_wait3A_453 : memref<4x8x128xf32, #tpu.memory_space<vmem>>) dst(%dma_wait3A_448 : memref<4x8x128xf32, #tpu.memory_space<hbm>>)
      } else {
      }
      %parallel_loop3A_409 = arith.constant 0 : i32
      %parallel_loop3A_410 = arith.constant 64 : i32
      %parallel_loop3A_411 = arith.constant 1 : i32
      scf.for %parallel_loop3A_433 = %parallel_loop3A_409 to %parallel_loop3A_410 step %parallel_loop3A_411  : i32 {
        %parallel_loop3A_434 = arith.constant 16 : i32
        %parallel_loop3A_435 = arith.muli %parallel_loop3A_433, %parallel_loop3A_434 : i32
        %parallel_loop3A_436 = arith.constant 8 : i32
        %parallel_loop3A_437 = arith.divsi %parallel_loop3A_433, %parallel_loop3A_436 : i32
        %parallel_loop3A_438 = arith.constant 0 : i32
        %parallel_loop3A_439 = arith.cmpi sgt, %parallel_loop3A_433, %parallel_loop3A_438 : i32
        %parallel_loop3A_440 = arith.extui %parallel_loop3A_439 : i1 to i32
        %parallel_loop3A_441 = arith.constant 0 : i32
        %parallel_loop3A_442 = arith.cmpi slt, %parallel_loop3A_433, %parallel_loop3A_441 : i32
        %parallel_loop3A_443 = arith.extui %parallel_loop3A_442 : i1 to i32
        %parallel_loop3A_444 = arith.subi %parallel_loop3A_440, %parallel_loop3A_443 : i32
        %parallel_loop3A_445 = arith.constant 0 : i32
        %parallel_loop3A_446 = arith.cmpi sgt, %parallel_loop3A_436, %parallel_loop3A_445 : i32
        %parallel_loop3A_447 = arith.extui %parallel_loop3A_446 : i1 to i32
        %parallel_loop3A_448 = arith.constant 0 : i32
        %parallel_loop3A_449 = arith.cmpi slt, %parallel_loop3A_436, %parallel_loop3A_448 : i32
        %parallel_loop3A_450 = arith.extui %parallel_loop3A_449 : i1 to i32
        %parallel_loop3A_451 = arith.subi %parallel_loop3A_447, %parallel_loop3A_450 : i32
        %parallel_loop3A_452 = arith.cmpi ne, %parallel_loop3A_444, %parallel_loop3A_451 : i32
        %parallel_loop3A_453 = arith.remsi %parallel_loop3A_433, %parallel_loop3A_436 : i32
        %parallel_loop3A_454 = arith.constant 0 : i32
        %parallel_loop3A_455 = arith.cmpi ne, %parallel_loop3A_453, %parallel_loop3A_454 : i32
        %parallel_loop3A_456 = arith.andi %parallel_loop3A_452, %parallel_loop3A_455 : i1
        %parallel_loop3A_457 = arith.constant 1 : i32
        %parallel_loop3A_458 = arith.subi %parallel_loop3A_437, %parallel_loop3A_457 : i32
        %parallel_loop3A_459 = arith.select %parallel_loop3A_456, %parallel_loop3A_458, %parallel_loop3A_437 : i32
        %parallel_loop3A_460 = arith.constant 8 : i32
        %parallel_loop3A_461 = arith.constant 0 : i32
        %parallel_loop3A_462 = arith.cmpi eq, %parallel_loop3A_460, %parallel_loop3A_461 : i32
        %parallel_loop3A_463 = arith.constant 1 : i32
        %parallel_loop3A_464 = arith.select %parallel_loop3A_462, %parallel_loop3A_463, %parallel_loop3A_460 : i32
        %parallel_loop3A_465 = arith.remsi %parallel_loop3A_433, %parallel_loop3A_464 : i32
        %parallel_loop3A_466 = arith.constant 0 : i32
        %parallel_loop3A_467 = arith.cmpi ne, %parallel_loop3A_465, %parallel_loop3A_466 : i32
        %parallel_loop3A_468 = arith.constant 0 : i32
        %parallel_loop3A_469 = arith.cmpi slt, %parallel_loop3A_465, %parallel_loop3A_468 : i32
        %parallel_loop3A_470 = arith.constant 0 : i32
        %parallel_loop3A_471 = arith.cmpi slt, %parallel_loop3A_464, %parallel_loop3A_470 : i32
        %parallel_loop3A_472 = arith.xori %parallel_loop3A_469, %parallel_loop3A_471 : i1
        %parallel_loop3A_473 = arith.andi %parallel_loop3A_472, %parallel_loop3A_467 : i1
        %parallel_loop3A_474 = arith.addi %parallel_loop3A_465, %parallel_loop3A_464 : i32
        %parallel_loop3A_475 = arith.select %parallel_loop3A_473, %parallel_loop3A_474, %parallel_loop3A_465 : i32
        %parallel_loop3A_476 = arith.constant 16 : i32
        %parallel_loop3A_477 = arith.muli %parallel_loop3A_475, %parallel_loop3A_476 : i32
        %parallel_loop3A_478 = arith.constant 1 : i32
        %parallel_loop3A_479 = arith.constant 0 : i32
        %parallel_loop3A_480 = arith.index_cast %parallel_loop3A_478 : i32 to index
        %parallel_loop3A_481 = arith.index_cast %parallel_loop3A_479 : i32 to index
        %parallel_loop3A_482 = arith.index_cast %parallel_loop3A_435 : i32 to index
        %parallel_loop3A_483 = tpu.vector_load %arg10[%parallel_loop3A_480, %parallel_loop3A_481, %parallel_loop3A_482] {strides = array<i32>} : memref<2x4x1024xf32, #tpu.memory_space<vmem>>, vector<1x1x16xf32>,
        %parallel_loop3A_484 = vector.shape_cast %parallel_loop3A_483 : vector<1x1x16xf32> to vector<16xf32>
        %parallel_loop3A_485 = arith.constant 1 : i32
        %parallel_loop3A_486 = arith.constant 1 : i32
        %parallel_loop3A_487 = arith.index_cast %parallel_loop3A_485 : i32 to index
        %parallel_loop3A_488 = arith.index_cast %parallel_loop3A_486 : i32 to index
        %parallel_loop3A_489 = arith.index_cast %parallel_loop3A_435 : i32 to index
        %parallel_loop3A_490 = tpu.vector_load %arg10[%parallel_loop3A_487, %parallel_loop3A_488, %parallel_loop3A_489] {strides = array<i32>} : memref<2x4x1024xf32, #tpu.memory_space<vmem>>, vector<1x1x16xf32>,
        %parallel_loop3A_491 = vector.shape_cast %parallel_loop3A_490 : vector<1x1x16xf32> to vector<16xf32>
        %parallel_loop3A_492 = arith.constant 1 : i32
        %parallel_loop3A_493 = arith.constant 2 : i32
        %parallel_loop3A_494 = arith.index_cast %parallel_loop3A_492 : i32 to index
        %parallel_loop3A_495 = arith.index_cast %parallel_loop3A_493 : i32 to index
        %parallel_loop3A_496 = arith.index_cast %parallel_loop3A_435 : i32 to index
        %parallel_loop3A_497 = tpu.vector_load %arg10[%parallel_loop3A_494, %parallel_loop3A_495, %parallel_loop3A_496] {strides = array<i32>} : memref<2x4x1024xf32, #tpu.memory_space<vmem>>, vector<1x1x16xf32>,
        %parallel_loop3A_498 = vector.shape_cast %parallel_loop3A_497 : vector<1x1x16xf32> to vector<16xf32>
        %parallel_loop3A_499 = arith.constant 1 : i32
        %parallel_loop3A_500 = arith.constant 3 : i32
        %parallel_loop3A_501 = arith.index_cast %parallel_loop3A_499 : i32 to index
        %parallel_loop3A_502 = arith.index_cast %parallel_loop3A_500 : i32 to index
        %parallel_loop3A_503 = arith.index_cast %parallel_loop3A_435 : i32 to index
        %parallel_loop3A_504 = tpu.vector_load %arg10[%parallel_loop3A_501, %parallel_loop3A_502, %parallel_loop3A_503] {strides = array<i32>} : memref<2x4x1024xf32, #tpu.memory_space<vmem>>, vector<1x1x16xf32>,
        %parallel_loop3A_505 = vector.shape_cast %parallel_loop3A_504 : vector<1x1x16xf32> to vector<16xf32>
        %parallel_loop3A_506 = arith.constant 0 : i32
        %parallel_loop3A_507 = arith.index_cast %parallel_loop3A_506 : i32 to index
        %parallel_loop3A_508 = arith.index_cast %parallel_loop3A_435 : i32 to index
        %parallel_loop3A_509 = tpu.vector_load %arg9[%parallel_loop3A_507, %parallel_loop3A_508] {strides = array<i32>} : memref<4x1024xf32, #tpu.memory_space<vmem>>, vector<1x16xf32>,
        %parallel_loop3A_510 = vector.shape_cast %parallel_loop3A_509 : vector<1x16xf32> to vector<16xf32>
        %parallel_loop3A_511 = arith.constant 1 : i32
        %parallel_loop3A_512 = arith.index_cast %parallel_loop3A_511 : i32 to index
        %parallel_loop3A_513 = arith.index_cast %parallel_loop3A_435 : i32 to index
        %parallel_loop3A_514 = tpu.vector_load %arg9[%parallel_loop3A_512, %parallel_loop3A_513] {strides = array<i32>} : memref<4x1024xf32, #tpu.memory_space<vmem>>, vector<1x16xf32>,
        %parallel_loop3A_515 = vector.shape_cast %parallel_loop3A_514 : vector<1x16xf32> to vector<16xf32>
        %parallel_loop3A_516 = arith.constant 2 : i32
        %parallel_loop3A_517 = arith.index_cast %parallel_loop3A_516 : i32 to index
        %parallel_loop3A_518 = arith.index_cast %parallel_loop3A_435 : i32 to index
        %parallel_loop3A_519 = tpu.vector_load %arg9[%parallel_loop3A_517, %parallel_loop3A_518] {strides = array<i32>} : memref<4x1024xf32, #tpu.memory_space<vmem>>, vector<1x16xf32>,
        %parallel_loop3A_520 = vector.shape_cast %parallel_loop3A_519 : vector<1x16xf32> to vector<16xf32>
        %parallel_loop3A_521 = arith.constant 3 : i32
        %parallel_loop3A_522 = arith.index_cast %parallel_loop3A_521 : i32 to index
        %parallel_loop3A_523 = arith.index_cast %parallel_loop3A_435 : i32 to index
        %parallel_loop3A_524 = tpu.vector_load %arg9[%parallel_loop3A_522, %parallel_loop3A_523] {strides = array<i32>} : memref<4x1024xf32, #tpu.memory_space<vmem>>, vector<1x16xf32>,
        %parallel_loop3A_525 = vector.shape_cast %parallel_loop3A_524 : vector<1x16xf32> to vector<16xf32>
        %parallel_loop3A_526 = arith.mulf %parallel_loop3A_484, %parallel_loop3A_510 : vector<16xf32>
        %parallel_loop3A_527 = arith.mulf %parallel_loop3A_491, %parallel_loop3A_515 : vector<16xf32>
        %parallel_loop3A_528 = arith.addf %parallel_loop3A_526, %parallel_loop3A_527 : vector<16xf32>
        %parallel_loop3A_529 = arith.mulf %parallel_loop3A_491, %parallel_loop3A_510 : vector<16xf32>
        %parallel_loop3A_530 = arith.mulf %parallel_loop3A_484, %parallel_loop3A_515 : vector<16xf32>
        %parallel_loop3A_531 = arith.subf %parallel_loop3A_529, %parallel_loop3A_530 : vector<16xf32>
        %parallel_loop3A_532 = arith.mulf %parallel_loop3A_498, %parallel_loop3A_520 : vector<16xf32>
        %parallel_loop3A_533 = arith.mulf %parallel_loop3A_505, %parallel_loop3A_525 : vector<16xf32>
        %parallel_loop3A_534 = arith.addf %parallel_loop3A_532, %parallel_loop3A_533 : vector<16xf32>
        %parallel_loop3A_535 = arith.mulf %parallel_loop3A_505, %parallel_loop3A_520 : vector<16xf32>
        %parallel_loop3A_536 = arith.mulf %parallel_loop3A_498, %parallel_loop3A_525 : vector<16xf32>
        %parallel_loop3A_537 = arith.subf %parallel_loop3A_535, %parallel_loop3A_536 : vector<16xf32>
        %parallel_loop3A_538 = arith.constant 1 : i32
        %parallel_loop3A_539 = arith.constant 0 : i32
        %parallel_loop3A_540 = arith.index_cast %parallel_loop3A_538 : i32 to index
        %parallel_loop3A_541 = arith.index_cast %parallel_loop3A_539 : i32 to index
        %parallel_loop3A_542 = arith.index_cast %parallel_loop3A_459 : i32 to index
        %parallel_loop3A_543 = arith.index_cast %parallel_loop3A_477 : i32 to index
        %parallel_loop3A_544 = tpu.vector_load %arg11[%parallel_loop3A_540, %parallel_loop3A_541, %parallel_loop3A_542, %parallel_loop3A_543] {strides = array<i32>} : memref<2x4x8x128xf32, #tpu.memory_space<vmem>>, vector<1x1x1x16xf32>,
        %parallel_loop3A_545 = vector.shape_cast %parallel_loop3A_544 : vector<1x1x1x16xf32> to vector<16xf32>
        %parallel_loop3A_546 = vector.shape_cast %parallel_loop3A_528 : vector<16xf32> to vector<1x1x1x16xf32>
        tpu.vector_store %arg11[%parallel_loop3A_540, %parallel_loop3A_541, %parallel_loop3A_542, %parallel_loop3A_543], %parallel_loop3A_546 {strides = array<i32>} : memref<2x4x8x128xf32, #tpu.memory_space<vmem>>, vector<1x1x1x16xf32>,
        %parallel_loop3A_547 = arith.constant 1 : i32
        %parallel_loop3A_548 = arith.constant 1 : i32
        %parallel_loop3A_549 = arith.index_cast %parallel_loop3A_547 : i32 to index
        %parallel_loop3A_550 = arith.index_cast %parallel_loop3A_548 : i32 to index
        %parallel_loop3A_551 = arith.index_cast %parallel_loop3A_459 : i32 to index
        %parallel_loop3A_552 = arith.index_cast %parallel_loop3A_477 : i32 to index
        %parallel_loop3A_553 = tpu.vector_load %arg11[%parallel_loop3A_549, %parallel_loop3A_550, %parallel_loop3A_551, %parallel_loop3A_552] {strides = array<i32>} : memref<2x4x8x128xf32, #tpu.memory_space<vmem>>, vector<1x1x1x16xf32>,
        %parallel_loop3A_554 = vector.shape_cast %parallel_loop3A_553 : vector<1x1x1x16xf32> to vector<16xf32>
        %parallel_loop3A_555 = vector.shape_cast %parallel_loop3A_531 : vector<16xf32> to vector<1x1x1x16xf32>
        tpu.vector_store %arg11[%parallel_loop3A_549, %parallel_loop3A_550, %parallel_loop3A_551, %parallel_loop3A_552], %parallel_loop3A_555 {strides = array<i32>} : memref<2x4x8x128xf32, #tpu.memory_space<vmem>>, vector<1x1x1x16xf32>,
        %parallel_loop3A_556 = arith.subf %parallel_loop3A_534, %parallel_loop3A_528 : vector<16xf32>
        %parallel_loop3A_557 = arith.constant 0.111111112 : f32
        %parallel_loop3A_558 = vector.broadcast %parallel_loop3A_557 : f32 to vector<16xf32>
        %parallel_loop3A_559 = arith.mulf %parallel_loop3A_556, %parallel_loop3A_558 : vector<16xf32>
        %parallel_loop3A_560 = arith.constant 1 : i32
        %parallel_loop3A_561 = arith.constant 2 : i32
        %parallel_loop3A_562 = arith.index_cast %parallel_loop3A_560 : i32 to index
        %parallel_loop3A_563 = arith.index_cast %parallel_loop3A_561 : i32 to index
        %parallel_loop3A_564 = arith.index_cast %parallel_loop3A_459 : i32 to index
        %parallel_loop3A_565 = arith.index_cast %parallel_loop3A_477 : i32 to index
        %parallel_loop3A_566 = tpu.vector_load %arg11[%parallel_loop3A_562, %parallel_loop3A_563, %parallel_loop3A_564, %parallel_loop3A_565] {strides = array<i32>} : memref<2x4x8x128xf32, #tpu.memory_space<vmem>>, vector<1x1x1x16xf32>,
        %parallel_loop3A_567 = vector.shape_cast %parallel_loop3A_566 : vector<1x1x1x16xf32> to vector<16xf32>
        %parallel_loop3A_568 = vector.shape_cast %parallel_loop3A_559 : vector<16xf32> to vector<1x1x1x16xf32>
        tpu.vector_store %arg11[%parallel_loop3A_562, %parallel_loop3A_563, %parallel_loop3A_564, %parallel_loop3A_565], %parallel_loop3A_568 {strides = array<i32>} : memref<2x4x8x128xf32, #tpu.memory_space<vmem>>, vector<1x1x1x16xf32>,
        %parallel_loop3A_569 = arith.subf %parallel_loop3A_537, %parallel_loop3A_531 : vector<16xf32>
        %parallel_loop3A_570 = arith.constant 0.111111112 : f32
        %parallel_loop3A_571 = vector.broadcast %parallel_loop3A_570 : f32 to vector<16xf32>
        %parallel_loop3A_572 = arith.mulf %parallel_loop3A_569, %parallel_loop3A_571 : vector<16xf32>
        %parallel_loop3A_573 = arith.constant 1 : i32
        %parallel_loop3A_574 = arith.constant 3 : i32
        %parallel_loop3A_575 = arith.index_cast %parallel_loop3A_573 : i32 to index
        %parallel_loop3A_576 = arith.index_cast %parallel_loop3A_574 : i32 to index
        %parallel_loop3A_577 = arith.index_cast %parallel_loop3A_459 : i32 to index
        %parallel_loop3A_578 = arith.index_cast %parallel_loop3A_477 : i32 to index
        %parallel_loop3A_579 = tpu.vector_load %arg11[%parallel_loop3A_575, %parallel_loop3A_576, %parallel_loop3A_577, %parallel_loop3A_578] {strides = array<i32>} : memref<2x4x8x128xf32, #tpu.memory_space<vmem>>, vector<1x1x1x16xf32>,
        %parallel_loop3A_580 = vector.shape_cast %parallel_loop3A_579 : vector<1x1x1x16xf32> to vector<16xf32>
        %parallel_loop3A_581 = vector.shape_cast %parallel_loop3A_572 : vector<16xf32> to vector<1x1x1x16xf32>
        tpu.vector_store %arg11[%parallel_loop3A_575, %parallel_loop3A_576, %parallel_loop3A_577, %parallel_loop3A_578], %parallel_loop3A_581 {strides = array<i32>} : memref<2x4x8x128xf32, #tpu.memory_space<vmem>>, vector<1x1x1x16xf32>,
      } {sc.loop_unroll_factor = 8 : i64, sc.parallel_access}
      %dma_start3A_412 = arith.constant 1 : i32
      %dma_start3A_413 = arith.constant 0 : i32
      %dma_start3A_414 = arith.constant 0 : i32
      %dma_start3A_415 = arith.constant 0 : i32
      %dma_start3A_416 = tpu.memref_slice %arg11[%dma_start3A_412, %dma_start3A_413, %dma_start3A_414, %dma_start3A_415] : memref<2x4x8x128xf32, #tpu.memory_space<vmem>> -> memref<1x4x8x128xf32, #tpu.memory_space<vmem>>
      %dma_start3A_417 = tpu.memref_squeeze %dma_start3A_416 : memref<1x4x8x128xf32, #tpu.memory_space<vmem>> -> memref<4x8x128xf32, #tpu.memory_space<vmem>>
      %dma_start3A_418 = arith.constant 0 : i32
      %dma_start3A_419 = arith.constant 0 : i32
      %dma_start3A_420 = arith.constant 0 : i32
      %dma_start3A_421 = tpu.memref_slice %arg8[%add3A_300, %dma_start3A_418, %dma_start3A_419, %dma_start3A_420] : memref<512x4x8x128xf32, #tpu.memory_space<hbm>> -> memref<1x4x8x128xf32, #tpu.memory_space<hbm>>
      %dma_start3A_422 = tpu.memref_squeeze %dma_start3A_421 : memref<1x4x8x128xf32, #tpu.memory_space<hbm>> -> memref<4x8x128xf32, #tpu.memory_space<hbm>>
      %dma_start3A_423 = arith.constant 0 : i32
      %dma_start3A_424 = arith.constant 0 : i32
      %dma_start3A_425 = arith.constant 0 : i32
      %dma_start3A_426 = tpu.memref_slice %arg8[%add3A_300, %dma_start3A_423, %dma_start3A_424, %dma_start3A_425] : memref<512x4x8x128xf32, #tpu.memory_space<hbm>> -> memref<1x4x8x128xf32, #tpu.memory_space<hbm>>
      %dma_start3A_427 = tpu.memref_squeeze %dma_start3A_426 : memref<1x4x8x128xf32, #tpu.memory_space<hbm>> -> memref<4x8x128xf32, #tpu.memory_space<hbm>>
      %dma_start3A_428 = arith.constant 0 : i32
      %dma_start3A_429 = arith.constant 0 : i32
      %dma_start3A_430 = arith.constant 0 : i32
      %dma_start3A_431 = tpu.memref_slice %arg11[%dma_start3A_412, %dma_start3A_428, %dma_start3A_429, %dma_start3A_430] : memref<2x4x8x128xf32, #tpu.memory_space<vmem>> -> memref<1x4x8x128xf32, #tpu.memory_space<vmem>>
      %dma_start3A_432 = tpu.memref_squeeze %dma_start3A_431 : memref<1x4x8x128xf32, #tpu.memory_space<vmem>> -> memref<4x8x128xf32, #tpu.memory_space<vmem>>
      tpu.enqueue_dma source(%dma_start3A_432 : memref<4x8x128xf32, #tpu.memory_space<vmem>>) target(%dma_start3A_427 : memref<4x8x128xf32, #tpu.memory_space<hbm>>) target_semaphore(%arg15 : memref<!tpu.dma_semaphore, #tpu.memory_space<semaphore_mem>>)
    }
    %scan3A_108 = arith.constant 8 : i32
    %add3A_109 = arith.constant 16 : i32
    %add3A_110 = arith.addi %mul3A_2, %add3A_109 : i32
    %sub3A_111 = arith.constant 2 : i32
    %sub3A_112 = arith.subi %add3A_110, %sub3A_111 : i32
    %add3A_113 = arith.constant 0 : i32
    %add3A_114 = arith.addi %sub3A_112, %add3A_113 : i32
    %dma_wait3A = arith.constant 0 : i32
    %dma_wait3A_115 = arith.constant 0 : i32
    %dma_wait3A_116 = arith.constant 0 : i32
    %dma_wait3A_117 = arith.constant 0 : i32
    %dma_wait3A_118 = tpu.memref_slice %arg11[%dma_wait3A, %dma_wait3A_115, %dma_wait3A_116, %dma_wait3A_117] : memref<2x4x8x128xf32, #tpu.memory_space<vmem>> -> memref<1x4x8x128xf32, #tpu.memory_space<vmem>>
    %dma_wait3A_119 = tpu.memref_squeeze %dma_wait3A_118 : memref<1x4x8x128xf32, #tpu.memory_space<vmem>> -> memref<4x8x128xf32, #tpu.memory_space<vmem>>
    %dma_wait3A_120 = arith.constant 0 : i32
    %dma_wait3A_121 = arith.constant 0 : i32
    %dma_wait3A_122 = arith.constant 0 : i32
    %dma_wait3A_123 = tpu.memref_slice %arg8[%add3A_114, %dma_wait3A_120, %dma_wait3A_121, %dma_wait3A_122] : memref<512x4x8x128xf32, #tpu.memory_space<hbm>> -> memref<1x4x8x128xf32, #tpu.memory_space<hbm>>
    %dma_wait3A_124 = tpu.memref_squeeze %dma_wait3A_123 : memref<1x4x8x128xf32, #tpu.memory_space<hbm>> -> memref<4x8x128xf32, #tpu.memory_space<hbm>>
    %dma_wait3A_125 = arith.constant 0 : i32
    %dma_wait3A_126 = arith.constant 0 : i32
    %dma_wait3A_127 = arith.constant 0 : i32
    %dma_wait3A_128 = tpu.memref_slice %arg8[%add3A_114, %dma_wait3A_125, %dma_wait3A_126, %dma_wait3A_127] : memref<512x4x8x128xf32, #tpu.memory_space<hbm>> -> memref<1x4x8x128xf32, #tpu.memory_space<hbm>>
    %dma_wait3A_129 = tpu.memref_squeeze %dma_wait3A_128 : memref<1x4x8x128xf32, #tpu.memory_space<hbm>> -> memref<4x8x128xf32, #tpu.memory_space<hbm>>
    %dma_wait3A_130 = arith.constant 0 : i32
    %dma_wait3A_131 = arith.constant 0 : i32
    %dma_wait3A_132 = arith.constant 0 : i32
    %dma_wait3A_133 = tpu.memref_slice %arg11[%dma_wait3A, %dma_wait3A_130, %dma_wait3A_131, %dma_wait3A_132] : memref<2x4x8x128xf32, #tpu.memory_space<vmem>> -> memref<1x4x8x128xf32, #tpu.memory_space<vmem>>
    %dma_wait3A_134 = tpu.memref_squeeze %dma_wait3A_133 : memref<1x4x8x128xf32, #tpu.memory_space<vmem>> -> memref<4x8x128xf32, #tpu.memory_space<vmem>>
    tpu.wait_dma2 semaphore(%arg14 : memref<!tpu.dma_semaphore, #tpu.memory_space<semaphore_mem>>) src(%dma_wait3A_134 : memref<4x8x128xf32, #tpu.memory_space<vmem>>) dst(%dma_wait3A_129 : memref<4x8x128xf32, #tpu.memory_space<hbm>>)
    %add3A_135 = arith.constant 16 : i32
    %add3A_136 = arith.addi %mul3A_2, %add3A_135 : i32
    %sub3A_137 = arith.constant 2 : i32
    %sub3A_138 = arith.subi %add3A_136, %sub3A_137 : i32
    %add3A_139 = arith.constant 1 : i32
    %add3A_140 = arith.addi %sub3A_138, %add3A_139 : i32
    %dma_wait3A_141 = arith.constant 1 : i32
    %dma_wait3A_142 = arith.constant 0 : i32
    %dma_wait3A_143 = arith.constant 0 : i32
    %dma_wait3A_144 = arith.constant 0 : i32
    %dma_wait3A_145 = tpu.memref_slice %arg11[%dma_wait3A_141, %dma_wait3A_142, %dma_wait3A_143, %dma_wait3A_144] : memref<2x4x8x128xf32, #tpu.memory_space<vmem>> -> memref<1x4x8x128xf32, #tpu.memory_space<vmem>>
    %dma_wait3A_146 = tpu.memref_squeeze %dma_wait3A_145 : memref<1x4x8x128xf32, #tpu.memory_space<vmem>> -> memref<4x8x128xf32, #tpu.memory_space<vmem>>
    %dma_wait3A_147 = arith.constant 0 : i32
    %dma_wait3A_148 = arith.constant 0 : i32
    %dma_wait3A_149 = arith.constant 0 : i32
    %dma_wait3A_150 = tpu.memref_slice %arg8[%add3A_140, %dma_wait3A_147, %dma_wait3A_148, %dma_wait3A_149] : memref<512x4x8x128xf32, #tpu.memory_space<hbm>> -> memref<1x4x8x128xf32, #tpu.memory_space<hbm>>
    %dma_wait3A_151 = tpu.memref_squeeze %dma_wait3A_150 : memref<1x4x8x128xf32, #tpu.memory_space<hbm>> -> memref<4x8x128xf32, #tpu.memory_space<hbm>>
    %dma_wait3A_152 = arith.constant 0 : i32
    %dma_wait3A_153 = arith.constant 0 : i32
    %dma_wait3A_154 = arith.constant 0 : i32
    %dma_wait3A_155 = tpu.memref_slice %arg8[%add3A_140, %dma_wait3A_152, %dma_wait3A_153, %dma_wait3A_154] : memref<512x4x8x128xf32, #tpu.memory_space<hbm>> -> memref<1x4x8x128xf32, #tpu.memory_space<hbm>>
    %dma_wait3A_156 = tpu.memref_squeeze %dma_wait3A_155 : memref<1x4x8x128xf32, #tpu.memory_space<hbm>> -> memref<4x8x128xf32, #tpu.memory_space<hbm>>
    %dma_wait3A_157 = arith.constant 0 : i32
    %dma_wait3A_158 = arith.constant 0 : i32
    %dma_wait3A_159 = arith.constant 0 : i32
    %dma_wait3A_160 = tpu.memref_slice %arg11[%dma_wait3A_141, %dma_wait3A_157, %dma_wait3A_158, %dma_wait3A_159] : memref<2x4x8x128xf32, #tpu.memory_space<vmem>> -> memref<1x4x8x128xf32, #tpu.memory_space<vmem>>
    %dma_wait3A_161 = tpu.memref_squeeze %dma_wait3A_160 : memref<1x4x8x128xf32, #tpu.memory_space<vmem>> -> memref<4x8x128xf32, #tpu.memory_space<vmem>>
    tpu.wait_dma2 semaphore(%arg15 : memref<!tpu.dma_semaphore, #tpu.memory_space<semaphore_mem>>) src(%dma_wait3A_161 : memref<4x8x128xf32, #tpu.memory_space<vmem>>) dst(%dma_wait3A_156 : memref<4x8x128xf32, #tpu.memory_space<hbm>>)
    return
  }
}

module attributes {stable_mosaic.version = 14 : i64} {
  func.func @_tc_body_aliased(%arg0: i32, %arg1: memref<2x64x1x16x1x1x14x8x128xf32, #tpu.memory_space<any>>, %arg2: memref<64x4x8x128xf32, #tpu.memory_space<vmem>>, %arg3: memref<2x4x1x16x1x1x14x8x128xf32, #tpu.memory_space<vmem>>) attributes {dimension_semantics = [#tpu.dimension_semantics<arbitrary>], iteration_bounds = array<i64: 8>, scalar_prefetch = 0 : i64, scratch_operands = 0 : i64, tpu.core_type = #tpu.core_type<tc>, window_params = [{}, {transform_indices = @transform_1, window_bounds = array<i64: 64, 4, 8, 128>}, {transform_indices = @transform_2, window_bounds = array<i64: 2, 4, 1, 16, 1, 1, 14, 8, 128>}]} {
    %get3A = arith.constant 0 : index
    %get3A_0 = arith.constant 0 : index
    %get3A_1 = arith.constant 0 : index
    %get3A_2 = arith.constant 0 : index
    %get3A_3 = vector.load %arg2[%get3A, %get3A_0, %get3A_1, %get3A_2] : memref<64x4x8x128xf32, #tpu.memory_space<vmem>>, vector<64x4x8x128xf32>
    %reshape3A = vector.shape_cast %get3A_3 : vector<64x4x8x128xf32> to vector<4x16x4x8x128xf32>
    %iota3A = tpu.iota {dimensions = array<i32: 2>} : vector<1x1x14x1x1xi32>
    %convert_element_type3A = arith.sitofp %iota3A : vector<1x1x14x1x1xi32> to vector<1x1x14x1x1xf32>
    %sub3A = arith.constant 2.000000e+00 : f32
    %sub3A_4 = vector.broadcast %sub3A : f32 to vector<1x1x14x1x1xf32>
    %sub3A_5 = arith.subf %convert_element_type3A, %sub3A_4 : vector<1x1x14x1x1xf32>
    %slice3A = vector.extract_strided_slice %reshape3A {offsets = [0, 0, 0, 0, 0], sizes = [4, 16, 1, 8, 128], strides = [1, 1, 1, 1, 1]} : vector<4x16x4x8x128xf32> to vector<4x16x1x8x128xf32>
    %squeeze3A = vector.shape_cast %slice3A : vector<4x16x1x8x128xf32> to vector<4x16x8x128xf32>
    %broadcast_in_dim3A = vector.shape_cast %squeeze3A : vector<4x16x8x128xf32> to vector<4x16x1x8x128xf32>
    %slice3A_6 = vector.extract_strided_slice %reshape3A {offsets = [0, 0, 1, 0, 0], sizes = [4, 16, 1, 8, 128], strides = [1, 1, 1, 1, 1]} : vector<4x16x4x8x128xf32> to vector<4x16x1x8x128xf32>
    %squeeze3A_7 = vector.shape_cast %slice3A_6 : vector<4x16x1x8x128xf32> to vector<4x16x8x128xf32>
    %broadcast_in_dim3A_8 = vector.shape_cast %squeeze3A_7 : vector<4x16x8x128xf32> to vector<4x16x1x8x128xf32>
    %slice3A_9 = vector.extract_strided_slice %reshape3A {offsets = [0, 0, 2, 0, 0], sizes = [4, 16, 1, 8, 128], strides = [1, 1, 1, 1, 1]} : vector<4x16x4x8x128xf32> to vector<4x16x1x8x128xf32>
    %squeeze3A_10 = vector.shape_cast %slice3A_9 : vector<4x16x1x8x128xf32> to vector<4x16x8x128xf32>
    %broadcast_in_dim3A_11 = vector.shape_cast %squeeze3A_10 : vector<4x16x8x128xf32> to vector<4x16x1x8x128xf32>
    %slice3A_12 = vector.extract_strided_slice %reshape3A {offsets = [0, 0, 3, 0, 0], sizes = [4, 16, 1, 8, 128], strides = [1, 1, 1, 1, 1]} : vector<4x16x4x8x128xf32> to vector<4x16x1x8x128xf32>
    %squeeze3A_13 = vector.shape_cast %slice3A_12 : vector<4x16x1x8x128xf32> to vector<4x16x8x128xf32>
    %broadcast_in_dim3A_14 = vector.shape_cast %squeeze3A_13 : vector<4x16x8x128xf32> to vector<4x16x1x8x128xf32>
    %mul3A = vector.broadcast %sub3A_5 : vector<1x1x14x1x1xf32> to vector<4x16x14x8x128xf32>
    %mul3A_15 = vector.broadcast %broadcast_in_dim3A_11 : vector<4x16x1x8x128xf32> to vector<4x16x14x8x128xf32>
    %mul3A_16 = arith.mulf %mul3A, %mul3A_15 : vector<4x16x14x8x128xf32>
    %add3A = vector.broadcast %broadcast_in_dim3A : vector<4x16x1x8x128xf32> to vector<4x16x14x8x128xf32>
    %add3A_17 = arith.addf %add3A, %mul3A_16 : vector<4x16x14x8x128xf32>
    %swap3A = arith.constant 0 : index
    %swap3A_18 = arith.constant 0 : index
    %swap3A_19 = arith.constant 0 : index
    %swap3A_20 = arith.constant 0 : index
    %swap3A_21 = arith.constant 0 : index
    %swap3A_22 = arith.constant 0 : index
    %swap3A_23 = arith.constant 0 : index
    %swap3A_24 = arith.constant 0 : index
    %swap3A_25 = arith.constant 0 : index
    %swap3A_26 = vector.load %arg3[%swap3A, %swap3A_18, %swap3A_19, %swap3A_20, %swap3A_21, %swap3A_22, %swap3A_23, %swap3A_24, %swap3A_25] : memref<2x4x1x16x1x1x14x8x128xf32, #tpu.memory_space<vmem>>, vector<1x4x1x16x1x1x14x8x128xf32>
    %swap3A_27 = vector.shape_cast %swap3A_26 : vector<1x4x1x16x1x1x14x8x128xf32> to vector<4x16x14x8x128xf32>
    %swap3A_28 = vector.shape_cast %add3A_17 : vector<4x16x14x8x128xf32> to vector<1x4x1x16x1x1x14x8x128xf32>
    tpu.vector_store %arg3[%swap3A, %swap3A_18, %swap3A_19, %swap3A_20, %swap3A_21, %swap3A_22, %swap3A_23, %swap3A_24, %swap3A_25], %swap3A_28 {strides = array<i32>} : memref<2x4x1x16x1x1x14x8x128xf32, #tpu.memory_space<vmem>>, vector<1x4x1x16x1x1x14x8x128xf32>,
    %mul3A_29 = vector.broadcast %sub3A_5 : vector<1x1x14x1x1xf32> to vector<4x16x14x8x128xf32>
    %mul3A_30 = vector.broadcast %broadcast_in_dim3A_14 : vector<4x16x1x8x128xf32> to vector<4x16x14x8x128xf32>
    %mul3A_31 = arith.mulf %mul3A_29, %mul3A_30 : vector<4x16x14x8x128xf32>
    %add3A_32 = vector.broadcast %broadcast_in_dim3A_8 : vector<4x16x1x8x128xf32> to vector<4x16x14x8x128xf32>
    %add3A_33 = arith.addf %add3A_32, %mul3A_31 : vector<4x16x14x8x128xf32>
    %swap3A_34 = arith.constant 1 : index
    %swap3A_35 = arith.constant 0 : index
    %swap3A_36 = arith.constant 0 : index
    %swap3A_37 = arith.constant 0 : index
    %swap3A_38 = arith.constant 0 : index
    %swap3A_39 = arith.constant 0 : index
    %swap3A_40 = arith.constant 0 : index
    %swap3A_41 = arith.constant 0 : index
    %swap3A_42 = arith.constant 0 : index
    %swap3A_43 = vector.load %arg3[%swap3A_34, %swap3A_35, %swap3A_36, %swap3A_37, %swap3A_38, %swap3A_39, %swap3A_40, %swap3A_41, %swap3A_42] : memref<2x4x1x16x1x1x14x8x128xf32, #tpu.memory_space<vmem>>, vector<1x4x1x16x1x1x14x8x128xf32>
    %swap3A_44 = vector.shape_cast %swap3A_43 : vector<1x4x1x16x1x1x14x8x128xf32> to vector<4x16x14x8x128xf32>
    %swap3A_45 = vector.shape_cast %add3A_33 : vector<4x16x14x8x128xf32> to vector<1x4x1x16x1x1x14x8x128xf32>
    tpu.vector_store %arg3[%swap3A_34, %swap3A_35, %swap3A_36, %swap3A_37, %swap3A_38, %swap3A_39, %swap3A_40, %swap3A_41, %swap3A_42], %swap3A_45 {strides = array<i32>} : memref<2x4x1x16x1x1x14x8x128xf32, #tpu.memory_space<vmem>>, vector<1x4x1x16x1x1x14x8x128xf32>,
    return
  }
  func.func @transform_1(%arg0: i32) -> (i32, i32, i32, i32) {
    %c0_i32 = arith.constant 0 : i32
    %c0_i32_0 = arith.constant 0 : i32
    %c0_i32_1 = arith.constant 0 : i32
    %c0_i32_2 = arith.constant 0 : i32
    return %arg0, %c0_i32, %c0_i32_0, %c0_i32_1 : i32, i32, i32, i32
  }
  func.func @transform_2(%arg0: i32) -> (i32, i32, i32, i32, i32, i32, i32, i32, i32) {
    %add3A = arith.constant 8 : i32
    %add3A_0 = arith.addi %add3A, %arg0 : i32
    %c0_i32 = arith.constant 0 : i32
    %c0_i32_1 = arith.constant 0 : i32
    %c0_i32_2 = arith.constant 0 : i32
    %c0_i32_3 = arith.constant 0 : i32
    %c0_i32_4 = arith.constant 0 : i32
    %c0_i32_5 = arith.constant 0 : i32
    %c0_i32_6 = arith.constant 0 : i32
    %c0_i32_7 = arith.constant 0 : i32
    %c0_i32_8 = arith.constant 0 : i32
    return %c0_i32, %add3A_0, %c0_i32_1, %c0_i32_2, %c0_i32_3, %c0_i32_4, %c0_i32_5, %c0_i32_6, %c0_i32_7 : i32, i32, i32, i32, i32, i32, i32, i32, i32
  }
}

module attributes {stable_mosaic.version = 14 : i64} {
  func.func @_tc_body(%arg0: i32, %arg1: memref<64x4x8x128xf32, #tpu.memory_space<vmem>>, %arg2: memref<2x4x1x16x1x1x14x8x128xf32, #tpu.memory_space<vmem>>) attributes {dimension_semantics = [#tpu.dimension_semantics<arbitrary>], iteration_bounds = array<i64: 8>, scalar_prefetch = 0 : i64, scratch_operands = 0 : i64, tpu.core_type = #tpu.core_type<tc>, window_params = [{transform_indices = @transform_0, window_bounds = array<i64: 64, 4, 8, 128>}, {transform_indices = @transform_1, window_bounds = array<i64: 2, 4, 1, 16, 1, 1, 14, 8, 128>}]} {
    %get3A = arith.constant 0 : index
    %get3A_0 = arith.constant 0 : index
    %get3A_1 = arith.constant 0 : index
    %get3A_2 = arith.constant 0 : index
    %get3A_3 = vector.load %arg1[%get3A, %get3A_0, %get3A_1, %get3A_2] : memref<64x4x8x128xf32, #tpu.memory_space<vmem>>, vector<64x4x8x128xf32>
    %reshape3A = vector.shape_cast %get3A_3 : vector<64x4x8x128xf32> to vector<4x16x4x8x128xf32>
    %iota3A = tpu.iota {dimensions = array<i32: 2>} : vector<1x1x14x1x1xi32>
    %convert_element_type3A = arith.sitofp %iota3A : vector<1x1x14x1x1xi32> to vector<1x1x14x1x1xf32>
    %sub3A = arith.constant 2.000000e+00 : f32
    %sub3A_4 = vector.broadcast %sub3A : f32 to vector<1x1x14x1x1xf32>
    %sub3A_5 = arith.subf %convert_element_type3A, %sub3A_4 : vector<1x1x14x1x1xf32>
    %slice3A = vector.extract_strided_slice %reshape3A {offsets = [0, 0, 0, 0, 0], sizes = [4, 16, 1, 8, 128], strides = [1, 1, 1, 1, 1]} : vector<4x16x4x8x128xf32> to vector<4x16x1x8x128xf32>
    %squeeze3A = vector.shape_cast %slice3A : vector<4x16x1x8x128xf32> to vector<4x16x8x128xf32>
    %broadcast_in_dim3A = vector.shape_cast %squeeze3A : vector<4x16x8x128xf32> to vector<4x16x1x8x128xf32>
    %slice3A_6 = vector.extract_strided_slice %reshape3A {offsets = [0, 0, 1, 0, 0], sizes = [4, 16, 1, 8, 128], strides = [1, 1, 1, 1, 1]} : vector<4x16x4x8x128xf32> to vector<4x16x1x8x128xf32>
    %squeeze3A_7 = vector.shape_cast %slice3A_6 : vector<4x16x1x8x128xf32> to vector<4x16x8x128xf32>
    %broadcast_in_dim3A_8 = vector.shape_cast %squeeze3A_7 : vector<4x16x8x128xf32> to vector<4x16x1x8x128xf32>
    %slice3A_9 = vector.extract_strided_slice %reshape3A {offsets = [0, 0, 2, 0, 0], sizes = [4, 16, 1, 8, 128], strides = [1, 1, 1, 1, 1]} : vector<4x16x4x8x128xf32> to vector<4x16x1x8x128xf32>
    %squeeze3A_10 = vector.shape_cast %slice3A_9 : vector<4x16x1x8x128xf32> to vector<4x16x8x128xf32>
    %broadcast_in_dim3A_11 = vector.shape_cast %squeeze3A_10 : vector<4x16x8x128xf32> to vector<4x16x1x8x128xf32>
    %slice3A_12 = vector.extract_strided_slice %reshape3A {offsets = [0, 0, 3, 0, 0], sizes = [4, 16, 1, 8, 128], strides = [1, 1, 1, 1, 1]} : vector<4x16x4x8x128xf32> to vector<4x16x1x8x128xf32>
    %squeeze3A_13 = vector.shape_cast %slice3A_12 : vector<4x16x1x8x128xf32> to vector<4x16x8x128xf32>
    %broadcast_in_dim3A_14 = vector.shape_cast %squeeze3A_13 : vector<4x16x8x128xf32> to vector<4x16x1x8x128xf32>
    %mul3A = vector.broadcast %sub3A_5 : vector<1x1x14x1x1xf32> to vector<4x16x14x8x128xf32>
    %mul3A_15 = vector.broadcast %broadcast_in_dim3A_11 : vector<4x16x1x8x128xf32> to vector<4x16x14x8x128xf32>
    %mul3A_16 = arith.mulf %mul3A, %mul3A_15 : vector<4x16x14x8x128xf32>
    %add3A = vector.broadcast %broadcast_in_dim3A : vector<4x16x1x8x128xf32> to vector<4x16x14x8x128xf32>
    %add3A_17 = arith.addf %add3A, %mul3A_16 : vector<4x16x14x8x128xf32>
    %swap3A = arith.constant 0 : index
    %swap3A_18 = arith.constant 0 : index
    %swap3A_19 = arith.constant 0 : index
    %swap3A_20 = arith.constant 0 : index
    %swap3A_21 = arith.constant 0 : index
    %swap3A_22 = arith.constant 0 : index
    %swap3A_23 = arith.constant 0 : index
    %swap3A_24 = arith.constant 0 : index
    %swap3A_25 = arith.constant 0 : index
    %swap3A_26 = vector.load %arg2[%swap3A, %swap3A_18, %swap3A_19, %swap3A_20, %swap3A_21, %swap3A_22, %swap3A_23, %swap3A_24, %swap3A_25] : memref<2x4x1x16x1x1x14x8x128xf32, #tpu.memory_space<vmem>>, vector<1x4x1x16x1x1x14x8x128xf32>
    %swap3A_27 = vector.shape_cast %swap3A_26 : vector<1x4x1x16x1x1x14x8x128xf32> to vector<4x16x14x8x128xf32>
    %swap3A_28 = vector.shape_cast %add3A_17 : vector<4x16x14x8x128xf32> to vector<1x4x1x16x1x1x14x8x128xf32>
    tpu.vector_store %arg2[%swap3A, %swap3A_18, %swap3A_19, %swap3A_20, %swap3A_21, %swap3A_22, %swap3A_23, %swap3A_24, %swap3A_25], %swap3A_28 {strides = array<i32>} : memref<2x4x1x16x1x1x14x8x128xf32, #tpu.memory_space<vmem>>, vector<1x4x1x16x1x1x14x8x128xf32>,
    %mul3A_29 = vector.broadcast %sub3A_5 : vector<1x1x14x1x1xf32> to vector<4x16x14x8x128xf32>
    %mul3A_30 = vector.broadcast %broadcast_in_dim3A_14 : vector<4x16x1x8x128xf32> to vector<4x16x14x8x128xf32>
    %mul3A_31 = arith.mulf %mul3A_29, %mul3A_30 : vector<4x16x14x8x128xf32>
    %add3A_32 = vector.broadcast %broadcast_in_dim3A_8 : vector<4x16x1x8x128xf32> to vector<4x16x14x8x128xf32>
    %add3A_33 = arith.addf %add3A_32, %mul3A_31 : vector<4x16x14x8x128xf32>
    %swap3A_34 = arith.constant 1 : index
    %swap3A_35 = arith.constant 0 : index
    %swap3A_36 = arith.constant 0 : index
    %swap3A_37 = arith.constant 0 : index
    %swap3A_38 = arith.constant 0 : index
    %swap3A_39 = arith.constant 0 : index
    %swap3A_40 = arith.constant 0 : index
    %swap3A_41 = arith.constant 0 : index
    %swap3A_42 = arith.constant 0 : index
    %swap3A_43 = vector.load %arg2[%swap3A_34, %swap3A_35, %swap3A_36, %swap3A_37, %swap3A_38, %swap3A_39, %swap3A_40, %swap3A_41, %swap3A_42] : memref<2x4x1x16x1x1x14x8x128xf32, #tpu.memory_space<vmem>>, vector<1x4x1x16x1x1x14x8x128xf32>
    %swap3A_44 = vector.shape_cast %swap3A_43 : vector<1x4x1x16x1x1x14x8x128xf32> to vector<4x16x14x8x128xf32>
    %swap3A_45 = vector.shape_cast %add3A_33 : vector<4x16x14x8x128xf32> to vector<1x4x1x16x1x1x14x8x128xf32>
    tpu.vector_store %arg2[%swap3A_34, %swap3A_35, %swap3A_36, %swap3A_37, %swap3A_38, %swap3A_39, %swap3A_40, %swap3A_41, %swap3A_42], %swap3A_45 {strides = array<i32>} : memref<2x4x1x16x1x1x14x8x128xf32, #tpu.memory_space<vmem>>, vector<1x4x1x16x1x1x14x8x128xf32>,
    return
  }
  func.func @transform_0(%arg0: i32) -> (i32, i32, i32, i32) {
    %c0_i32 = arith.constant 0 : i32
    %c0_i32_0 = arith.constant 0 : i32
    %c0_i32_1 = arith.constant 0 : i32
    %c0_i32_2 = arith.constant 0 : i32
    return %arg0, %c0_i32, %c0_i32_0, %c0_i32_1 : i32, i32, i32, i32
  }
  func.func @transform_1(%arg0: i32) -> (i32, i32, i32, i32, i32, i32, i32, i32, i32) {
    %add3A = arith.constant 0 : i32
    %add3A_0 = arith.addi %add3A, %arg0 : i32
    %c0_i32 = arith.constant 0 : i32
    %c0_i32_1 = arith.constant 0 : i32
    %c0_i32_2 = arith.constant 0 : i32
    %c0_i32_3 = arith.constant 0 : i32
    %c0_i32_4 = arith.constant 0 : i32
    %c0_i32_5 = arith.constant 0 : i32
    %c0_i32_6 = arith.constant 0 : i32
    %c0_i32_7 = arith.constant 0 : i32
    %c0_i32_8 = arith.constant 0 : i32
    return %c0_i32, %add3A_0, %c0_i32_1, %c0_i32_2, %c0_i32_3, %c0_i32_4, %c0_i32_5, %c0_i32_6, %c0_i32_7 : i32, i32, i32, i32, i32, i32, i32, i32, i32
  }
}

</mosaic_0001>

<sc_bundles>
// kernel: _run.6.cloned.1.call-start
scs
__scs_entry_jumppad:
0x0: {  	(pc) =	sbr.rel $0x88, $3  }
0x1: {  	(tag) =	ssettag $0x0;
	lr =	simm.s32 $0x1  }
0x2: {  	[smem:$0x3F9B] =	sst lr;
	_ =	strace $0xD0000000  }
0x3: {  	_ = 	snop  }
0x4: {  	_ = 	snop  }
0x5: {  	_ = 	snop  }
0x6: {  	_ = 	snop  }
0x7: {  	_ = 	snop  }
__scs_overlays_trampoline_lowered:
0x8: {  	[smem:$0x3FAA] =	sst s0  }
0x9: {  	[smem:$0x3FAB] =	sst s1  }
0xa: {  	[smem:$0x3FAC] =	sst s2  }
0xb: {  	[smem:$0x3FAD] =	sst s3  }
0xc: {  	[smem:$0x3FAE] =	sst s4  }
0xd: {  	[smem:$0x3FAF] =	sst s5  }
0xe: {  	[smem:$0x3FB0] =	sst s6  }
0xf: {  	[smem:$0x3FB1] =	sst s7  }
0x10: {  	[smem:$0x3FB2] =	sst s8  }
0x11: {  	[smem:$0x3FB3] =	sst s9;
	s0 =	simm.s32 @!p0 $0x0  }
0x12: {  	s1 =	sld [smem:$0x3F99];
	s0 =	simm.s32 @p0 $0x1  }
0x13: {  	[smem:$0x3FB4] =	sst s0;
	s0 =	simm.s32 @!p1 $0x0  }
0x14: {  	s2 =	sld [smem:$0x3F98];
	s0 =	simm.s32 @p1 $0x1  }
0x15: {  	[smem:$0x3FB5] =	sst s0;
	s0 =	simm.s32 @!p2 $0x0  }
0x16: {  	s3 =	sld [smem:$0x3FDB];
	s0 =	simm.s32 @p2 $0x1  }
0x17: {  	s4 =	simm.s32 $0x1BF5;
	[smem:$0x3FB7] =	sst s0  }
0x18: {  	s0 =	sld [smem:$0x3F9A];
	_ =	swait.ge [sflag:s4], $0x0  }
0x19: {  	s7 =	sld [smem:$0x3F9B]  }
0x1a: {  	s8 =	sadd.s32 $0xFFFFE003, lr  }
0x1b: {  	s9 =	sadd.s32 $0xFFFFFEF7, lr;
	s5 =	simm.s32 $0xFFFFFFFF;
	p2 =	slt.u32 s8, $0xFFFFF086  }
0x1c: {  	p1 =	slt.u32 s9, $0xF7A;
	s5 =	simm.s32 @!p2 $0x0  }
0x1d: {  	s5 =	simm.s32 @p1 $0x1;
	p0 =	seq.s32 s7, s2  }
0x1e: {  	s7 =	smul.u32 @!p0 $0xF7A, s2;
	p2 =	seq.s32 @!p0 s5, $0x0  }
0x1f: {  	s9 =	smul.u32 $0xF7A, s1;
	s8 =	simm.s32 @!p0 $0x1BF5;
	p2 =	por !p2, p0  }
0x20: {  	[sflag:s8] =	ssyncset.s32 @!p0 $0xFFFFF086;
	s6 =	sadd.s32 @!p0 s3, s7;
	s7 =	simm.s32 @!p0 $0x108  }
0x21: {  	s3 =	sadd.s32 s3, s9;
	s6 =	sadd.s32 @!p0 $0x88, s6;
	s7 =	simm.s32 @p2 $0x1082  }
0x22: {  	[simem:s7], [sflag:s8] =	dma.local @!p0 [hbm:s6], $0xF7A  }
0x23: {  	s9 =	sor.u32 $0xD0000000, s2;
	s6 =	simm.s32 $0x108;
	_ =	swait.ge @!p0 [sflag:s8], $0x0  }
0x24: {  	s3 =	sadd.s32 $0x88, s3;
	s6 =	simm.s32 @!p1 $0x1082;
	[sflag:s4] =	ssyncset.s32 $0xFFFFF086  }
0x25: {  	[simem:s6], [sflag:s4] =	dma.local [hbm:s3], $0xF7A  }
0x26: {  	[smem:$0x3F9B] =	sst s1;
	(tag) =	ssettag s2;
	_ =	strace s9  }
0x27: {  	s1 =	sld [smem:$0x3FAB]  }
0x28: {  	s2 =	sld [smem:$0x3FAC]  }
0x29: {  	s4 =	sld [smem:$0x3FAE]  }
0x2a: {  	p0 =	seq.s32 s5, $0x0;
	s5 =	sld [smem:$0x3FAF]  }
0x2b: {  	s6 =	sld [smem:$0x3FB0]  }
0x2c: {  	s7 =	sld [smem:$0x3FB1]  }
0x2d: {  	s3 =	simm.s32 $0x108;
	s8 =	sld [smem:$0x3FB2]  }
0x2e: {  	s3 =	simm.s32 @!p0 $0x1082;
	s9 =	sld [smem:$0x3FB3]  }
0x2f: {  	lr =	sadd.s32 s0, s3;
	s0 =	sld [smem:$0x3FAA]  }
0x30: {  	s3 =	sld [smem:$0x3FAD]  }
0x31: {  	[smem:$0x3FB6] =	sst s10  }
0x32: {  	s10 =	sld [smem:$0x3FB4];
	_ =	sdelay $0x3  }
0x33: {  	p0 =	seq.s32 s10, $0x1;
	s10 =	sld [smem:$0x3FB6];
	_ =	sdelay $0x3  }
0x34: {  	[smem:$0x3FB6] =	sst s10  }
0x35: {  	s10 =	sld [smem:$0x3FB5];
	_ =	sdelay $0x3  }
0x36: {  	p1 =	seq.s32 s10, $0x1;
	s10 =	sld [smem:$0x3FB6];
	_ =	sdelay $0x3  }
0x37: {  	[smem:$0x3FB6] =	sst s10  }
0x38: {  	s10 =	sld [smem:$0x3FB7]  }
0x39: {  	_ = 	snop;
	(pc) =	sbr.ind lr, $3  }
0x3a: {  	_ = 	snop  }
0x3b: {  	_ = 	snop  }
0x3c: {  	p2 =	seq.s32 s10, $0x1;
	s10 =	sld [smem:$0x3FB6]  }
0x3d: {  	_ =	shalt  }
0x3e: {  	_ =	shalt  }
0x3f: {  	_ =	shalt  }
0x40: {  	_ =	shalt  }
0x41: {  	_ =	shalt  }
0x42: {  	_ =	shalt  }
0x43: {  	_ =	shalt  }
0x44: {  	_ =	shalt  }
0x45: {  	_ =	shalt  }
0x46: {  	_ =	shalt  }
0x47: {  	_ =	shalt  }
0x48: {  	_ =	shalt  }
0x49: {  	_ =	shalt  }
0x4a: {  	_ =	shalt  }
0x4b: {  	_ =	shalt  }
0x4c: {  	_ =	shalt  }
0x4d: {  	_ =	shalt  }
0x4e: {  	_ =	shalt  }
0x4f: {  	_ =	shalt  }
0x50: {  	_ =	shalt  }
0x51: {  	_ =	shalt  }
0x52: {  	_ =	shalt  }
0x53: {  	_ =	shalt  }
0x54: {  	_ =	shalt  }
0x55: {  	_ =	shalt  }
0x56: {  	_ =	shalt  }
0x57: {  	_ =	shalt  }
0x58: {  	_ =	shalt  }
0x59: {  	_ =	shalt  }
0x5a: {  	_ =	shalt  }
0x5b: {  	_ =	shalt  }
0x5c: {  	_ =	shalt  }
0x5d: {  	_ =	shalt  }
0x5e: {  	_ =	shalt  }
0x5f: {  	_ =	shalt  }
0x60: {  	_ =	shalt  }
0x61: {  	_ =	shalt  }
0x62: {  	_ =	shalt  }
0x63: {  	_ =	shalt  }
0x64: {  	_ =	shalt  }
0x65: {  	_ =	shalt  }
0x66: {  	_ =	shalt  }
0x67: {  	_ =	shalt  }
0x68: {  	_ =	shalt  }
0x69: {  	_ =	shalt  }
0x6a: {  	_ =	shalt  }
0x6b: {  	_ =	shalt  }
0x6c: {  	_ =	shalt  }
0x6d: {  	_ =	shalt  }
0x6e: {  	_ =	shalt  }
0x6f: {  	_ =	shalt  }
0x70: {  	_ =	shalt  }
0x71: {  	_ =	shalt  }
0x72: {  	_ =	shalt  }
0x73: {  	_ =	shalt  }
0x74: {  	_ =	shalt  }
0x75: {  	_ =	shalt  }
0x76: {  	_ =	shalt  }
0x77: {  	_ =	shalt  }
0x78: {  	_ =	shalt  }
0x79: {  	_ =	shalt  }
0x7a: {  	_ =	shalt  }
0x7b: {  	_ =	shalt  }
0x7c: {  	_ =	shalt  }
0x7d: {  	_ =	shalt  }
0x7e: {  	_ =	shalt  }
0x7f: {  	_ =	shalt  }
0x80: {  	_ =	shalt  }
0x81: {  	_ =	shalt  }
0x82: {  	_ =	shalt  }
0x83: {  	_ =	shalt  }
0x84: {  	_ =	shalt  }
0x85: {  	_ =	shalt  }
0x86: {  	_ =	shalt  }
0x87: {  	_ =	shalt  }
.Lfunc_end0:
.L_simem_size_0:
called_computation_lowered:
.L_overlay_start_0:
0x88: {  	s2 =	sld [smem:$0x3FD9]  }
0x89: {  	s3 =	sld [smem:$0x3FFE];
	_ =	sdelay $0x1  }
0x8a: {  	s1 =	srdreg.scid  }
0x8b: {  	s0 =	sand.u32 $0x1, s1  }
0x8c: {  	s17 =	sshll.u32 s0, $0xA;
	s2 =	sadd.s32 s3, s2  }
0x8d: {  	s2 =	sadd.s32 s2, s17  }
0x8e: {  	[smem:$0x3FC2] =	sst s2  }
0x8f: {  	_ = 	snop  }
0x90: {  	s2 =	sld [smem:$0x3FC5]  }
0x91: {  	s18 =	sld [smem:$0x3FC4]  }
0x92: {  	s4 =	sld [smem:$0x3FD0];
	(tm) =	ssettm $0x1  }
0x93: {  	s5 =	sld [smem:$0x3FFB];
	_ =	sdelay $0x3  }
0x94: {  	_ =	strace s5  }
0x95: {  	s5 =	sld [smem:$0x3FFC];
	_ =	sdelay $0x3  }
0x96: {  	_ =	strace s5  }
0x97: {  	s5 =	sld [smem:$0x3FFD];
	_ =	sdelay $0x3  }
0x98: {  	_ =	strace s5  }
0x99: {  	_ =	strace $0x8FFFFFFF  }
0x9a: {  	s19 =	sld [smem:$0x3FDB];
	_ =	sdelay $0x1  }
0x9b: {  	s6 =	simm.s32 $_scs_section_size  }
0x9c: {  	s7 =	simm.s32 $_size__tile_overlayer_lowered;
	s8 =	simm.s32 $_tile_overlayer_lowered  }
0x9d: {  	s22 =	simm.s32 $0x1BFF;
	s21 =	sshll.u32 s8, $0x1;
	s5 =	sadd.s32 s6, s19  }
0x9e: {  	s9 =	simm.s32 $0x0;
	s20 =	sshll.u32 s7, $0x1;
	s7 =	sadd.s32 s21, s5  }
0x9f: {  	[timem:s9], [sflag:s22] =	dma.local [hbm:s7], s20  }
0xa0: {  	_ =	swait.ge [sflag:s22], s20  }
0xa1: {  	s6 =	ssub.s32 $0x0, s20;
	[sflag:s22] =	ssyncset.done $0x0  }
0xa2: {  	[sflag:s22] =	ssyncadd.s32 s6;
	_ =	sdelay $0x1  }
0xa3: {  	s23 =	simm.s32 $0x1B8B  }
0xa4: {  	_ =	swait.ge [sflag:s23], $0x1  }
0xa5: {  	[sflag:s23] =	ssyncset.done $0x0  }
0xa6: {  	s25 =	simm.s32 $0x1B8E;
	s24 =	sld [smem:$0x3FFE];
	[sflag:s23] =	ssyncadd.s32 $0xFFFFFFFF  }
0xa7: {  	s26 =	simm.s32 $execute0_lowered;
	[smem:$0x3FD2] =	sst s25  }
0xa8: {  	s7 =	sshll.u32 s26, $0x1;
	_ =	strace $0x80000046;
	[dreg:$0x1] =	wrdreg $0xFFFFFFFF  }
0xa9: {  	s28 =	simm.s32 $_size_execute0_lowered;
	s5 =	sadd.s32 s5, s7;
	[dreg:$0x0] =	wrdreg $0x0  }
0xaa: {  	s7 =	sshll.u32 s28, $0x1;
	[dreg:$0x2] =	wrdreg s5  }
0xab: {  	[dreg:$0x3] =	wrdreg s7  }
0xac: {  	[dreg:$0x4] =	wrdreg $0xC0  }
0xad: {  	_ =	task [dreg:s9], $0x5FFFF  }
0xae: {  	[dreg:$0x1] =	wrdreg $0xFFFFFFFF  }
0xaf: {  	[dreg:$0x0] =	wrdreg $0x60  }
0xb0: {  	[dreg:$0x2] =	wrdreg s24  }
0xb1: {  	[dreg:$0x3] =	wrdreg s2  }
0xb2: {  	[dreg:$0x4] =	wrdreg s18  }
0xb3: {  	[dreg:$0x5] =	wrdreg s4  }
0xb4: {  	[dreg:$0x6] =	wrdreg $0x9  }
0xb5: {  	_ =	task.clear_ibuf [dreg:s9], $0x7FFFF;
	_ =	strace $0x90000046  }
0xb6: {  	s29 =	simm.s32 $0x9;
	_ =	strace $0x80000048  }
0xb7: {  	_ =	swait.ge [sflag:s29], $0x1  }
0xb8: {  	[sflag:s29] =	ssyncadd.s32 $0xFFFFFFFF  }
0xb9: {  	_ =	strace $0x90000048  }
0xba: {  	_ =	sfence  }
0xbb: {  	s30 =	sld [smem:$0x0];
	_ =	sdelay $0x2  }
0xbc: {  	s31 =	sshll.u32 s1, $0xD;
	s1 =	sshrl.u32 s1, $0x2  }
0xbd: {  	s3 =	sand.u32 $0x4000, s31;
	s1 =	sadd.s32 s1, s30  }
0xbe: {  	s0 =	sor.u32 s3, s0;
	s1 =	sshll.u32 s1, $0x11  }
0xbf: {  	s0 =	sor.u32 s1, s0  }
0xc0: {  	s0 =	sadd.s32 $0x8F2B, s0  }
0xc1: {  	[sflag:s0] =	ssyncadd.remote.s32 $0x1  }
0xc2: {  	_ =	sfence.sel $0xFFFF  }
0xc3: {  	[dreg:$0x0] =	wrdreg $0xFFFFFFFF;
	(pc) =	sbr.abs _section_cstart, $3  }
0xc4: {  	[dreg:$0x1] =	wrdreg $0xFFFFFFFF  }
0xc5: {  	_ =	task.clear_ibuf [dreg:s9], $0x2FFFF;
	_ =	strace $0x9FFFFFFF  }
0xc6: {  	(tm) =	ssettm $0x7FFFFFFF  }
0xc7: {  	_ =	shalt  }
tec
execute0_lowered:
.L_overlay_start_1:
0x0: {  	(tag) =	ssettag $0x1  }
0x1: {  	s0 =	rddreg [dreg:$0x0]  }
0x2: {  	s11 =	rddreg [dreg:$0x1]  }
0x3: {  	s12 =	rddreg [dreg:$0x2]  }
0x4: {  	s3 =	rddreg [dreg:$0x3];
	s4 =	simm.s32 $0x0;
	s1 =	srdreg.scid  }
0x5: {  	s5 =	stileid.u32;
	s28 =	simm.s32 $0x2D00;
	s29 =	simm.s32 $0x2F00  }
0x6: {  	s30 =	simm.s32 $0x2180;
	s31 =	simm.s32 $0x2380;
	[smem:$0x7FF] =	sst s4  }
0x7: {  	s6 =	sadd.s32 $0x11400, s0;
	s7 =	sadd.s32 $0x1400, s0;
	s20 =	sadd.s32 $0x10, s11  }
0x8: {  	s22 =	sadd.s32 $0x10, s12;
	_ =	strace $0x80000047;
	[dreg:$0x5] =	wrdreg s20  }
0x9: {  	s8 =	sadd.s32 $0x51400, s0;
	s13 =	sadd.s32 $0x40, s11;
	[dreg:$0x6] =	wrdreg s22  }
0xa: {  	s1 =	sand.u32 $0x1, s1;
	s14 =	sadd.s32 $0x60, s11;
	[dreg:$0xd] =	wrdreg s13  }
0xb: {  	s5 =	sshll.u32 s5, $0x5;
	s15 =	sadd.s32 $0x80, s11;
	[dreg:$0xe] =	wrdreg s14  }
0xc: {  	s9 =	sadd.s32 $0x41400, s0;
	s16 =	sadd.s32 $0xA0, s11;
	[dreg:$0xf] =	wrdreg s15  }
0xd: {  	s17 =	sadd.s32 $0xC0, s11;
	s18 =	sadd.s32 $0xE0, s11;
	[dreg:$0x10] =	wrdreg s16  }
0xe: {  	s2 =	ssub.s32 $0x2, s1;
	s1 =	sshll.u32 s1, $0x4;
	[dreg:$0x11] =	wrdreg s17  }
0xf: {  	[dreg:$0x12] =	wrdreg s18;
	s20 =	sadd.s32 $0x40, s12;
	s22 =	sadd.s32 $0x80, s12  }
0x10: {  	s19 =	sshrl.u32 s2, $0x1;
	s10 =	sor.u32 s1, s5;
	[dreg:$0x14] =	wrdreg s20  }
0x11: {  	s5 =	sadd.s32 $0x20, s11;
	[dreg:$0x16] =	wrdreg s22;
	s0 =	ssub.s32 s2, s19  }
0x12: {  	s21 =	sshll.u32 s10, $0x7;
	[dreg:$0xc] =	wrdreg s5;
	s19 =	sadd.s32 $0x20, s12  }
0x13: {  	s13 =	simm.s32 $0x2F80;
	s23 =	sadd.s32 s6, s21;
	[dreg:$0x13] =	wrdreg s19  }
0x14: {  	s14 =	simm.s32 $0x3000;
	s24 =	sadd.s32 s7, s21;
	[dreg:$0x7] =	wrdreg s23  }
0x15: {  	s15 =	simm.s32 $0x2;
	s25 =	sadd.s32 s8, s21;
	[dreg:$0x8] =	wrdreg s24  }
0x16: {  	s16 =	simm.s32 $0x4;
	s26 =	sadd.s32 s9, s21;
	[dreg:$0x9] =	wrdreg s25  }
0x17: {  	s17 =	simm.s32 $0x0;
	s0 =	smax.u32 s0, $0x1;
	[dreg:$0xa] =	wrdreg s26  }
0x18: {  	[dreg:$0xb] =	wrdreg s0;
	s25 =	sor.u32 $0x10, s21;
	s21 =	sadd.s32 $0x60, s12  }
0x19: {  	s11 =	simm.s32 $0x2B80;
	s23 =	sadd.s32 $0xA0, s12;
	[dreg:$0x15] =	wrdreg s21  }
0x1a: {  	s1 =	simm.s32 $0x4000;
	s24 =	sadd.s32 $0xC0, s12;
	[dreg:$0x17] =	wrdreg s23  }
0x1b: {  	s5 =	simm.s32 $0x2780;
	s26 =	sadd.s32 $0xE0, s12;
	[dreg:$0x18] =	wrdreg s24  }
0x1c: {  	s0 =	simm.s32 $0x2580;
	s12 =	simm.s32 $0x2D80;
	[dreg:$0x19] =	wrdreg s26  }
0x1d: {  	s24 =	simm.s32 $0x1000;
	s26 =	simm.s32 $0x1;
	s23 =	simm.s32 $0x2980  }
.LBB2_1:
0x1e: {  	[dreg:$0x1a] =	wrdreg s17  }
0x1f: {  	s2 =	rddreg [dreg:$0x1]  }
0x20: {  	[tilespmem:s24], [sflag:$0x5] =	stream.linear.gather [hbm4b:s2+s4], $0x80, $0x38;
	[tilespmem:$0x5000] =	vst v63  }
0x21: {  	s22 =	rddreg [dreg:$0xc];
	s24 =	simm.s32 $0x1200  }
0x22: {  	[tilespmem:s24], [sflag:$0x5] =	stream.linear.gather [hbm4b:s22+s4], $0x80, $0x38;
	[tilespmem:$0x5000] =	vst v63  }
0x23: {  	s18 =	rddreg [dreg:$0xd];
	s19 =	simm.s32 $0x1400  }
0x24: {  	[tilespmem:s19], [sflag:$0x5] =	stream.linear.gather [hbm4b:s18+s4], $0x80, $0x38;
	[tilespmem:$0x5000] =	vst v63  }
0x25: {  	s20 =	rddreg [dreg:$0xe];
	s21 =	simm.s32 $0x1600  }
0x26: {  	[tilespmem:s21], [sflag:$0x5] =	stream.linear.gather [hbm4b:s20+s4], $0x80, $0x38;
	[tilespmem:$0x5000] =	vst v63  }
0x27: {  	s22 =	rddreg [dreg:$0xf];
	s24 =	simm.s32 $0x1800  }
0x28: {  	[tilespmem:s24], [sflag:$0x5] =	stream.linear.gather [hbm4b:s22+s4], $0x80, $0x38;
	[tilespmem:$0x5000] =	vst v63  }
0x29: {  	s18 =	rddreg [dreg:$0x10];
	s19 =	simm.s32 $0x1A00  }
0x2a: {  	[tilespmem:s19], [sflag:$0x5] =	stream.linear.gather [hbm4b:s18+s4], $0x80, $0x38;
	[tilespmem:$0x5000] =	vst v63  }
0x2b: {  	s20 =	rddreg [dreg:$0x11];
	s21 =	simm.s32 $0x1C00  }
0x2c: {  	[tilespmem:s21], [sflag:$0x5] =	stream.linear.gather [hbm4b:s20+s4], $0x80, $0x38;
	[tilespmem:$0x5000] =	vst v63  }
0x2d: {  	s22 =	rddreg [dreg:$0x12];
	s24 =	simm.s32 $0x1E00;
	s18 =	simm.s32 $0x5  }
0x2e: {  	[tilespmem:s24], [sflag:$0x5] =	stream.linear.gather [hbm4b:s22+s4], $0x80, $0x38;
	[tilespmem:$0x5000] =	vst v63  }
0x2f: {  	_ =	swait.ge [sflag:s18], $0x400  }
0x30: {  	[sflag:s18] =	ssyncset.done $0x0  }
0x31: {  	[sflag:s18] =	ssyncadd.s32 $0xFFFFFC00  }
0x32: {  	s19 =	simm.s32 $0x1080;
	s17 =	rddreg [dreg:$0x2]  }
0x33: {  	[tilespmem:s19], [sflag:$0x5] =	stream.linear.gather [hbm4b:s17+s4], $0x80, $0x38;
	[tilespmem:$0x5000] =	vst v63  }
0x34: {  	s21 =	simm.s32 $0x1280;
	s20 =	rddreg [dreg:$0x13]  }
0x35: {  	[tilespmem:s21], [sflag:$0x5] =	stream.linear.gather [hbm4b:s20+s4], $0x80, $0x38;
	[tilespmem:$0x5000] =	vst v63  }
0x36: {  	s24 =	simm.s32 $0x1480;
	s22 =	rddreg [dreg:$0x14]  }
0x37: {  	[tilespmem:s24], [sflag:$0x5] =	stream.linear.gather [hbm4b:s22+s4], $0x80, $0x38;
	[tilespmem:$0x5000] =	vst v63  }
0x38: {  	s17 =	rddreg [dreg:$0x15];
	s19 =	simm.s32 $0x1680  }
0x39: {  	[tilespmem:s19], [sflag:$0x5] =	stream.linear.gather [hbm4b:s17+s4], $0x80, $0x38;
	[tilespmem:$0x5000] =	vst v63  }
0x3a: {  	s20 =	rddreg [dreg:$0x16];
	s21 =	simm.s32 $0x1880  }
0x3b: {  	[tilespmem:s21], [sflag:$0x5] =	stream.linear.gather [hbm4b:s20+s4], $0x80, $0x38;
	[tilespmem:$0x5000] =	vst v63  }
0x3c: {  	s22 =	rddreg [dreg:$0x17];
	s24 =	simm.s32 $0x1A80  }
0x3d: {  	[tilespmem:s24], [sflag:$0x5] =	stream.linear.gather [hbm4b:s22+s4], $0x80, $0x38;
	[tilespmem:$0x5000] =	vst v63  }
0x3e: {  	s17 =	rddreg [dreg:$0x18];
	s19 =	simm.s32 $0x1C80  }
0x3f: {  	[tilespmem:s19], [sflag:$0x5] =	stream.linear.gather [hbm4b:s17+s4], $0x80, $0x38;
	[tilespmem:$0x5000] =	vst v63  }
0x40: {  	s20 =	rddreg [dreg:$0x19];
	s21 =	simm.s32 $0x1E80  }
0x41: {  	[tilespmem:s21], [sflag:$0x5] =	stream.linear.gather [hbm4b:s20+s4], $0x80, $0x38;
	[tilespmem:$0x5000] =	vst v63  }
0x42: {  	_ =	swait.ge [sflag:s18], $0x400  }
0x43: {  	[sflag:s18] =	ssyncset.done $0x0  }
0x44: {  	s22 =	simm.s32 $0x1100;
	s17 =	rddreg [dreg:$0x5];
	[sflag:s18] =	ssyncadd.s32 $0xFFFFFC00  }
0x45: {  	[tilespmem:s22], [sflag:$0x5] =	stream.linear.gather [hbm4b:s17+s4], $0x80, $0x38;
	[tilespmem:$0x5000] =	vst v63  }
0x46: {  	s19 =	simm.s32 $0x1300;
	s24 =	sadd.s32 $0x20, s17  }
0x47: {  	[tilespmem:s19], [sflag:$0x5] =	stream.linear.gather [hbm4b:s24+s4], $0x80, $0x38;
	[tilespmem:$0x5000] =	vst v63  }
0x48: {  	s21 =	simm.s32 $0x1500;
	s20 =	sadd.s32 $0x40, s17  }
0x49: {  	[tilespmem:s21], [sflag:$0x5] =	stream.linear.gather [hbm4b:s20+s4], $0x80, $0x38;
	[tilespmem:$0x5000] =	vst v63  }
0x4a: {  	s22 =	sadd.s32 $0x60, s17;
	s24 =	simm.s32 $0x1700  }
0x4b: {  	[tilespmem:s24], [sflag:$0x5] =	stream.linear.gather [hbm4b:s22+s4], $0x80, $0x38;
	[tilespmem:$0x5000] =	vst v63  }
0x4c: {  	s20 =	sadd.s32 $0x80, s17;
	s21 =	simm.s32 $0x1900  }
0x4d: {  	[tilespmem:s21], [sflag:$0x5] =	stream.linear.gather [hbm4b:s20+s4], $0x80, $0x38;
	[tilespmem:$0x5000] =	vst v63  }
0x4e: {  	s22 =	sadd.s32 $0xA0, s17;
	s24 =	simm.s32 $0x1B00  }
0x4f: {  	[tilespmem:s24], [sflag:$0x5] =	stream.linear.gather [hbm4b:s22+s4], $0x80, $0x38;
	[tilespmem:$0x5000] =	vst v63  }
0x50: {  	s20 =	sadd.s32 $0xC0, s17;
	s21 =	simm.s32 $0x1D00  }
0x51: {  	[tilespmem:s21], [sflag:$0x5] =	stream.linear.gather [hbm4b:s20+s4], $0x80, $0x38;
	[tilespmem:$0x5000] =	vst v63  }
0x52: {  	s22 =	sadd.s32 $0xE0, s17;
	s24 =	simm.s32 $0x1F00  }
0x53: {  	[tilespmem:s24], [sflag:$0x5] =	stream.linear.gather [hbm4b:s22+s4], $0x80, $0x38;
	[tilespmem:$0x5000] =	vst v63  }
0x54: {  	_ =	swait.ge [sflag:s18], $0x400  }
0x55: {  	[sflag:s18] =	ssyncset.done $0x0  }
0x56: {  	s19 =	simm.s32 $0x1180;
	s17 =	rddreg [dreg:$0x6];
	[sflag:s18] =	ssyncadd.s32 $0xFFFFFC00  }
0x57: {  	[tilespmem:s19], [sflag:$0x5] =	stream.linear.gather [hbm4b:s17+s4], $0x80, $0x38;
	[tilespmem:$0x5000] =	vst v63  }
0x58: {  	s21 =	simm.s32 $0x1380;
	s20 =	sadd.s32 $0x20, s17  }
0x59: {  	[tilespmem:s21], [sflag:$0x5] =	stream.linear.gather [hbm4b:s20+s4], $0x80, $0x38;
	[tilespmem:$0x5000] =	vst v63  }
0x5a: {  	s24 =	simm.s32 $0x1580;
	s22 =	sadd.s32 $0x40, s17  }
0x5b: {  	[tilespmem:s24], [sflag:$0x5] =	stream.linear.gather [hbm4b:s22+s4], $0x80, $0x38;
	[tilespmem:$0x5000] =	vst v63  }
0x5c: {  	s20 =	sadd.s32 $0x60, s17;
	s21 =	simm.s32 $0x1780  }
0x5d: {  	[tilespmem:s21], [sflag:$0x5] =	stream.linear.gather [hbm4b:s20+s4], $0x80, $0x38;
	[tilespmem:$0x5000] =	vst v63  }
0x5e: {  	s22 =	sadd.s32 $0x80, s17;
	s24 =	simm.s32 $0x1980  }
0x5f: {  	[tilespmem:s24], [sflag:$0x5] =	stream.linear.gather [hbm4b:s22+s4], $0x80, $0x38;
	[tilespmem:$0x5000] =	vst v63  }
0x60: {  	s20 =	sadd.s32 $0xA0, s17;
	s21 =	simm.s32 $0x1B80  }
0x61: {  	[tilespmem:s21], [sflag:$0x5] =	stream.linear.gather [hbm4b:s20+s4], $0x80, $0x38;
	[tilespmem:$0x5000] =	vst v63  }
0x62: {  	s22 =	sadd.s32 $0xC0, s17;
	s24 =	simm.s32 $0x1D80  }
0x63: {  	[tilespmem:s24], [sflag:$0x5] =	stream.linear.gather [hbm4b:s22+s4], $0x80, $0x38;
	[tilespmem:$0x5000] =	vst v63  }
0x64: {  	s20 =	sadd.s32 $0xE0, s17;
	s21 =	simm.s32 $0x1F80  }
0x65: {  	[tilespmem:s21], [sflag:$0x5] =	stream.linear.gather [hbm4b:s20+s4], $0x80, $0x38;
	[tilespmem:$0x5000] =	vst v63  }
0x66: {  	_ =	swait.ge [sflag:s18], $0x400  }
0x67: {  	s22 =	sand.u32 $0x70, s4;
	s24 =	sand.u32 $0xE00, s4;
	[sflag:s18] =	ssyncset.done $0x0  }
0x68: {  	s2 =	sor.u32 s22, s24;
	[sflag:s18] =	ssyncadd.s32 $0xFFFFFC00  }
0x69: {  	v8 =	vld [tilespmem:s2+$0x1100]  }
0x6a: {  	v14 =	vld [tilespmem:s2+$0x1180];
	_ =	sdelay $0x2  }
0x6b: {  	v4 =	vld [tilespmem:s2+$0x1080]  }
0x6c: {  	s19 =	simm.s32 $0x10;
	s20 =	simm.s32 $0x40;
	v3 =	vld [tilespmem:s2+$0x1000]  }
0x6d: {  	s17 =	sand.u32 $0x70, s19;
	s18 =	sand.u32 $0xE00, s20;
	v0 =	vmul.f32 v8, v8;
	v1 =	vmul.f32 v14, v14  }
0x6e: {  	s17 =	sor.u32 s17, s18  }
0x6f: {  	v5 =	vld [tilespmem:s17+$0x1100];
	v6 =	vadd.f32 v1, v0  }
0x70: {  	v2 =	vld [tilespmem:s17+$0x1180];
	v7 =	vmul.f32 v4, v4  }
0x71: {  	v0 =	vld [tilespmem:s17+$0x1000];
	(erf) = vrcp.f32 v6;
	v6 =	vmul.f32 v3, v3  }
0x72: {  	v1 =	vld [tilespmem:s17+$0x1080]  }
0x73: {  	v7 =	vadd.f32 v7, v6  }
0x74: {  	s22 =	simm.s32 $0x80;
	s21 =	simm.s32 $0x20  }
0x75: {  	s19 =	sand.u32 $0xE00, s22;
	s18 =	sand.u32 $0x70, s21;
	(erf) = vrcp.f32 v7  }
0x76: {  	s18 =	sor.u32 s18, s19;
	v9 =	vmul.f32 v5, v5;
	v11 =	vmul.f32 v2, v2  }
0x77: {  	v10 =	vld [tilespmem:s18+$0x1100];
	v12 =	vmul.f32 v0, v0;
	v13 =	vmul.f32 v1, v1  }
0x78: {  	v9 =	vadd.f32 v11, v9;
	v6 =	vld [tilespmem:s18+$0x1180]  }
0x79: {  	v7 =	vld [tilespmem:s18+$0x1000];
	v12 =	vadd.f32 v13, v12  }
0x7a: {  	(erf) = vrcp.f32 v9;
	v9 =	vld [tilespmem:s18+$0x1080]  }
0x7b: {  	s24 =	simm.s32 $0x30;
	s20 =	simm.s32 $0xC0;
	(erf) = vrcp.f32 v12  }
0x7c: {  	s21 =	sand.u32 $0xE00, s20;
	s19 =	sand.u32 $0x70, s24;
	v11 =	vmul.f32 v10, v10;
	v13 =	vpop (erf)  }
0x7d: {  	s19 =	sor.u32 s19, s21;
	s21 =	simm.s32 $0x40;
	v12 =	vmul.f32 v6, v6;
	v14 =	vmul.f32 v13, v14  }
.LBB2_2:
0x7e: {  	p0 =	sne.s32 s21, $0x3F0;
	v15 =	vld [tilespmem:s19+$0x1100];
	v16 =	vmul.f32 v7, v7;
	v13 =	vmul.f32 v13, v8;
	v17 =	vpop (erf);
	v8 =	vmov v5  }
0x7f: {  	v18 =	vld [tilespmem:s19+$0x1180];
	v19 =	vmul.f32 v9, v9;
	v11 =	vadd.f32 v12, v11;
	v12 =	vmul.f32 v17, v3;
	[tilespmem:s2+$0x180] =	vst v14  }
.Ltmp0:
0x80: {  	v5 =	vmovc v10;
	v14 =	vmul.f32 v17, v4;
	v3 =	vmovc v0;
	v0 =	vmov v7;
	v4 =	vmov v1;
	[tilespmem:s2+$0x100] =	vst v13;
	v7 =	vld [tilespmem:s19+$0x1000];
	(pc) =	sbr.rel @p0 .LBB2_2-.Ltmp0, $4  }
0x81: {  	v1 =	vmov v9;
	v16 =	vadd.f32 v19, v16;
	(erf) = vrcp.f32 v11;
	[tilespmem:s2+$0x0] =	vst v12;
	v9 =	vld [tilespmem:s19+$0x1080]  }
0x82: {  	s20 =	sadd.s32 $0x40, s20;
	[tilespmem:s2+$0x80] =	vst v14;
	s2 =	smov.u32 s17;
	s17 =	smov.u32 s18  }
0x83: {  	s22 =	sand.u32 $0x70, s21;
	s24 =	sand.u32 $0xE00, s20;
	s18 =	smov.u32 s19;
	v11 =	vmul.f32 v15, v15;
	(erf) = vrcp.f32 v16;
	v13 =	vpop (erf);
	v10 =	vmov v15  }
0x84: {  	s21 =	sadd.s32 $0x10, s21;
	s19 =	sor.u32 s22, s24;
	v12 =	vmul.f32 v18, v18;
	v14 =	vmul.f32 v13, v2;
	v2 =	vmovc v6;
	v6 =	vmov v18  }
0x85: {  	v15 =	vld [tilespmem:s19+$0x1100];
	v8 =	vmul.f32 v13, v8  }
0x86: {  	v16 =	vld [tilespmem:s19+$0x1180];
	[tilespmem:s2+$0x180] =	vst v14  }
0x87: {  	v42 =	vld [tilespmem:s19+$0x1000];
	[tilespmem:s2+$0x100] =	vst v8  }
0x88: {  	v43 =	vmul.f32 v7, v7;
	v44 =	vmul.f32 v9, v9;
	v11 =	vadd.f32 v12, v11;
	v45 =	vld [tilespmem:s19+$0x1080];
	_ =	sdelay $0x1  }
0x89: {  	v8 =	vadd.f32 v44, v43;
	(erf) = vrcp.f32 v11  }
0x8a: {  	v46 =	vmul.f32 v15, v15;
	v47 =	vmul.f32 v16, v16  }
0x8b: {  	(erf) = vrcp.f32 v8  }
0x8c: {  	v48 =	vmul.f32 v42, v42;
	v11 =	vadd.f32 v47, v46;
	v17 =	vmul.f32 v45, v45  }
0x8d: {  	v49 =	vpop (erf)  }
0x8e: {  	v3 =	vmul.f32 v49, v3;
	(erf) = vrcp.f32 v11;
	v8 =	vadd.f32 v17, v48  }
0x8f: {  	v4 =	vmul.f32 v49, v4;
	v50 =	vpop (erf)  }
0x90: {  	[tilespmem:s2+$0x0] =	vst v3;
	v2 =	vmul.f32 v50, v2;
	(erf) = vrcp.f32 v8  }
0x91: {  	[tilespmem:s2+$0x80] =	vst v4;
	v52 =	vmul.f32 v50, v5;
	v51 =	vpop (erf)  }
0x92: {  	v0 =	vmul.f32 v51, v0;
	[tilespmem:s17+$0x180] =	vst v2  }
0x93: {  	v1 =	vmul.f32 v51, v1;
	[tilespmem:s17+$0x100] =	vst v52;
	v53 =	vpop (erf)  }
0x94: {  	[tilespmem:s17+$0x0] =	vst v0;
	v54 =	vmul.f32 v53, v6  }
0x95: {  	[tilespmem:s17+$0x80] =	vst v1;
	v55 =	vmul.f32 v53, v10;
	v56 =	vpop (erf)  }
0x96: {  	v57 =	vmul.f32 v56, v7;
	[tilespmem:s18+$0x180] =	vst v54  }
0x97: {  	v58 =	vmul.f32 v56, v9;
	[tilespmem:s18+$0x100] =	vst v55;
	v59 =	vpop (erf)  }
0x98: {  	[tilespmem:s18+$0x0] =	vst v57;
	v60 =	vmul.f32 v59, v16  }
0x99: {  	[tilespmem:s18+$0x80] =	vst v58;
	v61 =	vmul.f32 v59, v15;
	v62 =	vpop (erf)  }
0x9a: {  	[tilespmem:s19+$0x180] =	vst v60;
	v63 =	vmul.f32 v62, v42  }
0x9b: {  	[tilespmem:s19+$0x100] =	vst v61;
	v1 =	vmul.f32 v62, v45  }
0x9c: {  	[tilespmem:s19+$0x0] =	vst v63  }
0x9d: {  	s24 =	simm.s32 $0x1000;
	s2 =	simm.s32 $0x0;
	s18 =	rddreg [dreg:$0x7];
	[tilespmem:s19+$0x80] =	vst v1  }
0x9e: {  	[tilespmem:s24], [sflag:$0x1] =	stream.linear.gather [hbm4b:s18+s2], $0x80, $0x38;
	[tilespmem:$0x5000] =	vst v63  }
0x9f: {  	s20 =	simm.s32 $0x1200;
	s19 =	sadd.s32 $0x80, s18  }
0xa0: {  	[tilespmem:s20], [sflag:$0x1] =	stream.linear.gather [hbm4b:s19+s2], $0x80, $0x38;
	[tilespmem:$0x5000] =	vst v63  }
0xa1: {  	s22 =	simm.s32 $0x1400;
	s21 =	sadd.s32 $0x100, s18  }
0xa2: {  	[tilespmem:s22], [sflag:$0x1] =	stream.linear.gather [hbm4b:s21+s2], $0x80, $0x38;
	[tilespmem:$0x5000] =	vst v63  }
0xa3: {  	s19 =	sadd.s32 $0x180, s18;
	s20 =	simm.s32 $0x1600  }
0xa4: {  	[tilespmem:s20], [sflag:$0x1] =	stream.linear.gather [hbm4b:s19+s2], $0x80, $0x38;
	[tilespmem:$0x5000] =	vst v63  }
0xa5: {  	s21 =	sadd.s32 $0x200, s18;
	s22 =	simm.s32 $0x1800  }
0xa6: {  	[tilespmem:s22], [sflag:$0x1] =	stream.linear.gather [hbm4b:s21+s2], $0x80, $0x38;
	[tilespmem:$0x5000] =	vst v63  }
0xa7: {  	s19 =	sadd.s32 $0x280, s18;
	s20 =	simm.s32 $0x1A00  }
0xa8: {  	[tilespmem:s20], [sflag:$0x1] =	stream.linear.gather [hbm4b:s19+s2], $0x80, $0x38;
	[tilespmem:$0x5000] =	vst v63  }
0xa9: {  	s21 =	sadd.s32 $0x300, s18;
	s22 =	simm.s32 $0x1C00  }
0xaa: {  	[tilespmem:s22], [sflag:$0x1] =	stream.linear.gather [hbm4b:s21+s2], $0x80, $0x38;
	[tilespmem:$0x5000] =	vst v63  }
0xab: {  	s20 =	sadd.s32 $0x380, s18;
	s21 =	simm.s32 $0x1E00  }
0xac: {  	[tilespmem:s21], [sflag:$0x1] =	stream.linear.gather [hbm4b:s20+s2], $0x80, $0x38;
	[tilespmem:$0x5000] =	vst v63  }
0xad: {  	s18 =	rddreg [dreg:$0x8];
	s22 =	simm.s32 $0x1080  }
0xae: {  	[tilespmem:s22], [sflag:$0x1] =	stream.linear.gather [hbm4b:s18+s2], $0x80, $0x38;
	[tilespmem:$0x5000] =	vst v63  }
0xaf: {  	s19 =	sadd.s32 $0x80, s18;
	s20 =	simm.s32 $0x1280  }
0xb0: {  	[tilespmem:s20], [sflag:$0x1] =	stream.linear.gather [hbm4b:s19+s2], $0x80, $0x38;
	[tilespmem:$0x5000] =	vst v63  }
0xb1: {  	s21 =	sadd.s32 $0x100, s18;
	s22 =	simm.s32 $0x1480  }
0xb2: {  	[tilespmem:s22], [sflag:$0x1] =	stream.linear.gather [hbm4b:s21+s2], $0x80, $0x38;
	[tilespmem:$0x5000] =	vst v63  }
0xb3: {  	s19 =	sadd.s32 $0x180, s18;
	s20 =	simm.s32 $0x1680  }
0xb4: {  	[tilespmem:s20], [sflag:$0x1] =	stream.linear.gather [hbm4b:s19+s2], $0x80, $0x38;
	[tilespmem:$0x5000] =	vst v63  }
0xb5: {  	s21 =	sadd.s32 $0x200, s18;
	s22 =	simm.s32 $0x1880  }
0xb6: {  	[tilespmem:s22], [sflag:$0x1] =	stream.linear.gather [hbm4b:s21+s2], $0x80, $0x38;
	[tilespmem:$0x5000] =	vst v63  }
0xb7: {  	s19 =	sadd.s32 $0x280, s18;
	s20 =	simm.s32 $0x1A80  }
0xb8: {  	[tilespmem:s20], [sflag:$0x1] =	stream.linear.gather [hbm4b:s19+s2], $0x80, $0x38;
	[tilespmem:$0x5000] =	vst v63  }
0xb9: {  	s21 =	sadd.s32 $0x300, s18;
	s22 =	simm.s32 $0x1C80  }
0xba: {  	[tilespmem:s22], [sflag:$0x1] =	stream.linear.gather [hbm4b:s21+s2], $0x80, $0x38;
	[tilespmem:$0x5000] =	vst v63  }
0xbb: {  	s20 =	sadd.s32 $0x380, s18;
	s21 =	simm.s32 $0x1E80  }
0xbc: {  	[tilespmem:s21], [sflag:$0x1] =	stream.linear.gather [hbm4b:s20+s2], $0x80, $0x38;
	[tilespmem:$0x5000] =	vst v63  }
0xbd: {  	s18 =	rddreg [dreg:$0x9];
	s22 =	simm.s32 $0x1100  }
0xbe: {  	[tilespmem:s22], [sflag:$0x1] =	stream.linear.gather [hbm4b:s18+s2], $0x80, $0x38;
	[tilespmem:$0x5000] =	vst v63  }
0xbf: {  	s19 =	sadd.s32 $0x80, s18;
	s20 =	simm.s32 $0x1300  }
0xc0: {  	[tilespmem:s20], [sflag:$0x1] =	stream.linear.gather [hbm4b:s19+s2], $0x80, $0x38;
	[tilespmem:$0x5000] =	vst v63  }
0xc1: {  	s21 =	sadd.s32 $0x100, s18;
	s22 =	simm.s32 $0x1500  }
0xc2: {  	[tilespmem:s22], [sflag:$0x1] =	stream.linear.gather [hbm4b:s21+s2], $0x80, $0x38;
	[tilespmem:$0x5000] =	vst v63  }
0xc3: {  	s19 =	sadd.s32 $0x180, s18;
	s20 =	simm.s32 $0x1700  }
0xc4: {  	[tilespmem:s20], [sflag:$0x1] =	stream.linear.gather [hbm4b:s19+s2], $0x80, $0x38;
	[tilespmem:$0x5000] =	vst v63  }
0xc5: {  	s21 =	sadd.s32 $0x200, s18;
	s22 =	simm.s32 $0x1900  }
0xc6: {  	[tilespmem:s22], [sflag:$0x1] =	stream.linear.gather [hbm4b:s21+s2], $0x80, $0x38;
	[tilespmem:$0x5000] =	vst v63  }
0xc7: {  	s19 =	sadd.s32 $0x280, s18;
	s20 =	simm.s32 $0x1B00  }
0xc8: {  	[tilespmem:s20], [sflag:$0x1] =	stream.linear.gather [hbm4b:s19+s2], $0x80, $0x38;
	[tilespmem:$0x5000] =	vst v63  }
0xc9: {  	s21 =	sadd.s32 $0x300, s18;
	s22 =	simm.s32 $0x1D00  }
0xca: {  	[tilespmem:s22], [sflag:$0x1] =	stream.linear.gather [hbm4b:s21+s2], $0x80, $0x38;
	[tilespmem:$0x5000] =	vst v63  }
0xcb: {  	s18 =	sadd.s32 $0x380, s18;
	s19 =	simm.s32 $0x1F00  }
0xcc: {  	[tilespmem:s19], [sflag:$0x1] =	stream.linear.gather [hbm4b:s18+s2], $0x80, $0x38;
	[tilespmem:$0x5000] =	vst v63  }
0xcd: {  	s20 =	simm.s32 $0x1180;
	s18 =	rddreg [dreg:$0xa]  }
0xce: {  	[tilespmem:s20], [sflag:$0x1] =	stream.linear.gather [hbm4b:s18+s2], $0x80, $0x38;
	[tilespmem:$0x5000] =	vst v63  }
0xcf: {  	s22 =	simm.s32 $0x1380;
	s21 =	sadd.s32 $0x80, s18  }
0xd0: {  	[tilespmem:s22], [sflag:$0x1] =	stream.linear.gather [hbm4b:s21+s2], $0x80, $0x38;
	[tilespmem:$0x5000] =	vst v63  }
0xd1: {  	s19 =	sadd.s32 $0x100, s18;
	s20 =	simm.s32 $0x1580  }
0xd2: {  	[tilespmem:s20], [sflag:$0x1] =	stream.linear.gather [hbm4b:s19+s2], $0x80, $0x38;
	[tilespmem:$0x5000] =	vst v63  }
0xd3: {  	s21 =	sadd.s32 $0x180, s18;
	s22 =	simm.s32 $0x1780  }
0xd4: {  	[tilespmem:s22], [sflag:$0x1] =	stream.linear.gather [hbm4b:s21+s2], $0x80, $0x38;
	[tilespmem:$0x5000] =	vst v63  }
0xd5: {  	s19 =	sadd.s32 $0x200, s18;
	s20 =	simm.s32 $0x1980  }
0xd6: {  	[tilespmem:s20], [sflag:$0x1] =	stream.linear.gather [hbm4b:s19+s2], $0x80, $0x38;
	[tilespmem:$0x5000] =	vst v63  }
0xd7: {  	s21 =	sadd.s32 $0x280, s18;
	s22 =	simm.s32 $0x1B80  }
0xd8: {  	[tilespmem:s22], [sflag:$0x1] =	stream.linear.gather [hbm4b:s21+s2], $0x80, $0x38;
	[tilespmem:$0x5000] =	vst v63  }
0xd9: {  	s19 =	sadd.s32 $0x300, s18;
	s20 =	simm.s32 $0x1D80  }
0xda: {  	[tilespmem:s20], [sflag:$0x1] =	stream.linear.gather [hbm4b:s19+s2], $0x80, $0x38;
	[tilespmem:$0x5000] =	vst v63  }
0xdb: {  	s21 =	sadd.s32 $0x380, s18;
	s22 =	simm.s32 $0x1F80  }
0xdc: {  	[tilespmem:s22], [sflag:$0x1] =	stream.linear.gather [hbm4b:s21+s2], $0x80, $0x38;
	[tilespmem:$0x5000] =	vst v63  }
.LBB2_4:
0xdd: {  	_ =	swait.ge [sflag:s26], $0x400  }
0xde: {  	[sflag:s26] =	ssyncset.done $0x0  }
0xdf: {  	[sflag:s26] =	ssyncadd.s32 $0xFFFFFC00  }
0xe0: {  	_ =	swait.ge [sflag:s26], $0x400  }
0xe1: {  	[sflag:s26] =	ssyncset.done $0x0  }
0xe2: {  	[sflag:s26] =	ssyncadd.s32 $0xFFFFFC00  }
0xe3: {  	_ =	swait.ge [sflag:s26], $0x400  }
0xe4: {  	s17 =	sshll.u32 s2, $0x8;
	s18 =	sshll.u32 s2, $0x5;
	[sflag:s26] =	ssyncset.done $0x0  }
0xe5: {  	s17 =	sand.u32 $0x400, s17;
	s18 =	sand.u32 $0x60, s18;
	[sflag:s26] =	ssyncadd.s32 $0xFFFFFC00  }
0xe6: {  	s17 =	sor.u32 s17, s18;
	_ =	swait.ge [sflag:s26], $0x400  }
0xe7: {  	s17 =	sor.u32 s25, s17;
	[sflag:s26] =	ssyncset.done $0x0  }
0xe8: {  	s19 =	simm.s32 $0x2000;
	s18 =	sadd.s32 s6, s17;
	[sflag:s26] =	ssyncadd.s32 $0xFFFFFC00  }
0xe9: {  	[tilespmem:s19], [sflag:$0x2] =	stream.linear.gather [hbm4b:s18+s4], $0x80, $0x38;
	[tilespmem:$0x5000] =	vst v63  }
0xea: {  	s20 =	simm.s32 $0x2200;
	s22 =	sadd.s32 $0x80, s18  }
0xeb: {  	[tilespmem:s20], [sflag:$0x2] =	stream.linear.gather [hbm4b:s22+s4], $0x80, $0x38;
	[tilespmem:$0x5000] =	vst v63  }
0xec: {  	s21 =	sadd.s32 $0x100, s18;
	s22 =	simm.s32 $0x2400  }
0xed: {  	[tilespmem:s22], [sflag:$0x2] =	stream.linear.gather [hbm4b:s21+s4], $0x80, $0x38;
	[tilespmem:$0x5000] =	vst v63  }
0xee: {  	s21 =	sadd.s32 $0x180, s18;
	s22 =	simm.s32 $0x2600  }
0xef: {  	[tilespmem:s22], [sflag:$0x2] =	stream.linear.gather [hbm4b:s21+s4], $0x80, $0x38;
	[tilespmem:$0x5000] =	vst v63  }
0xf0: {  	s21 =	sadd.s32 $0x200, s18;
	s22 =	simm.s32 $0x2800  }
0xf1: {  	[tilespmem:s22], [sflag:$0x2] =	stream.linear.gather [hbm4b:s21+s4], $0x80, $0x38;
	[tilespmem:$0x5000] =	vst v63  }
0xf2: {  	s21 =	sadd.s32 $0x280, s18;
	s22 =	simm.s32 $0x2A00  }
0xf3: {  	[tilespmem:s22], [sflag:$0x2] =	stream.linear.gather [hbm4b:s21+s4], $0x80, $0x38;
	[tilespmem:$0x5000] =	vst v63  }
0xf4: {  	s20 =	sadd.s32 $0x300, s18;
	s21 =	simm.s32 $0x2C00  }
0xf5: {  	[tilespmem:s21], [sflag:$0x2] =	stream.linear.gather [hbm4b:s20+s4], $0x80, $0x38;
	[tilespmem:$0x5000] =	vst v63  }
0xf6: {  	s18 =	sadd.s32 $0x380, s18;
	s22 =	simm.s32 $0x2E00  }
0xf7: {  	[tilespmem:s22], [sflag:$0x2] =	stream.linear.gather [hbm4b:s18+s4], $0x80, $0x38;
	[tilespmem:$0x5000] =	vst v63  }
0xf8: {  	s20 =	simm.s32 $0x2080;
	s18 =	sadd.s32 s7, s17  }
0xf9: {  	[tilespmem:s20], [sflag:$0x2] =	stream.linear.gather [hbm4b:s18+s4], $0x80, $0x38;
	[tilespmem:$0x5000] =	vst v63  }
0xfa: {  	s22 =	simm.s32 $0x2280;
	s21 =	sadd.s32 $0x80, s18  }
0xfb: {  	[tilespmem:s22], [sflag:$0x2] =	stream.linear.gather [hbm4b:s21+s4], $0x80, $0x38;
	[tilespmem:$0x5000] =	vst v63  }
0xfc: {  	s21 =	sadd.s32 $0x100, s18;
	s22 =	simm.s32 $0x2480  }
0xfd: {  	[tilespmem:s22], [sflag:$0x2] =	stream.linear.gather [hbm4b:s21+s4], $0x80, $0x38;
	[tilespmem:$0x5000] =	vst v63  }
0xfe: {  	s21 =	sadd.s32 $0x180, s18;
	s22 =	simm.s32 $0x2680  }
0xff: {  	[tilespmem:s22], [sflag:$0x2] =	stream.linear.gather [hbm4b:s21+s4], $0x80, $0x38;
	[tilespmem:$0x5000] =	vst v63  }
0x100: {  	s21 =	sadd.s32 $0x200, s18;
	s22 =	simm.s32 $0x2880  }
0x101: {  	[tilespmem:s22], [sflag:$0x2] =	stream.linear.gather [hbm4b:s21+s4], $0x80, $0x38;
	[tilespmem:$0x5000] =	vst v63  }
0x102: {  	s21 =	sadd.s32 $0x280, s18;
	s22 =	simm.s32 $0x2A80  }
0x103: {  	[tilespmem:s22], [sflag:$0x2] =	stream.linear.gather [hbm4b:s21+s4], $0x80, $0x38;
	[tilespmem:$0x5000] =	vst v63  }
0x104: {  	s20 =	sadd.s32 $0x300, s18;
	s21 =	simm.s32 $0x2C80  }
0x105: {  	[tilespmem:s21], [sflag:$0x2] =	stream.linear.gather [hbm4b:s20+s4], $0x80, $0x38;
	[tilespmem:$0x5000] =	vst v63  }
0x106: {  	s18 =	sadd.s32 $0x380, s18;
	s22 =	simm.s32 $0x2E80  }
0x107: {  	[tilespmem:s22], [sflag:$0x2] =	stream.linear.gather [hbm4b:s18+s4], $0x80, $0x38;
	[tilespmem:$0x5000] =	vst v63  }
0x108: {  	s20 =	simm.s32 $0x2100;
	s18 =	sadd.s32 s8, s17  }
0x109: {  	[tilespmem:s20], [sflag:$0x2] =	stream.linear.gather [hbm4b:s18+s4], $0x80, $0x38;
	[tilespmem:$0x5000] =	vst v63  }
0x10a: {  	s22 =	simm.s32 $0x2300;
	s21 =	sadd.s32 $0x80, s18  }
0x10b: {  	[tilespmem:s22], [sflag:$0x2] =	stream.linear.gather [hbm4b:s21+s4], $0x80, $0x38;
	[tilespmem:$0x5000] =	vst v63  }
0x10c: {  	s21 =	sadd.s32 $0x100, s18;
	s22 =	simm.s32 $0x2500  }
0x10d: {  	[tilespmem:s22], [sflag:$0x2] =	stream.linear.gather [hbm4b:s21+s4], $0x80, $0x38;
	[tilespmem:$0x5000] =	vst v63  }
0x10e: {  	s21 =	sadd.s32 $0x180, s18;
	s22 =	simm.s32 $0x2700  }
0x10f: {  	[tilespmem:s22], [sflag:$0x2] =	stream.linear.gather [hbm4b:s21+s4], $0x80, $0x38;
	[tilespmem:$0x5000] =	vst v63  }
0x110: {  	s21 =	sadd.s32 $0x200, s18;
	s22 =	simm.s32 $0x2900  }
0x111: {  	[tilespmem:s22], [sflag:$0x2] =	stream.linear.gather [hbm4b:s21+s4], $0x80, $0x38;
	[tilespmem:$0x5000] =	vst v63  }
0x112: {  	s21 =	sadd.s32 $0x280, s18;
	s22 =	simm.s32 $0x2B00  }
0x113: {  	[tilespmem:s22], [sflag:$0x2] =	stream.linear.gather [hbm4b:s21+s4], $0x80, $0x38;
	[tilespmem:$0x5000] =	vst v63  }
0x114: {  	s20 =	sadd.s32 $0x300, s18  }
0x115: {  	[tilespmem:s28], [sflag:$0x2] =	stream.linear.gather [hbm4b:s20+s4], $0x80, $0x38;
	[tilespmem:$0x5000] =	vst v63  }
0x116: {  	s18 =	sadd.s32 $0x380, s18  }
0x117: {  	[tilespmem:s29], [sflag:$0x2] =	stream.linear.gather [hbm4b:s18+s4], $0x80, $0x38;
	[tilespmem:$0x5000] =	vst v63  }
0x118: {  	s17 =	sadd.s32 s9, s17  }
0x119: {  	[tilespmem:s30], [sflag:$0x2] =	stream.linear.gather [hbm4b:s17+s4], $0x80, $0x38;
	[tilespmem:$0x5000] =	vst v63  }
0x11a: {  	s21 =	sadd.s32 $0x80, s17  }
0x11b: {  	[tilespmem:s31], [sflag:$0x2] =	stream.linear.gather [hbm4b:s21+s4], $0x80, $0x38;
	[tilespmem:$0x5000] =	vst v63  }
0x11c: {  	s22 =	sadd.s32 $0x100, s17  }
0x11d: {  	[tilespmem:s0], [sflag:$0x2] =	stream.linear.gather [hbm4b:s22+s4], $0x80, $0x38;
	[tilespmem:$0x5000] =	vst v63  }
0x11e: {  	s19 =	sadd.s32 $0x180, s17  }
0x11f: {  	[tilespmem:s5], [sflag:$0x2] =	stream.linear.gather [hbm4b:s19+s4], $0x80, $0x38;
	[tilespmem:$0x5000] =	vst v63  }
0x120: {  	s20 =	sadd.s32 $0x200, s17  }
0x121: {  	[tilespmem:s23], [sflag:$0x2] =	stream.linear.gather [hbm4b:s20+s4], $0x80, $0x38;
	[tilespmem:$0x5000] =	vst v63  }
0x122: {  	s21 =	sadd.s32 $0x280, s17  }
0x123: {  	[tilespmem:s11], [sflag:$0x2] =	stream.linear.gather [hbm4b:s21+s4], $0x80, $0x38;
	[tilespmem:$0x5000] =	vst v63  }
0x124: {  	s22 =	sadd.s32 $0x300, s17  }
0x125: {  	[tilespmem:s12], [sflag:$0x2] =	stream.linear.gather [hbm4b:s22+s4], $0x80, $0x38;
	[tilespmem:$0x5000] =	vst v63  }
0x126: {  	p0 =	seq.s32 s2, $0x0;
	s17 =	sadd.s32 $0x380, s17  }
0x127: {  	[tilespmem:s13], [sflag:$0x2] =	stream.linear.gather [hbm4b:s17+s4], $0x80, $0x38;
	[tilespmem:$0x5000] =	vst v63  }
0x128: {  	s17 =	simm.s32 @!p0 $0x3  }
0x129: {  	_ =	swait.ge @!p0 [sflag:s17], $0x1000  }
0x12a: {  	[sflag:s17] =	ssyncset.done @!p0 $0x0  }
0x12b: {  	s22 =	simm.s32 $0x1100;
	[sflag:s17] =	ssyncadd.s32 @!p0 $0xFFFFF000  }
0x12c: {  	v4 =	vld [tilespmem:s22+$0xFFFFFF70]  }
0x12d: {  	v6 =	vld [tilespmem:s22+$0xFFFFFFF0]  }
0x12e: {  	v7 =	vld [tilespmem:s22+$0x70]  }
0x12f: {  	s17 =	simm.s32 $0x100;
	v8 =	vld [tilespmem:s22+$0xF0]  }
0x130: {  	v9 =	vld [tilespmem:s17+$0xFFFFFF70]  }
0x131: {  	v10 =	vld [tilespmem:s17+$0xFFFFFFF0]  }
0x132: {  	v11 =	vld [tilespmem:s17+$0x70]  }
0x133: {  	v12 =	vld [tilespmem:s17+$0xF0]  }
0x134: {  	v2 =	vld [tilespmem:s22+$0x0]  }
0x135: {  	v13 =	vld [tilespmem:s22+$0x80]  }
0x136: {  	v14 =	vld [tilespmem:s17+$0x0]  }
0x137: {  	v3 =	vld [tilespmem:s17+$0x80]  }
0x138: {  	v15 =	vld [tilespmem:s22+$0xFFFFFF10]  }
0x139: {  	v16 =	vld [tilespmem:s22+$0xFFFFFF90]  }
0x13a: {  	v17 =	vld [tilespmem:s22+$0x10]  }
0x13b: {  	v18 =	vld [tilespmem:s22+$0x90]  }
0x13c: {  	v19 =	vld [tilespmem:s17+$0xFFFFFF10]  }
0x13d: {  	v20 =	vld [tilespmem:s17+$0xFFFFFF90]  }
0x13e: {  	v21 =	vld [tilespmem:s17+$0x10]  }
0x13f: {  	v22 =	vld [tilespmem:s17+$0x90]  }
0x140: {  	v23 =	vld [tilespmem:s22+$0xFFFFFF20]  }
0x141: {  	v24 =	vld [tilespmem:s22+$0xFFFFFFA0]  }
0x142: {  	v25 =	vld [tilespmem:s22+$0x20]  }
0x143: {  	v26 =	vld [tilespmem:s22+$0xA0]  }
0x144: {  	v27 =	vld [tilespmem:s17+$0xFFFFFF20]  }
0x145: {  	v28 =	vld [tilespmem:s17+$0xFFFFFFA0]  }
0x146: {  	v31 =	vld [tilespmem:s17+$0x20];
	v29 =	vmul.f32 v9, v4  }
0x147: {  	v32 =	vld [tilespmem:s22+$0xFFFFFF30];
	v30 =	vmul.f32 v10, v6;
	v6 =	vmul.f32 v9, v6  }
0x148: {  	v46 =	vld [tilespmem:s22+$0x40];
	v4 =	vmul.f32 v10, v4;
	v63 =	vmul.f32 v11, v8  }
0x149: {  	v51 =	vld [tilespmem:s17+$0x40];
	v36 =	vmul.f32 v12, v7;
	v7 =	vmul.f32 v11, v7  }
0x14a: {  	v56 =	vld [tilespmem:s22+$0xD0];
	v8 =	vmul.f32 v12, v8;
	v37 =	vmul.f32 v19, v15  }
0x14b: {  	v57 =	vld [tilespmem:s17+$0x50];
	v15 =	vmul.f32 v20, v15;
	v39 =	vmul.f32 v21, v17  }
0x14c: {  	v38 =	vld [tilespmem:s22+$0x30];
	v21 =	vmul.f32 v21, v18;
	v18 =	vmul.f32 v22, v18  }
0x14d: {  	v33 =	vld [tilespmem:s17+$0xFFFFFF30];
	v17 =	vmul.f32 v22, v17;
	v41 =	vmul.f32 v14, v13  }
0x14e: {  	v34 =	vld [tilespmem:s17+$0xFFFFFFB0];
	v42 =	vmul.f32 v28, v24;
	v24 =	vmul.f32 v27, v24  }
0x14f: {  	v40 =	vld [tilespmem:s17+$0x30];
	v45 =	vmul.f32 v31, v25;
	v31 =	vmul.f32 v31, v26  }
0x150: {  	v9 =	vld [tilespmem:s17+$0xA0];
	v55 =	vmul.f32 v51, v46;
	v60 =	vmul.f32 v57, v56;
	v10 =	vadd.f32 v30, v29  }
0x151: {  	v11 =	vld [tilespmem:s22+$0xFFFFFFB0];
	v6 =	vsub.f32 v6, v4;
	v12 =	vsub.f32 v63, v36;
	v4 =	vmul.f32 v14, v2  }
0x152: {  	v43 =	vld [tilespmem:s22+$0xFFFFFF40];
	v7 =	vadd.f32 v8, v7;
	v8 =	vmul.f32 v19, v16;
	v16 =	vmul.f32 v20, v16  }
0x153: {  	v44 =	vld [tilespmem:s22+$0xFFFFFFC0];
	v14 =	vadd.f32 v18, v39;
	v17 =	vsub.f32 v21, v17;
	v18 =	vmul.f32 v27, v23  }
0x154: {  	v19 =	vld [tilespmem:s22+$0xB0];
	v23 =	vmul.f32 v28, v23;
	v12 =	vsub.f32 v12, v6;
	v7 =	vsub.f32 v7, v10  }
0x155: {  	s18 =	simm.s32 $0x3800;
	v47 =	vld [tilespmem:s22+$0xC0];
	v16 =	vadd.f32 v16, v37;
	v8 =	vsub.f32 v8, v15;
	v26 =	vmul.f32 v9, v26  }
0x156: {  	v15 =	vld [tilespmem:s17+$0xB0];
	v18 =	vadd.f32 v42, v18;
	[tilespmem:s18+$0xFFFFF870] =	vst v10;
	v9 =	vmul.f32 v9, v25;
	v50 =	vmul.f32 v33, v11  }
0x157: {  	v48 =	vld [tilespmem:s17+$0xFFFFFF40];
	[tilespmem:s18+$0xFFFFFC70] =	vst v6;
	v11 =	vmul.f32 v34, v11;
	v12 =	vmul.f32 $1.111111120e-01, v12;
	v14 =	vsub.f32 v14, v16  }
0x158: {  	v49 =	vld [tilespmem:s17+$0xFFFFFFC0];
	v17 =	vsub.f32 v17, v8;
	v7 =	vmul.f32 $1.111111120e-01, v7;
	[tilespmem:s18+$0xFFFFF810] =	vst v16;
	v16 =	vmul.f32 v40, v38  }
0x159: {  	v52 =	vld [tilespmem:s17+$0xC0];
	v22 =	vmul.f32 v40, v19;
	[tilespmem:s18+$0x470] =	vst v12;
	v12 =	vmul.f32 v3, v13;
	v13 =	vsub.f32 v24, v23  }
0x15a: {  	v53 =	vld [tilespmem:s22+$0xFFFFFF50];
	[tilespmem:s18+$0xFFFFFC10] =	vst v8;
	v10 =	vmul.f32 $1.111111120e-01, v14;
	v14 =	vmul.f32 $1.111111120e-01, v17;
	v17 =	vadd.f32 v26, v45  }
0x15b: {  	v54 =	vld [tilespmem:s17+$0xFFFFFFD0];
	[tilespmem:s18+$0x70] =	vst v7;
	v7 =	vsub.f32 v31, v9;
	v9 =	vmul.f32 v33, v32;
	v8 =	vmul.f32 v15, v19  }
0x15c: {  	v59 =	vld [tilespmem:s17+$0xD0];
	[tilespmem:s18+$0xFFFFF820] =	vst v18;
	v15 =	vmul.f32 v15, v38;
	v6 =	vsub.f32 v17, v18;
	v17 =	vmul.f32 v34, v32  }
0x15d: {  	v19 =	vld [tilespmem:s22+$0xFFFFFFD0];
	v7 =	vsub.f32 v7, v13;
	v9 =	vadd.f32 v11, v9;
	[tilespmem:s18+$0x10] =	vst v10;
	v18 =	vmul.f32 v49, v44  }
0x15e: {  	v11 =	vld [tilespmem:s22+$0x50];
	[tilespmem:s18+$0xFFFFFC20] =	vst v13;
	v13 =	vmul.f32 v49, v43;
	v8 =	vadd.f32 v8, v16;
	v16 =	vmul.f32 v48, v43  }
0x15f: {  	[tilespmem:s18+$0x410] =	vst v14;
	v14 =	vsub.f32 v22, v15;
	v15 =	vmul.f32 v48, v44;
	v10 =	vsub.f32 v50, v17;
	v17 =	vld [tilespmem:s17+$0xFFFFFF50]  }
0x160: {  	v5 =	vld [tilespmem:s22+$0xFFFFFF80];
	v6 =	vmul.f32 $1.111111120e-01, v6;
	v7 =	vmul.f32 $1.111111120e-01, v7;
	v8 =	vsub.f32 v8, v9  }
0x161: {  	v0 =	vld [tilespmem:s17+$0xFFFFFF00];
	[tilespmem:s18+$0xFFFFF830] =	vst v9;
	v9 =	vmul.f32 v51, v47;
	v16 =	vadd.f32 v18, v16;
	v18 =	vmul.f32 v52, v47  }
0x162: {  	v1 =	vld [tilespmem:s17+$0xFFFFFF80];
	v13 =	vsub.f32 v15, v13;
	[tilespmem:s18+$0x20] =	vst v6;
	v6 =	vsub.f32 v14, v10;
	v14 =	vmul.f32 v52, v46  }
0x163: {  	[tilespmem:s18+$0x420] =	vst v7;
	v7 =	vld [tilespmem:s22+$0xFFFFFF60];
	v58 =	vmul.f32 $1.111111120e-01, v8;
	v15 =	vadd.f32 v18, v55;
	v61 =	vmul.f32 v59, v11  }
0x164: {  	[tilespmem:s18+$0xFFFFFC30] =	vst v10;
	v8 =	vld [tilespmem:s22+$0xFFFFFFE0];
	v10 =	vsub.f32 v9, v14;
	v9 =	vmul.f32 v54, v19;
	v18 =	vmul.f32 v17, v53  }
0x165: {  	[tilespmem:s18+$0xFFFFF840] =	vst v16;
	v14 =	vmul.f32 v17, v19;
	v15 =	vsub.f32 v15, v16;
	v16 =	vmul.f32 $1.111111120e-01, v6;
	v6 =	vld [tilespmem:s22+$0x60]  }
0x166: {  	[tilespmem:s18+$0xFFFFFC40] =	vst v13;
	v17 =	vmul.f32 v54, v53;
	v19 =	vmul.f32 v57, v11;
	v11 =	vld [tilespmem:s17+$0xFFFFFF60]  }
0x167: {  	v10 =	vsub.f32 v10, v13;
	v18 =	vadd.f32 v9, v18;
	v9 =	vld [tilespmem:s22+$0xE0];
	[tilespmem:s18+$0x430] =	vst v16;
	v16 =	vmul.f32 v59, v56  }
0x168: {  	v62 =	vmul.f32 v3, v2;
	[tilespmem:s18+$0x30] =	vst v58;
	v63 =	vmul.f32 $1.111111120e-01, v15;
	v13 =	vsub.f32 v14, v17;
	v14 =	vld [tilespmem:s17+$0xFFFFFFE0]  }
0x169: {  	v15 =	vld [tilespmem:s17+$0x60];
	v10 =	vmul.f32 $1.111111120e-01, v10;
	v16 =	vadd.f32 v16, v19;
	v19 =	vsub.f32 v60, v61;
	[tilespmem:s18+$0xFFFFF850] =	vst v18  }
0x16a: {  	s19 =	sshll.u32 s2, $0x1;
	v2 =	vmul.f32 v0, v5;
	v3 =	vadd.f32 v12, v4;
	v4 =	vsub.f32 v41, v62;
	v12 =	vld [tilespmem:s17+$0xE0];
	[tilespmem:s18+$0x40] =	vst v63  }
0x16b: {  	s20 =	sadd.s32 s10, s19;
	s21 =	simm.s32 $0x0;
	v5 =	vmul.f32 v1, v5;
	v17 =	vld [tilespmem:s22+$0xFFFFFF00];
	s22 =	simm.s32 $0x1300;
	[tilespmem:s18+$0x440] =	vst v10;
	v16 =	vsub.f32 v16, v18;
	v10 =	vsub.f32 v19, v13  }
.LBB2_5:
0x16c: {  	v18 =	vld [tilespmem:s22+$0xFFFFFF70];
	[tilespmem:s18+$0xFFFFFC50] =	vst v13;
	v13 =	vmul.f32 v11, v7;
	v11 =	vmul.f32 v11, v8  }
0x16d: {  	v19 =	vld [tilespmem:s22+$0xFFFFFFF0];
	v8 =	vmul.f32 v14, v8;
	v7 =	vmul.f32 v14, v7  }
0x16e: {  	v14 =	vld [tilespmem:s22+$0x70];
	v20 =	vmul.f32 v15, v6;
	v15 =	vmul.f32 v15, v9  }
0x16f: {  	s17 =	sadd.s32 $0x200, s17;
	v21 =	vld [tilespmem:s22+$0xF0];
	v8 =	vadd.f32 v8, v13;
	v9 =	vmul.f32 v12, v9;
	v6 =	vmul.f32 v12, v6  }
0x170: {  	v7 =	vsub.f32 v11, v7;
	v12 =	vld [tilespmem:s17+$0xFFFFFF70];
	v0 =	vmul.f32 v0, v17;
	v1 =	vmul.f32 v1, v17  }
0x171: {  	v13 =	vmul.f32 $1.111111120e-01, v16;
	v11 =	vld [tilespmem:s17+$0xFFFFFFF0];
	v9 =	vadd.f32 v9, v20;
	v6 =	vsub.f32 v15, v6;
	[tilespmem:s18+$0xFFFFF860] =	vst v8  }
0x172: {  	v15 =	vld [tilespmem:s17+$0x70];
	v0 =	vadd.f32 v5, v0;
	v1 =	vsub.f32 v2, v1;
	v2 =	vmul.f32 $1.111111120e-01, v10;
	[tilespmem:s18+$0xFFFFFC60] =	vst v7  }
0x173: {  	s21 =	sadd.s32 $0x8, s21;
	v5 =	vld [tilespmem:s17+$0xF0];
	[tilespmem:s18+$0x50] =	vst v13;
	v8 =	vsub.f32 v9, v8;
	v6 =	vsub.f32 v6, v7  }
0x174: {  	p1 =	slt.u32 s21, $0x38;
	v7 =	vld [tilespmem:s22+$0xFFFFFF80];
	v3 =	vsub.f32 v3, v0;
	v4 =	vsub.f32 v4, v1;
	[tilespmem:s18+$0x450] =	vst v2  }
0x175: {  	v9 =	vld [tilespmem:s22+$0x0];
	v2 =	vmul.f32 v12, v18;
	[tilespmem:s18+$0xFFFFF800] =	vst v0;
	v8 =	vmul.f32 $1.111111120e-01, v8  }
0x176: {  	v10 =	vld [tilespmem:s22+$0x80];
	v13 =	vmul.f32 v11, v19;
	[tilespmem:s18+$0xFFFFFC00] =	vst v1;
	v3 =	vmul.f32 $1.111111120e-01, v3  }
0x177: {  	v12 =	vmul.f32 v12, v19;
	v11 =	vmul.f32 v11, v18;
	v0 =	vld [tilespmem:s17+$0xFFFFFF00];
	[tilespmem:s18+$0x60] =	vst v8  }
0x178: {  	v1 =	vld [tilespmem:s17+$0xFFFFFF80];
	v8 =	vadd.f32 v13, v2;
	v2 =	vmul.f32 v15, v21;
	v13 =	vmul.f32 v5, v14;
	[tilespmem:s18+$0x0] =	vst v3  }
0x179: {  	v14 =	vmul.f32 v15, v14;
	v5 =	vmul.f32 v5, v21;
	v3 =	vld [tilespmem:s17+$0x0]  }
0x17a: {  	v4 =	vmul.f32 $1.111111120e-01, v4;
	v11 =	vsub.f32 v12, v11;
	v15 =	vld [tilespmem:s17+$0x80];
	v12 =	vsub.f32 v2, v13  }
0x17b: {  	v6 =	vmul.f32 $1.111111120e-01, v6;
	v14 =	vadd.f32 v5, v14;
	v13 =	vld [tilespmem:s22+$0xFFFFFF10]  }
0x17c: {  	v2 =	vmul.f32 v0, v7;
	v16 =	vld [tilespmem:s22+$0xFFFFFF90];
	v12 =	vsub.f32 v12, v11;
	[tilespmem:s18+$0x400] =	vst v4  }
0x17d: {  	v4 =	vsub.f32 v14, v8;
	v5 =	vmul.f32 v1, v7;
	v7 =	vld [tilespmem:s22+$0x10];
	[tilespmem:s18+$0x460] =	vst v6  }
0x17e: {  	v6 =	vmul.f32 v3, v9;
	v14 =	vld [tilespmem:s22+$0x90];
	v12 =	vmul.f32 $1.111111120e-01, v12  }
0x17f: {  	s18 =	sadd.s32 $0x80, s18;
	v17 =	vmul.f32 v15, v10;
	v10 =	vmul.f32 v3, v10;
	v18 =	vld [tilespmem:s17+$0xFFFFFF10]  }
0x180: {  	v19 =	vmul.f32 $1.111111120e-01, v4;
	v9 =	vmul.f32 v15, v9;
	v15 =	vld [tilespmem:s17+$0xFFFFFF90];
	[tilespmem:s18+$0x470] =	vst v12  }
0x181: {  	v3 =	vadd.f32 v17, v6;
	v6 =	vld [tilespmem:s17+$0x10];
	[tilespmem:s18+$0xFFFFF870] =	vst v8  }
0x182: {  	v4 =	vsub.f32 v10, v9;
	v8 =	vld [tilespmem:s17+$0x90];
	[tilespmem:s18+$0x70] =	vst v19  }
0x183: {  	v9 =	vld [tilespmem:s22+$0xFFFFFF20];
	[tilespmem:s18+$0xFFFFFC70] =	vst v11  }
0x184: {  	v10 =	vmul.f32 v18, v13;
	v11 =	vmul.f32 v18, v16;
	v12 =	vld [tilespmem:s22+$0xFFFFFFA0]  }
0x185: {  	v16 =	vmul.f32 v15, v16;
	v13 =	vmul.f32 v15, v13;
	v15 =	vld [tilespmem:s22+$0x20]  }
0x186: {  	v17 =	vmul.f32 v6, v7;
	v6 =	vmul.f32 v6, v14;
	v18 =	vld [tilespmem:s22+$0xA0]  }
0x187: {  	v10 =	vadd.f32 v16, v10;
	v14 =	vmul.f32 v8, v14;
	v7 =	vmul.f32 v8, v7;
	v8 =	vld [tilespmem:s17+$0xFFFFFF20]  }
0x188: {  	v11 =	vsub.f32 v11, v13;
	v13 =	vld [tilespmem:s17+$0xFFFFFFA0]  }
0x189: {  	v14 =	vadd.f32 v14, v17;
	v6 =	vsub.f32 v6, v7;
	[tilespmem:s18+$0xFFFFF810] =	vst v10;
	v7 =	vld [tilespmem:s17+$0x20]  }
0x18a: {  	[tilespmem:s18+$0xFFFFFC10] =	vst v11;
	v16 =	vld [tilespmem:s17+$0xA0]  }
0x18b: {  	v10 =	vsub.f32 v14, v10;
	v6 =	vsub.f32 v6, v11;
	v11 =	vld [tilespmem:s22+$0xFFFFFF30]  }
0x18c: {  	v14 =	vmul.f32 v8, v9;
	v8 =	vmul.f32 v8, v12;
	v17 =	vld [tilespmem:s22+$0xFFFFFFB0]  }
0x18d: {  	v12 =	vmul.f32 v13, v12;
	v9 =	vmul.f32 v13, v9;
	v13 =	vld [tilespmem:s22+$0x30]  }
0x18e: {  	v19 =	vmul.f32 v7, v15;
	v7 =	vmul.f32 v7, v18;
	v20 =	vld [tilespmem:s22+$0xB0]  }
0x18f: {  	v12 =	vadd.f32 v12, v14;
	v14 =	vmul.f32 v16, v18;
	v15 =	vmul.f32 v16, v15;
	v16 =	vld [tilespmem:s17+$0xFFFFFF30]  }
0x190: {  	v10 =	vmul.f32 $1.111111120e-01, v10;
	v6 =	vmul.f32 $1.111111120e-01, v6;
	v8 =	vsub.f32 v8, v9;
	v9 =	vld [tilespmem:s17+$0xFFFFFFB0]  }
0x191: {  	v14 =	vadd.f32 v14, v19;
	v7 =	vsub.f32 v7, v15;
	[tilespmem:s18+$0xFFFFF820] =	vst v12;
	v15 =	vld [tilespmem:s17+$0x30]  }
0x192: {  	[tilespmem:s18+$0x10] =	vst v10;
	v10 =	vld [tilespmem:s17+$0xB0]  }
0x193: {  	[tilespmem:s18+$0x410] =	vst v6;
	v6 =	vsub.f32 v14, v12;
	v7 =	vsub.f32 v7, v8;
	v12 =	vld [tilespmem:s22+$0xFFFFFF40]  }
0x194: {  	[tilespmem:s18+$0xFFFFFC20] =	vst v8;
	v8 =	vmul.f32 v16, v11;
	v14 =	vmul.f32 v16, v17;
	v16 =	vld [tilespmem:s22+$0xFFFFFFC0]  }
0x195: {  	v17 =	vmul.f32 v9, v17;
	v9 =	vmul.f32 v9, v11;
	v11 =	vld [tilespmem:s22+$0x40]  }
0x196: {  	v18 =	vmul.f32 v15, v13;
	v15 =	vmul.f32 v15, v20;
	v19 =	vld [tilespmem:s22+$0xC0]  }
0x197: {  	v8 =	vadd.f32 v17, v8;
	v17 =	vmul.f32 v10, v20;
	v10 =	vmul.f32 v10, v13;
	v13 =	vld [tilespmem:s17+$0xFFFFFF40]  }
0x198: {  	v6 =	vmul.f32 $1.111111120e-01, v6;
	v7 =	vmul.f32 $1.111111120e-01, v7;
	v9 =	vsub.f32 v14, v9;
	v14 =	vld [tilespmem:s17+$0xFFFFFFC0]  }
0x199: {  	v17 =	vadd.f32 v17, v18;
	v10 =	vsub.f32 v15, v10;
	[tilespmem:s18+$0xFFFFF830] =	vst v8;
	v15 =	vld [tilespmem:s17+$0x40]  }
0x19a: {  	[tilespmem:s18+$0x20] =	vst v6;
	v6 =	vld [tilespmem:s17+$0xC0]  }
0x19b: {  	[tilespmem:s18+$0x420] =	vst v7;
	v7 =	vsub.f32 v17, v8;
	v8 =	vsub.f32 v10, v9;
	v10 =	vld [tilespmem:s22+$0xFFFFFF50]  }
0x19c: {  	[tilespmem:s18+$0xFFFFFC30] =	vst v9;
	v9 =	vmul.f32 v13, v12;
	v13 =	vmul.f32 v13, v16;
	v17 =	vld [tilespmem:s22+$0xFFFFFFD0]  }
0x19d: {  	v16 =	vmul.f32 v14, v16;
	v12 =	vmul.f32 v14, v12;
	v14 =	vld [tilespmem:s22+$0x50]  }
0x19e: {  	v18 =	vmul.f32 v15, v11;
	v15 =	vmul.f32 v15, v19;
	v20 =	vld [tilespmem:s22+$0xD0]  }
0x19f: {  	v9 =	vadd.f32 v16, v9;
	v16 =	vmul.f32 v6, v19;
	v6 =	vmul.f32 v6, v11;
	v11 =	vld [tilespmem:s17+$0xFFFFFF50]  }
0x1a0: {  	v7 =	vmul.f32 $1.111111120e-01, v7;
	v8 =	vmul.f32 $1.111111120e-01, v8;
	v12 =	vsub.f32 v13, v12;
	v13 =	vld [tilespmem:s17+$0xFFFFFFD0]  }
0x1a1: {  	v16 =	vadd.f32 v16, v18;
	v6 =	vsub.f32 v15, v6;
	[tilespmem:s18+$0xFFFFF840] =	vst v9;
	v15 =	vld [tilespmem:s17+$0x50]  }
0x1a2: {  	[tilespmem:s18+$0x30] =	vst v7;
	v18 =	vld [tilespmem:s17+$0xD0]  }
0x1a3: {  	[tilespmem:s18+$0x430] =	vst v8;
	v16 =	vsub.f32 v16, v9;
	v19 =	vsub.f32 v6, v12;
	v7 =	vld [tilespmem:s22+$0xFFFFFF60]  }
0x1a4: {  	[tilespmem:s18+$0xFFFFFC40] =	vst v12;
	v12 =	vmul.f32 v11, v10;
	v21 =	vmul.f32 v11, v17;
	v8 =	vld [tilespmem:s22+$0xFFFFFFE0]  }
0x1a5: {  	v11 =	vmul.f32 v13, v17;
	v10 =	vmul.f32 v13, v10;
	v6 =	vld [tilespmem:s22+$0x60]  }
0x1a6: {  	v17 =	vmul.f32 v15, v14;
	v15 =	vmul.f32 v15, v20;
	v9 =	vld [tilespmem:s22+$0xE0]  }
.Ltmp1:
0x1a7: {  	v22 =	vadd.f32 v11, v12;
	v12 =	vmul.f32 v18, v20;
	v18 =	vmul.f32 v18, v14;
	v11 =	vld [tilespmem:s17+$0xFFFFFF60];
	(pc) =	sbr.rel @p1 .LBB2_5-.Ltmp1, $4  }
0x1a8: {  	v16 =	vmul.f32 $1.111111120e-01, v16;
	v19 =	vmul.f32 $1.111111120e-01, v19;
	v13 =	vsub.f32 v21, v10;
	v14 =	vld [tilespmem:s17+$0xFFFFFFE0]  }
0x1a9: {  	v10 =	vadd.f32 v12, v17;
	v18 =	vsub.f32 v15, v18;
	[tilespmem:s18+$0xFFFFF850] =	vst v22;
	v15 =	vld [tilespmem:s17+$0x60]  }
0x1aa: {  	[tilespmem:s18+$0x40] =	vst v16;
	v12 =	vld [tilespmem:s17+$0xE0]  }
0x1ab: {  	v17 =	vld [tilespmem:s22+$0xFFFFFF00];
	[tilespmem:s18+$0x440] =	vst v19;
	v16 =	vsub.f32 v10, v22;
	v10 =	vsub.f32 v18, v13;
	s22 =	sadd.s32 $0x200, s22  }
0x1ac: {  	v18 =	vmul.f32 v11, v7;
	v49 =	vmul.f32 v11, v8  }
0x1ad: {  	v19 =	vmul.f32 v14, v8;
	v50 =	vmul.f32 v14, v7  }
0x1ae: {  	v55 =	vmul.f32 $1.111111120e-01, v16;
	v57 =	vmul.f32 $1.111111120e-01, v10  }
0x1af: {  	v51 =	vmul.f32 v15, v6;
	v53 =	vmul.f32 v12, v9  }
0x1b0: {  	[tilespmem:s18+$0xFFFFFC50] =	vst v13;
	v54 =	vmul.f32 v15, v9;
	v56 =	vmul.f32 v12, v6  }
0x1b1: {  	v52 =	vadd.f32 v19, v18;
	[tilespmem:s18+$0x50] =	vst v55;
	v0 =	vmul.f32 v0, v17;
	v11 =	vadd.f32 v53, v51  }
0x1b2: {  	v7 =	vsub.f32 v49, v50;
	[tilespmem:s18+$0x450] =	vst v57;
	v1 =	vmul.f32 v1, v17;
	v6 =	vsub.f32 v54, v56  }
0x1b3: {  	[tilespmem:s18+$0xFFFFF860] =	vst v52;
	v0 =	vadd.f32 v5, v0;
	v58 =	vsub.f32 v11, v52  }
0x1b4: {  	[tilespmem:s18+$0xFFFFFC60] =	vst v7;
	v1 =	vsub.f32 v2, v1;
	v60 =	vsub.f32 v6, v7  }
0x1b5: {  	v3 =	vsub.f32 v3, v0;
	[tilespmem:s18+$0xFFFFF800] =	vst v0;
	v59 =	vmul.f32 $1.111111120e-01, v58  }
0x1b6: {  	v4 =	vsub.f32 v4, v1;
	[tilespmem:s18+$0xFFFFFC00] =	vst v1;
	v63 =	vmul.f32 $1.111111120e-01, v60  }
0x1b7: {  	v61 =	vmul.f32 $1.111111120e-01, v3;
	[tilespmem:s18+$0x60] =	vst v59  }
0x1b8: {  	v62 =	vmul.f32 $1.111111120e-01, v4;
	[tilespmem:s18+$0x460] =	vst v63  }
0x1b9: {  	s17 =	sshll.u32 s20, $0x9;
	[tilespmem:s18+$0x0] =	vst v61  }
0x1ba: {  	s17 =	sadd.s32 s3, s17;
	[tilespmem:s18+$0x400] =	vst v62  }
0x1bb: {  	[hbm4b:s17+s4] =	stream.linear.scatter [tilespmem:s14], [sflag:$0x3], $0x1000, $0x38;
	[tilespmem:$0x5000] =	vst v63  }
0x1bc: {  	_ =	swait.ge [sflag:s15], $0x400  }
0x1bd: {  	[sflag:s15] =	ssyncset.done $0x0  }
0x1be: {  	[sflag:s15] =	ssyncadd.s32 $0xFFFFFC00  }
0x1bf: {  	_ =	swait.ge [sflag:s15], $0x400  }
0x1c0: {  	[sflag:s15] =	ssyncset.done $0x0  }
0x1c1: {  	[sflag:s15] =	ssyncadd.s32 $0xFFFFFC00  }
0x1c2: {  	p1 =	seq.s32 s2, $0x7;
	_ =	swait.ge [sflag:s15], $0x400  }
.Ltmp2:
0x1c3: {  	[sflag:s15] =	ssyncset.done $0x0;
	(pc) =	sbr.rel @p1 .LBB2_8-.Ltmp2, $4  }
0x1c4: {  	[sflag:s15] =	ssyncadd.s32 $0xFFFFFC00  }
0x1c5: {  	_ =	swait.ge [sflag:s15], $0x400  }
0x1c6: {  	[sflag:s15] =	ssyncset.done $0x0  }
0x1c7: {  	s17 =	sor.u32 s19, s10;
	[sflag:s15] =	ssyncadd.s32 $0xFFFFFC00  }
0x1c8: {  	s18 =	sadd.s32 $0x2, s17  }
0x1c9: {  	s19 =	sshll.u32 s18, $0x7;
	s18 =	sshll.u32 s18, $0x4  }
0x1ca: {  	s19 =	sand.u32 $0xFFFFC00, s19;
	s18 =	sand.u32 $0x60, s18  }
0x1cb: {  	s18 =	sor.u32 s18, s19  }
0x1cc: {  	s19 =	sadd.s32 s6, s18  }
0x1cd: {  	[tilespmem:s24], [sflag:$0x1] =	stream.linear.gather [hbm4b:s19+s4], $0x80, $0x38;
	[tilespmem:$0x5000] =	vst v63  }
0x1ce: {  	s21 =	simm.s32 $0x1200;
	s20 =	sadd.s32 $0x80, s19  }
0x1cf: {  	[tilespmem:s21], [sflag:$0x1] =	stream.linear.gather [hbm4b:s20+s4], $0x80, $0x38;
	[tilespmem:$0x5000] =	vst v63  }
0x1d0: {  	s22 =	simm.s32 $0x1400;
	s21 =	sadd.s32 $0x100, s19  }
0x1d1: {  	[tilespmem:s22], [sflag:$0x1] =	stream.linear.gather [hbm4b:s21+s4], $0x80, $0x38;
	[tilespmem:$0x5000] =	vst v63  }
0x1d2: {  	s21 =	sadd.s32 $0x180, s19;
	s22 =	simm.s32 $0x1600  }
0x1d3: {  	[tilespmem:s22], [sflag:$0x1] =	stream.linear.gather [hbm4b:s21+s4], $0x80, $0x38;
	[tilespmem:$0x5000] =	vst v63  }
0x1d4: {  	s21 =	sadd.s32 $0x200, s19;
	s22 =	simm.s32 $0x1800  }
0x1d5: {  	[tilespmem:s22], [sflag:$0x1] =	stream.linear.gather [hbm4b:s21+s4], $0x80, $0x38;
	[tilespmem:$0x5000] =	vst v63  }
0x1d6: {  	s21 =	sadd.s32 $0x280, s19;
	s22 =	simm.s32 $0x1A00  }
0x1d7: {  	[tilespmem:s22], [sflag:$0x1] =	stream.linear.gather [hbm4b:s21+s4], $0x80, $0x38;
	[tilespmem:$0x5000] =	vst v63  }
0x1d8: {  	s21 =	sadd.s32 $0x300, s19;
	s22 =	simm.s32 $0x1C00  }
0x1d9: {  	[tilespmem:s22], [sflag:$0x1] =	stream.linear.gather [hbm4b:s21+s4], $0x80, $0x38;
	[tilespmem:$0x5000] =	vst v63  }
0x1da: {  	s19 =	sadd.s32 $0x380, s19;
	s21 =	simm.s32 $0x1E00  }
0x1db: {  	[tilespmem:s21], [sflag:$0x1] =	stream.linear.gather [hbm4b:s19+s4], $0x80, $0x38;
	[tilespmem:$0x5000] =	vst v63  }
0x1dc: {  	s22 =	simm.s32 $0x1080;
	s19 =	sadd.s32 s7, s18  }
0x1dd: {  	[tilespmem:s22], [sflag:$0x1] =	stream.linear.gather [hbm4b:s19+s4], $0x80, $0x38;
	[tilespmem:$0x5000] =	vst v63  }
0x1de: {  	s21 =	sadd.s32 $0x80, s19;
	s22 =	simm.s32 $0x1280  }
0x1df: {  	[tilespmem:s22], [sflag:$0x1] =	stream.linear.gather [hbm4b:s21+s4], $0x80, $0x38;
	[tilespmem:$0x5000] =	vst v63  }
0x1e0: {  	s21 =	sadd.s32 $0x100, s19;
	s22 =	simm.s32 $0x1480  }
0x1e1: {  	[tilespmem:s22], [sflag:$0x1] =	stream.linear.gather [hbm4b:s21+s4], $0x80, $0x38;
	[tilespmem:$0x5000] =	vst v63  }
0x1e2: {  	s21 =	sadd.s32 $0x180, s19;
	s22 =	simm.s32 $0x1680  }
0x1e3: {  	[tilespmem:s22], [sflag:$0x1] =	stream.linear.gather [hbm4b:s21+s4], $0x80, $0x38;
	[tilespmem:$0x5000] =	vst v63  }
0x1e4: {  	s21 =	sadd.s32 $0x200, s19;
	s22 =	simm.s32 $0x1880  }
0x1e5: {  	[tilespmem:s22], [sflag:$0x1] =	stream.linear.gather [hbm4b:s21+s4], $0x80, $0x38;
	[tilespmem:$0x5000] =	vst v63  }
0x1e6: {  	s21 =	sadd.s32 $0x280, s19;
	s22 =	simm.s32 $0x1A80  }
0x1e7: {  	[tilespmem:s22], [sflag:$0x1] =	stream.linear.gather [hbm4b:s21+s4], $0x80, $0x38;
	[tilespmem:$0x5000] =	vst v63  }
0x1e8: {  	s21 =	sadd.s32 $0x300, s19;
	s22 =	simm.s32 $0x1C80  }
0x1e9: {  	[tilespmem:s22], [sflag:$0x1] =	stream.linear.gather [hbm4b:s21+s4], $0x80, $0x38;
	[tilespmem:$0x5000] =	vst v63  }
0x1ea: {  	s19 =	sadd.s32 $0x380, s19;
	s21 =	simm.s32 $0x1E80  }
0x1eb: {  	[tilespmem:s21], [sflag:$0x1] =	stream.linear.gather [hbm4b:s19+s4], $0x80, $0x38;
	[tilespmem:$0x5000] =	vst v63  }
0x1ec: {  	s22 =	simm.s32 $0x1100;
	s19 =	sadd.s32 s8, s18  }
0x1ed: {  	[tilespmem:s22], [sflag:$0x1] =	stream.linear.gather [hbm4b:s19+s4], $0x80, $0x38;
	[tilespmem:$0x5000] =	vst v63  }
0x1ee: {  	s21 =	sadd.s32 $0x80, s19;
	s22 =	simm.s32 $0x1300  }
0x1ef: {  	[tilespmem:s22], [sflag:$0x1] =	stream.linear.gather [hbm4b:s21+s4], $0x80, $0x38;
	[tilespmem:$0x5000] =	vst v63  }
0x1f0: {  	s21 =	sadd.s32 $0x100, s19;
	s22 =	simm.s32 $0x1500  }
0x1f1: {  	[tilespmem:s22], [sflag:$0x1] =	stream.linear.gather [hbm4b:s21+s4], $0x80, $0x38;
	[tilespmem:$0x5000] =	vst v63  }
0x1f2: {  	s21 =	sadd.s32 $0x180, s19;
	s22 =	simm.s32 $0x1700  }
0x1f3: {  	[tilespmem:s22], [sflag:$0x1] =	stream.linear.gather [hbm4b:s21+s4], $0x80, $0x38;
	[tilespmem:$0x5000] =	vst v63  }
0x1f4: {  	s21 =	sadd.s32 $0x200, s19;
	s22 =	simm.s32 $0x1900  }
0x1f5: {  	[tilespmem:s22], [sflag:$0x1] =	stream.linear.gather [hbm4b:s21+s4], $0x80, $0x38;
	[tilespmem:$0x5000] =	vst v63  }
0x1f6: {  	s21 =	sadd.s32 $0x280, s19;
	s22 =	simm.s32 $0x1B00  }
0x1f7: {  	[tilespmem:s22], [sflag:$0x1] =	stream.linear.gather [hbm4b:s21+s4], $0x80, $0x38;
	[tilespmem:$0x5000] =	vst v63  }
0x1f8: {  	s21 =	sadd.s32 $0x300, s19;
	s22 =	simm.s32 $0x1D00  }
0x1f9: {  	[tilespmem:s22], [sflag:$0x1] =	stream.linear.gather [hbm4b:s21+s4], $0x80, $0x38;
	[tilespmem:$0x5000] =	vst v63  }
0x1fa: {  	s19 =	sadd.s32 $0x380, s19;
	s22 =	simm.s32 $0x1F00  }
0x1fb: {  	[tilespmem:s22], [sflag:$0x1] =	stream.linear.gather [hbm4b:s19+s4], $0x80, $0x38;
	[tilespmem:$0x5000] =	vst v63  }
0x1fc: {  	s20 =	simm.s32 $0x1180;
	s18 =	sadd.s32 s9, s18  }
0x1fd: {  	[tilespmem:s20], [sflag:$0x1] =	stream.linear.gather [hbm4b:s18+s4], $0x80, $0x38;
	[tilespmem:$0x5000] =	vst v63  }
0x1fe: {  	s21 =	sadd.s32 $0x80, s18;
	s22 =	simm.s32 $0x1380  }
0x1ff: {  	[tilespmem:s22], [sflag:$0x1] =	stream.linear.gather [hbm4b:s21+s4], $0x80, $0x38;
	[tilespmem:$0x5000] =	vst v63  }
0x200: {  	s21 =	sadd.s32 $0x100, s18;
	s22 =	simm.s32 $0x1580  }
0x201: {  	[tilespmem:s22], [sflag:$0x1] =	stream.linear.gather [hbm4b:s21+s4], $0x80, $0x38;
	[tilespmem:$0x5000] =	vst v63  }
0x202: {  	s21 =	sadd.s32 $0x180, s18;
	s22 =	simm.s32 $0x1780  }
0x203: {  	[tilespmem:s22], [sflag:$0x1] =	stream.linear.gather [hbm4b:s21+s4], $0x80, $0x38;
	[tilespmem:$0x5000] =	vst v63  }
0x204: {  	s21 =	sadd.s32 $0x200, s18;
	s22 =	simm.s32 $0x1980  }
0x205: {  	[tilespmem:s22], [sflag:$0x1] =	stream.linear.gather [hbm4b:s21+s4], $0x80, $0x38;
	[tilespmem:$0x5000] =	vst v63  }
0x206: {  	s21 =	sadd.s32 $0x280, s18;
	s22 =	simm.s32 $0x1B80  }
0x207: {  	[tilespmem:s22], [sflag:$0x1] =	stream.linear.gather [hbm4b:s21+s4], $0x80, $0x38;
	[tilespmem:$0x5000] =	vst v63  }
.Ltmp3:
0x208: {  	_ = 	snop;
	(pc) =	sbr.rel @p0 .LBB2_9-.Ltmp3, $4  }
0x209: {  	s20 =	sadd.s32 $0x300, s18;
	s21 =	simm.s32 $0x1D80  }
0x20a: {  	[tilespmem:s21], [sflag:$0x1] =	stream.linear.gather [hbm4b:s20+s4], $0x80, $0x38;
	[tilespmem:$0x5000] =	vst v63  }
0x20b: {  	s18 =	sadd.s32 $0x380, s18;
	s22 =	simm.s32 $0x1F80  }
0x20c: {  	[tilespmem:s22], [sflag:$0x1] =	stream.linear.gather [hbm4b:s18+s4], $0x80, $0x38;
	[tilespmem:$0x5000] =	vst v63  }
.LBB2_8:
0x20d: {  	_ =	swait.ge [sflag:s16], $0x1000  }
0x20e: {  	[sflag:s16] =	ssyncset.done $0x0  }
0x20f: {  	[sflag:s16] =	ssyncadd.s32 $0xFFFFF000  }
.LBB2_9:
0x210: {  	s21 =	simm.s32 $0x21F0  }
0x211: {  	v4 =	vld [tilespmem:s21+$0xFFFFFE80]  }
0x212: {  	v6 =	vld [tilespmem:s21+$0xFFFFFF00]  }
0x213: {  	v7 =	vld [tilespmem:s21+$0xFFFFFF80]  }
0x214: {  	s18 =	simm.s32 $0x100;
	v8 =	vld [tilespmem:s21+$0x0]  }
0x215: {  	v9 =	vld [tilespmem:s18+$0xFFFFFF70]  }
0x216: {  	v10 =	vld [tilespmem:s18+$0xFFFFFFF0]  }
0x217: {  	v11 =	vld [tilespmem:s18+$0x70]  }
0x218: {  	v12 =	vld [tilespmem:s18+$0xF0]  }
0x219: {  	v2 =	vld [tilespmem:s21+$0xFFFFFF10]  }
0x21a: {  	v13 =	vld [tilespmem:s21+$0xFFFFFF90]  }
0x21b: {  	v14 =	vld [tilespmem:s18+$0x0]  }
0x21c: {  	v3 =	vld [tilespmem:s18+$0x80]  }
0x21d: {  	v15 =	vld [tilespmem:s21+$0xFFFFFE20]  }
0x21e: {  	v16 =	vld [tilespmem:s21+$0xFFFFFEA0]  }
0x21f: {  	v17 =	vld [tilespmem:s21+$0xFFFFFF20]  }
0x220: {  	v18 =	vld [tilespmem:s21+$0xFFFFFFA0]  }
0x221: {  	v19 =	vld [tilespmem:s18+$0xFFFFFF10]  }
0x222: {  	v20 =	vld [tilespmem:s18+$0xFFFFFF90]  }
0x223: {  	v21 =	vld [tilespmem:s18+$0x10]  }
0x224: {  	v22 =	vld [tilespmem:s18+$0x90]  }
0x225: {  	v23 =	vld [tilespmem:s21+$0xFFFFFE30]  }
0x226: {  	v24 =	vld [tilespmem:s21+$0xFFFFFEB0]  }
0x227: {  	v25 =	vld [tilespmem:s21+$0xFFFFFF30]  }
0x228: {  	v26 =	vld [tilespmem:s21+$0xFFFFFFB0]  }
0x229: {  	v27 =	vld [tilespmem:s18+$0xFFFFFF20]  }
0x22a: {  	v28 =	vld [tilespmem:s18+$0xFFFFFFA0]  }
0x22b: {  	v31 =	vld [tilespmem:s18+$0x20];
	v29 =	vmul.f32 v9, v4  }
0x22c: {  	v32 =	vld [tilespmem:s21+$0xFFFFFE40];
	v30 =	vmul.f32 v10, v6;
	v6 =	vmul.f32 v9, v6  }
0x22d: {  	v47 =	vld [tilespmem:s21+$0xFFFFFF50];
	v4 =	vmul.f32 v10, v4;
	v36 =	vmul.f32 v11, v8  }
0x22e: {  	v52 =	vld [tilespmem:s18+$0x40];
	v37 =	vmul.f32 v12, v7;
	v7 =	vmul.f32 v11, v7  }
0x22f: {  	v57 =	vld [tilespmem:s21+$0xFFFFFFE0];
	v8 =	vmul.f32 v12, v8;
	v38 =	vmul.f32 v19, v15  }
0x230: {  	v58 =	vld [tilespmem:s18+$0x50];
	v15 =	vmul.f32 v20, v15;
	v40 =	vmul.f32 v21, v17  }
0x231: {  	v39 =	vld [tilespmem:s21+$0xFFFFFF40];
	v21 =	vmul.f32 v21, v18;
	v18 =	vmul.f32 v22, v18  }
0x232: {  	v33 =	vld [tilespmem:s18+$0xFFFFFF30];
	v17 =	vmul.f32 v22, v17;
	v42 =	vmul.f32 v14, v13  }
0x233: {  	v34 =	vld [tilespmem:s18+$0xFFFFFFB0];
	v43 =	vmul.f32 v28, v24;
	v24 =	vmul.f32 v27, v24  }
0x234: {  	v41 =	vld [tilespmem:s18+$0x30];
	v46 =	vmul.f32 v31, v25;
	v31 =	vmul.f32 v31, v26  }
0x235: {  	v9 =	vld [tilespmem:s18+$0xA0];
	v56 =	vmul.f32 v52, v47;
	v61 =	vmul.f32 v58, v57;
	v10 =	vadd.f32 v30, v29  }
0x236: {  	v11 =	vld [tilespmem:s21+$0xFFFFFEC0];
	v6 =	vsub.f32 v6, v4;
	v12 =	vsub.f32 v36, v37;
	v4 =	vmul.f32 v14, v2  }
0x237: {  	v44 =	vld [tilespmem:s21+$0xFFFFFE50];
	v7 =	vadd.f32 v8, v7;
	v8 =	vmul.f32 v19, v16;
	v16 =	vmul.f32 v20, v16  }
0x238: {  	v45 =	vld [tilespmem:s21+$0xFFFFFED0];
	v14 =	vadd.f32 v18, v40;
	v17 =	vsub.f32 v21, v17;
	v18 =	vmul.f32 v27, v23  }
0x239: {  	v19 =	vld [tilespmem:s21+$0xFFFFFFC0];
	v23 =	vmul.f32 v28, v23;
	v12 =	vsub.f32 v12, v6;
	v7 =	vsub.f32 v7, v10  }
0x23a: {  	s19 =	simm.s32 $0x4C70;
	v48 =	vld [tilespmem:s21+$0xFFFFFFD0];
	v16 =	vadd.f32 v16, v38;
	v8 =	vsub.f32 v8, v15;
	v26 =	vmul.f32 v9, v26  }
0x23b: {  	v15 =	vld [tilespmem:s18+$0xB0];
	v18 =	vadd.f32 v43, v18;
	[tilespmem:s19+$0xFFFFF400] =	vst v10;
	v9 =	vmul.f32 v9, v25;
	v51 =	vmul.f32 v33, v11  }
0x23c: {  	v49 =	vld [tilespmem:s18+$0xFFFFFF40];
	[tilespmem:s19+$0xFFFFF800] =	vst v6;
	v11 =	vmul.f32 v34, v11;
	v12 =	vmul.f32 $1.111111120e-01, v12;
	v14 =	vsub.f32 v14, v16  }
0x23d: {  	v50 =	vld [tilespmem:s18+$0xFFFFFFC0];
	v17 =	vsub.f32 v17, v8;
	v7 =	vmul.f32 $1.111111120e-01, v7;
	[tilespmem:s19+$0xFFFFF3A0] =	vst v16;
	v16 =	vmul.f32 v41, v39  }
0x23e: {  	v53 =	vld [tilespmem:s18+$0xC0];
	v22 =	vmul.f32 v41, v19;
	[tilespmem:s19+$0x0] =	vst v12;
	v12 =	vmul.f32 v3, v13;
	v13 =	vsub.f32 v24, v23  }
0x23f: {  	v54 =	vld [tilespmem:s21+$0xFFFFFE60];
	[tilespmem:s19+$0xFFFFF7A0] =	vst v8;
	v10 =	vmul.f32 $1.111111120e-01, v14;
	v14 =	vmul.f32 $1.111111120e-01, v17;
	v17 =	vadd.f32 v26, v46  }
0x240: {  	v55 =	vld [tilespmem:s18+$0xFFFFFFD0];
	[tilespmem:s19+$0xFFFFFC00] =	vst v7;
	v7 =	vsub.f32 v31, v9;
	v9 =	vmul.f32 v33, v32;
	v8 =	vmul.f32 v15, v19  }
0x241: {  	v60 =	vld [tilespmem:s18+$0xD0];
	[tilespmem:s19+$0xFFFFF3B0] =	vst v18;
	v15 =	vmul.f32 v15, v39;
	v6 =	vsub.f32 v17, v18;
	v17 =	vmul.f32 v34, v32  }
0x242: {  	v19 =	vld [tilespmem:s21+$0xFFFFFEE0];
	v7 =	vsub.f32 v7, v13;
	v9 =	vadd.f32 v11, v9;
	[tilespmem:s19+$0xFFFFFBA0] =	vst v10;
	v18 =	vmul.f32 v50, v45  }
0x243: {  	v11 =	vld [tilespmem:s21+$0xFFFFFF60];
	[tilespmem:s19+$0xFFFFF7B0] =	vst v13;
	v13 =	vmul.f32 v50, v44;
	v8 =	vadd.f32 v8, v16;
	v16 =	vmul.f32 v49, v44  }
0x244: {  	[tilespmem:s19+$0xFFFFFFA0] =	vst v14;
	v14 =	vsub.f32 v22, v15;
	v15 =	vmul.f32 v49, v45;
	v10 =	vsub.f32 v51, v17;
	v17 =	vld [tilespmem:s18+$0xFFFFFF50]  }
0x245: {  	v5 =	vld [tilespmem:s21+$0xFFFFFE90];
	v6 =	vmul.f32 $1.111111120e-01, v6;
	v7 =	vmul.f32 $1.111111120e-01, v7;
	v8 =	vsub.f32 v8, v9  }
0x246: {  	v0 =	vld [tilespmem:s18+$0xFFFFFF00];
	[tilespmem:s19+$0xFFFFF3C0] =	vst v9;
	v9 =	vmul.f32 v52, v48;
	v16 =	vadd.f32 v18, v16;
	v18 =	vmul.f32 v53, v48  }
0x247: {  	v1 =	vld [tilespmem:s18+$0xFFFFFF80];
	v13 =	vsub.f32 v15, v13;
	[tilespmem:s19+$0xFFFFFBB0] =	vst v6;
	v6 =	vsub.f32 v14, v10;
	v14 =	vmul.f32 v53, v47  }
0x248: {  	[tilespmem:s19+$0xFFFFFFB0] =	vst v7;
	v7 =	vld [tilespmem:s21+$0xFFFFFE70];
	v59 =	vmul.f32 $1.111111120e-01, v8;
	v15 =	vadd.f32 v18, v56;
	v62 =	vmul.f32 v60, v11  }
0x249: {  	[tilespmem:s19+$0xFFFFF7C0] =	vst v10;
	v8 =	vld [tilespmem:s21+$0xFFFFFEF0];
	v10 =	vsub.f32 v9, v14;
	v9 =	vmul.f32 v55, v19;
	v18 =	vmul.f32 v17, v54  }
0x24a: {  	[tilespmem:s19+$0xFFFFF3D0] =	vst v16;
	v14 =	vmul.f32 v17, v19;
	v15 =	vsub.f32 v15, v16;
	v16 =	vmul.f32 $1.111111120e-01, v6;
	v6 =	vld [tilespmem:s21+$0xFFFFFF70]  }
0x24b: {  	[tilespmem:s19+$0xFFFFF7D0] =	vst v13;
	v17 =	vmul.f32 v55, v54;
	v19 =	vmul.f32 v58, v11;
	v11 =	vld [tilespmem:s18+$0xFFFFFF60]  }
0x24c: {  	v10 =	vsub.f32 v10, v13;
	v18 =	vadd.f32 v9, v18;
	v9 =	vld [tilespmem:s21+$0xFFFFFFF0];
	[tilespmem:s19+$0xFFFFFFC0] =	vst v16;
	v16 =	vmul.f32 v60, v57  }
0x24d: {  	v63 =	vmul.f32 v3, v2;
	[tilespmem:s19+$0xFFFFFBC0] =	vst v59;
	v15 =	vmul.f32 $1.111111120e-01, v15;
	v13 =	vsub.f32 v14, v17;
	v14 =	vld [tilespmem:s18+$0xFFFFFFE0]  }
0x24e: {  	v20 =	vsub.f32 v61, v62;
	v10 =	vmul.f32 $1.111111120e-01, v10;
	v19 =	vadd.f32 v16, v19;
	[tilespmem:s19+$0xFFFFF3E0] =	vst v18;
	v16 =	vld [tilespmem:s18+$0x60]  }
0x24f: {  	v2 =	vmul.f32 v0, v5;
	v3 =	vadd.f32 v12, v4;
	v4 =	vsub.f32 v42, v63;
	v12 =	vld [tilespmem:s18+$0xE0];
	[tilespmem:s19+$0xFFFFFBD0] =	vst v15  }
0x250: {  	s20 =	simm.s32 $0x0;
	v5 =	vmul.f32 v1, v5;
	v17 =	vld [tilespmem:s21+$0xFFFFFE10];
	s21 =	simm.s32 $0x23F0;
	[tilespmem:s19+$0xFFFFFFD0] =	vst v10;
	v10 =	vsub.f32 v20, v13;
	v15 =	vsub.f32 v19, v18  }
.LBB2_10:
0x251: {  	v18 =	vld [tilespmem:s21+$0xFFFFFE80];
	[tilespmem:s19+$0xFFFFF7E0] =	vst v13;
	v13 =	vmul.f32 v11, v7;
	v11 =	vmul.f32 v11, v8  }
0x252: {  	v19 =	vld [tilespmem:s21+$0xFFFFFF00];
	v8 =	vmul.f32 v14, v8;
	v7 =	vmul.f32 v14, v7  }
0x253: {  	v14 =	vld [tilespmem:s21+$0xFFFFFF80];
	v20 =	vmul.f32 v16, v6;
	v16 =	vmul.f32 v16, v9  }
0x254: {  	s18 =	sadd.s32 $0x200, s18;
	v21 =	vld [tilespmem:s21+$0x0];
	v8 =	vadd.f32 v8, v13;
	v9 =	vmul.f32 v12, v9;
	v6 =	vmul.f32 v12, v6  }
0x255: {  	v7 =	vsub.f32 v11, v7;
	v12 =	vld [tilespmem:s18+$0xFFFFFF70];
	v0 =	vmul.f32 v0, v17;
	v1 =	vmul.f32 v1, v17  }
0x256: {  	v13 =	vmul.f32 $1.111111120e-01, v15;
	v11 =	vld [tilespmem:s18+$0xFFFFFFF0];
	v9 =	vadd.f32 v9, v20;
	v6 =	vsub.f32 v16, v6;
	[tilespmem:s19+$0xFFFFF3F0] =	vst v8  }
0x257: {  	v15 =	vld [tilespmem:s18+$0x70];
	v0 =	vadd.f32 v5, v0;
	v1 =	vsub.f32 v2, v1;
	v2 =	vmul.f32 $1.111111120e-01, v10;
	[tilespmem:s19+$0xFFFFF7F0] =	vst v7  }
0x258: {  	s20 =	sadd.s32 $0x8, s20;
	v5 =	vld [tilespmem:s18+$0xF0];
	[tilespmem:s19+$0xFFFFFBE0] =	vst v13;
	v8 =	vsub.f32 v9, v8;
	v6 =	vsub.f32 v6, v7  }
0x259: {  	p0 =	slt.u32 s20, $0x38;
	v7 =	vld [tilespmem:s21+$0xFFFFFE90];
	v3 =	vsub.f32 v3, v0;
	v4 =	vsub.f32 v4, v1;
	[tilespmem:s19+$0xFFFFFFE0] =	vst v2  }
0x25a: {  	v9 =	vld [tilespmem:s21+$0xFFFFFF10];
	v2 =	vmul.f32 v12, v18;
	[tilespmem:s19+$0xFFFFF390] =	vst v0;
	v8 =	vmul.f32 $1.111111120e-01, v8  }
0x25b: {  	v10 =	vld [tilespmem:s21+$0xFFFFFF90];
	v13 =	vmul.f32 v11, v19;
	[tilespmem:s19+$0xFFFFF790] =	vst v1;
	v3 =	vmul.f32 $1.111111120e-01, v3  }
0x25c: {  	v12 =	vmul.f32 v12, v19;
	v11 =	vmul.f32 v11, v18;
	v0 =	vld [tilespmem:s18+$0xFFFFFF00];
	[tilespmem:s19+$0xFFFFFBF0] =	vst v8  }
0x25d: {  	v1 =	vld [tilespmem:s18+$0xFFFFFF80];
	v8 =	vadd.f32 v13, v2;
	v2 =	vmul.f32 v15, v21;
	v13 =	vmul.f32 v5, v14;
	[tilespmem:s19+$0xFFFFFB90] =	vst v3  }
0x25e: {  	v14 =	vmul.f32 v15, v14;
	v5 =	vmul.f32 v5, v21;
	v3 =	vld [tilespmem:s18+$0x0]  }
0x25f: {  	v4 =	vmul.f32 $1.111111120e-01, v4;
	v11 =	vsub.f32 v12, v11;
	v15 =	vld [tilespmem:s18+$0x80];
	v12 =	vsub.f32 v2, v13  }
0x260: {  	v6 =	vmul.f32 $1.111111120e-01, v6;
	v14 =	vadd.f32 v5, v14;
	v13 =	vld [tilespmem:s21+$0xFFFFFE20]  }
0x261: {  	v2 =	vmul.f32 v0, v7;
	v16 =	vld [tilespmem:s21+$0xFFFFFEA0];
	v12 =	vsub.f32 v12, v11;
	[tilespmem:s19+$0xFFFFFF90] =	vst v4  }
0x262: {  	v4 =	vsub.f32 v14, v8;
	v5 =	vmul.f32 v1, v7;
	v7 =	vld [tilespmem:s21+$0xFFFFFF20];
	[tilespmem:s19+$0xFFFFFFF0] =	vst v6  }
0x263: {  	v6 =	vmul.f32 v3, v9;
	v14 =	vld [tilespmem:s21+$0xFFFFFFA0];
	v12 =	vmul.f32 $1.111111120e-01, v12  }
0x264: {  	s19 =	sadd.s32 $0x80, s19;
	v17 =	vmul.f32 v15, v10;
	v10 =	vmul.f32 v3, v10;
	v18 =	vld [tilespmem:s18+$0xFFFFFF10]  }
0x265: {  	v19 =	vmul.f32 $1.111111120e-01, v4;
	v9 =	vmul.f32 v15, v9;
	v15 =	vld [tilespmem:s18+$0xFFFFFF90];
	[tilespmem:s19+$0x0] =	vst v12  }
0x266: {  	v3 =	vadd.f32 v17, v6;
	v6 =	vld [tilespmem:s18+$0x10];
	[tilespmem:s19+$0xFFFFF400] =	vst v8  }
0x267: {  	v4 =	vsub.f32 v10, v9;
	v8 =	vld [tilespmem:s18+$0x90];
	[tilespmem:s19+$0xFFFFFC00] =	vst v19  }
0x268: {  	v9 =	vld [tilespmem:s21+$0xFFFFFE30];
	[tilespmem:s19+$0xFFFFF800] =	vst v11  }
0x269: {  	v10 =	vmul.f32 v18, v13;
	v11 =	vmul.f32 v18, v16;
	v12 =	vld [tilespmem:s21+$0xFFFFFEB0]  }
0x26a: {  	v16 =	vmul.f32 v15, v16;
	v13 =	vmul.f32 v15, v13;
	v15 =	vld [tilespmem:s21+$0xFFFFFF30]  }
0x26b: {  	v17 =	vmul.f32 v6, v7;
	v6 =	vmul.f32 v6, v14;
	v18 =	vld [tilespmem:s21+$0xFFFFFFB0]  }
0x26c: {  	v10 =	vadd.f32 v16, v10;
	v14 =	vmul.f32 v8, v14;
	v7 =	vmul.f32 v8, v7;
	v8 =	vld [tilespmem:s18+$0xFFFFFF20]  }
0x26d: {  	v11 =	vsub.f32 v11, v13;
	v13 =	vld [tilespmem:s18+$0xFFFFFFA0]  }
0x26e: {  	v14 =	vadd.f32 v14, v17;
	v6 =	vsub.f32 v6, v7;
	[tilespmem:s19+$0xFFFFF3A0] =	vst v10;
	v7 =	vld [tilespmem:s18+$0x20]  }
0x26f: {  	[tilespmem:s19+$0xFFFFF7A0] =	vst v11;
	v16 =	vld [tilespmem:s18+$0xA0]  }
0x270: {  	v10 =	vsub.f32 v14, v10;
	v6 =	vsub.f32 v6, v11;
	v11 =	vld [tilespmem:s21+$0xFFFFFE40]  }
0x271: {  	v14 =	vmul.f32 v8, v9;
	v8 =	vmul.f32 v8, v12;
	v17 =	vld [tilespmem:s21+$0xFFFFFEC0]  }
0x272: {  	v12 =	vmul.f32 v13, v12;
	v9 =	vmul.f32 v13, v9;
	v13 =	vld [tilespmem:s21+$0xFFFFFF40]  }
0x273: {  	v19 =	vmul.f32 v7, v15;
	v7 =	vmul.f32 v7, v18;
	v20 =	vld [tilespmem:s21+$0xFFFFFFC0]  }
0x274: {  	v12 =	vadd.f32 v12, v14;
	v14 =	vmul.f32 v16, v18;
	v15 =	vmul.f32 v16, v15;
	v16 =	vld [tilespmem:s18+$0xFFFFFF30]  }
0x275: {  	v10 =	vmul.f32 $1.111111120e-01, v10;
	v6 =	vmul.f32 $1.111111120e-01, v6;
	v8 =	vsub.f32 v8, v9;
	v9 =	vld [tilespmem:s18+$0xFFFFFFB0]  }
0x276: {  	v14 =	vadd.f32 v14, v19;
	v7 =	vsub.f32 v7, v15;
	[tilespmem:s19+$0xFFFFF3B0] =	vst v12;
	v15 =	vld [tilespmem:s18+$0x30]  }
0x277: {  	[tilespmem:s19+$0xFFFFFBA0] =	vst v10;
	v10 =	vld [tilespmem:s18+$0xB0]  }
0x278: {  	[tilespmem:s19+$0xFFFFFFA0] =	vst v6;
	v6 =	vsub.f32 v14, v12;
	v7 =	vsub.f32 v7, v8;
	v12 =	vld [tilespmem:s21+$0xFFFFFE50]  }
0x279: {  	[tilespmem:s19+$0xFFFFF7B0] =	vst v8;
	v8 =	vmul.f32 v16, v11;
	v14 =	vmul.f32 v16, v17;
	v16 =	vld [tilespmem:s21+$0xFFFFFED0]  }
0x27a: {  	v17 =	vmul.f32 v9, v17;
	v9 =	vmul.f32 v9, v11;
	v11 =	vld [tilespmem:s21+$0xFFFFFF50]  }
0x27b: {  	v18 =	vmul.f32 v15, v13;
	v15 =	vmul.f32 v15, v20;
	v19 =	vld [tilespmem:s21+$0xFFFFFFD0]  }
0x27c: {  	v8 =	vadd.f32 v17, v8;
	v17 =	vmul.f32 v10, v20;
	v10 =	vmul.f32 v10, v13;
	v13 =	vld [tilespmem:s18+$0xFFFFFF40]  }
0x27d: {  	v6 =	vmul.f32 $1.111111120e-01, v6;
	v7 =	vmul.f32 $1.111111120e-01, v7;
	v9 =	vsub.f32 v14, v9;
	v14 =	vld [tilespmem:s18+$0xFFFFFFC0]  }
0x27e: {  	v17 =	vadd.f32 v17, v18;
	v10 =	vsub.f32 v15, v10;
	[tilespmem:s19+$0xFFFFF3C0] =	vst v8;
	v15 =	vld [tilespmem:s18+$0x40]  }
0x27f: {  	[tilespmem:s19+$0xFFFFFBB0] =	vst v6;
	v6 =	vld [tilespmem:s18+$0xC0]  }
0x280: {  	[tilespmem:s19+$0xFFFFFFB0] =	vst v7;
	v7 =	vsub.f32 v17, v8;
	v8 =	vsub.f32 v10, v9;
	v10 =	vld [tilespmem:s21+$0xFFFFFE60]  }
0x281: {  	[tilespmem:s19+$0xFFFFF7C0] =	vst v9;
	v9 =	vmul.f32 v13, v12;
	v13 =	vmul.f32 v13, v16;
	v17 =	vld [tilespmem:s21+$0xFFFFFEE0]  }
0x282: {  	v16 =	vmul.f32 v14, v16;
	v12 =	vmul.f32 v14, v12;
	v14 =	vld [tilespmem:s21+$0xFFFFFF60]  }
0x283: {  	v18 =	vmul.f32 v15, v11;
	v15 =	vmul.f32 v15, v19;
	v20 =	vld [tilespmem:s21+$0xFFFFFFE0]  }
0x284: {  	v9 =	vadd.f32 v16, v9;
	v16 =	vmul.f32 v6, v19;
	v6 =	vmul.f32 v6, v11;
	v11 =	vld [tilespmem:s18+$0xFFFFFF50]  }
0x285: {  	v7 =	vmul.f32 $1.111111120e-01, v7;
	v8 =	vmul.f32 $1.111111120e-01, v8;
	v12 =	vsub.f32 v13, v12;
	v13 =	vld [tilespmem:s18+$0xFFFFFFD0]  }
0x286: {  	v16 =	vadd.f32 v16, v18;
	v6 =	vsub.f32 v15, v6;
	[tilespmem:s19+$0xFFFFF3D0] =	vst v9;
	v15 =	vld [tilespmem:s18+$0x50]  }
0x287: {  	[tilespmem:s19+$0xFFFFFBC0] =	vst v7;
	v18 =	vld [tilespmem:s18+$0xD0]  }
0x288: {  	[tilespmem:s19+$0xFFFFFFC0] =	vst v8;
	v16 =	vsub.f32 v16, v9;
	v19 =	vsub.f32 v6, v12;
	v7 =	vld [tilespmem:s21+$0xFFFFFE70]  }
0x289: {  	[tilespmem:s19+$0xFFFFF7D0] =	vst v12;
	v12 =	vmul.f32 v11, v10;
	v21 =	vmul.f32 v11, v17;
	v8 =	vld [tilespmem:s21+$0xFFFFFEF0]  }
0x28a: {  	v11 =	vmul.f32 v13, v17;
	v10 =	vmul.f32 v13, v10;
	v6 =	vld [tilespmem:s21+$0xFFFFFF70]  }
0x28b: {  	v17 =	vmul.f32 v15, v14;
	v15 =	vmul.f32 v15, v20;
	v9 =	vld [tilespmem:s21+$0xFFFFFFF0]  }
.Ltmp4:
0x28c: {  	v22 =	vadd.f32 v11, v12;
	v12 =	vmul.f32 v18, v20;
	v18 =	vmul.f32 v18, v14;
	v11 =	vld [tilespmem:s18+$0xFFFFFF60];
	(pc) =	sbr.rel @p0 .LBB2_10-.Ltmp4, $4  }
0x28d: {  	v19 =	vmul.f32 $1.111111120e-01, v19;
	v20 =	vmul.f32 $1.111111120e-01, v16;
	v13 =	vsub.f32 v21, v10;
	v14 =	vld [tilespmem:s18+$0xFFFFFFE0]  }
0x28e: {  	v10 =	vadd.f32 v12, v17;
	v18 =	vsub.f32 v15, v18;
	[tilespmem:s19+$0xFFFFF3E0] =	vst v22;
	v16 =	vld [tilespmem:s18+$0x60]  }
0x28f: {  	[tilespmem:s19+$0xFFFFFBD0] =	vst v20;
	v12 =	vld [tilespmem:s18+$0xE0]  }
0x290: {  	v17 =	vld [tilespmem:s21+$0xFFFFFE10];
	[tilespmem:s19+$0xFFFFFFD0] =	vst v19;
	v15 =	vsub.f32 v10, v22;
	v10 =	vsub.f32 v18, v13;
	s21 =	sadd.s32 $0x200, s21  }
0x291: {  	v18 =	vmul.f32 v11, v7;
	v49 =	vmul.f32 v11, v8  }
0x292: {  	v19 =	vmul.f32 v14, v8;
	v50 =	vmul.f32 v14, v7  }
0x293: {  	v55 =	vmul.f32 $1.111111120e-01, v15;
	v57 =	vmul.f32 $1.111111120e-01, v10  }
0x294: {  	v51 =	vmul.f32 v16, v6;
	v53 =	vmul.f32 v12, v9  }
0x295: {  	[tilespmem:s19+$0xFFFFF7E0] =	vst v13;
	v54 =	vmul.f32 v16, v9;
	v56 =	vmul.f32 v12, v6  }
0x296: {  	v52 =	vadd.f32 v19, v18;
	[tilespmem:s19+$0xFFFFFBE0] =	vst v55;
	v0 =	vmul.f32 v0, v17;
	v11 =	vadd.f32 v53, v51  }
0x297: {  	v7 =	vsub.f32 v49, v50;
	[tilespmem:s19+$0xFFFFFFE0] =	vst v57;
	v1 =	vmul.f32 v1, v17;
	v6 =	vsub.f32 v54, v56  }
0x298: {  	[tilespmem:s19+$0xFFFFF3F0] =	vst v52;
	v0 =	vadd.f32 v5, v0;
	v58 =	vsub.f32 v11, v52  }
0x299: {  	[tilespmem:s19+$0xFFFFF7F0] =	vst v7;
	v1 =	vsub.f32 v2, v1;
	v60 =	vsub.f32 v6, v7  }
0x29a: {  	s2 =	sadd.s32 $0x1, s2;
	v3 =	vsub.f32 v3, v0;
	[tilespmem:s19+$0xFFFFF390] =	vst v0;
	v59 =	vmul.f32 $1.111111120e-01, v58  }
0x29b: {  	p0 =	sne.s32 s2, $0x8;
	v4 =	vsub.f32 v4, v1;
	[tilespmem:s19+$0xFFFFF790] =	vst v1;
	v63 =	vmul.f32 $1.111111120e-01, v60  }
.Ltmp5:
0x29c: {  	v61 =	vmul.f32 $1.111111120e-01, v3;
	[tilespmem:s19+$0xFFFFFBF0] =	vst v59;
	(pc) =	sbr.rel @p0 .LBB2_4-.Ltmp5, $4  }
0x29d: {  	s17 =	sshll.u32 s17, $0x9;
	v62 =	vmul.f32 $1.111111120e-01, v4;
	[tilespmem:s19+$0xFFFFFFF0] =	vst v63  }
0x29e: {  	s17 =	sadd.s32 s17, s3;
	[tilespmem:s19+$0xFFFFFB90] =	vst v61  }
0x29f: {  	s17 =	sadd.s32 $0x200, s17;
	[tilespmem:s19+$0xFFFFFF90] =	vst v62  }
0x2a0: {  	[hbm4b:s17+s4] =	stream.linear.scatter [tilespmem:s1], [sflag:$0x4], $0x1000, $0x38;
	[tilespmem:$0x5000] =	vst v63  }
0x2a1: {  	s2 =	simm.s32 $0x3  }
0x2a2: {  	_ =	swait.ge [sflag:s2], $0x1000  }
0x2a3: {  	[sflag:s2] =	ssyncset.done $0x0  }
0x2a4: {  	[sflag:s2] =	ssyncadd.s32 $0xFFFFF000  }
0x2a5: {  	_ =	swait.ge [sflag:s16], $0x1000  }
0x2a6: {  	s17 =	rddreg [dreg:$0x1a]  }
0x2a7: {  	s22 =	rddreg [dreg:$0xb];
	s17 =	sadd.s32 $0x1, s17  }
0x2a8: {  	p0 =	sne.s32 s17, s22  }
.Ltmp6:
0x2a9: {  	_ = 	snop;
	(pc) =	sbr.rel @p0 .LBB2_1-.Ltmp6, $3  }
0x2aa: {  	_ =	sdelay $0x1  }
0x2ab: {  	[sflag:s16] =	ssyncset.done $0x0  }
0x2ac: {  	[sflag:s16] =	ssyncadd.s32 $0xFFFFF000  }
0x2ad: {  	_ =	sfence.sel $0x180000  }
0x2ae: {  	[bflag:$0x0] =	sbarrier.arrive $0xFFFF  }
0x2af: {  	_ =	strace $0x90000047  }
0x2b0: {  	s0 =	stileid.u32;
	[bflag:$0x2] =	sbarrier.arrive $0xFFFF  }
0x2b1: {  	p0 =	sne.s32 s0, $0x0;
	s0 =	rddreg [dreg:$0x4]  }
0x2b2: {  	s0 =	sadd.s32 @!p0 $0x100000, s0  }
0x2b3: {  	[sflag:s0] =	ssyncadd.tile.s32 @!p0 $0x1;
	_ =	shalt  }
.Lfunc_end2:
_tile_overlayer_lowered:
.L_overlay_start_2:
0x2b4: {  	(tag) =	ssettag $0x2  }
0x2b5: {  	s0 =	rddreg [dreg:$0x0];
	s2 =	stileid.u32  }
0x2b6: {  	s1 =	rddreg [dreg:$0x1];
	p0 =	sne.s32 s2, $0x0  }
0x2b7: {  	s3 =	rddreg [dreg:$0x2];
	[bflag:$0x3] =	sbarrier.arrive $0xFFFF;
	s2 =	simm.s32 @!p0 $0x1C05  }
0x2b8: {  	[timem:s3], [sflag:s2] =	dma.local @!p0 [hbm:s0], s1  }
0x2b9: {  	s0 =	simm.s32 @!p0 $0x5  }
0x2ba: {  	_ =	swait.ge @!p0 [sflag:s0], s1  }
0x2bb: {  	s1 =	ssub.s32 @!p0 $0x0, s1;
	[sflag:s0] =	ssyncset.done @!p0 $0x0  }
0x2bc: {  	[sflag:s0] =	ssyncadd.s32 @!p0 s1  }
0x2bd: {  	[bflag:$0x3] =	sbarrier.arrive $0xFFFF  }
0x2be: {  	_ =	shalt  }

// kernel: _run.9.cloned.1.call-start
scs
__scs_entry_jumppad:
0x0: {  	(pc) =	sbr.rel $0x88, $3  }
0x1: {  	(tag) =	ssettag $0x0;
	lr =	simm.s32 $0x1  }
0x2: {  	[smem:$0x3F9B] =	sst lr;
	_ =	strace $0xD0000000  }
0x3: {  	_ = 	snop  }
0x4: {  	_ = 	snop  }
0x5: {  	_ = 	snop  }
0x6: {  	_ = 	snop  }
0x7: {  	_ = 	snop  }
__scs_overlays_trampoline_lowered:
0x8: {  	[smem:$0x3FAA] =	sst s0  }
0x9: {  	[smem:$0x3FAB] =	sst s1  }
0xa: {  	[smem:$0x3FAC] =	sst s2  }
0xb: {  	[smem:$0x3FAD] =	sst s3  }
0xc: {  	[smem:$0x3FAE] =	sst s4  }
0xd: {  	[smem:$0x3FAF] =	sst s5  }
0xe: {  	[smem:$0x3FB0] =	sst s6  }
0xf: {  	[smem:$0x3FB1] =	sst s7  }
0x10: {  	[smem:$0x3FB2] =	sst s8  }
0x11: {  	[smem:$0x3FB3] =	sst s9;
	s0 =	simm.s32 @!p0 $0x0  }
0x12: {  	s1 =	sld [smem:$0x3F99];
	s0 =	simm.s32 @p0 $0x1  }
0x13: {  	[smem:$0x3FB4] =	sst s0;
	s0 =	simm.s32 @!p1 $0x0  }
0x14: {  	s2 =	sld [smem:$0x3F98];
	s0 =	simm.s32 @p1 $0x1  }
0x15: {  	[smem:$0x3FB5] =	sst s0;
	s0 =	simm.s32 @!p2 $0x0  }
0x16: {  	s3 =	sld [smem:$0x3FDB];
	s0 =	simm.s32 @p2 $0x1  }
0x17: {  	s4 =	simm.s32 $0x1BF5;
	[smem:$0x3FB7] =	sst s0  }
0x18: {  	s0 =	sld [smem:$0x3F9A];
	_ =	swait.ge [sflag:s4], $0x0  }
0x19: {  	s7 =	sld [smem:$0x3F9B]  }
0x1a: {  	s8 =	sadd.s32 $0xFFFFE003, lr  }
0x1b: {  	s9 =	sadd.s32 $0xFFFFFEF7, lr;
	s5 =	simm.s32 $0xFFFFFFFF;
	p2 =	slt.u32 s8, $0xFFFFF086  }
0x1c: {  	p1 =	slt.u32 s9, $0xF7A;
	s5 =	simm.s32 @!p2 $0x0  }
0x1d: {  	s5 =	simm.s32 @p1 $0x1;
	p0 =	seq.s32 s7, s2  }
0x1e: {  	s7 =	smul.u32 @!p0 $0xF7A, s2;
	p2 =	seq.s32 @!p0 s5, $0x0  }
0x1f: {  	s9 =	smul.u32 $0xF7A, s1;
	s8 =	simm.s32 @!p0 $0x1BF5;
	p2 =	por !p2, p0  }
0x20: {  	[sflag:s8] =	ssyncset.s32 @!p0 $0xFFFFF086;
	s6 =	sadd.s32 @!p0 s3, s7;
	s7 =	simm.s32 @!p0 $0x108  }
0x21: {  	s3 =	sadd.s32 s3, s9;
	s6 =	sadd.s32 @!p0 $0x88, s6;
	s7 =	simm.s32 @p2 $0x1082  }
0x22: {  	[simem:s7], [sflag:s8] =	dma.local @!p0 [hbm:s6], $0xF7A  }
0x23: {  	s9 =	sor.u32 $0xD0000000, s2;
	s6 =	simm.s32 $0x108;
	_ =	swait.ge @!p0 [sflag:s8], $0x0  }
0x24: {  	s3 =	sadd.s32 $0x88, s3;
	s6 =	simm.s32 @!p1 $0x1082;
	[sflag:s4] =	ssyncset.s32 $0xFFFFF086  }
0x25: {  	[simem:s6], [sflag:s4] =	dma.local [hbm:s3], $0xF7A  }
0x26: {  	[smem:$0x3F9B] =	sst s1;
	(tag) =	ssettag s2;
	_ =	strace s9  }
0x27: {  	s1 =	sld [smem:$0x3FAB]  }
0x28: {  	s2 =	sld [smem:$0x3FAC]  }
0x29: {  	s4 =	sld [smem:$0x3FAE]  }
0x2a: {  	p0 =	seq.s32 s5, $0x0;
	s5 =	sld [smem:$0x3FAF]  }
0x2b: {  	s6 =	sld [smem:$0x3FB0]  }
0x2c: {  	s7 =	sld [smem:$0x3FB1]  }
0x2d: {  	s3 =	simm.s32 $0x108;
	s8 =	sld [smem:$0x3FB2]  }
0x2e: {  	s3 =	simm.s32 @!p0 $0x1082;
	s9 =	sld [smem:$0x3FB3]  }
0x2f: {  	lr =	sadd.s32 s0, s3;
	s0 =	sld [smem:$0x3FAA]  }
0x30: {  	s3 =	sld [smem:$0x3FAD]  }
0x31: {  	[smem:$0x3FB6] =	sst s10  }
0x32: {  	s10 =	sld [smem:$0x3FB4];
	_ =	sdelay $0x3  }
0x33: {  	p0 =	seq.s32 s10, $0x1;
	s10 =	sld [smem:$0x3FB6];
	_ =	sdelay $0x3  }
0x34: {  	[smem:$0x3FB6] =	sst s10  }
0x35: {  	s10 =	sld [smem:$0x3FB5];
	_ =	sdelay $0x3  }
0x36: {  	p1 =	seq.s32 s10, $0x1;
	s10 =	sld [smem:$0x3FB6];
	_ =	sdelay $0x3  }
0x37: {  	[smem:$0x3FB6] =	sst s10  }
0x38: {  	s10 =	sld [smem:$0x3FB7]  }
0x39: {  	_ = 	snop;
	(pc) =	sbr.ind lr, $3  }
0x3a: {  	_ = 	snop  }
0x3b: {  	_ = 	snop  }
0x3c: {  	p2 =	seq.s32 s10, $0x1;
	s10 =	sld [smem:$0x3FB6]  }
0x3d: {  	_ =	shalt  }
0x3e: {  	_ =	shalt  }
0x3f: {  	_ =	shalt  }
0x40: {  	_ =	shalt  }
0x41: {  	_ =	shalt  }
0x42: {  	_ =	shalt  }
0x43: {  	_ =	shalt  }
0x44: {  	_ =	shalt  }
0x45: {  	_ =	shalt  }
0x46: {  	_ =	shalt  }
0x47: {  	_ =	shalt  }
0x48: {  	_ =	shalt  }
0x49: {  	_ =	shalt  }
0x4a: {  	_ =	shalt  }
0x4b: {  	_ =	shalt  }
0x4c: {  	_ =	shalt  }
0x4d: {  	_ =	shalt  }
0x4e: {  	_ =	shalt  }
0x4f: {  	_ =	shalt  }
0x50: {  	_ =	shalt  }
0x51: {  	_ =	shalt  }
0x52: {  	_ =	shalt  }
0x53: {  	_ =	shalt  }
0x54: {  	_ =	shalt  }
0x55: {  	_ =	shalt  }
0x56: {  	_ =	shalt  }
0x57: {  	_ =	shalt  }
0x58: {  	_ =	shalt  }
0x59: {  	_ =	shalt  }
0x5a: {  	_ =	shalt  }
0x5b: {  	_ =	shalt  }
0x5c: {  	_ =	shalt  }
0x5d: {  	_ =	shalt  }
0x5e: {  	_ =	shalt  }
0x5f: {  	_ =	shalt  }
0x60: {  	_ =	shalt  }
0x61: {  	_ =	shalt  }
0x62: {  	_ =	shalt  }
0x63: {  	_ =	shalt  }
0x64: {  	_ =	shalt  }
0x65: {  	_ =	shalt  }
0x66: {  	_ =	shalt  }
0x67: {  	_ =	shalt  }
0x68: {  	_ =	shalt  }
0x69: {  	_ =	shalt  }
0x6a: {  	_ =	shalt  }
0x6b: {  	_ =	shalt  }
0x6c: {  	_ =	shalt  }
0x6d: {  	_ =	shalt  }
0x6e: {  	_ =	shalt  }
0x6f: {  	_ =	shalt  }
0x70: {  	_ =	shalt  }
0x71: {  	_ =	shalt  }
0x72: {  	_ =	shalt  }
0x73: {  	_ =	shalt  }
0x74: {  	_ =	shalt  }
0x75: {  	_ =	shalt  }
0x76: {  	_ =	shalt  }
0x77: {  	_ =	shalt  }
0x78: {  	_ =	shalt  }
0x79: {  	_ =	shalt  }
0x7a: {  	_ =	shalt  }
0x7b: {  	_ =	shalt  }
0x7c: {  	_ =	shalt  }
0x7d: {  	_ =	shalt  }
0x7e: {  	_ =	shalt  }
0x7f: {  	_ =	shalt  }
0x80: {  	_ =	shalt  }
0x81: {  	_ =	shalt  }
0x82: {  	_ =	shalt  }
0x83: {  	_ =	shalt  }
0x84: {  	_ =	shalt  }
0x85: {  	_ =	shalt  }
0x86: {  	_ =	shalt  }
0x87: {  	_ =	shalt  }
.Lfunc_end0:
.L_simem_size_0:
called_computation.1_lowered:
.L_overlay_start_0:
0x88: {  	s2 =	sld [smem:$0x3FD9]  }
0x89: {  	s3 =	sld [smem:$0x3FFE];
	_ =	sdelay $0x1  }
0x8a: {  	s1 =	srdreg.scid  }
0x8b: {  	s0 =	sand.u32 $0x1, s1  }
0x8c: {  	s17 =	sshll.u32 s0, $0xA;
	s2 =	sadd.s32 s3, s2  }
0x8d: {  	s2 =	sadd.s32 s2, s17  }
0x8e: {  	[smem:$0x3FC2] =	sst s2  }
0x8f: {  	_ = 	snop  }
0x90: {  	s18 =	sld [smem:$0x3FC5]  }
0x91: {  	s4 =	sld [smem:$0x3FC4];
	(tm) =	ssettm $0x1  }
0x92: {  	s19 =	sld [smem:$0x3FFB];
	_ =	sdelay $0x3  }
0x93: {  	_ =	strace s19  }
0x94: {  	s2 =	sld [smem:$0x3FFC];
	_ =	sdelay $0x3  }
0x95: {  	_ =	strace s2  }
0x96: {  	s2 =	sld [smem:$0x3FFD];
	_ =	sdelay $0x3  }
0x97: {  	_ =	strace s2  }
0x98: {  	_ =	strace $0x8FFFFFFF  }
0x99: {  	s20 =	sld [smem:$0x3FDB];
	_ =	sdelay $0x1  }
0x9a: {  	s5 =	simm.s32 $_scs_section_size  }
0x9b: {  	s6 =	simm.s32 $_size__tile_overlayer_lowered;
	s7 =	simm.s32 $_tile_overlayer_lowered  }
0x9c: {  	s8 =	simm.s32 $0x1BFF;
	s21 =	sshll.u32 s7, $0x1;
	s5 =	sadd.s32 s5, s20  }
0x9d: {  	s22 =	simm.s32 $0x0;
	s6 =	sshll.u32 s6, $0x1;
	s7 =	sadd.s32 s21, s5  }
0x9e: {  	[timem:s22], [sflag:s8] =	dma.local [hbm:s7], s6  }
0x9f: {  	_ =	swait.ge [sflag:s8], s6  }
0xa0: {  	s6 =	ssub.s32 $0x0, s6;
	[sflag:s8] =	ssyncset.done $0x0  }
0xa1: {  	[sflag:s8] =	ssyncadd.s32 s6;
	_ =	sdelay $0x1  }
0xa2: {  	s23 =	simm.s32 $0x1B8B  }
0xa3: {  	_ =	swait.ge [sflag:s23], $0x1  }
0xa4: {  	[sflag:s23] =	ssyncset.done $0x0  }
0xa5: {  	[sflag:s23] =	ssyncadd.s32 $0xFFFFFFFF  }
0xa6: {  	s6 =	sld [smem:$0x0]  }
0xa7: {  	s7 =	sand.u32 $0xFFFFFFFE, s1  }
0xa8: {  	p0 =	sne.s32 s1, s7  }
0xa9: {  	s7 =	sshll.u32 @p0 s7, $0xE  }
0xaa: {  	s7 =	sadd.s32 @p0 $0x11B8D, s7;
	s8 =	sshll.u32 @p0 s6, $0x11  }
0xab: {  	s7 =	sor.u32 @p0 s8, s7  }
0xac: {  	[sflag:s7] =	ssyncadd.remote.s32 @p0 $0x1;
	_ =	sdelay $0x1  }
0xad: {  	s7 =	simm.s32 @p0 $0x1B8D  }
0xae: {  	_ =	swait.eq @p0 [sflag:s7], $0x1  }
0xaf: {  	[sflag:s7] =	ssyncadd.s32 @p0 $0xFFFFFFFF  }
0xb0: {  	s8 =	sshll.u32 @!p0 s1, $0xE  }
0xb1: {  	s8 =	sor.u32 @!p0 $0x4000, s8;
	s7 =	simm.s32 @!p0 $0x1B8D  }
0xb2: {  	s6 =	sshll.u32 @!p0 s6, $0x11;
	s8 =	sadd.s32 @!p0 $0x11B8D, s8;
	_ =	swait.eq @!p0 [sflag:s7], $0x1  }
0xb3: {  	s6 =	sor.u32 @!p0 s6, s8;
	[sflag:s7] =	ssyncadd.s32 @!p0 $0xFFFFFFFF  }
0xb4: {  	s25 =	simm.s32 $0x1B8E;
	s24 =	sld [smem:$0x3FFE];
	[sflag:s6] =	ssyncadd.remote.s32 @!p0 $0x1  }
0xb5: {  	s26 =	simm.s32 $execute0_lowered;
	[smem:$0x3FD2] =	sst s25  }
0xb6: {  	s7 =	sshll.u32 s26, $0x1;
	_ =	strace $0x80000049;
	[dreg:$0x1] =	wrdreg $0xFFFFFFFF  }
0xb7: {  	s28 =	simm.s32 $_size_execute0_lowered;
	s5 =	sadd.s32 s5, s7;
	[dreg:$0x0] =	wrdreg $0x0  }
0xb8: {  	s7 =	sshll.u32 s28, $0x1;
	[dreg:$0x2] =	wrdreg s5  }
0xb9: {  	[dreg:$0x3] =	wrdreg s7  }
0xba: {  	[dreg:$0x4] =	wrdreg $0xC0  }
0xbb: {  	_ =	task [dreg:s22], $0x5FFFF  }
0xbc: {  	[dreg:$0x1] =	wrdreg $0xFFFFFFFF  }
0xbd: {  	[dreg:$0x0] =	wrdreg $0x60  }
0xbe: {  	[dreg:$0x2] =	wrdreg s24  }
0xbf: {  	[dreg:$0x3] =	wrdreg s18  }
0xc0: {  	[dreg:$0x4] =	wrdreg s4  }
0xc1: {  	[dreg:$0x5] =	wrdreg $0xA  }
0xc2: {  	_ =	task.clear_ibuf [dreg:s22], $0x6FFFF;
	_ =	strace $0x90000049  }
0xc3: {  	s29 =	simm.s32 $0xA;
	_ =	strace $0x8000004B  }
0xc4: {  	_ =	swait.ge [sflag:s29], $0x1  }
0xc5: {  	[sflag:s29] =	ssyncadd.s32 $0xFFFFFFFF  }
0xc6: {  	_ =	strace $0x9000004B  }
0xc7: {  	_ =	sfence  }
0xc8: {  	s30 =	sld [smem:$0x0];
	_ =	sdelay $0x2  }
0xc9: {  	s31 =	sshll.u32 s1, $0xD;
	s1 =	sshrl.u32 s1, $0x2  }
0xca: {  	s4 =	sand.u32 $0x4000, s31;
	s1 =	sadd.s32 s1, s30  }
0xcb: {  	s0 =	sor.u32 s4, s0;
	s1 =	sshll.u32 s1, $0x11  }
0xcc: {  	s0 =	sor.u32 s1, s0  }
0xcd: {  	s0 =	sadd.s32 $0x8F2B, s0  }
0xce: {  	[sflag:s0] =	ssyncadd.remote.s32 $0x1  }
0xcf: {  	_ =	sfence.sel $0xFFFF  }
0xd0: {  	[dreg:$0x0] =	wrdreg $0xFFFFFFFF;
	(pc) =	sbr.abs _section_cstart, $3  }
0xd1: {  	[dreg:$0x1] =	wrdreg $0xFFFFFFFF  }
0xd2: {  	_ =	task.clear_ibuf [dreg:s22], $0x2FFFF;
	_ =	strace $0x9FFFFFFF  }
0xd3: {  	(tm) =	ssettm $0x7FFFFFFF  }
tec
execute0_lowered:
.L_overlay_start_1:
0x0: {  	(tag) =	ssettag $0x1  }
0x1: {  	s0 =	rddreg [dreg:$0x0]  }
0x2: {  	s11 =	rddreg [dreg:$0x1]  }
0x3: {  	s12 =	rddreg [dreg:$0x2]  }
0x4: {  	s3 =	simm.s32 $0x0;
	s1 =	srdreg.scid;
	s5 =	stileid.u32  }
0x5: {  	s28 =	simm.s32 $0x2D00;
	s29 =	simm.s32 $0x2F00;
	s30 =	simm.s32 $0x2180  }
0x6: {  	s31 =	simm.s32 $0x2380;
	[smem:$0x7FF] =	sst s3;
	s4 =	sadd.s32 $0x31400, s0  }
0x7: {  	s6 =	sadd.s32 $0x21400, s0;
	s7 =	sadd.s32 $0x71400, s0;
	s20 =	sadd.s32 $0x10, s11  }
0x8: {  	s22 =	sadd.s32 $0x10, s12;
	_ =	strace $0x8000004A;
	[dreg:$0x4] =	wrdreg s20  }
0x9: {  	s8 =	sadd.s32 $0x61400, s0;
	s13 =	sadd.s32 $0x40, s11;
	[dreg:$0x5] =	wrdreg s22  }
0xa: {  	s1 =	sand.u32 $0x1, s1;
	s14 =	sadd.s32 $0x60, s11;
	[dreg:$0xc] =	wrdreg s13  }
0xb: {  	s5 =	sshll.u32 s5, $0x5;
	s15 =	sadd.s32 $0x80, s11;
	[dreg:$0xd] =	wrdreg s14  }
0xc: {  	s9 =	sadd.s32 $0x81400, s0;
	s16 =	sadd.s32 $0xA0, s11;
	[dreg:$0xe] =	wrdreg s15  }
0xd: {  	s17 =	sadd.s32 $0xC0, s11;
	s18 =	sadd.s32 $0xE0, s11;
	[dreg:$0xf] =	wrdreg s16  }
0xe: {  	s2 =	ssub.s32 $0x2, s1;
	s1 =	sshll.u32 s1, $0x4;
	[dreg:$0x10] =	wrdreg s17  }
0xf: {  	[dreg:$0x11] =	wrdreg s18;
	s20 =	sadd.s32 $0x40, s12;
	s22 =	sadd.s32 $0x80, s12  }
0x10: {  	s19 =	sshrl.u32 s2, $0x1;
	s10 =	sor.u32 s1, s5;
	[dreg:$0x13] =	wrdreg s20  }
0x11: {  	s5 =	sadd.s32 $0x20, s11;
	[dreg:$0x15] =	wrdreg s22;
	s0 =	ssub.s32 s2, s19  }
0x12: {  	s21 =	sshll.u32 s10, $0x7;
	[dreg:$0xb] =	wrdreg s5;
	s19 =	sadd.s32 $0x20, s12  }
0x13: {  	s13 =	simm.s32 $0x2F80;
	s23 =	sadd.s32 s4, s21;
	[dreg:$0x12] =	wrdreg s19  }
0x14: {  	s14 =	simm.s32 $0x3000;
	s24 =	sadd.s32 s6, s21;
	[dreg:$0x6] =	wrdreg s23  }
0x15: {  	s15 =	simm.s32 $0x2;
	s25 =	sadd.s32 s7, s21;
	[dreg:$0x7] =	wrdreg s24  }
0x16: {  	s16 =	simm.s32 $0x4;
	s26 =	sadd.s32 s8, s21;
	[dreg:$0x8] =	wrdreg s25  }
0x17: {  	s17 =	simm.s32 $0x0;
	s0 =	smax.u32 s0, $0x1;
	[dreg:$0x9] =	wrdreg s26  }
0x18: {  	[dreg:$0xa] =	wrdreg s0;
	s25 =	sor.u32 $0x10, s21;
	s21 =	sadd.s32 $0x60, s12  }
0x19: {  	s11 =	simm.s32 $0x2B80;
	s23 =	sadd.s32 $0xA0, s12;
	[dreg:$0x14] =	wrdreg s21  }
0x1a: {  	s1 =	simm.s32 $0x4000;
	s24 =	sadd.s32 $0xC0, s12;
	[dreg:$0x16] =	wrdreg s23  }
0x1b: {  	s5 =	simm.s32 $0x2780;
	s26 =	sadd.s32 $0xE0, s12;
	[dreg:$0x17] =	wrdreg s24  }
0x1c: {  	s0 =	simm.s32 $0x2580;
	s12 =	simm.s32 $0x2D80;
	[dreg:$0x18] =	wrdreg s26  }
0x1d: {  	s24 =	simm.s32 $0x1000;
	s26 =	simm.s32 $0x1;
	s23 =	simm.s32 $0x2980  }
.LBB2_1:
0x1e: {  	[dreg:$0x19] =	wrdreg s17  }
0x1f: {  	s2 =	rddreg [dreg:$0x1]  }
0x20: {  	[tilespmem:s24], [sflag:$0x5] =	stream.linear.gather [hbm4b:s2+s3], $0x80, $0x38;
	[tilespmem:$0x5000] =	vst v63  }
0x21: {  	s22 =	rddreg [dreg:$0xb];
	s24 =	simm.s32 $0x1200  }
0x22: {  	[tilespmem:s24], [sflag:$0x5] =	stream.linear.gather [hbm4b:s22+s3], $0x80, $0x38;
	[tilespmem:$0x5000] =	vst v63  }
0x23: {  	s18 =	rddreg [dreg:$0xc];
	s19 =	simm.s32 $0x1400  }
0x24: {  	[tilespmem:s19], [sflag:$0x5] =	stream.linear.gather [hbm4b:s18+s3], $0x80, $0x38;
	[tilespmem:$0x5000] =	vst v63  }
0x25: {  	s20 =	rddreg [dreg:$0xd];
	s21 =	simm.s32 $0x1600  }
0x26: {  	[tilespmem:s21], [sflag:$0x5] =	stream.linear.gather [hbm4b:s20+s3], $0x80, $0x38;
	[tilespmem:$0x5000] =	vst v63  }
0x27: {  	s22 =	rddreg [dreg:$0xe];
	s24 =	simm.s32 $0x1800  }
0x28: {  	[tilespmem:s24], [sflag:$0x5] =	stream.linear.gather [hbm4b:s22+s3], $0x80, $0x38;
	[tilespmem:$0x5000] =	vst v63  }
0x29: {  	s18 =	rddreg [dreg:$0xf];
	s19 =	simm.s32 $0x1A00  }
0x2a: {  	[tilespmem:s19], [sflag:$0x5] =	stream.linear.gather [hbm4b:s18+s3], $0x80, $0x38;
	[tilespmem:$0x5000] =	vst v63  }
0x2b: {  	s20 =	rddreg [dreg:$0x10];
	s21 =	simm.s32 $0x1C00  }
0x2c: {  	[tilespmem:s21], [sflag:$0x5] =	stream.linear.gather [hbm4b:s20+s3], $0x80, $0x38;
	[tilespmem:$0x5000] =	vst v63  }
0x2d: {  	s22 =	rddreg [dreg:$0x11];
	s24 =	simm.s32 $0x1E00;
	s18 =	simm.s32 $0x5  }
0x2e: {  	[tilespmem:s24], [sflag:$0x5] =	stream.linear.gather [hbm4b:s22+s3], $0x80, $0x38;
	[tilespmem:$0x5000] =	vst v63  }
0x2f: {  	_ =	swait.ge [sflag:s18], $0x400  }
0x30: {  	[sflag:s18] =	ssyncset.done $0x0  }
0x31: {  	[sflag:s18] =	ssyncadd.s32 $0xFFFFFC00  }
0x32: {  	s19 =	simm.s32 $0x1080;
	s17 =	rddreg [dreg:$0x2]  }
0x33: {  	[tilespmem:s19], [sflag:$0x5] =	stream.linear.gather [hbm4b:s17+s3], $0x80, $0x38;
	[tilespmem:$0x5000] =	vst v63  }
0x34: {  	s21 =	simm.s32 $0x1280;
	s20 =	rddreg [dreg:$0x12]  }
0x35: {  	[tilespmem:s21], [sflag:$0x5] =	stream.linear.gather [hbm4b:s20+s3], $0x80, $0x38;
	[tilespmem:$0x5000] =	vst v63  }
0x36: {  	s24 =	simm.s32 $0x1480;
	s22 =	rddreg [dreg:$0x13]  }
0x37: {  	[tilespmem:s24], [sflag:$0x5] =	stream.linear.gather [hbm4b:s22+s3], $0x80, $0x38;
	[tilespmem:$0x5000] =	vst v63  }
0x38: {  	s17 =	rddreg [dreg:$0x14];
	s19 =	simm.s32 $0x1680  }
0x39: {  	[tilespmem:s19], [sflag:$0x5] =	stream.linear.gather [hbm4b:s17+s3], $0x80, $0x38;
	[tilespmem:$0x5000] =	vst v63  }
0x3a: {  	s20 =	rddreg [dreg:$0x15];
	s21 =	simm.s32 $0x1880  }
0x3b: {  	[tilespmem:s21], [sflag:$0x5] =	stream.linear.gather [hbm4b:s20+s3], $0x80, $0x38;
	[tilespmem:$0x5000] =	vst v63  }
0x3c: {  	s22 =	rddreg [dreg:$0x16];
	s24 =	simm.s32 $0x1A80  }
0x3d: {  	[tilespmem:s24], [sflag:$0x5] =	stream.linear.gather [hbm4b:s22+s3], $0x80, $0x38;
	[tilespmem:$0x5000] =	vst v63  }
0x3e: {  	s17 =	rddreg [dreg:$0x17];
	s19 =	simm.s32 $0x1C80  }
0x3f: {  	[tilespmem:s19], [sflag:$0x5] =	stream.linear.gather [hbm4b:s17+s3], $0x80, $0x38;
	[tilespmem:$0x5000] =	vst v63  }
0x40: {  	s20 =	rddreg [dreg:$0x18];
	s21 =	simm.s32 $0x1E80  }
0x41: {  	[tilespmem:s21], [sflag:$0x5] =	stream.linear.gather [hbm4b:s20+s3], $0x80, $0x38;
	[tilespmem:$0x5000] =	vst v63  }
0x42: {  	_ =	swait.ge [sflag:s18], $0x400  }
0x43: {  	[sflag:s18] =	ssyncset.done $0x0  }
0x44: {  	s22 =	simm.s32 $0x1100;
	s17 =	rddreg [dreg:$0x4];
	[sflag:s18] =	ssyncadd.s32 $0xFFFFFC00  }
0x45: {  	[tilespmem:s22], [sflag:$0x5] =	stream.linear.gather [hbm4b:s17+s3], $0x80, $0x38;
	[tilespmem:$0x5000] =	vst v63  }
0x46: {  	s19 =	simm.s32 $0x1300;
	s24 =	sadd.s32 $0x20, s17  }
0x47: {  	[tilespmem:s19], [sflag:$0x5] =	stream.linear.gather [hbm4b:s24+s3], $0x80, $0x38;
	[tilespmem:$0x5000] =	vst v63  }
0x48: {  	s21 =	simm.s32 $0x1500;
	s20 =	sadd.s32 $0x40, s17  }
0x49: {  	[tilespmem:s21], [sflag:$0x5] =	stream.linear.gather [hbm4b:s20+s3], $0x80, $0x38;
	[tilespmem:$0x5000] =	vst v63  }
0x4a: {  	s22 =	sadd.s32 $0x60, s17;
	s24 =	simm.s32 $0x1700  }
0x4b: {  	[tilespmem:s24], [sflag:$0x5] =	stream.linear.gather [hbm4b:s22+s3], $0x80, $0x38;
	[tilespmem:$0x5000] =	vst v63  }
0x4c: {  	s20 =	sadd.s32 $0x80, s17;
	s21 =	simm.s32 $0x1900  }
0x4d: {  	[tilespmem:s21], [sflag:$0x5] =	stream.linear.gather [hbm4b:s20+s3], $0x80, $0x38;
	[tilespmem:$0x5000] =	vst v63  }
0x4e: {  	s22 =	sadd.s32 $0xA0, s17;
	s24 =	simm.s32 $0x1B00  }
0x4f: {  	[tilespmem:s24], [sflag:$0x5] =	stream.linear.gather [hbm4b:s22+s3], $0x80, $0x38;
	[tilespmem:$0x5000] =	vst v63  }
0x50: {  	s20 =	sadd.s32 $0xC0, s17;
	s21 =	simm.s32 $0x1D00  }
0x51: {  	[tilespmem:s21], [sflag:$0x5] =	stream.linear.gather [hbm4b:s20+s3], $0x80, $0x38;
	[tilespmem:$0x5000] =	vst v63  }
0x52: {  	s22 =	sadd.s32 $0xE0, s17;
	s24 =	simm.s32 $0x1F00  }
0x53: {  	[tilespmem:s24], [sflag:$0x5] =	stream.linear.gather [hbm4b:s22+s3], $0x80, $0x38;
	[tilespmem:$0x5000] =	vst v63  }
0x54: {  	_ =	swait.ge [sflag:s18], $0x400  }
0x55: {  	[sflag:s18] =	ssyncset.done $0x0  }
0x56: {  	s19 =	simm.s32 $0x1180;
	s17 =	rddreg [dreg:$0x5];
	[sflag:s18] =	ssyncadd.s32 $0xFFFFFC00  }
0x57: {  	[tilespmem:s19], [sflag:$0x5] =	stream.linear.gather [hbm4b:s17+s3], $0x80, $0x38;
	[tilespmem:$0x5000] =	vst v63  }
0x58: {  	s21 =	simm.s32 $0x1380;
	s20 =	sadd.s32 $0x20, s17  }
0x59: {  	[tilespmem:s21], [sflag:$0x5] =	stream.linear.gather [hbm4b:s20+s3], $0x80, $0x38;
	[tilespmem:$0x5000] =	vst v63  }
0x5a: {  	s24 =	simm.s32 $0x1580;
	s22 =	sadd.s32 $0x40, s17  }
0x5b: {  	[tilespmem:s24], [sflag:$0x5] =	stream.linear.gather [hbm4b:s22+s3], $0x80, $0x38;
	[tilespmem:$0x5000] =	vst v63  }
0x5c: {  	s20 =	sadd.s32 $0x60, s17;
	s21 =	simm.s32 $0x1780  }
0x5d: {  	[tilespmem:s21], [sflag:$0x5] =	stream.linear.gather [hbm4b:s20+s3], $0x80, $0x38;
	[tilespmem:$0x5000] =	vst v63  }
0x5e: {  	s22 =	sadd.s32 $0x80, s17;
	s24 =	simm.s32 $0x1980  }
0x5f: {  	[tilespmem:s24], [sflag:$0x5] =	stream.linear.gather [hbm4b:s22+s3], $0x80, $0x38;
	[tilespmem:$0x5000] =	vst v63  }
0x60: {  	s20 =	sadd.s32 $0xA0, s17;
	s21 =	simm.s32 $0x1B80  }
0x61: {  	[tilespmem:s21], [sflag:$0x5] =	stream.linear.gather [hbm4b:s20+s3], $0x80, $0x38;
	[tilespmem:$0x5000] =	vst v63  }
0x62: {  	s22 =	sadd.s32 $0xC0, s17;
	s24 =	simm.s32 $0x1D80  }
0x63: {  	[tilespmem:s24], [sflag:$0x5] =	stream.linear.gather [hbm4b:s22+s3], $0x80, $0x38;
	[tilespmem:$0x5000] =	vst v63  }
0x64: {  	s20 =	sadd.s32 $0xE0, s17;
	s21 =	simm.s32 $0x1F80  }
0x65: {  	[tilespmem:s21], [sflag:$0x5] =	stream.linear.gather [hbm4b:s20+s3], $0x80, $0x38;
	[tilespmem:$0x5000] =	vst v63  }
0x66: {  	_ =	swait.ge [sflag:s18], $0x400  }
0x67: {  	s22 =	sand.u32 $0x70, s3;
	s24 =	sand.u32 $0xE00, s3;
	[sflag:s18] =	ssyncset.done $0x0  }
0x68: {  	s2 =	sor.u32 s22, s24;
	[sflag:s18] =	ssyncadd.s32 $0xFFFFFC00  }
0x69: {  	v8 =	vld [tilespmem:s2+$0x1100]  }
0x6a: {  	v14 =	vld [tilespmem:s2+$0x1180];
	_ =	sdelay $0x2  }
0x6b: {  	v4 =	vld [tilespmem:s2+$0x1080]  }
0x6c: {  	s19 =	simm.s32 $0x10;
	s20 =	simm.s32 $0x40;
	v3 =	vld [tilespmem:s2+$0x1000]  }
0x6d: {  	s17 =	sand.u32 $0x70, s19;
	s18 =	sand.u32 $0xE00, s20;
	v0 =	vmul.f32 v8, v8;
	v1 =	vmul.f32 v14, v14  }
0x6e: {  	s17 =	sor.u32 s17, s18  }
0x6f: {  	v5 =	vld [tilespmem:s17+$0x1100];
	v6 =	vadd.f32 v1, v0  }
0x70: {  	v2 =	vld [tilespmem:s17+$0x1180];
	v7 =	vmul.f32 v4, v4  }
0x71: {  	v0 =	vld [tilespmem:s17+$0x1000];
	(erf) = vrcp.f32 v6;
	v6 =	vmul.f32 v3, v3  }
0x72: {  	v1 =	vld [tilespmem:s17+$0x1080]  }
0x73: {  	v7 =	vadd.f32 v7, v6  }
0x74: {  	s22 =	simm.s32 $0x80;
	s21 =	simm.s32 $0x20  }
0x75: {  	s19 =	sand.u32 $0xE00, s22;
	s18 =	sand.u32 $0x70, s21;
	(erf) = vrcp.f32 v7  }
0x76: {  	s18 =	sor.u32 s18, s19;
	v9 =	vmul.f32 v5, v5;
	v11 =	vmul.f32 v2, v2  }
0x77: {  	v10 =	vld [tilespmem:s18+$0x1100];
	v12 =	vmul.f32 v0, v0;
	v13 =	vmul.f32 v1, v1  }
0x78: {  	v9 =	vadd.f32 v11, v9;
	v6 =	vld [tilespmem:s18+$0x1180]  }
0x79: {  	v7 =	vld [tilespmem:s18+$0x1000];
	v12 =	vadd.f32 v13, v12  }
0x7a: {  	(erf) = vrcp.f32 v9;
	v9 =	vld [tilespmem:s18+$0x1080]  }
0x7b: {  	s24 =	simm.s32 $0x30;
	s20 =	simm.s32 $0xC0;
	(erf) = vrcp.f32 v12  }
0x7c: {  	s21 =	sand.u32 $0xE00, s20;
	s19 =	sand.u32 $0x70, s24;
	v11 =	vmul.f32 v10, v10;
	v13 =	vpop (erf)  }
0x7d: {  	s19 =	sor.u32 s19, s21;
	s21 =	simm.s32 $0x40;
	v12 =	vmul.f32 v6, v6;
	v14 =	vmul.f32 v13, v14  }
.LBB2_2:
0x7e: {  	p0 =	sne.s32 s21, $0x3F0;
	v15 =	vld [tilespmem:s19+$0x1100];
	v16 =	vmul.f32 v7, v7;
	v13 =	vmul.f32 v13, v8;
	v17 =	vpop (erf);
	v8 =	vmov v5  }
0x7f: {  	v18 =	vld [tilespmem:s19+$0x1180];
	v19 =	vmul.f32 v9, v9;
	v11 =	vadd.f32 v12, v11;
	v12 =	vmul.f32 v17, v3;
	[tilespmem:s2+$0x180] =	vst v14  }
.Ltmp0:
0x80: {  	v5 =	vmovc v10;
	v14 =	vmul.f32 v17, v4;
	v3 =	vmovc v0;
	v0 =	vmov v7;
	v4 =	vmov v1;
	[tilespmem:s2+$0x100] =	vst v13;
	v7 =	vld [tilespmem:s19+$0x1000];
	(pc) =	sbr.rel @p0 .LBB2_2-.Ltmp0, $4  }
0x81: {  	v1 =	vmov v9;
	v16 =	vadd.f32 v19, v16;
	(erf) = vrcp.f32 v11;
	[tilespmem:s2+$0x0] =	vst v12;
	v9 =	vld [tilespmem:s19+$0x1080]  }
0x82: {  	s20 =	sadd.s32 $0x40, s20;
	[tilespmem:s2+$0x80] =	vst v14;
	s2 =	smov.u32 s17;
	s17 =	smov.u32 s18  }
0x83: {  	s22 =	sand.u32 $0x70, s21;
	s24 =	sand.u32 $0xE00, s20;
	s18 =	smov.u32 s19;
	v11 =	vmul.f32 v15, v15;
	(erf) = vrcp.f32 v16;
	v13 =	vpop (erf);
	v10 =	vmov v15  }
0x84: {  	s21 =	sadd.s32 $0x10, s21;
	s19 =	sor.u32 s22, s24;
	v12 =	vmul.f32 v18, v18;
	v14 =	vmul.f32 v13, v2;
	v2 =	vmovc v6;
	v6 =	vmov v18  }
0x85: {  	v15 =	vld [tilespmem:s19+$0x1100];
	v8 =	vmul.f32 v13, v8  }
0x86: {  	v16 =	vld [tilespmem:s19+$0x1180];
	[tilespmem:s2+$0x180] =	vst v14  }
0x87: {  	v42 =	vld [tilespmem:s19+$0x1000];
	[tilespmem:s2+$0x100] =	vst v8  }
0x88: {  	v43 =	vmul.f32 v7, v7;
	v44 =	vmul.f32 v9, v9;
	v11 =	vadd.f32 v12, v11;
	v45 =	vld [tilespmem:s19+$0x1080];
	_ =	sdelay $0x1  }
0x89: {  	v8 =	vadd.f32 v44, v43;
	(erf) = vrcp.f32 v11  }
0x8a: {  	v46 =	vmul.f32 v15, v15;
	v47 =	vmul.f32 v16, v16  }
0x8b: {  	(erf) = vrcp.f32 v8  }
0x8c: {  	v48 =	vmul.f32 v42, v42;
	v11 =	vadd.f32 v47, v46;
	v17 =	vmul.f32 v45, v45  }
0x8d: {  	v49 =	vpop (erf)  }
0x8e: {  	v3 =	vmul.f32 v49, v3;
	(erf) = vrcp.f32 v11;
	v8 =	vadd.f32 v17, v48  }
0x8f: {  	v4 =	vmul.f32 v49, v4;
	v50 =	vpop (erf)  }
0x90: {  	[tilespmem:s2+$0x0] =	vst v3;
	v2 =	vmul.f32 v50, v2;
	(erf) = vrcp.f32 v8  }
0x91: {  	[tilespmem:s2+$0x80] =	vst v4;
	v52 =	vmul.f32 v50, v5;
	v51 =	vpop (erf)  }
0x92: {  	v0 =	vmul.f32 v51, v0;
	[tilespmem:s17+$0x180] =	vst v2  }
0x93: {  	v1 =	vmul.f32 v51, v1;
	[tilespmem:s17+$0x100] =	vst v52;
	v53 =	vpop (erf)  }
0x94: {  	[tilespmem:s17+$0x0] =	vst v0;
	v54 =	vmul.f32 v53, v6  }
0x95: {  	[tilespmem:s17+$0x80] =	vst v1;
	v55 =	vmul.f32 v53, v10;
	v56 =	vpop (erf)  }
0x96: {  	v57 =	vmul.f32 v56, v7;
	[tilespmem:s18+$0x180] =	vst v54  }
0x97: {  	v58 =	vmul.f32 v56, v9;
	[tilespmem:s18+$0x100] =	vst v55;
	v59 =	vpop (erf)  }
0x98: {  	[tilespmem:s18+$0x0] =	vst v57;
	v60 =	vmul.f32 v59, v16  }
0x99: {  	[tilespmem:s18+$0x80] =	vst v58;
	v61 =	vmul.f32 v59, v15;
	v62 =	vpop (erf)  }
0x9a: {  	[tilespmem:s19+$0x180] =	vst v60;
	v63 =	vmul.f32 v62, v42  }
0x9b: {  	[tilespmem:s19+$0x100] =	vst v61;
	v1 =	vmul.f32 v62, v45  }
0x9c: {  	[tilespmem:s19+$0x0] =	vst v63  }
0x9d: {  	s24 =	simm.s32 $0x1000;
	s2 =	simm.s32 $0x0;
	s18 =	rddreg [dreg:$0x6];
	[tilespmem:s19+$0x80] =	vst v1  }
0x9e: {  	[tilespmem:s24], [sflag:$0x1] =	stream.linear.gather [hbm4b:s18+s2], $0x80, $0x38;
	[tilespmem:$0x5000] =	vst v63  }
0x9f: {  	s20 =	simm.s32 $0x1200;
	s19 =	sadd.s32 $0x80, s18  }
0xa0: {  	[tilespmem:s20], [sflag:$0x1] =	stream.linear.gather [hbm4b:s19+s2], $0x80, $0x38;
	[tilespmem:$0x5000] =	vst v63  }
0xa1: {  	s22 =	simm.s32 $0x1400;
	s21 =	sadd.s32 $0x100, s18  }
0xa2: {  	[tilespmem:s22], [sflag:$0x1] =	stream.linear.gather [hbm4b:s21+s2], $0x80, $0x38;
	[tilespmem:$0x5000] =	vst v63  }
0xa3: {  	s19 =	sadd.s32 $0x180, s18;
	s20 =	simm.s32 $0x1600  }
0xa4: {  	[tilespmem:s20], [sflag:$0x1] =	stream.linear.gather [hbm4b:s19+s2], $0x80, $0x38;
	[tilespmem:$0x5000] =	vst v63  }
0xa5: {  	s21 =	sadd.s32 $0x200, s18;
	s22 =	simm.s32 $0x1800  }
0xa6: {  	[tilespmem:s22], [sflag:$0x1] =	stream.linear.gather [hbm4b:s21+s2], $0x80, $0x38;
	[tilespmem:$0x5000] =	vst v63  }
0xa7: {  	s19 =	sadd.s32 $0x280, s18;
	s20 =	simm.s32 $0x1A00  }
0xa8: {  	[tilespmem:s20], [sflag:$0x1] =	stream.linear.gather [hbm4b:s19+s2], $0x80, $0x38;
	[tilespmem:$0x5000] =	vst v63  }
0xa9: {  	s21 =	sadd.s32 $0x300, s18;
	s22 =	simm.s32 $0x1C00  }
0xaa: {  	[tilespmem:s22], [sflag:$0x1] =	stream.linear.gather [hbm4b:s21+s2], $0x80, $0x38;
	[tilespmem:$0x5000] =	vst v63  }
0xab: {  	s20 =	sadd.s32 $0x380, s18;
	s21 =	simm.s32 $0x1E00  }
0xac: {  	[tilespmem:s21], [sflag:$0x1] =	stream.linear.gather [hbm4b:s20+s2], $0x80, $0x38;
	[tilespmem:$0x5000] =	vst v63  }
0xad: {  	s18 =	rddreg [dreg:$0x7];
	s22 =	simm.s32 $0x1080  }
0xae: {  	[tilespmem:s22], [sflag:$0x1] =	stream.linear.gather [hbm4b:s18+s2], $0x80, $0x38;
	[tilespmem:$0x5000] =	vst v63  }
0xaf: {  	s19 =	sadd.s32 $0x80, s18;
	s20 =	simm.s32 $0x1280  }
0xb0: {  	[tilespmem:s20], [sflag:$0x1] =	stream.linear.gather [hbm4b:s19+s2], $0x80, $0x38;
	[tilespmem:$0x5000] =	vst v63  }
0xb1: {  	s21 =	sadd.s32 $0x100, s18;
	s22 =	simm.s32 $0x1480  }
0xb2: {  	[tilespmem:s22], [sflag:$0x1] =	stream.linear.gather [hbm4b:s21+s2], $0x80, $0x38;
	[tilespmem:$0x5000] =	vst v63  }
0xb3: {  	s19 =	sadd.s32 $0x180, s18;
	s20 =	simm.s32 $0x1680  }
0xb4: {  	[tilespmem:s20], [sflag:$0x1] =	stream.linear.gather [hbm4b:s19+s2], $0x80, $0x38;
	[tilespmem:$0x5000] =	vst v63  }
0xb5: {  	s21 =	sadd.s32 $0x200, s18;
	s22 =	simm.s32 $0x1880  }
0xb6: {  	[tilespmem:s22], [sflag:$0x1] =	stream.linear.gather [hbm4b:s21+s2], $0x80, $0x38;
	[tilespmem:$0x5000] =	vst v63  }
0xb7: {  	s19 =	sadd.s32 $0x280, s18;
	s20 =	simm.s32 $0x1A80  }
0xb8: {  	[tilespmem:s20], [sflag:$0x1] =	stream.linear.gather [hbm4b:s19+s2], $0x80, $0x38;
	[tilespmem:$0x5000] =	vst v63  }
0xb9: {  	s21 =	sadd.s32 $0x300, s18;
	s22 =	simm.s32 $0x1C80  }
0xba: {  	[tilespmem:s22], [sflag:$0x1] =	stream.linear.gather [hbm4b:s21+s2], $0x80, $0x38;
	[tilespmem:$0x5000] =	vst v63  }
0xbb: {  	s20 =	sadd.s32 $0x380, s18;
	s21 =	simm.s32 $0x1E80  }
0xbc: {  	[tilespmem:s21], [sflag:$0x1] =	stream.linear.gather [hbm4b:s20+s2], $0x80, $0x38;
	[tilespmem:$0x5000] =	vst v63  }
0xbd: {  	s18 =	rddreg [dreg:$0x8];
	s22 =	simm.s32 $0x1100  }
0xbe: {  	[tilespmem:s22], [sflag:$0x1] =	stream.linear.gather [hbm4b:s18+s2], $0x80, $0x38;
	[tilespmem:$0x5000] =	vst v63  }
0xbf: {  	s19 =	sadd.s32 $0x80, s18;
	s20 =	simm.s32 $0x1300  }
0xc0: {  	[tilespmem:s20], [sflag:$0x1] =	stream.linear.gather [hbm4b:s19+s2], $0x80, $0x38;
	[tilespmem:$0x5000] =	vst v63  }
0xc1: {  	s21 =	sadd.s32 $0x100, s18;
	s22 =	simm.s32 $0x1500  }
0xc2: {  	[tilespmem:s22], [sflag:$0x1] =	stream.linear.gather [hbm4b:s21+s2], $0x80, $0x38;
	[tilespmem:$0x5000] =	vst v63  }
0xc3: {  	s19 =	sadd.s32 $0x180, s18;
	s20 =	simm.s32 $0x1700  }
0xc4: {  	[tilespmem:s20], [sflag:$0x1] =	stream.linear.gather [hbm4b:s19+s2], $0x80, $0x38;
	[tilespmem:$0x5000] =	vst v63  }
0xc5: {  	s21 =	sadd.s32 $0x200, s18;
	s22 =	simm.s32 $0x1900  }
0xc6: {  	[tilespmem:s22], [sflag:$0x1] =	stream.linear.gather [hbm4b:s21+s2], $0x80, $0x38;
	[tilespmem:$0x5000] =	vst v63  }
0xc7: {  	s19 =	sadd.s32 $0x280, s18;
	s20 =	simm.s32 $0x1B00  }
0xc8: {  	[tilespmem:s20], [sflag:$0x1] =	stream.linear.gather [hbm4b:s19+s2], $0x80, $0x38;
	[tilespmem:$0x5000] =	vst v63  }
0xc9: {  	s21 =	sadd.s32 $0x300, s18;
	s22 =	simm.s32 $0x1D00  }
0xca: {  	[tilespmem:s22], [sflag:$0x1] =	stream.linear.gather [hbm4b:s21+s2], $0x80, $0x38;
	[tilespmem:$0x5000] =	vst v63  }
0xcb: {  	s18 =	sadd.s32 $0x380, s18;
	s19 =	simm.s32 $0x1F00  }
0xcc: {  	[tilespmem:s19], [sflag:$0x1] =	stream.linear.gather [hbm4b:s18+s2], $0x80, $0x38;
	[tilespmem:$0x5000] =	vst v63  }
0xcd: {  	s20 =	simm.s32 $0x1180;
	s18 =	rddreg [dreg:$0x9]  }
0xce: {  	[tilespmem:s20], [sflag:$0x1] =	stream.linear.gather [hbm4b:s18+s2], $0x80, $0x38;
	[tilespmem:$0x5000] =	vst v63  }
0xcf: {  	s22 =	simm.s32 $0x1380;
	s21 =	sadd.s32 $0x80, s18  }
0xd0: {  	[tilespmem:s22], [sflag:$0x1] =	stream.linear.gather [hbm4b:s21+s2], $0x80, $0x38;
	[tilespmem:$0x5000] =	vst v63  }
0xd1: {  	s19 =	sadd.s32 $0x100, s18;
	s20 =	simm.s32 $0x1580  }
0xd2: {  	[tilespmem:s20], [sflag:$0x1] =	stream.linear.gather [hbm4b:s19+s2], $0x80, $0x38;
	[tilespmem:$0x5000] =	vst v63  }
0xd3: {  	s21 =	sadd.s32 $0x180, s18;
	s22 =	simm.s32 $0x1780  }
0xd4: {  	[tilespmem:s22], [sflag:$0x1] =	stream.linear.gather [hbm4b:s21+s2], $0x80, $0x38;
	[tilespmem:$0x5000] =	vst v63  }
0xd5: {  	s19 =	sadd.s32 $0x200, s18;
	s20 =	simm.s32 $0x1980  }
0xd6: {  	[tilespmem:s20], [sflag:$0x1] =	stream.linear.gather [hbm4b:s19+s2], $0x80, $0x38;
	[tilespmem:$0x5000] =	vst v63  }
0xd7: {  	s21 =	sadd.s32 $0x280, s18;
	s22 =	simm.s32 $0x1B80  }
0xd8: {  	[tilespmem:s22], [sflag:$0x1] =	stream.linear.gather [hbm4b:s21+s2], $0x80, $0x38;
	[tilespmem:$0x5000] =	vst v63  }
0xd9: {  	s19 =	sadd.s32 $0x300, s18;
	s20 =	simm.s32 $0x1D80  }
0xda: {  	[tilespmem:s20], [sflag:$0x1] =	stream.linear.gather [hbm4b:s19+s2], $0x80, $0x38;
	[tilespmem:$0x5000] =	vst v63  }
0xdb: {  	s21 =	sadd.s32 $0x380, s18;
	s22 =	simm.s32 $0x1F80  }
0xdc: {  	[tilespmem:s22], [sflag:$0x1] =	stream.linear.gather [hbm4b:s21+s2], $0x80, $0x38;
	[tilespmem:$0x5000] =	vst v63  }
.LBB2_4:
0xdd: {  	_ =	swait.ge [sflag:s26], $0x400  }
0xde: {  	[sflag:s26] =	ssyncset.done $0x0  }
0xdf: {  	[sflag:s26] =	ssyncadd.s32 $0xFFFFFC00  }
0xe0: {  	_ =	swait.ge [sflag:s26], $0x400  }
0xe1: {  	[sflag:s26] =	ssyncset.done $0x0  }
0xe2: {  	[sflag:s26] =	ssyncadd.s32 $0xFFFFFC00  }
0xe3: {  	_ =	swait.ge [sflag:s26], $0x400  }
0xe4: {  	s17 =	sshll.u32 s2, $0x8;
	s18 =	sshll.u32 s2, $0x5;
	[sflag:s26] =	ssyncset.done $0x0  }
0xe5: {  	s17 =	sand.u32 $0x400, s17;
	s18 =	sand.u32 $0x60, s18;
	[sflag:s26] =	ssyncadd.s32 $0xFFFFFC00  }
0xe6: {  	s17 =	sor.u32 s17, s18;
	_ =	swait.ge [sflag:s26], $0x400  }
0xe7: {  	s17 =	sor.u32 s25, s17;
	[sflag:s26] =	ssyncset.done $0x0  }
0xe8: {  	s19 =	simm.s32 $0x2000;
	s18 =	sadd.s32 s4, s17;
	[sflag:s26] =	ssyncadd.s32 $0xFFFFFC00  }
0xe9: {  	[tilespmem:s19], [sflag:$0x2] =	stream.linear.gather [hbm4b:s18+s3], $0x80, $0x38;
	[tilespmem:$0x5000] =	vst v63  }
0xea: {  	s20 =	simm.s32 $0x2200;
	s22 =	sadd.s32 $0x80, s18  }
0xeb: {  	[tilespmem:s20], [sflag:$0x2] =	stream.linear.gather [hbm4b:s22+s3], $0x80, $0x38;
	[tilespmem:$0x5000] =	vst v63  }
0xec: {  	s21 =	sadd.s32 $0x100, s18;
	s22 =	simm.s32 $0x2400  }
0xed: {  	[tilespmem:s22], [sflag:$0x2] =	stream.linear.gather [hbm4b:s21+s3], $0x80, $0x38;
	[tilespmem:$0x5000] =	vst v63  }
0xee: {  	s21 =	sadd.s32 $0x180, s18;
	s22 =	simm.s32 $0x2600  }
0xef: {  	[tilespmem:s22], [sflag:$0x2] =	stream.linear.gather [hbm4b:s21+s3], $0x80, $0x38;
	[tilespmem:$0x5000] =	vst v63  }
0xf0: {  	s21 =	sadd.s32 $0x200, s18;
	s22 =	simm.s32 $0x2800  }
0xf1: {  	[tilespmem:s22], [sflag:$0x2] =	stream.linear.gather [hbm4b:s21+s3], $0x80, $0x38;
	[tilespmem:$0x5000] =	vst v63  }
0xf2: {  	s21 =	sadd.s32 $0x280, s18;
	s22 =	simm.s32 $0x2A00  }
0xf3: {  	[tilespmem:s22], [sflag:$0x2] =	stream.linear.gather [hbm4b:s21+s3], $0x80, $0x38;
	[tilespmem:$0x5000] =	vst v63  }
0xf4: {  	s20 =	sadd.s32 $0x300, s18;
	s21 =	simm.s32 $0x2C00  }
0xf5: {  	[tilespmem:s21], [sflag:$0x2] =	stream.linear.gather [hbm4b:s20+s3], $0x80, $0x38;
	[tilespmem:$0x5000] =	vst v63  }
0xf6: {  	s18 =	sadd.s32 $0x380, s18;
	s22 =	simm.s32 $0x2E00  }
0xf7: {  	[tilespmem:s22], [sflag:$0x2] =	stream.linear.gather [hbm4b:s18+s3], $0x80, $0x38;
	[tilespmem:$0x5000] =	vst v63  }
0xf8: {  	s20 =	simm.s32 $0x2080;
	s18 =	sadd.s32 s6, s17  }
0xf9: {  	[tilespmem:s20], [sflag:$0x2] =	stream.linear.gather [hbm4b:s18+s3], $0x80, $0x38;
	[tilespmem:$0x5000] =	vst v63  }
0xfa: {  	s22 =	simm.s32 $0x2280;
	s21 =	sadd.s32 $0x80, s18  }
0xfb: {  	[tilespmem:s22], [sflag:$0x2] =	stream.linear.gather [hbm4b:s21+s3], $0x80, $0x38;
	[tilespmem:$0x5000] =	vst v63  }
0xfc: {  	s21 =	sadd.s32 $0x100, s18;
	s22 =	simm.s32 $0x2480  }
0xfd: {  	[tilespmem:s22], [sflag:$0x2] =	stream.linear.gather [hbm4b:s21+s3], $0x80, $0x38;
	[tilespmem:$0x5000] =	vst v63  }
0xfe: {  	s21 =	sadd.s32 $0x180, s18;
	s22 =	simm.s32 $0x2680  }
0xff: {  	[tilespmem:s22], [sflag:$0x2] =	stream.linear.gather [hbm4b:s21+s3], $0x80, $0x38;
	[tilespmem:$0x5000] =	vst v63  }
0x100: {  	s21 =	sadd.s32 $0x200, s18;
	s22 =	simm.s32 $0x2880  }
0x101: {  	[tilespmem:s22], [sflag:$0x2] =	stream.linear.gather [hbm4b:s21+s3], $0x80, $0x38;
	[tilespmem:$0x5000] =	vst v63  }
0x102: {  	s21 =	sadd.s32 $0x280, s18;
	s22 =	simm.s32 $0x2A80  }
0x103: {  	[tilespmem:s22], [sflag:$0x2] =	stream.linear.gather [hbm4b:s21+s3], $0x80, $0x38;
	[tilespmem:$0x5000] =	vst v63  }
0x104: {  	s20 =	sadd.s32 $0x300, s18;
	s21 =	simm.s32 $0x2C80  }
0x105: {  	[tilespmem:s21], [sflag:$0x2] =	stream.linear.gather [hbm4b:s20+s3], $0x80, $0x38;
	[tilespmem:$0x5000] =	vst v63  }
0x106: {  	s18 =	sadd.s32 $0x380, s18;
	s22 =	simm.s32 $0x2E80  }
0x107: {  	[tilespmem:s22], [sflag:$0x2] =	stream.linear.gather [hbm4b:s18+s3], $0x80, $0x38;
	[tilespmem:$0x5000] =	vst v63  }
0x108: {  	s20 =	simm.s32 $0x2100;
	s18 =	sadd.s32 s7, s17  }
0x109: {  	[tilespmem:s20], [sflag:$0x2] =	stream.linear.gather [hbm4b:s18+s3], $0x80, $0x38;
	[tilespmem:$0x5000] =	vst v63  }
0x10a: {  	s22 =	simm.s32 $0x2300;
	s21 =	sadd.s32 $0x80, s18  }
0x10b: {  	[tilespmem:s22], [sflag:$0x2] =	stream.linear.gather [hbm4b:s21+s3], $0x80, $0x38;
	[tilespmem:$0x5000] =	vst v63  }
0x10c: {  	s21 =	sadd.s32 $0x100, s18;
	s22 =	simm.s32 $0x2500  }
0x10d: {  	[tilespmem:s22], [sflag:$0x2] =	stream.linear.gather [hbm4b:s21+s3], $0x80, $0x38;
	[tilespmem:$0x5000] =	vst v63  }
0x10e: {  	s21 =	sadd.s32 $0x180, s18;
	s22 =	simm.s32 $0x2700  }
0x10f: {  	[tilespmem:s22], [sflag:$0x2] =	stream.linear.gather [hbm4b:s21+s3], $0x80, $0x38;
	[tilespmem:$0x5000] =	vst v63  }
0x110: {  	s21 =	sadd.s32 $0x200, s18;
	s22 =	simm.s32 $0x2900  }
0x111: {  	[tilespmem:s22], [sflag:$0x2] =	stream.linear.gather [hbm4b:s21+s3], $0x80, $0x38;
	[tilespmem:$0x5000] =	vst v63  }
0x112: {  	s21 =	sadd.s32 $0x280, s18;
	s22 =	simm.s32 $0x2B00  }
0x113: {  	[tilespmem:s22], [sflag:$0x2] =	stream.linear.gather [hbm4b:s21+s3], $0x80, $0x38;
	[tilespmem:$0x5000] =	vst v63  }
0x114: {  	s20 =	sadd.s32 $0x300, s18  }
0x115: {  	[tilespmem:s28], [sflag:$0x2] =	stream.linear.gather [hbm4b:s20+s3], $0x80, $0x38;
	[tilespmem:$0x5000] =	vst v63  }
0x116: {  	s18 =	sadd.s32 $0x380, s18  }
0x117: {  	[tilespmem:s29], [sflag:$0x2] =	stream.linear.gather [hbm4b:s18+s3], $0x80, $0x38;
	[tilespmem:$0x5000] =	vst v63  }
0x118: {  	s17 =	sadd.s32 s8, s17  }
0x119: {  	[tilespmem:s30], [sflag:$0x2] =	stream.linear.gather [hbm4b:s17+s3], $0x80, $0x38;
	[tilespmem:$0x5000] =	vst v63  }
0x11a: {  	s21 =	sadd.s32 $0x80, s17  }
0x11b: {  	[tilespmem:s31], [sflag:$0x2] =	stream.linear.gather [hbm4b:s21+s3], $0x80, $0x38;
	[tilespmem:$0x5000] =	vst v63  }
0x11c: {  	s22 =	sadd.s32 $0x100, s17  }
0x11d: {  	[tilespmem:s0], [sflag:$0x2] =	stream.linear.gather [hbm4b:s22+s3], $0x80, $0x38;
	[tilespmem:$0x5000] =	vst v63  }
0x11e: {  	s19 =	sadd.s32 $0x180, s17  }
0x11f: {  	[tilespmem:s5], [sflag:$0x2] =	stream.linear.gather [hbm4b:s19+s3], $0x80, $0x38;
	[tilespmem:$0x5000] =	vst v63  }
0x120: {  	s20 =	sadd.s32 $0x200, s17  }
0x121: {  	[tilespmem:s23], [sflag:$0x2] =	stream.linear.gather [hbm4b:s20+s3], $0x80, $0x38;
	[tilespmem:$0x5000] =	vst v63  }
0x122: {  	s21 =	sadd.s32 $0x280, s17  }
0x123: {  	[tilespmem:s11], [sflag:$0x2] =	stream.linear.gather [hbm4b:s21+s3], $0x80, $0x38;
	[tilespmem:$0x5000] =	vst v63  }
0x124: {  	s22 =	sadd.s32 $0x300, s17  }
0x125: {  	[tilespmem:s12], [sflag:$0x2] =	stream.linear.gather [hbm4b:s22+s3], $0x80, $0x38;
	[tilespmem:$0x5000] =	vst v63  }
0x126: {  	p0 =	seq.s32 s2, $0x0;
	s17 =	sadd.s32 $0x380, s17  }
0x127: {  	[tilespmem:s13], [sflag:$0x2] =	stream.linear.gather [hbm4b:s17+s3], $0x80, $0x38;
	[tilespmem:$0x5000] =	vst v63  }
0x128: {  	s17 =	simm.s32 @!p0 $0x3  }
0x129: {  	_ =	swait.ge @!p0 [sflag:s17], $0x1000  }
0x12a: {  	[sflag:s17] =	ssyncset.done @!p0 $0x0  }
0x12b: {  	s22 =	simm.s32 $0x1100;
	[sflag:s17] =	ssyncadd.s32 @!p0 $0xFFFFF000  }
0x12c: {  	v4 =	vld [tilespmem:s22+$0xFFFFFF70]  }
0x12d: {  	v6 =	vld [tilespmem:s22+$0xFFFFFFF0]  }
0x12e: {  	v7 =	vld [tilespmem:s22+$0x70]  }
0x12f: {  	s17 =	simm.s32 $0x100;
	v8 =	vld [tilespmem:s22+$0xF0]  }
0x130: {  	v9 =	vld [tilespmem:s17+$0xFFFFFF70]  }
0x131: {  	v10 =	vld [tilespmem:s17+$0xFFFFFFF0]  }
0x132: {  	v11 =	vld [tilespmem:s17+$0x70]  }
0x133: {  	v12 =	vld [tilespmem:s17+$0xF0]  }
0x134: {  	v2 =	vld [tilespmem:s22+$0x0]  }
0x135: {  	v13 =	vld [tilespmem:s22+$0x80]  }
0x136: {  	v14 =	vld [tilespmem:s17+$0x0]  }
0x137: {  	v3 =	vld [tilespmem:s17+$0x80]  }
0x138: {  	v15 =	vld [tilespmem:s22+$0xFFFFFF10]  }
0x139: {  	v16 =	vld [tilespmem:s22+$0xFFFFFF90]  }
0x13a: {  	v17 =	vld [tilespmem:s22+$0x10]  }
0x13b: {  	v18 =	vld [tilespmem:s22+$0x90]  }
0x13c: {  	v19 =	vld [tilespmem:s17+$0xFFFFFF10]  }
0x13d: {  	v20 =	vld [tilespmem:s17+$0xFFFFFF90]  }
0x13e: {  	v21 =	vld [tilespmem:s17+$0x10]  }
0x13f: {  	v22 =	vld [tilespmem:s17+$0x90]  }
0x140: {  	v23 =	vld [tilespmem:s22+$0xFFFFFF20]  }
0x141: {  	v24 =	vld [tilespmem:s22+$0xFFFFFFA0]  }
0x142: {  	v25 =	vld [tilespmem:s22+$0x20]  }
0x143: {  	v26 =	vld [tilespmem:s22+$0xA0]  }
0x144: {  	v27 =	vld [tilespmem:s17+$0xFFFFFF20]  }
0x145: {  	v28 =	vld [tilespmem:s17+$0xFFFFFFA0]  }
0x146: {  	v31 =	vld [tilespmem:s17+$0x20];
	v29 =	vmul.f32 v9, v4  }
0x147: {  	v32 =	vld [tilespmem:s22+$0xFFFFFF30];
	v30 =	vmul.f32 v10, v6;
	v6 =	vmul.f32 v9, v6  }
0x148: {  	v46 =	vld [tilespmem:s22+$0x40];
	v4 =	vmul.f32 v10, v4;
	v63 =	vmul.f32 v11, v8  }
0x149: {  	v51 =	vld [tilespmem:s17+$0x40];
	v36 =	vmul.f32 v12, v7;
	v7 =	vmul.f32 v11, v7  }
0x14a: {  	v56 =	vld [tilespmem:s22+$0xD0];
	v8 =	vmul.f32 v12, v8;
	v37 =	vmul.f32 v19, v15  }
0x14b: {  	v57 =	vld [tilespmem:s17+$0x50];
	v15 =	vmul.f32 v20, v15;
	v39 =	vmul.f32 v21, v17  }
0x14c: {  	v38 =	vld [tilespmem:s22+$0x30];
	v21 =	vmul.f32 v21, v18;
	v18 =	vmul.f32 v22, v18  }
0x14d: {  	v33 =	vld [tilespmem:s17+$0xFFFFFF30];
	v17 =	vmul.f32 v22, v17;
	v41 =	vmul.f32 v14, v13  }
0x14e: {  	v34 =	vld [tilespmem:s17+$0xFFFFFFB0];
	v42 =	vmul.f32 v28, v24;
	v24 =	vmul.f32 v27, v24  }
0x14f: {  	v40 =	vld [tilespmem:s17+$0x30];
	v45 =	vmul.f32 v31, v25;
	v31 =	vmul.f32 v31, v26  }
0x150: {  	v9 =	vld [tilespmem:s17+$0xA0];
	v55 =	vmul.f32 v51, v46;
	v60 =	vmul.f32 v57, v56;
	v10 =	vadd.f32 v30, v29  }
0x151: {  	v11 =	vld [tilespmem:s22+$0xFFFFFFB0];
	v6 =	vsub.f32 v6, v4;
	v12 =	vsub.f32 v63, v36;
	v4 =	vmul.f32 v14, v2  }
0x152: {  	v43 =	vld [tilespmem:s22+$0xFFFFFF40];
	v7 =	vadd.f32 v8, v7;
	v8 =	vmul.f32 v19, v16;
	v16 =	vmul.f32 v20, v16  }
0x153: {  	v44 =	vld [tilespmem:s22+$0xFFFFFFC0];
	v14 =	vadd.f32 v18, v39;
	v17 =	vsub.f32 v21, v17;
	v18 =	vmul.f32 v27, v23  }
0x154: {  	v19 =	vld [tilespmem:s22+$0xB0];
	v23 =	vmul.f32 v28, v23;
	v12 =	vsub.f32 v12, v6;
	v7 =	vsub.f32 v7, v10  }
0x155: {  	s18 =	simm.s32 $0x3800;
	v47 =	vld [tilespmem:s22+$0xC0];
	v16 =	vadd.f32 v16, v37;
	v8 =	vsub.f32 v8, v15;
	v26 =	vmul.f32 v9, v26  }
0x156: {  	v15 =	vld [tilespmem:s17+$0xB0];
	v18 =	vadd.f32 v42, v18;
	[tilespmem:s18+$0xFFFFF870] =	vst v10;
	v9 =	vmul.f32 v9, v25;
	v50 =	vmul.f32 v33, v11  }
0x157: {  	v48 =	vld [tilespmem:s17+$0xFFFFFF40];
	[tilespmem:s18+$0xFFFFFC70] =	vst v6;
	v11 =	vmul.f32 v34, v11;
	v12 =	vmul.f32 $1.111111120e-01, v12;
	v14 =	vsub.f32 v14, v16  }
0x158: {  	v49 =	vld [tilespmem:s17+$0xFFFFFFC0];
	v17 =	vsub.f32 v17, v8;
	v7 =	vmul.f32 $1.111111120e-01, v7;
	[tilespmem:s18+$0xFFFFF810] =	vst v16;
	v16 =	vmul.f32 v40, v38  }
0x159: {  	v52 =	vld [tilespmem:s17+$0xC0];
	v22 =	vmul.f32 v40, v19;
	[tilespmem:s18+$0x470] =	vst v12;
	v12 =	vmul.f32 v3, v13;
	v13 =	vsub.f32 v24, v23  }
0x15a: {  	v53 =	vld [tilespmem:s22+$0xFFFFFF50];
	[tilespmem:s18+$0xFFFFFC10] =	vst v8;
	v10 =	vmul.f32 $1.111111120e-01, v14;
	v14 =	vmul.f32 $1.111111120e-01, v17;
	v17 =	vadd.f32 v26, v45  }
0x15b: {  	v54 =	vld [tilespmem:s17+$0xFFFFFFD0];
	[tilespmem:s18+$0x70] =	vst v7;
	v7 =	vsub.f32 v31, v9;
	v9 =	vmul.f32 v33, v32;
	v8 =	vmul.f32 v15, v19  }
0x15c: {  	v59 =	vld [tilespmem:s17+$0xD0];
	[tilespmem:s18+$0xFFFFF820] =	vst v18;
	v15 =	vmul.f32 v15, v38;
	v6 =	vsub.f32 v17, v18;
	v17 =	vmul.f32 v34, v32  }
0x15d: {  	v19 =	vld [tilespmem:s22+$0xFFFFFFD0];
	v7 =	vsub.f32 v7, v13;
	v9 =	vadd.f32 v11, v9;
	[tilespmem:s18+$0x10] =	vst v10;
	v18 =	vmul.f32 v49, v44  }
0x15e: {  	v11 =	vld [tilespmem:s22+$0x50];
	[tilespmem:s18+$0xFFFFFC20] =	vst v13;
	v13 =	vmul.f32 v49, v43;
	v8 =	vadd.f32 v8, v16;
	v16 =	vmul.f32 v48, v43  }
0x15f: {  	[tilespmem:s18+$0x410] =	vst v14;
	v14 =	vsub.f32 v22, v15;
	v15 =	vmul.f32 v48, v44;
	v10 =	vsub.f32 v50, v17;
	v17 =	vld [tilespmem:s17+$0xFFFFFF50]  }
0x160: {  	v5 =	vld [tilespmem:s22+$0xFFFFFF80];
	v6 =	vmul.f32 $1.111111120e-01, v6;
	v7 =	vmul.f32 $1.111111120e-01, v7;
	v8 =	vsub.f32 v8, v9  }
0x161: {  	v0 =	vld [tilespmem:s17+$0xFFFFFF00];
	[tilespmem:s18+$0xFFFFF830] =	vst v9;
	v9 =	vmul.f32 v51, v47;
	v16 =	vadd.f32 v18, v16;
	v18 =	vmul.f32 v52, v47  }
0x162: {  	v1 =	vld [tilespmem:s17+$0xFFFFFF80];
	v13 =	vsub.f32 v15, v13;
	[tilespmem:s18+$0x20] =	vst v6;
	v6 =	vsub.f32 v14, v10;
	v14 =	vmul.f32 v52, v46  }
0x163: {  	[tilespmem:s18+$0x420] =	vst v7;
	v7 =	vld [tilespmem:s22+$0xFFFFFF60];
	v58 =	vmul.f32 $1.111111120e-01, v8;
	v15 =	vadd.f32 v18, v55;
	v61 =	vmul.f32 v59, v11  }
0x164: {  	[tilespmem:s18+$0xFFFFFC30] =	vst v10;
	v8 =	vld [tilespmem:s22+$0xFFFFFFE0];
	v10 =	vsub.f32 v9, v14;
	v9 =	vmul.f32 v54, v19;
	v18 =	vmul.f32 v17, v53  }
0x165: {  	[tilespmem:s18+$0xFFFFF840] =	vst v16;
	v14 =	vmul.f32 v17, v19;
	v15 =	vsub.f32 v15, v16;
	v16 =	vmul.f32 $1.111111120e-01, v6;
	v6 =	vld [tilespmem:s22+$0x60]  }
0x166: {  	[tilespmem:s18+$0xFFFFFC40] =	vst v13;
	v17 =	vmul.f32 v54, v53;
	v19 =	vmul.f32 v57, v11;
	v11 =	vld [tilespmem:s17+$0xFFFFFF60]  }
0x167: {  	v10 =	vsub.f32 v10, v13;
	v18 =	vadd.f32 v9, v18;
	v9 =	vld [tilespmem:s22+$0xE0];
	[tilespmem:s18+$0x430] =	vst v16;
	v16 =	vmul.f32 v59, v56  }
0x168: {  	v62 =	vmul.f32 v3, v2;
	[tilespmem:s18+$0x30] =	vst v58;
	v63 =	vmul.f32 $1.111111120e-01, v15;
	v13 =	vsub.f32 v14, v17;
	v14 =	vld [tilespmem:s17+$0xFFFFFFE0]  }
0x169: {  	v15 =	vld [tilespmem:s17+$0x60];
	v10 =	vmul.f32 $1.111111120e-01, v10;
	v16 =	vadd.f32 v16, v19;
	v19 =	vsub.f32 v60, v61;
	[tilespmem:s18+$0xFFFFF850] =	vst v18  }
0x16a: {  	s19 =	sshll.u32 s2, $0x1;
	v2 =	vmul.f32 v0, v5;
	v3 =	vadd.f32 v12, v4;
	v4 =	vsub.f32 v41, v62;
	v12 =	vld [tilespmem:s17+$0xE0];
	[tilespmem:s18+$0x40] =	vst v63  }
0x16b: {  	s20 =	sadd.s32 s10, s19;
	s21 =	simm.s32 $0x0;
	v5 =	vmul.f32 v1, v5;
	v17 =	vld [tilespmem:s22+$0xFFFFFF00];
	s22 =	simm.s32 $0x1300;
	[tilespmem:s18+$0x440] =	vst v10;
	v16 =	vsub.f32 v16, v18;
	v10 =	vsub.f32 v19, v13  }
.LBB2_5:
0x16c: {  	v18 =	vld [tilespmem:s22+$0xFFFFFF70];
	[tilespmem:s18+$0xFFFFFC50] =	vst v13;
	v13 =	vmul.f32 v11, v7;
	v11 =	vmul.f32 v11, v8  }
0x16d: {  	v19 =	vld [tilespmem:s22+$0xFFFFFFF0];
	v8 =	vmul.f32 v14, v8;
	v7 =	vmul.f32 v14, v7  }
0x16e: {  	v14 =	vld [tilespmem:s22+$0x70];
	v20 =	vmul.f32 v15, v6;
	v15 =	vmul.f32 v15, v9  }
0x16f: {  	s17 =	sadd.s32 $0x200, s17;
	v21 =	vld [tilespmem:s22+$0xF0];
	v8 =	vadd.f32 v8, v13;
	v9 =	vmul.f32 v12, v9;
	v6 =	vmul.f32 v12, v6  }
0x170: {  	v7 =	vsub.f32 v11, v7;
	v12 =	vld [tilespmem:s17+$0xFFFFFF70];
	v0 =	vmul.f32 v0, v17;
	v1 =	vmul.f32 v1, v17  }
0x171: {  	v13 =	vmul.f32 $1.111111120e-01, v16;
	v11 =	vld [tilespmem:s17+$0xFFFFFFF0];
	v9 =	vadd.f32 v9, v20;
	v6 =	vsub.f32 v15, v6;
	[tilespmem:s18+$0xFFFFF860] =	vst v8  }
0x172: {  	v15 =	vld [tilespmem:s17+$0x70];
	v0 =	vadd.f32 v5, v0;
	v1 =	vsub.f32 v2, v1;
	v2 =	vmul.f32 $1.111111120e-01, v10;
	[tilespmem:s18+$0xFFFFFC60] =	vst v7  }
0x173: {  	s21 =	sadd.s32 $0x8, s21;
	v5 =	vld [tilespmem:s17+$0xF0];
	[tilespmem:s18+$0x50] =	vst v13;
	v8 =	vsub.f32 v9, v8;
	v6 =	vsub.f32 v6, v7  }
0x174: {  	p1 =	slt.u32 s21, $0x38;
	v7 =	vld [tilespmem:s22+$0xFFFFFF80];
	v3 =	vsub.f32 v3, v0;
	v4 =	vsub.f32 v4, v1;
	[tilespmem:s18+$0x450] =	vst v2  }
0x175: {  	v9 =	vld [tilespmem:s22+$0x0];
	v2 =	vmul.f32 v12, v18;
	[tilespmem:s18+$0xFFFFF800] =	vst v0;
	v8 =	vmul.f32 $1.111111120e-01, v8  }
0x176: {  	v10 =	vld [tilespmem:s22+$0x80];
	v13 =	vmul.f32 v11, v19;
	[tilespmem:s18+$0xFFFFFC00] =	vst v1;
	v3 =	vmul.f32 $1.111111120e-01, v3  }
0x177: {  	v12 =	vmul.f32 v12, v19;
	v11 =	vmul.f32 v11, v18;
	v0 =	vld [tilespmem:s17+$0xFFFFFF00];
	[tilespmem:s18+$0x60] =	vst v8  }
0x178: {  	v1 =	vld [tilespmem:s17+$0xFFFFFF80];
	v8 =	vadd.f32 v13, v2;
	v2 =	vmul.f32 v15, v21;
	v13 =	vmul.f32 v5, v14;
	[tilespmem:s18+$0x0] =	vst v3  }
0x179: {  	v14 =	vmul.f32 v15, v14;
	v5 =	vmul.f32 v5, v21;
	v3 =	vld [tilespmem:s17+$0x0]  }
0x17a: {  	v4 =	vmul.f32 $1.111111120e-01, v4;
	v11 =	vsub.f32 v12, v11;
	v15 =	vld [tilespmem:s17+$0x80];
	v12 =	vsub.f32 v2, v13  }
0x17b: {  	v6 =	vmul.f32 $1.111111120e-01, v6;
	v14 =	vadd.f32 v5, v14;
	v13 =	vld [tilespmem:s22+$0xFFFFFF10]  }
0x17c: {  	v2 =	vmul.f32 v0, v7;
	v16 =	vld [tilespmem:s22+$0xFFFFFF90];
	v12 =	vsub.f32 v12, v11;
	[tilespmem:s18+$0x400] =	vst v4  }
0x17d: {  	v4 =	vsub.f32 v14, v8;
	v5 =	vmul.f32 v1, v7;
	v7 =	vld [tilespmem:s22+$0x10];
	[tilespmem:s18+$0x460] =	vst v6  }
0x17e: {  	v6 =	vmul.f32 v3, v9;
	v14 =	vld [tilespmem:s22+$0x90];
	v12 =	vmul.f32 $1.111111120e-01, v12  }
0x17f: {  	s18 =	sadd.s32 $0x80, s18;
	v17 =	vmul.f32 v15, v10;
	v10 =	vmul.f32 v3, v10;
	v18 =	vld [tilespmem:s17+$0xFFFFFF10]  }
0x180: {  	v19 =	vmul.f32 $1.111111120e-01, v4;
	v9 =	vmul.f32 v15, v9;
	v15 =	vld [tilespmem:s17+$0xFFFFFF90];
	[tilespmem:s18+$0x470] =	vst v12  }
0x181: {  	v3 =	vadd.f32 v17, v6;
	v6 =	vld [tilespmem:s17+$0x10];
	[tilespmem:s18+$0xFFFFF870] =	vst v8  }
0x182: {  	v4 =	vsub.f32 v10, v9;
	v8 =	vld [tilespmem:s17+$0x90];
	[tilespmem:s18+$0x70] =	vst v19  }
0x183: {  	v9 =	vld [tilespmem:s22+$0xFFFFFF20];
	[tilespmem:s18+$0xFFFFFC70] =	vst v11  }
0x184: {  	v10 =	vmul.f32 v18, v13;
	v11 =	vmul.f32 v18, v16;
	v12 =	vld [tilespmem:s22+$0xFFFFFFA0]  }
0x185: {  	v16 =	vmul.f32 v15, v16;
	v13 =	vmul.f32 v15, v13;
	v15 =	vld [tilespmem:s22+$0x20]  }
0x186: {  	v17 =	vmul.f32 v6, v7;
	v6 =	vmul.f32 v6, v14;
	v18 =	vld [tilespmem:s22+$0xA0]  }
0x187: {  	v10 =	vadd.f32 v16, v10;
	v14 =	vmul.f32 v8, v14;
	v7 =	vmul.f32 v8, v7;
	v8 =	vld [tilespmem:s17+$0xFFFFFF20]  }
0x188: {  	v11 =	vsub.f32 v11, v13;
	v13 =	vld [tilespmem:s17+$0xFFFFFFA0]  }
0x189: {  	v14 =	vadd.f32 v14, v17;
	v6 =	vsub.f32 v6, v7;
	[tilespmem:s18+$0xFFFFF810] =	vst v10;
	v7 =	vld [tilespmem:s17+$0x20]  }
0x18a: {  	[tilespmem:s18+$0xFFFFFC10] =	vst v11;
	v16 =	vld [tilespmem:s17+$0xA0]  }
0x18b: {  	v10 =	vsub.f32 v14, v10;
	v6 =	vsub.f32 v6, v11;
	v11 =	vld [tilespmem:s22+$0xFFFFFF30]  }
0x18c: {  	v14 =	vmul.f32 v8, v9;
	v8 =	vmul.f32 v8, v12;
	v17 =	vld [tilespmem:s22+$0xFFFFFFB0]  }
0x18d: {  	v12 =	vmul.f32 v13, v12;
	v9 =	vmul.f32 v13, v9;
	v13 =	vld [tilespmem:s22+$0x30]  }
0x18e: {  	v19 =	vmul.f32 v7, v15;
	v7 =	vmul.f32 v7, v18;
	v20 =	vld [tilespmem:s22+$0xB0]  }
0x18f: {  	v12 =	vadd.f32 v12, v14;
	v14 =	vmul.f32 v16, v18;
	v15 =	vmul.f32 v16, v15;
	v16 =	vld [tilespmem:s17+$0xFFFFFF30]  }
0x190: {  	v10 =	vmul.f32 $1.111111120e-01, v10;
	v6 =	vmul.f32 $1.111111120e-01, v6;
	v8 =	vsub.f32 v8, v9;
	v9 =	vld [tilespmem:s17+$0xFFFFFFB0]  }
0x191: {  	v14 =	vadd.f32 v14, v19;
	v7 =	vsub.f32 v7, v15;
	[tilespmem:s18+$0xFFFFF820] =	vst v12;
	v15 =	vld [tilespmem:s17+$0x30]  }
0x192: {  	[tilespmem:s18+$0x10] =	vst v10;
	v10 =	vld [tilespmem:s17+$0xB0]  }
0x193: {  	[tilespmem:s18+$0x410] =	vst v6;
	v6 =	vsub.f32 v14, v12;
	v7 =	vsub.f32 v7, v8;
	v12 =	vld [tilespmem:s22+$0xFFFFFF40]  }
0x194: {  	[tilespmem:s18+$0xFFFFFC20] =	vst v8;
	v8 =	vmul.f32 v16, v11;
	v14 =	vmul.f32 v16, v17;
	v16 =	vld [tilespmem:s22+$0xFFFFFFC0]  }
0x195: {  	v17 =	vmul.f32 v9, v17;
	v9 =	vmul.f32 v9, v11;
	v11 =	vld [tilespmem:s22+$0x40]  }
0x196: {  	v18 =	vmul.f32 v15, v13;
	v15 =	vmul.f32 v15, v20;
	v19 =	vld [tilespmem:s22+$0xC0]  }
0x197: {  	v8 =	vadd.f32 v17, v8;
	v17 =	vmul.f32 v10, v20;
	v10 =	vmul.f32 v10, v13;
	v13 =	vld [tilespmem:s17+$0xFFFFFF40]  }
0x198: {  	v6 =	vmul.f32 $1.111111120e-01, v6;
	v7 =	vmul.f32 $1.111111120e-01, v7;
	v9 =	vsub.f32 v14, v9;
	v14 =	vld [tilespmem:s17+$0xFFFFFFC0]  }
0x199: {  	v17 =	vadd.f32 v17, v18;
	v10 =	vsub.f32 v15, v10;
	[tilespmem:s18+$0xFFFFF830] =	vst v8;
	v15 =	vld [tilespmem:s17+$0x40]  }
0x19a: {  	[tilespmem:s18+$0x20] =	vst v6;
	v6 =	vld [tilespmem:s17+$0xC0]  }
0x19b: {  	[tilespmem:s18+$0x420] =	vst v7;
	v7 =	vsub.f32 v17, v8;
	v8 =	vsub.f32 v10, v9;
	v10 =	vld [tilespmem:s22+$0xFFFFFF50]  }
0x19c: {  	[tilespmem:s18+$0xFFFFFC30] =	vst v9;
	v9 =	vmul.f32 v13, v12;
	v13 =	vmul.f32 v13, v16;
	v17 =	vld [tilespmem:s22+$0xFFFFFFD0]  }
0x19d: {  	v16 =	vmul.f32 v14, v16;
	v12 =	vmul.f32 v14, v12;
	v14 =	vld [tilespmem:s22+$0x50]  }
0x19e: {  	v18 =	vmul.f32 v15, v11;
	v15 =	vmul.f32 v15, v19;
	v20 =	vld [tilespmem:s22+$0xD0]  }
0x19f: {  	v9 =	vadd.f32 v16, v9;
	v16 =	vmul.f32 v6, v19;
	v6 =	vmul.f32 v6, v11;
	v11 =	vld [tilespmem:s17+$0xFFFFFF50]  }
0x1a0: {  	v7 =	vmul.f32 $1.111111120e-01, v7;
	v8 =	vmul.f32 $1.111111120e-01, v8;
	v12 =	vsub.f32 v13, v12;
	v13 =	vld [tilespmem:s17+$0xFFFFFFD0]  }
0x1a1: {  	v16 =	vadd.f32 v16, v18;
	v6 =	vsub.f32 v15, v6;
	[tilespmem:s18+$0xFFFFF840] =	vst v9;
	v15 =	vld [tilespmem:s17+$0x50]  }
0x1a2: {  	[tilespmem:s18+$0x30] =	vst v7;
	v18 =	vld [tilespmem:s17+$0xD0]  }
0x1a3: {  	[tilespmem:s18+$0x430] =	vst v8;
	v16 =	vsub.f32 v16, v9;
	v19 =	vsub.f32 v6, v12;
	v7 =	vld [tilespmem:s22+$0xFFFFFF60]  }
0x1a4: {  	[tilespmem:s18+$0xFFFFFC40] =	vst v12;
	v12 =	vmul.f32 v11, v10;
	v21 =	vmul.f32 v11, v17;
	v8 =	vld [tilespmem:s22+$0xFFFFFFE0]  }
0x1a5: {  	v11 =	vmul.f32 v13, v17;
	v10 =	vmul.f32 v13, v10;
	v6 =	vld [tilespmem:s22+$0x60]  }
0x1a6: {  	v17 =	vmul.f32 v15, v14;
	v15 =	vmul.f32 v15, v20;
	v9 =	vld [tilespmem:s22+$0xE0]  }
.Ltmp1:
0x1a7: {  	v22 =	vadd.f32 v11, v12;
	v12 =	vmul.f32 v18, v20;
	v18 =	vmul.f32 v18, v14;
	v11 =	vld [tilespmem:s17+$0xFFFFFF60];
	(pc) =	sbr.rel @p1 .LBB2_5-.Ltmp1, $4  }
0x1a8: {  	v16 =	vmul.f32 $1.111111120e-01, v16;
	v19 =	vmul.f32 $1.111111120e-01, v19;
	v13 =	vsub.f32 v21, v10;
	v14 =	vld [tilespmem:s17+$0xFFFFFFE0]  }
0x1a9: {  	v10 =	vadd.f32 v12, v17;
	v18 =	vsub.f32 v15, v18;
	[tilespmem:s18+$0xFFFFF850] =	vst v22;
	v15 =	vld [tilespmem:s17+$0x60]  }
0x1aa: {  	[tilespmem:s18+$0x40] =	vst v16;
	v12 =	vld [tilespmem:s17+$0xE0]  }
0x1ab: {  	v17 =	vld [tilespmem:s22+$0xFFFFFF00];
	[tilespmem:s18+$0x440] =	vst v19;
	v16 =	vsub.f32 v10, v22;
	v10 =	vsub.f32 v18, v13;
	s22 =	sadd.s32 $0x200, s22  }
0x1ac: {  	v18 =	vmul.f32 v11, v7;
	v49 =	vmul.f32 v11, v8  }
0x1ad: {  	v19 =	vmul.f32 v14, v8;
	v50 =	vmul.f32 v14, v7  }
0x1ae: {  	v55 =	vmul.f32 $1.111111120e-01, v16;
	v57 =	vmul.f32 $1.111111120e-01, v10  }
0x1af: {  	v51 =	vmul.f32 v15, v6;
	v53 =	vmul.f32 v12, v9  }
0x1b0: {  	[tilespmem:s18+$0xFFFFFC50] =	vst v13;
	v54 =	vmul.f32 v15, v9;
	v56 =	vmul.f32 v12, v6  }
0x1b1: {  	v52 =	vadd.f32 v19, v18;
	[tilespmem:s18+$0x50] =	vst v55;
	v0 =	vmul.f32 v0, v17;
	v11 =	vadd.f32 v53, v51  }
0x1b2: {  	v7 =	vsub.f32 v49, v50;
	[tilespmem:s18+$0x450] =	vst v57;
	v1 =	vmul.f32 v1, v17;
	v6 =	vsub.f32 v54, v56  }
0x1b3: {  	[tilespmem:s18+$0xFFFFF860] =	vst v52;
	v0 =	vadd.f32 v5, v0;
	v58 =	vsub.f32 v11, v52  }
0x1b4: {  	[tilespmem:s18+$0xFFFFFC60] =	vst v7;
	v1 =	vsub.f32 v2, v1;
	v60 =	vsub.f32 v6, v7  }
0x1b5: {  	v3 =	vsub.f32 v3, v0;
	[tilespmem:s18+$0xFFFFF800] =	vst v0;
	v59 =	vmul.f32 $1.111111120e-01, v58  }
0x1b6: {  	v4 =	vsub.f32 v4, v1;
	[tilespmem:s18+$0xFFFFFC00] =	vst v1;
	v63 =	vmul.f32 $1.111111120e-01, v60  }
0x1b7: {  	v61 =	vmul.f32 $1.111111120e-01, v3;
	[tilespmem:s18+$0x60] =	vst v59  }
0x1b8: {  	v62 =	vmul.f32 $1.111111120e-01, v4;
	[tilespmem:s18+$0x460] =	vst v63  }
0x1b9: {  	s17 =	sshll.u32 s20, $0x9;
	[tilespmem:s18+$0x0] =	vst v61  }
0x1ba: {  	s17 =	sadd.s32 s9, s17;
	[tilespmem:s18+$0x400] =	vst v62  }
0x1bb: {  	[hbm4b:s17+s3] =	stream.linear.scatter [tilespmem:s14], [sflag:$0x3], $0x1000, $0x38;
	[tilespmem:$0x5000] =	vst v63  }
0x1bc: {  	_ =	swait.ge [sflag:s15], $0x400  }
0x1bd: {  	[sflag:s15] =	ssyncset.done $0x0  }
0x1be: {  	[sflag:s15] =	ssyncadd.s32 $0xFFFFFC00  }
0x1bf: {  	_ =	swait.ge [sflag:s15], $0x400  }
0x1c0: {  	[sflag:s15] =	ssyncset.done $0x0  }
0x1c1: {  	[sflag:s15] =	ssyncadd.s32 $0xFFFFFC00  }
0x1c2: {  	p1 =	seq.s32 s2, $0x7;
	_ =	swait.ge [sflag:s15], $0x400  }
.Ltmp2:
0x1c3: {  	[sflag:s15] =	ssyncset.done $0x0;
	(pc) =	sbr.rel @p1 .LBB2_8-.Ltmp2, $4  }
0x1c4: {  	[sflag:s15] =	ssyncadd.s32 $0xFFFFFC00  }
0x1c5: {  	_ =	swait.ge [sflag:s15], $0x400  }
0x1c6: {  	[sflag:s15] =	ssyncset.done $0x0  }
0x1c7: {  	s17 =	sor.u32 s19, s10;
	[sflag:s15] =	ssyncadd.s32 $0xFFFFFC00  }
0x1c8: {  	s18 =	sadd.s32 $0x2, s17  }
0x1c9: {  	s19 =	sshll.u32 s18, $0x7;
	s18 =	sshll.u32 s18, $0x4  }
0x1ca: {  	s19 =	sand.u32 $0xFFFFC00, s19;
	s18 =	sand.u32 $0x60, s18  }
0x1cb: {  	s18 =	sor.u32 s18, s19  }
0x1cc: {  	s19 =	sadd.s32 s4, s18  }
0x1cd: {  	[tilespmem:s24], [sflag:$0x1] =	stream.linear.gather [hbm4b:s19+s3], $0x80, $0x38;
	[tilespmem:$0x5000] =	vst v63  }
0x1ce: {  	s21 =	simm.s32 $0x1200;
	s20 =	sadd.s32 $0x80, s19  }
0x1cf: {  	[tilespmem:s21], [sflag:$0x1] =	stream.linear.gather [hbm4b:s20+s3], $0x80, $0x38;
	[tilespmem:$0x5000] =	vst v63  }
0x1d0: {  	s22 =	simm.s32 $0x1400;
	s21 =	sadd.s32 $0x100, s19  }
0x1d1: {  	[tilespmem:s22], [sflag:$0x1] =	stream.linear.gather [hbm4b:s21+s3], $0x80, $0x38;
	[tilespmem:$0x5000] =	vst v63  }
0x1d2: {  	s21 =	sadd.s32 $0x180, s19;
	s22 =	simm.s32 $0x1600  }
0x1d3: {  	[tilespmem:s22], [sflag:$0x1] =	stream.linear.gather [hbm4b:s21+s3], $0x80, $0x38;
	[tilespmem:$0x5000] =	vst v63  }
0x1d4: {  	s21 =	sadd.s32 $0x200, s19;
	s22 =	simm.s32 $0x1800  }
0x1d5: {  	[tilespmem:s22], [sflag:$0x1] =	stream.linear.gather [hbm4b:s21+s3], $0x80, $0x38;
	[tilespmem:$0x5000] =	vst v63  }
0x1d6: {  	s21 =	sadd.s32 $0x280, s19;
	s22 =	simm.s32 $0x1A00  }
0x1d7: {  	[tilespmem:s22], [sflag:$0x1] =	stream.linear.gather [hbm4b:s21+s3], $0x80, $0x38;
	[tilespmem:$0x5000] =	vst v63  }
0x1d8: {  	s21 =	sadd.s32 $0x300, s19;
	s22 =	simm.s32 $0x1C00  }
0x1d9: {  	[tilespmem:s22], [sflag:$0x1] =	stream.linear.gather [hbm4b:s21+s3], $0x80, $0x38;
	[tilespmem:$0x5000] =	vst v63  }
0x1da: {  	s19 =	sadd.s32 $0x380, s19;
	s21 =	simm.s32 $0x1E00  }
0x1db: {  	[tilespmem:s21], [sflag:$0x1] =	stream.linear.gather [hbm4b:s19+s3], $0x80, $0x38;
	[tilespmem:$0x5000] =	vst v63  }
0x1dc: {  	s22 =	simm.s32 $0x1080;
	s19 =	sadd.s32 s6, s18  }
0x1dd: {  	[tilespmem:s22], [sflag:$0x1] =	stream.linear.gather [hbm4b:s19+s3], $0x80, $0x38;
	[tilespmem:$0x5000] =	vst v63  }
0x1de: {  	s21 =	sadd.s32 $0x80, s19;
	s22 =	simm.s32 $0x1280  }
0x1df: {  	[tilespmem:s22], [sflag:$0x1] =	stream.linear.gather [hbm4b:s21+s3], $0x80, $0x38;
	[tilespmem:$0x5000] =	vst v63  }
0x1e0: {  	s21 =	sadd.s32 $0x100, s19;
	s22 =	simm.s32 $0x1480  }
0x1e1: {  	[tilespmem:s22], [sflag:$0x1] =	stream.linear.gather [hbm4b:s21+s3], $0x80, $0x38;
	[tilespmem:$0x5000] =	vst v63  }
0x1e2: {  	s21 =	sadd.s32 $0x180, s19;
	s22 =	simm.s32 $0x1680  }
0x1e3: {  	[tilespmem:s22], [sflag:$0x1] =	stream.linear.gather [hbm4b:s21+s3], $0x80, $0x38;
	[tilespmem:$0x5000] =	vst v63  }
0x1e4: {  	s21 =	sadd.s32 $0x200, s19;
	s22 =	simm.s32 $0x1880  }
0x1e5: {  	[tilespmem:s22], [sflag:$0x1] =	stream.linear.gather [hbm4b:s21+s3], $0x80, $0x38;
	[tilespmem:$0x5000] =	vst v63  }
0x1e6: {  	s21 =	sadd.s32 $0x280, s19;
	s22 =	simm.s32 $0x1A80  }
0x1e7: {  	[tilespmem:s22], [sflag:$0x1] =	stream.linear.gather [hbm4b:s21+s3], $0x80, $0x38;
	[tilespmem:$0x5000] =	vst v63  }
0x1e8: {  	s21 =	sadd.s32 $0x300, s19;
	s22 =	simm.s32 $0x1C80  }
0x1e9: {  	[tilespmem:s22], [sflag:$0x1] =	stream.linear.gather [hbm4b:s21+s3], $0x80, $0x38;
	[tilespmem:$0x5000] =	vst v63  }
0x1ea: {  	s19 =	sadd.s32 $0x380, s19;
	s21 =	simm.s32 $0x1E80  }
0x1eb: {  	[tilespmem:s21], [sflag:$0x1] =	stream.linear.gather [hbm4b:s19+s3], $0x80, $0x38;
	[tilespmem:$0x5000] =	vst v63  }
0x1ec: {  	s22 =	simm.s32 $0x1100;
	s19 =	sadd.s32 s7, s18  }
0x1ed: {  	[tilespmem:s22], [sflag:$0x1] =	stream.linear.gather [hbm4b:s19+s3], $0x80, $0x38;
	[tilespmem:$0x5000] =	vst v63  }
0x1ee: {  	s21 =	sadd.s32 $0x80, s19;
	s22 =	simm.s32 $0x1300  }
0x1ef: {  	[tilespmem:s22], [sflag:$0x1] =	stream.linear.gather [hbm4b:s21+s3], $0x80, $0x38;
	[tilespmem:$0x5000] =	vst v63  }
0x1f0: {  	s21 =	sadd.s32 $0x100, s19;
	s22 =	simm.s32 $0x1500  }
0x1f1: {  	[tilespmem:s22], [sflag:$0x1] =	stream.linear.gather [hbm4b:s21+s3], $0x80, $0x38;
	[tilespmem:$0x5000] =	vst v63  }
0x1f2: {  	s21 =	sadd.s32 $0x180, s19;
	s22 =	simm.s32 $0x1700  }
0x1f3: {  	[tilespmem:s22], [sflag:$0x1] =	stream.linear.gather [hbm4b:s21+s3], $0x80, $0x38;
	[tilespmem:$0x5000] =	vst v63  }
0x1f4: {  	s21 =	sadd.s32 $0x200, s19;
	s22 =	simm.s32 $0x1900  }
0x1f5: {  	[tilespmem:s22], [sflag:$0x1] =	stream.linear.gather [hbm4b:s21+s3], $0x80, $0x38;
	[tilespmem:$0x5000] =	vst v63  }
0x1f6: {  	s21 =	sadd.s32 $0x280, s19;
	s22 =	simm.s32 $0x1B00  }
0x1f7: {  	[tilespmem:s22], [sflag:$0x1] =	stream.linear.gather [hbm4b:s21+s3], $0x80, $0x38;
	[tilespmem:$0x5000] =	vst v63  }
0x1f8: {  	s21 =	sadd.s32 $0x300, s19;
	s22 =	simm.s32 $0x1D00  }
0x1f9: {  	[tilespmem:s22], [sflag:$0x1] =	stream.linear.gather [hbm4b:s21+s3], $0x80, $0x38;
	[tilespmem:$0x5000] =	vst v63  }
0x1fa: {  	s19 =	sadd.s32 $0x380, s19;
	s22 =	simm.s32 $0x1F00  }
0x1fb: {  	[tilespmem:s22], [sflag:$0x1] =	stream.linear.gather [hbm4b:s19+s3], $0x80, $0x38;
	[tilespmem:$0x5000] =	vst v63  }
0x1fc: {  	s20 =	simm.s32 $0x1180;
	s18 =	sadd.s32 s8, s18  }
0x1fd: {  	[tilespmem:s20], [sflag:$0x1] =	stream.linear.gather [hbm4b:s18+s3], $0x80, $0x38;
	[tilespmem:$0x5000] =	vst v63  }
0x1fe: {  	s21 =	sadd.s32 $0x80, s18;
	s22 =	simm.s32 $0x1380  }
0x1ff: {  	[tilespmem:s22], [sflag:$0x1] =	stream.linear.gather [hbm4b:s21+s3], $0x80, $0x38;
	[tilespmem:$0x5000] =	vst v63  }
0x200: {  	s21 =	sadd.s32 $0x100, s18;
	s22 =	simm.s32 $0x1580  }
0x201: {  	[tilespmem:s22], [sflag:$0x1] =	stream.linear.gather [hbm4b:s21+s3], $0x80, $0x38;
	[tilespmem:$0x5000] =	vst v63  }
0x202: {  	s21 =	sadd.s32 $0x180, s18;
	s22 =	simm.s32 $0x1780  }
0x203: {  	[tilespmem:s22], [sflag:$0x1] =	stream.linear.gather [hbm4b:s21+s3], $0x80, $0x38;
	[tilespmem:$0x5000] =	vst v63  }
0x204: {  	s21 =	sadd.s32 $0x200, s18;
	s22 =	simm.s32 $0x1980  }
0x205: {  	[tilespmem:s22], [sflag:$0x1] =	stream.linear.gather [hbm4b:s21+s3], $0x80, $0x38;
	[tilespmem:$0x5000] =	vst v63  }
0x206: {  	s21 =	sadd.s32 $0x280, s18;
	s22 =	simm.s32 $0x1B80  }
0x207: {  	[tilespmem:s22], [sflag:$0x1] =	stream.linear.gather [hbm4b:s21+s3], $0x80, $0x38;
	[tilespmem:$0x5000] =	vst v63  }
.Ltmp3:
0x208: {  	_ = 	snop;
	(pc) =	sbr.rel @p0 .LBB2_9-.Ltmp3, $4  }
0x209: {  	s20 =	sadd.s32 $0x300, s18;
	s21 =	simm.s32 $0x1D80  }
0x20a: {  	[tilespmem:s21], [sflag:$0x1] =	stream.linear.gather [hbm4b:s20+s3], $0x80, $0x38;
	[tilespmem:$0x5000] =	vst v63  }
0x20b: {  	s18 =	sadd.s32 $0x380, s18;
	s22 =	simm.s32 $0x1F80  }
0x20c: {  	[tilespmem:s22], [sflag:$0x1] =	stream.linear.gather [hbm4b:s18+s3], $0x80, $0x38;
	[tilespmem:$0x5000] =	vst v63  }
.LBB2_8:
0x20d: {  	_ =	swait.ge [sflag:s16], $0x1000  }
0x20e: {  	[sflag:s16] =	ssyncset.done $0x0  }
0x20f: {  	[sflag:s16] =	ssyncadd.s32 $0xFFFFF000  }
.LBB2_9:
0x210: {  	s21 =	simm.s32 $0x21F0  }
0x211: {  	v4 =	vld [tilespmem:s21+$0xFFFFFE80]  }
0x212: {  	v6 =	vld [tilespmem:s21+$0xFFFFFF00]  }
0x213: {  	v7 =	vld [tilespmem:s21+$0xFFFFFF80]  }
0x214: {  	s18 =	simm.s32 $0x100;
	v8 =	vld [tilespmem:s21+$0x0]  }
0x215: {  	v9 =	vld [tilespmem:s18+$0xFFFFFF70]  }
0x216: {  	v10 =	vld [tilespmem:s18+$0xFFFFFFF0]  }
0x217: {  	v11 =	vld [tilespmem:s18+$0x70]  }
0x218: {  	v12 =	vld [tilespmem:s18+$0xF0]  }
0x219: {  	v2 =	vld [tilespmem:s21+$0xFFFFFF10]  }
0x21a: {  	v13 =	vld [tilespmem:s21+$0xFFFFFF90]  }
0x21b: {  	v14 =	vld [tilespmem:s18+$0x0]  }
0x21c: {  	v3 =	vld [tilespmem:s18+$0x80]  }
0x21d: {  	v15 =	vld [tilespmem:s21+$0xFFFFFE20]  }
0x21e: {  	v16 =	vld [tilespmem:s21+$0xFFFFFEA0]  }
0x21f: {  	v17 =	vld [tilespmem:s21+$0xFFFFFF20]  }
0x220: {  	v18 =	vld [tilespmem:s21+$0xFFFFFFA0]  }
0x221: {  	v19 =	vld [tilespmem:s18+$0xFFFFFF10]  }
0x222: {  	v20 =	vld [tilespmem:s18+$0xFFFFFF90]  }
0x223: {  	v21 =	vld [tilespmem:s18+$0x10]  }
0x224: {  	v22 =	vld [tilespmem:s18+$0x90]  }
0x225: {  	v23 =	vld [tilespmem:s21+$0xFFFFFE30]  }
0x226: {  	v24 =	vld [tilespmem:s21+$0xFFFFFEB0]  }
0x227: {  	v25 =	vld [tilespmem:s21+$0xFFFFFF30]  }
0x228: {  	v26 =	vld [tilespmem:s21+$0xFFFFFFB0]  }
0x229: {  	v27 =	vld [tilespmem:s18+$0xFFFFFF20]  }
0x22a: {  	v28 =	vld [tilespmem:s18+$0xFFFFFFA0]  }
0x22b: {  	v31 =	vld [tilespmem:s18+$0x20];
	v29 =	vmul.f32 v9, v4  }
0x22c: {  	v32 =	vld [tilespmem:s21+$0xFFFFFE40];
	v30 =	vmul.f32 v10, v6;
	v6 =	vmul.f32 v9, v6  }
0x22d: {  	v47 =	vld [tilespmem:s21+$0xFFFFFF50];
	v4 =	vmul.f32 v10, v4;
	v36 =	vmul.f32 v11, v8  }
0x22e: {  	v52 =	vld [tilespmem:s18+$0x40];
	v37 =	vmul.f32 v12, v7;
	v7 =	vmul.f32 v11, v7  }
0x22f: {  	v57 =	vld [tilespmem:s21+$0xFFFFFFE0];
	v8 =	vmul.f32 v12, v8;
	v38 =	vmul.f32 v19, v15  }
0x230: {  	v58 =	vld [tilespmem:s18+$0x50];
	v15 =	vmul.f32 v20, v15;
	v40 =	vmul.f32 v21, v17  }
0x231: {  	v39 =	vld [tilespmem:s21+$0xFFFFFF40];
	v21 =	vmul.f32 v21, v18;
	v18 =	vmul.f32 v22, v18  }
0x232: {  	v33 =	vld [tilespmem:s18+$0xFFFFFF30];
	v17 =	vmul.f32 v22, v17;
	v42 =	vmul.f32 v14, v13  }
0x233: {  	v34 =	vld [tilespmem:s18+$0xFFFFFFB0];
	v43 =	vmul.f32 v28, v24;
	v24 =	vmul.f32 v27, v24  }
0x234: {  	v41 =	vld [tilespmem:s18+$0x30];
	v46 =	vmul.f32 v31, v25;
	v31 =	vmul.f32 v31, v26  }
0x235: {  	v9 =	vld [tilespmem:s18+$0xA0];
	v56 =	vmul.f32 v52, v47;
	v61 =	vmul.f32 v58, v57;
	v10 =	vadd.f32 v30, v29  }
0x236: {  	v11 =	vld [tilespmem:s21+$0xFFFFFEC0];
	v6 =	vsub.f32 v6, v4;
	v12 =	vsub.f32 v36, v37;
	v4 =	vmul.f32 v14, v2  }
0x237: {  	v44 =	vld [tilespmem:s21+$0xFFFFFE50];
	v7 =	vadd.f32 v8, v7;
	v8 =	vmul.f32 v19, v16;
	v16 =	vmul.f32 v20, v16  }
0x238: {  	v45 =	vld [tilespmem:s21+$0xFFFFFED0];
	v14 =	vadd.f32 v18, v40;
	v17 =	vsub.f32 v21, v17;
	v18 =	vmul.f32 v27, v23  }
0x239: {  	v19 =	vld [tilespmem:s21+$0xFFFFFFC0];
	v23 =	vmul.f32 v28, v23;
	v12 =	vsub.f32 v12, v6;
	v7 =	vsub.f32 v7, v10  }
0x23a: {  	s19 =	simm.s32 $0x4C70;
	v48 =	vld [tilespmem:s21+$0xFFFFFFD0];
	v16 =	vadd.f32 v16, v38;
	v8 =	vsub.f32 v8, v15;
	v26 =	vmul.f32 v9, v26  }
0x23b: {  	v15 =	vld [tilespmem:s18+$0xB0];
	v18 =	vadd.f32 v43, v18;
	[tilespmem:s19+$0xFFFFF400] =	vst v10;
	v9 =	vmul.f32 v9, v25;
	v51 =	vmul.f32 v33, v11  }
0x23c: {  	v49 =	vld [tilespmem:s18+$0xFFFFFF40];
	[tilespmem:s19+$0xFFFFF800] =	vst v6;
	v11 =	vmul.f32 v34, v11;
	v12 =	vmul.f32 $1.111111120e-01, v12;
	v14 =	vsub.f32 v14, v16  }
0x23d: {  	v50 =	vld [tilespmem:s18+$0xFFFFFFC0];
	v17 =	vsub.f32 v17, v8;
	v7 =	vmul.f32 $1.111111120e-01, v7;
	[tilespmem:s19+$0xFFFFF3A0] =	vst v16;
	v16 =	vmul.f32 v41, v39  }
0x23e: {  	v53 =	vld [tilespmem:s18+$0xC0];
	v22 =	vmul.f32 v41, v19;
	[tilespmem:s19+$0x0] =	vst v12;
	v12 =	vmul.f32 v3, v13;
	v13 =	vsub.f32 v24, v23  }
0x23f: {  	v54 =	vld [tilespmem:s21+$0xFFFFFE60];
	[tilespmem:s19+$0xFFFFF7A0] =	vst v8;
	v10 =	vmul.f32 $1.111111120e-01, v14;
	v14 =	vmul.f32 $1.111111120e-01, v17;
	v17 =	vadd.f32 v26, v46  }
0x240: {  	v55 =	vld [tilespmem:s18+$0xFFFFFFD0];
	[tilespmem:s19+$0xFFFFFC00] =	vst v7;
	v7 =	vsub.f32 v31, v9;
	v9 =	vmul.f32 v33, v32;
	v8 =	vmul.f32 v15, v19  }
0x241: {  	v60 =	vld [tilespmem:s18+$0xD0];
	[tilespmem:s19+$0xFFFFF3B0] =	vst v18;
	v15 =	vmul.f32 v15, v39;
	v6 =	vsub.f32 v17, v18;
	v17 =	vmul.f32 v34, v32  }
0x242: {  	v19 =	vld [tilespmem:s21+$0xFFFFFEE0];
	v7 =	vsub.f32 v7, v13;
	v9 =	vadd.f32 v11, v9;
	[tilespmem:s19+$0xFFFFFBA0] =	vst v10;
	v18 =	vmul.f32 v50, v45  }
0x243: {  	v11 =	vld [tilespmem:s21+$0xFFFFFF60];
	[tilespmem:s19+$0xFFFFF7B0] =	vst v13;
	v13 =	vmul.f32 v50, v44;
	v8 =	vadd.f32 v8, v16;
	v16 =	vmul.f32 v49, v44  }
0x244: {  	[tilespmem:s19+$0xFFFFFFA0] =	vst v14;
	v14 =	vsub.f32 v22, v15;
	v15 =	vmul.f32 v49, v45;
	v10 =	vsub.f32 v51, v17;
	v17 =	vld [tilespmem:s18+$0xFFFFFF50]  }
0x245: {  	v5 =	vld [tilespmem:s21+$0xFFFFFE90];
	v6 =	vmul.f32 $1.111111120e-01, v6;
	v7 =	vmul.f32 $1.111111120e-01, v7;
	v8 =	vsub.f32 v8, v9  }
0x246: {  	v0 =	vld [tilespmem:s18+$0xFFFFFF00];
	[tilespmem:s19+$0xFFFFF3C0] =	vst v9;
	v9 =	vmul.f32 v52, v48;
	v16 =	vadd.f32 v18, v16;
	v18 =	vmul.f32 v53, v48  }
0x247: {  	v1 =	vld [tilespmem:s18+$0xFFFFFF80];
	v13 =	vsub.f32 v15, v13;
	[tilespmem:s19+$0xFFFFFBB0] =	vst v6;
	v6 =	vsub.f32 v14, v10;
	v14 =	vmul.f32 v53, v47  }
0x248: {  	[tilespmem:s19+$0xFFFFFFB0] =	vst v7;
	v7 =	vld [tilespmem:s21+$0xFFFFFE70];
	v59 =	vmul.f32 $1.111111120e-01, v8;
	v15 =	vadd.f32 v18, v56;
	v62 =	vmul.f32 v60, v11  }
0x249: {  	[tilespmem:s19+$0xFFFFF7C0] =	vst v10;
	v8 =	vld [tilespmem:s21+$0xFFFFFEF0];
	v10 =	vsub.f32 v9, v14;
	v9 =	vmul.f32 v55, v19;
	v18 =	vmul.f32 v17, v54  }
0x24a: {  	[tilespmem:s19+$0xFFFFF3D0] =	vst v16;
	v14 =	vmul.f32 v17, v19;
	v15 =	vsub.f32 v15, v16;
	v16 =	vmul.f32 $1.111111120e-01, v6;
	v6 =	vld [tilespmem:s21+$0xFFFFFF70]  }
0x24b: {  	[tilespmem:s19+$0xFFFFF7D0] =	vst v13;
	v17 =	vmul.f32 v55, v54;
	v19 =	vmul.f32 v58, v11;
	v11 =	vld [tilespmem:s18+$0xFFFFFF60]  }
0x24c: {  	v10 =	vsub.f32 v10, v13;
	v18 =	vadd.f32 v9, v18;
	v9 =	vld [tilespmem:s21+$0xFFFFFFF0];
	[tilespmem:s19+$0xFFFFFFC0] =	vst v16;
	v16 =	vmul.f32 v60, v57  }
0x24d: {  	v63 =	vmul.f32 v3, v2;
	[tilespmem:s19+$0xFFFFFBC0] =	vst v59;
	v15 =	vmul.f32 $1.111111120e-01, v15;
	v13 =	vsub.f32 v14, v17;
	v14 =	vld [tilespmem:s18+$0xFFFFFFE0]  }
0x24e: {  	v20 =	vsub.f32 v61, v62;
	v10 =	vmul.f32 $1.111111120e-01, v10;
	v19 =	vadd.f32 v16, v19;
	[tilespmem:s19+$0xFFFFF3E0] =	vst v18;
	v16 =	vld [tilespmem:s18+$0x60]  }
0x24f: {  	v2 =	vmul.f32 v0, v5;
	v3 =	vadd.f32 v12, v4;
	v4 =	vsub.f32 v42, v63;
	v12 =	vld [tilespmem:s18+$0xE0];
	[tilespmem:s19+$0xFFFFFBD0] =	vst v15  }
0x250: {  	s20 =	simm.s32 $0x0;
	v5 =	vmul.f32 v1, v5;
	v17 =	vld [tilespmem:s21+$0xFFFFFE10];
	s21 =	simm.s32 $0x23F0;
	[tilespmem:s19+$0xFFFFFFD0] =	vst v10;
	v10 =	vsub.f32 v20, v13;
	v15 =	vsub.f32 v19, v18  }
.LBB2_10:
0x251: {  	v18 =	vld [tilespmem:s21+$0xFFFFFE80];
	[tilespmem:s19+$0xFFFFF7E0] =	vst v13;
	v13 =	vmul.f32 v11, v7;
	v11 =	vmul.f32 v11, v8  }
0x252: {  	v19 =	vld [tilespmem:s21+$0xFFFFFF00];
	v8 =	vmul.f32 v14, v8;
	v7 =	vmul.f32 v14, v7  }
0x253: {  	v14 =	vld [tilespmem:s21+$0xFFFFFF80];
	v20 =	vmul.f32 v16, v6;
	v16 =	vmul.f32 v16, v9  }
0x254: {  	s18 =	sadd.s32 $0x200, s18;
	v21 =	vld [tilespmem:s21+$0x0];
	v8 =	vadd.f32 v8, v13;
	v9 =	vmul.f32 v12, v9;
	v6 =	vmul.f32 v12, v6  }
0x255: {  	v7 =	vsub.f32 v11, v7;
	v12 =	vld [tilespmem:s18+$0xFFFFFF70];
	v0 =	vmul.f32 v0, v17;
	v1 =	vmul.f32 v1, v17  }
0x256: {  	v13 =	vmul.f32 $1.111111120e-01, v15;
	v11 =	vld [tilespmem:s18+$0xFFFFFFF0];
	v9 =	vadd.f32 v9, v20;
	v6 =	vsub.f32 v16, v6;
	[tilespmem:s19+$0xFFFFF3F0] =	vst v8  }
0x257: {  	v15 =	vld [tilespmem:s18+$0x70];
	v0 =	vadd.f32 v5, v0;
	v1 =	vsub.f32 v2, v1;
	v2 =	vmul.f32 $1.111111120e-01, v10;
	[tilespmem:s19+$0xFFFFF7F0] =	vst v7  }
0x258: {  	s20 =	sadd.s32 $0x8, s20;
	v5 =	vld [tilespmem:s18+$0xF0];
	[tilespmem:s19+$0xFFFFFBE0] =	vst v13;
	v8 =	vsub.f32 v9, v8;
	v6 =	vsub.f32 v6, v7  }
0x259: {  	p0 =	slt.u32 s20, $0x38;
	v7 =	vld [tilespmem:s21+$0xFFFFFE90];
	v3 =	vsub.f32 v3, v0;
	v4 =	vsub.f32 v4, v1;
	[tilespmem:s19+$0xFFFFFFE0] =	vst v2  }
0x25a: {  	v9 =	vld [tilespmem:s21+$0xFFFFFF10];
	v2 =	vmul.f32 v12, v18;
	[tilespmem:s19+$0xFFFFF390] =	vst v0;
	v8 =	vmul.f32 $1.111111120e-01, v8  }
0x25b: {  	v10 =	vld [tilespmem:s21+$0xFFFFFF90];
	v13 =	vmul.f32 v11, v19;
	[tilespmem:s19+$0xFFFFF790] =	vst v1;
	v3 =	vmul.f32 $1.111111120e-01, v3  }
0x25c: {  	v12 =	vmul.f32 v12, v19;
	v11 =	vmul.f32 v11, v18;
	v0 =	vld [tilespmem:s18+$0xFFFFFF00];
	[tilespmem:s19+$0xFFFFFBF0] =	vst v8  }
0x25d: {  	v1 =	vld [tilespmem:s18+$0xFFFFFF80];
	v8 =	vadd.f32 v13, v2;
	v2 =	vmul.f32 v15, v21;
	v13 =	vmul.f32 v5, v14;
	[tilespmem:s19+$0xFFFFFB90] =	vst v3  }
0x25e: {  	v14 =	vmul.f32 v15, v14;
	v5 =	vmul.f32 v5, v21;
	v3 =	vld [tilespmem:s18+$0x0]  }
0x25f: {  	v4 =	vmul.f32 $1.111111120e-01, v4;
	v11 =	vsub.f32 v12, v11;
	v15 =	vld [tilespmem:s18+$0x80];
	v12 =	vsub.f32 v2, v13  }
0x260: {  	v6 =	vmul.f32 $1.111111120e-01, v6;
	v14 =	vadd.f32 v5, v14;
	v13 =	vld [tilespmem:s21+$0xFFFFFE20]  }
0x261: {  	v2 =	vmul.f32 v0, v7;
	v16 =	vld [tilespmem:s21+$0xFFFFFEA0];
	v12 =	vsub.f32 v12, v11;
	[tilespmem:s19+$0xFFFFFF90] =	vst v4  }
0x262: {  	v4 =	vsub.f32 v14, v8;
	v5 =	vmul.f32 v1, v7;
	v7 =	vld [tilespmem:s21+$0xFFFFFF20];
	[tilespmem:s19+$0xFFFFFFF0] =	vst v6  }
0x263: {  	v6 =	vmul.f32 v3, v9;
	v14 =	vld [tilespmem:s21+$0xFFFFFFA0];
	v12 =	vmul.f32 $1.111111120e-01, v12  }
0x264: {  	s19 =	sadd.s32 $0x80, s19;
	v17 =	vmul.f32 v15, v10;
	v10 =	vmul.f32 v3, v10;
	v18 =	vld [tilespmem:s18+$0xFFFFFF10]  }
0x265: {  	v19 =	vmul.f32 $1.111111120e-01, v4;
	v9 =	vmul.f32 v15, v9;
	v15 =	vld [tilespmem:s18+$0xFFFFFF90];
	[tilespmem:s19+$0x0] =	vst v12  }
0x266: {  	v3 =	vadd.f32 v17, v6;
	v6 =	vld [tilespmem:s18+$0x10];
	[tilespmem:s19+$0xFFFFF400] =	vst v8  }
0x267: {  	v4 =	vsub.f32 v10, v9;
	v8 =	vld [tilespmem:s18+$0x90];
	[tilespmem:s19+$0xFFFFFC00] =	vst v19  }
0x268: {  	v9 =	vld [tilespmem:s21+$0xFFFFFE30];
	[tilespmem:s19+$0xFFFFF800] =	vst v11  }
0x269: {  	v10 =	vmul.f32 v18, v13;
	v11 =	vmul.f32 v18, v16;
	v12 =	vld [tilespmem:s21+$0xFFFFFEB0]  }
0x26a: {  	v16 =	vmul.f32 v15, v16;
	v13 =	vmul.f32 v15, v13;
	v15 =	vld [tilespmem:s21+$0xFFFFFF30]  }
0x26b: {  	v17 =	vmul.f32 v6, v7;
	v6 =	vmul.f32 v6, v14;
	v18 =	vld [tilespmem:s21+$0xFFFFFFB0]  }
0x26c: {  	v10 =	vadd.f32 v16, v10;
	v14 =	vmul.f32 v8, v14;
	v7 =	vmul.f32 v8, v7;
	v8 =	vld [tilespmem:s18+$0xFFFFFF20]  }
0x26d: {  	v11 =	vsub.f32 v11, v13;
	v13 =	vld [tilespmem:s18+$0xFFFFFFA0]  }
0x26e: {  	v14 =	vadd.f32 v14, v17;
	v6 =	vsub.f32 v6, v7;
	[tilespmem:s19+$0xFFFFF3A0] =	vst v10;
	v7 =	vld [tilespmem:s18+$0x20]  }
0x26f: {  	[tilespmem:s19+$0xFFFFF7A0] =	vst v11;
	v16 =	vld [tilespmem:s18+$0xA0]  }
0x270: {  	v10 =	vsub.f32 v14, v10;
	v6 =	vsub.f32 v6, v11;
	v11 =	vld [tilespmem:s21+$0xFFFFFE40]  }
0x271: {  	v14 =	vmul.f32 v8, v9;
	v8 =	vmul.f32 v8, v12;
	v17 =	vld [tilespmem:s21+$0xFFFFFEC0]  }
0x272: {  	v12 =	vmul.f32 v13, v12;
	v9 =	vmul.f32 v13, v9;
	v13 =	vld [tilespmem:s21+$0xFFFFFF40]  }
0x273: {  	v19 =	vmul.f32 v7, v15;
	v7 =	vmul.f32 v7, v18;
	v20 =	vld [tilespmem:s21+$0xFFFFFFC0]  }
0x274: {  	v12 =	vadd.f32 v12, v14;
	v14 =	vmul.f32 v16, v18;
	v15 =	vmul.f32 v16, v15;
	v16 =	vld [tilespmem:s18+$0xFFFFFF30]  }
0x275: {  	v10 =	vmul.f32 $1.111111120e-01, v10;
	v6 =	vmul.f32 $1.111111120e-01, v6;
	v8 =	vsub.f32 v8, v9;
	v9 =	vld [tilespmem:s18+$0xFFFFFFB0]  }
0x276: {  	v14 =	vadd.f32 v14, v19;
	v7 =	vsub.f32 v7, v15;
	[tilespmem:s19+$0xFFFFF3B0] =	vst v12;
	v15 =	vld [tilespmem:s18+$0x30]  }
0x277: {  	[tilespmem:s19+$0xFFFFFBA0] =	vst v10;
	v10 =	vld [tilespmem:s18+$0xB0]  }
0x278: {  	[tilespmem:s19+$0xFFFFFFA0] =	vst v6;
	v6 =	vsub.f32 v14, v12;
	v7 =	vsub.f32 v7, v8;
	v12 =	vld [tilespmem:s21+$0xFFFFFE50]  }
0x279: {  	[tilespmem:s19+$0xFFFFF7B0] =	vst v8;
	v8 =	vmul.f32 v16, v11;
	v14 =	vmul.f32 v16, v17;
	v16 =	vld [tilespmem:s21+$0xFFFFFED0]  }
0x27a: {  	v17 =	vmul.f32 v9, v17;
	v9 =	vmul.f32 v9, v11;
	v11 =	vld [tilespmem:s21+$0xFFFFFF50]  }
0x27b: {  	v18 =	vmul.f32 v15, v13;
	v15 =	vmul.f32 v15, v20;
	v19 =	vld [tilespmem:s21+$0xFFFFFFD0]  }
0x27c: {  	v8 =	vadd.f32 v17, v8;
	v17 =	vmul.f32 v10, v20;
	v10 =	vmul.f32 v10, v13;
	v13 =	vld [tilespmem:s18+$0xFFFFFF40]  }
0x27d: {  	v6 =	vmul.f32 $1.111111120e-01, v6;
	v7 =	vmul.f32 $1.111111120e-01, v7;
	v9 =	vsub.f32 v14, v9;
	v14 =	vld [tilespmem:s18+$0xFFFFFFC0]  }
0x27e: {  	v17 =	vadd.f32 v17, v18;
	v10 =	vsub.f32 v15, v10;
	[tilespmem:s19+$0xFFFFF3C0] =	vst v8;
	v15 =	vld [tilespmem:s18+$0x40]  }
0x27f: {  	[tilespmem:s19+$0xFFFFFBB0] =	vst v6;
	v6 =	vld [tilespmem:s18+$0xC0]  }
0x280: {  	[tilespmem:s19+$0xFFFFFFB0] =	vst v7;
	v7 =	vsub.f32 v17, v8;
	v8 =	vsub.f32 v10, v9;
	v10 =	vld [tilespmem:s21+$0xFFFFFE60]  }
0x281: {  	[tilespmem:s19+$0xFFFFF7C0] =	vst v9;
	v9 =	vmul.f32 v13, v12;
	v13 =	vmul.f32 v13, v16;
	v17 =	vld [tilespmem:s21+$0xFFFFFEE0]  }
0x282: {  	v16 =	vmul.f32 v14, v16;
	v12 =	vmul.f32 v14, v12;
	v14 =	vld [tilespmem:s21+$0xFFFFFF60]  }
0x283: {  	v18 =	vmul.f32 v15, v11;
	v15 =	vmul.f32 v15, v19;
	v20 =	vld [tilespmem:s21+$0xFFFFFFE0]  }
0x284: {  	v9 =	vadd.f32 v16, v9;
	v16 =	vmul.f32 v6, v19;
	v6 =	vmul.f32 v6, v11;
	v11 =	vld [tilespmem:s18+$0xFFFFFF50]  }
0x285: {  	v7 =	vmul.f32 $1.111111120e-01, v7;
	v8 =	vmul.f32 $1.111111120e-01, v8;
	v12 =	vsub.f32 v13, v12;
	v13 =	vld [tilespmem:s18+$0xFFFFFFD0]  }
0x286: {  	v16 =	vadd.f32 v16, v18;
	v6 =	vsub.f32 v15, v6;
	[tilespmem:s19+$0xFFFFF3D0] =	vst v9;
	v15 =	vld [tilespmem:s18+$0x50]  }
0x287: {  	[tilespmem:s19+$0xFFFFFBC0] =	vst v7;
	v18 =	vld [tilespmem:s18+$0xD0]  }
0x288: {  	[tilespmem:s19+$0xFFFFFFC0] =	vst v8;
	v16 =	vsub.f32 v16, v9;
	v19 =	vsub.f32 v6, v12;
	v7 =	vld [tilespmem:s21+$0xFFFFFE70]  }
0x289: {  	[tilespmem:s19+$0xFFFFF7D0] =	vst v12;
	v12 =	vmul.f32 v11, v10;
	v21 =	vmul.f32 v11, v17;
	v8 =	vld [tilespmem:s21+$0xFFFFFEF0]  }
0x28a: {  	v11 =	vmul.f32 v13, v17;
	v10 =	vmul.f32 v13, v10;
	v6 =	vld [tilespmem:s21+$0xFFFFFF70]  }
0x28b: {  	v17 =	vmul.f32 v15, v14;
	v15 =	vmul.f32 v15, v20;
	v9 =	vld [tilespmem:s21+$0xFFFFFFF0]  }
.Ltmp4:
0x28c: {  	v22 =	vadd.f32 v11, v12;
	v12 =	vmul.f32 v18, v20;
	v18 =	vmul.f32 v18, v14;
	v11 =	vld [tilespmem:s18+$0xFFFFFF60];
	(pc) =	sbr.rel @p0 .LBB2_10-.Ltmp4, $4  }
0x28d: {  	v19 =	vmul.f32 $1.111111120e-01, v19;
	v20 =	vmul.f32 $1.111111120e-01, v16;
	v13 =	vsub.f32 v21, v10;
	v14 =	vld [tilespmem:s18+$0xFFFFFFE0]  }
0x28e: {  	v10 =	vadd.f32 v12, v17;
	v18 =	vsub.f32 v15, v18;
	[tilespmem:s19+$0xFFFFF3E0] =	vst v22;
	v16 =	vld [tilespmem:s18+$0x60]  }
0x28f: {  	[tilespmem:s19+$0xFFFFFBD0] =	vst v20;
	v12 =	vld [tilespmem:s18+$0xE0]  }
0x290: {  	v17 =	vld [tilespmem:s21+$0xFFFFFE10];
	[tilespmem:s19+$0xFFFFFFD0] =	vst v19;
	v15 =	vsub.f32 v10, v22;
	v10 =	vsub.f32 v18, v13;
	s21 =	sadd.s32 $0x200, s21  }
0x291: {  	v18 =	vmul.f32 v11, v7;
	v49 =	vmul.f32 v11, v8  }
0x292: {  	v19 =	vmul.f32 v14, v8;
	v50 =	vmul.f32 v14, v7  }
0x293: {  	v55 =	vmul.f32 $1.111111120e-01, v15;
	v57 =	vmul.f32 $1.111111120e-01, v10  }
0x294: {  	v51 =	vmul.f32 v16, v6;
	v53 =	vmul.f32 v12, v9  }
0x295: {  	[tilespmem:s19+$0xFFFFF7E0] =	vst v13;
	v54 =	vmul.f32 v16, v9;
	v56 =	vmul.f32 v12, v6  }
0x296: {  	v52 =	vadd.f32 v19, v18;
	[tilespmem:s19+$0xFFFFFBE0] =	vst v55;
	v0 =	vmul.f32 v0, v17;
	v11 =	vadd.f32 v53, v51  }
0x297: {  	v7 =	vsub.f32 v49, v50;
	[tilespmem:s19+$0xFFFFFFE0] =	vst v57;
	v1 =	vmul.f32 v1, v17;
	v6 =	vsub.f32 v54, v56  }
0x298: {  	[tilespmem:s19+$0xFFFFF3F0] =	vst v52;
	v0 =	vadd.f32 v5, v0;
	v58 =	vsub.f32 v11, v52  }
0x299: {  	[tilespmem:s19+$0xFFFFF7F0] =	vst v7;
	v1 =	vsub.f32 v2, v1;
	v60 =	vsub.f32 v6, v7  }
0x29a: {  	s2 =	sadd.s32 $0x1, s2;
	v3 =	vsub.f32 v3, v0;
	[tilespmem:s19+$0xFFFFF390] =	vst v0;
	v59 =	vmul.f32 $1.111111120e-01, v58  }
0x29b: {  	p0 =	sne.s32 s2, $0x8;
	v4 =	vsub.f32 v4, v1;
	[tilespmem:s19+$0xFFFFF790] =	vst v1;
	v63 =	vmul.f32 $1.111111120e-01, v60  }
.Ltmp5:
0x29c: {  	v61 =	vmul.f32 $1.111111120e-01, v3;
	[tilespmem:s19+$0xFFFFFBF0] =	vst v59;
	(pc) =	sbr.rel @p0 .LBB2_4-.Ltmp5, $4  }
0x29d: {  	s17 =	sshll.u32 s17, $0x9;
	v62 =	vmul.f32 $1.111111120e-01, v4;
	[tilespmem:s19+$0xFFFFFFF0] =	vst v63  }
0x29e: {  	s17 =	sadd.s32 s17, s9;
	[tilespmem:s19+$0xFFFFFB90] =	vst v61  }
0x29f: {  	s17 =	sadd.s32 $0x200, s17;
	[tilespmem:s19+$0xFFFFFF90] =	vst v62  }
0x2a0: {  	[hbm4b:s17+s3] =	stream.linear.scatter [tilespmem:s1], [sflag:$0x4], $0x1000, $0x38;
	[tilespmem:$0x5000] =	vst v63  }
0x2a1: {  	s2 =	simm.s32 $0x3  }
0x2a2: {  	_ =	swait.ge [sflag:s2], $0x1000  }
0x2a3: {  	[sflag:s2] =	ssyncset.done $0x0  }
0x2a4: {  	[sflag:s2] =	ssyncadd.s32 $0xFFFFF000  }
0x2a5: {  	_ =	swait.ge [sflag:s16], $0x1000  }
0x2a6: {  	s17 =	rddreg [dreg:$0x19]  }
0x2a7: {  	s22 =	rddreg [dreg:$0xa];
	s17 =	sadd.s32 $0x1, s17  }
0x2a8: {  	p0 =	sne.s32 s17, s22  }
.Ltmp6:
0x2a9: {  	_ = 	snop;
	(pc) =	sbr.rel @p0 .LBB2_1-.Ltmp6, $3  }
0x2aa: {  	_ =	sdelay $0x1  }
0x2ab: {  	[sflag:s16] =	ssyncset.done $0x0  }
0x2ac: {  	[sflag:s16] =	ssyncadd.s32 $0xFFFFF000  }
0x2ad: {  	_ =	sfence.sel $0x180000  }
0x2ae: {  	[bflag:$0x0] =	sbarrier.arrive $0xFFFF  }
0x2af: {  	_ =	strace $0x9000004A  }
0x2b0: {  	s0 =	stileid.u32;
	[bflag:$0x2] =	sbarrier.arrive $0xFFFF  }
0x2b1: {  	p0 =	sne.s32 s0, $0x0;
	s0 =	rddreg [dreg:$0x3]  }
0x2b2: {  	s0 =	sadd.s32 @!p0 $0x100000, s0  }
0x2b3: {  	[sflag:s0] =	ssyncadd.tile.s32 @!p0 $0x1;
	_ =	shalt  }
.Lfunc_end2:
_tile_overlayer_lowered:
.L_overlay_start_2:
0x2b4: {  	(tag) =	ssettag $0x2  }
0x2b5: {  	s0 =	rddreg [dreg:$0x0];
	s2 =	stileid.u32  }
0x2b6: {  	s1 =	rddreg [dreg:$0x1];
	p0 =	sne.s32 s2, $0x0  }
0x2b7: {  	s3 =	rddreg [dreg:$0x2];
	[bflag:$0x3] =	sbarrier.arrive $0xFFFF;
	s2 =	simm.s32 @!p0 $0x1C05  }
0x2b8: {  	[timem:s3], [sflag:s2] =	dma.local @!p0 [hbm:s0], s1  }
0x2b9: {  	s0 =	simm.s32 @!p0 $0x5  }
0x2ba: {  	_ =	swait.ge @!p0 [sflag:s0], s1  }
0x2bb: {  	s1 =	ssub.s32 @!p0 $0x0, s1;
	[sflag:s0] =	ssyncset.done @!p0 $0x0  }
0x2bc: {  	[sflag:s0] =	ssyncadd.s32 @!p0 s1  }
0x2bd: {  	[bflag:$0x3] =	sbarrier.arrive $0xFFFF  }
0x2be: {  	_ =	shalt  }

</sc_bundles>
